<compile_context>
chip_gen: v7x
topology: tpu7x:2x2x1
jax: 0.10.2.dev20260603
libtpu: 0.0.44.dev20260713+nightly
codegen_flags: <defaults>
</compile_context>

<pallas_src>
import functools

import jax
import jax.numpy as jnp
from jax import lax
from jax.experimental import pallas as pl
from jax.experimental.pallas import tpu as pltpu
from jax.experimental.pallas import tpu_sc as plsc

NTOKEN = 1000000
EMB_DIM = 64

_info = plsc.get_sparse_core_info()
_NC, _NS = _info.num_cores, _info.num_subcores
_NW = _NC * _NS

_NB = 16384
_NJ = 20
_B = _NB * _NJ
_BPW = _B // _NW
_CB = 16
_C = _CB * _NJ
_NCHUNK = _BPW // _C
_NBUF = 2
_NG = _NCHUNK // _NBUF


def _make_kernel():
    mesh = plsc.VectorSubcoreMesh(core_axis_name="c", subcore_axis_name="s")

    @functools.partial(
        pl.kernel,
        mesh=mesh,
        out_type=jax.ShapeDtypeStruct((_NB, _NJ, EMB_DIM), jnp.float32),
        scratch_types=[
            pltpu.VMEM((_NBUF, _C), jnp.int32),
            pltpu.VMEM((_NBUF, _CB, _NJ, EMB_DIM), jnp.float32),
            pltpu.SemaphoreType.DMA((_NBUF,)),
        ],
        compiler_params=pltpu.CompilerParams(use_tc_tiling_on_sc=True),
    )
    def emb_kernel(table_hbm, idx_hbm, out_hbm, idx_v, rows_v, gsem):
        wid = lax.axis_index("s") * _NC + lax.axis_index("c")
        base = wid * (_BPW // _NJ)

        def fire(t, b):
            pltpu.sync_copy(idx_hbm.at[wid, t], idx_v.at[b])

            def row16(q, _):
                r = q * 16
                iv = idx_v[b, pl.ds(r, 16)]
                for u in range(16):
                    rr = r + u
                    pltpu.async_copy(table_hbm.at[pl.ds(iv[u], 1)],
                                     rows_v.at[b, rr // _NJ,
                                               pl.ds(rr % _NJ, 1)],
                                     gsem.at[b])
                return _

            lax.fori_loop(0, _C // 16, row16, None)

        for b in range(_NBUF):
            fire(b, b)

        def group(g, _):
            for b in range(_NBUF):
                t = g * _NBUF + b
                pltpu.make_async_copy(out_hbm.at[pl.ds(0, _CB)],
                                      rows_v.at[b], gsem.at[b]).wait()
                pltpu.sync_copy(rows_v.at[b],
                                out_hbm.at[pl.ds(base + t * _CB, _CB)])

                @pl.when(g < _NG - 1)
                def _refill():
                    fire(t + _NBUF, b)
            return _

        lax.fori_loop(0, _NG, group, None)

    return emb_kernel


_emb_kernel = _make_kernel()


@jax.jit
def kernel(x, table):
    idx = x.astype(jnp.int32).reshape(_NW, _NCHUNK, _C)
    return _emb_kernel(table, idx)

# --- scband reference (transcript-rebuilt; emitter-appended) ---
"""Pipeline reference for scband-word-embedding-82368882803318 (READ-ONLY COPY).

The authoritative reference and input builder live on the scoring server;
editing this copy changes nothing except your own understanding.
"""

import jax, jax.numpy as jnp
import numpy as np

NTOKEN = 1000000
EMB_DIM = 64
PADDING_IDX = 0

def setup_inputs(seed: int = 0) -> dict:
    key = jax.random.key(seed)
    k_idx, k_tab = jax.random.split(key)
    x = jax.random.randint(k_idx, (16384, 20), 0, NTOKEN + 1, dtype=jnp.int64)
    table = jax.random.normal(k_tab, (NTOKEN + 1, EMB_DIM), dtype=jnp.float32)
    # padding_idx row is zero-initialized, matching nn.Embedding(padding_idx=...)
    table = table.at[PADDING_IDX].set(0.0)
    return {"x": x, "table": table}

def reference(x, table):
    # WordEmbedding.forward: emb = self.emb(x); emb = self.dropout(emb)
    # dropout=0.0 -> identity
    emb = jnp.take(table, x, axis=0)
    return emb

if __name__ == "__main__":
    import jax
    _d = setup_inputs()
    print(jax.jit(kernel)(*tuple(_d.values())))

</pallas_src>

<mosaic_0001>
#map = affine_map<(d0, d1) -> (0, 0)>
#map1 = affine_map<(d0, d1) -> (0, 0, 0)>
module attributes {stable_mosaic.version = 14 : i64} {
  func.func @emb_kernel(%arg0: i32, %arg1: i32, %arg2: memref<1000001x64xf32, #tpu.memory_space<hbm>>, %arg3: memref<32x32x320xi32, #tpu.memory_space<hbm>>, %arg4: memref<16384x20x64xf32, #tpu.memory_space<hbm>>, %arg5: memref<2x320xi32, #tpu.memory_space<vmem>>, %arg6: memref<2x16x20x64xf32, #tpu.memory_space<vmem>>, %arg7: memref<2x!tpu.dma_semaphore, #tpu.memory_space<semaphore_mem>>) attributes {dimension_semantics = [#tpu.dimension_semantics<core_parallel>, #tpu.dimension_semantics<subcore_parallel>], iteration_bounds = array<i64: 2, 16>, scalar_prefetch = 0 : i64, scratch_operands = 3 : i64, tpu.core_type = #tpu.core_type<sc_vector_subcore>, window_params = [{transform_indices = #map}, {transform_indices = #map1}, {transform_indices = #map1}]} {
    %mul3A = arith.constant 2 : i32
    %mul3A_0 = arith.muli %arg1, %mul3A : i32
    %add3A = arith.addi %mul3A_0, %arg0 : i32
    %mul3A_1 = arith.constant 512 : i32
    %mul3A_2 = arith.muli %add3A, %mul3A_1 : i32
    %run_scoped3A = arith.constant 0 : i32
    %run_scoped3A_3 = arith.constant 0 : i32
    "tpu.region"() ({
      %run_scoped3A_20 = tpu.sem_alloc : memref<!tpu.dma_semaphore, #tpu.memory_space<semaphore_mem>>
      %dma_start3A = arith.constant 0 : i32
      %dma_start3A_21 = tpu.memref_slice %arg5[%run_scoped3A_3, %dma_start3A] : memref<2x320xi32, #tpu.memory_space<vmem>> -> memref<1x320xi32, #tpu.memory_space<vmem>>
      %dma_start3A_22 = tpu.memref_squeeze %dma_start3A_21 : memref<1x320xi32, #tpu.memory_space<vmem>> -> memref<320xi32, #tpu.memory_space<vmem>>
      %dma_start3A_23 = arith.constant 0 : i32
      %dma_start3A_24 = tpu.memref_slice %arg3[%add3A, %run_scoped3A, %dma_start3A_23] : memref<32x32x320xi32, #tpu.memory_space<hbm>> -> memref<1x1x320xi32, #tpu.memory_space<hbm>>
      %dma_start3A_25 = tpu.memref_squeeze %dma_start3A_24 : memref<1x1x320xi32, #tpu.memory_space<hbm>> -> memref<320xi32, #tpu.memory_space<hbm>>
      %dma_start3A_26 = arith.constant 0 : i32
      %dma_start3A_27 = tpu.memref_slice %arg5[%run_scoped3A_3, %dma_start3A_26] : memref<2x320xi32, #tpu.memory_space<vmem>> -> memref<1x320xi32, #tpu.memory_space<vmem>>
      %dma_start3A_28 = tpu.memref_squeeze %dma_start3A_27 : memref<1x320xi32, #tpu.memory_space<vmem>> -> memref<320xi32, #tpu.memory_space<vmem>>
      %dma_start3A_29 = arith.constant 0 : i32
      %dma_start3A_30 = tpu.memref_slice %arg3[%add3A, %run_scoped3A, %dma_start3A_29] : memref<32x32x320xi32, #tpu.memory_space<hbm>> -> memref<1x1x320xi32, #tpu.memory_space<hbm>>
      %dma_start3A_31 = tpu.memref_squeeze %dma_start3A_30 : memref<1x1x320xi32, #tpu.memory_space<hbm>> -> memref<320xi32, #tpu.memory_space<hbm>>
      tpu.enqueue_dma source(%dma_start3A_31 : memref<320xi32, #tpu.memory_space<hbm>>) target(%dma_start3A_28 : memref<320xi32, #tpu.memory_space<vmem>>) target_semaphore(%run_scoped3A_20 : memref<!tpu.dma_semaphore, #tpu.memory_space<semaphore_mem>>)
      %dma_wait3A = arith.constant 0 : i32
      %dma_wait3A_32 = tpu.memref_slice %arg5[%run_scoped3A_3, %dma_wait3A] : memref<2x320xi32, #tpu.memory_space<vmem>> -> memref<1x320xi32, #tpu.memory_space<vmem>>
      %dma_wait3A_33 = tpu.memref_squeeze %dma_wait3A_32 : memref<1x320xi32, #tpu.memory_space<vmem>> -> memref<320xi32, #tpu.memory_space<vmem>>
      %dma_wait3A_34 = arith.constant 0 : i32
      %dma_wait3A_35 = tpu.memref_slice %arg3[%add3A, %run_scoped3A, %dma_wait3A_34] : memref<32x32x320xi32, #tpu.memory_space<hbm>> -> memref<1x1x320xi32, #tpu.memory_space<hbm>>
      %dma_wait3A_36 = tpu.memref_squeeze %dma_wait3A_35 : memref<1x1x320xi32, #tpu.memory_space<hbm>> -> memref<320xi32, #tpu.memory_space<hbm>>
      %dma_wait3A_37 = arith.constant 0 : i32
      %dma_wait3A_38 = tpu.memref_slice %arg5[%run_scoped3A_3, %dma_wait3A_37] : memref<2x320xi32, #tpu.memory_space<vmem>> -> memref<1x320xi32, #tpu.memory_space<vmem>>
      %dma_wait3A_39 = tpu.memref_squeeze %dma_wait3A_38 : memref<1x320xi32, #tpu.memory_space<vmem>> -> memref<320xi32, #tpu.memory_space<vmem>>
      %dma_wait3A_40 = arith.constant 0 : i32
      %dma_wait3A_41 = tpu.memref_slice %arg3[%add3A, %run_scoped3A, %dma_wait3A_40] : memref<32x32x320xi32, #tpu.memory_space<hbm>> -> memref<1x1x320xi32, #tpu.memory_space<hbm>>
      %dma_wait3A_42 = tpu.memref_squeeze %dma_wait3A_41 : memref<1x1x320xi32, #tpu.memory_space<hbm>> -> memref<320xi32, #tpu.memory_space<hbm>>
      tpu.wait_dma2 semaphore(%run_scoped3A_20 : memref<!tpu.dma_semaphore, #tpu.memory_space<semaphore_mem>>) src(%dma_wait3A_42 : memref<320xi32, #tpu.memory_space<hbm>>) dst(%dma_wait3A_39 : memref<320xi32, #tpu.memory_space<vmem>>)
      tpu.yield
    }) : () -> ()
    %scan3A = arith.constant 0 : i32
    %scan3A_4 = arith.constant 20 : i32
    %scan3A_5 = arith.addi %scan3A, %scan3A_4 : i32
    %scan3A_6 = arith.constant 1 : i32
    scf.for %scan3A_20 = %scan3A to %scan3A_5 step %scan3A_6  : i32 {
      %mul3A_21 = arith.constant 16 : i32
      %mul3A_22 = arith.muli %scan3A_20, %mul3A_21 : i32
      %get3A = arith.constant 0 : i32
      %get3A_23 = arith.index_cast %get3A : i32 to index
      %get3A_24 = arith.index_cast %mul3A_22 : i32 to index
      %get3A_25 = tpu.vector_load %arg5[%get3A_23, %get3A_24] {strides = array<i32>} : memref<2x320xi32, #tpu.memory_space<vmem>>, vector<1x16xi32>,
      %get3A_26 = vector.shape_cast %get3A_25 : vector<1x16xi32> to vector<16xi32>
      %add3A_27 = arith.constant 0 : i32
      %add3A_28 = arith.addi %mul3A_22, %add3A_27 : i32
      %slice3A = vector.extract_strided_slice %get3A_26 {offsets = [0], sizes = [1], strides = [1]} : vector<16xi32> to vector<1xi32>
      %squeeze3A = vector.extract %slice3A[0] : i32 from vector<1xi32>
      %jit3A = arith.constant 20 : i32
      %div3A = arith.divsi %add3A_28, %jit3A : i32
      %sign3A = arith.constant 0 : i32
      %sign3A_29 = arith.cmpi sgt, %add3A_28, %sign3A : i32
      %sign3A_30 = arith.extui %sign3A_29 : i1 to i32
      %sign3A_31 = arith.constant 0 : i32
      %sign3A_32 = arith.cmpi slt, %add3A_28, %sign3A_31 : i32
      %sign3A_33 = arith.extui %sign3A_32 : i1 to i32
      %sign3A_34 = arith.subi %sign3A_30, %sign3A_33 : i32
      %sign3A_35 = arith.constant 0 : i32
      %sign3A_36 = arith.cmpi sgt, %jit3A, %sign3A_35 : i32
      %sign3A_37 = arith.extui %sign3A_36 : i1 to i32
      %sign3A_38 = arith.constant 0 : i32
      %sign3A_39 = arith.cmpi slt, %jit3A, %sign3A_38 : i32
      %sign3A_40 = arith.extui %sign3A_39 : i1 to i32
      %sign3A_41 = arith.subi %sign3A_37, %sign3A_40 : i32
      %ne3A = arith.cmpi ne, %sign3A_34, %sign3A_41 : i32
      %rem3A = arith.remsi %add3A_28, %jit3A : i32
      %ne3A_42 = arith.constant 0 : i32
      %ne3A_43 = arith.cmpi ne, %rem3A, %ne3A_42 : i32
      %and3A = arith.andi %ne3A, %ne3A_43 : i1
      %sub3A = arith.constant 1 : i32
      %sub3A_44 = arith.subi %div3A, %sub3A : i32
      %select_n3A = arith.select %and3A, %sub3A_44, %div3A : i32
      %jit3A_45 = arith.constant 20 : i32
      %eq3A = arith.constant 0 : i32
      %eq3A_46 = arith.cmpi eq, %jit3A_45, %eq3A : i32
      %jit3A_47 = arith.constant 1 : i32
      %select_n3A_48 = arith.select %eq3A_46, %jit3A_47, %jit3A_45 : i32
      %rem3A_49 = arith.remsi %add3A_28, %select_n3A_48 : i32
      %ne3A_50 = arith.constant 0 : i32
      %ne3A_51 = arith.cmpi ne, %rem3A_49, %ne3A_50 : i32
      %lt3A = arith.constant 0 : i32
      %lt3A_52 = arith.cmpi slt, %rem3A_49, %lt3A : i32
      %lt3A_53 = arith.constant 0 : i32
      %lt3A_54 = arith.cmpi slt, %select_n3A_48, %lt3A_53 : i32
      %ne3A_55 = arith.xori %lt3A_52, %lt3A_54 : i1
      %and3A_56 = arith.andi %ne3A_55, %ne3A_51 : i1
      %add3A_57 = arith.addi %rem3A_49, %select_n3A_48 : i32
      %select_n3A_58 = arith.select %and3A_56, %add3A_57, %rem3A_49 : i32
      %dma_start3A = arith.constant 0 : i32
      %dma_start3A_59 = arith.constant 0 : i32
      %dma_start3A_60 = arith.constant 0 : i32
      %dma_start3A_61 = tpu.memref_slice %arg6[%dma_start3A, %select_n3A, %select_n3A_58, %dma_start3A_60] : memref<2x16x20x64xf32, #tpu.memory_space<vmem>> -> memref<1x1x1x64xf32, #tpu.memory_space<vmem>>
      %dma_start3A_62 = tpu.memref_squeeze %dma_start3A_61 : memref<1x1x1x64xf32, #tpu.memory_space<vmem>> -> memref<1x64xf32, #tpu.memory_space<vmem>>
      %dma_start3A_63 = arith.constant 0 : i32
      %dma_start3A_64 = tpu.memref_slice %arg2[%squeeze3A, %dma_start3A_63] : memref<1000001x64xf32, #tpu.memory_space<hbm>> -> memref<1x64xf32, #tpu.memory_space<hbm>>
      %dma_start3A_65 = tpu.memref_slice %arg7[%dma_start3A_59] : memref<2x!tpu.dma_semaphore, #tpu.memory_space<semaphore_mem>> -> memref<1x!tpu.dma_semaphore, #tpu.memory_space<semaphore_mem>>
      %dma_start3A_66 = tpu.memref_squeeze %dma_start3A_65 : memref<1x!tpu.dma_semaphore, #tpu.memory_space<semaphore_mem>> -> memref<!tpu.dma_semaphore, #tpu.memory_space<semaphore_mem>>
      %dma_start3A_67 = arith.constant 0 : i32
      %dma_start3A_68 = tpu.memref_slice %arg6[%dma_start3A, %select_n3A, %select_n3A_58, %dma_start3A_67] : memref<2x16x20x64xf32, #tpu.memory_space<vmem>> -> memref<1x1x1x64xf32, #tpu.memory_space<vmem>>
      %dma_start3A_69 = tpu.memref_squeeze %dma_start3A_68 : memref<1x1x1x64xf32, #tpu.memory_space<vmem>> -> memref<1x64xf32, #tpu.memory_space<vmem>>
      %dma_start3A_70 = arith.constant 0 : i32
      %dma_start3A_71 = tpu.memref_slice %arg2[%squeeze3A, %dma_start3A_70] : memref<1000001x64xf32, #tpu.memory_space<hbm>> -> memref<1x64xf32, #tpu.memory_space<hbm>>
      tpu.enqueue_dma source(%dma_start3A_71 : memref<1x64xf32, #tpu.memory_space<hbm>>) target(%dma_start3A_69 : memref<1x64xf32, #tpu.memory_space<vmem>>) target_semaphore(%dma_start3A_66 : memref<!tpu.dma_semaphore, #tpu.memory_space<semaphore_mem>>)
      %add3A_72 = arith.constant 1 : i32
      %add3A_73 = arith.addi %mul3A_22, %add3A_72 : i32
      %slice3A_74 = vector.extract_strided_slice %get3A_26 {offsets = [1], sizes = [1], strides = [1]} : vector<16xi32> to vector<1xi32>
      %squeeze3A_75 = vector.extract %slice3A_74[0] : i32 from vector<1xi32>
      %jit3A_76 = arith.constant 20 : i32
      %div3A_77 = arith.divsi %add3A_73, %jit3A_76 : i32
      %sign3A_78 = arith.constant 0 : i32
      %sign3A_79 = arith.cmpi sgt, %add3A_73, %sign3A_78 : i32
      %sign3A_80 = arith.extui %sign3A_79 : i1 to i32
      %sign3A_81 = arith.constant 0 : i32
      %sign3A_82 = arith.cmpi slt, %add3A_73, %sign3A_81 : i32
      %sign3A_83 = arith.extui %sign3A_82 : i1 to i32
      %sign3A_84 = arith.subi %sign3A_80, %sign3A_83 : i32
      %sign3A_85 = arith.constant 0 : i32
      %sign3A_86 = arith.cmpi sgt, %jit3A_76, %sign3A_85 : i32
      %sign3A_87 = arith.extui %sign3A_86 : i1 to i32
      %sign3A_88 = arith.constant 0 : i32
      %sign3A_89 = arith.cmpi slt, %jit3A_76, %sign3A_88 : i32
      %sign3A_90 = arith.extui %sign3A_89 : i1 to i32
      %sign3A_91 = arith.subi %sign3A_87, %sign3A_90 : i32
      %ne3A_92 = arith.cmpi ne, %sign3A_84, %sign3A_91 : i32
      %rem3A_93 = arith.remsi %add3A_73, %jit3A_76 : i32
      %ne3A_94 = arith.constant 0 : i32
      %ne3A_95 = arith.cmpi ne, %rem3A_93, %ne3A_94 : i32
      %and3A_96 = arith.andi %ne3A_92, %ne3A_95 : i1
      %sub3A_97 = arith.constant 1 : i32
      %sub3A_98 = arith.subi %div3A_77, %sub3A_97 : i32
      %select_n3A_99 = arith.select %and3A_96, %sub3A_98, %div3A_77 : i32
      %jit3A_100 = arith.constant 20 : i32
      %eq3A_101 = arith.constant 0 : i32
      %eq3A_102 = arith.cmpi eq, %jit3A_100, %eq3A_101 : i32
      %jit3A_103 = arith.constant 1 : i32
      %select_n3A_104 = arith.select %eq3A_102, %jit3A_103, %jit3A_100 : i32
      %rem3A_105 = arith.remsi %add3A_73, %select_n3A_104 : i32
      %ne3A_106 = arith.constant 0 : i32
      %ne3A_107 = arith.cmpi ne, %rem3A_105, %ne3A_106 : i32
      %lt3A_108 = arith.constant 0 : i32
      %lt3A_109 = arith.cmpi slt, %rem3A_105, %lt3A_108 : i32
      %lt3A_110 = arith.constant 0 : i32
      %lt3A_111 = arith.cmpi slt, %select_n3A_104, %lt3A_110 : i32
      %ne3A_112 = arith.xori %lt3A_109, %lt3A_111 : i1
      %and3A_113 = arith.andi %ne3A_112, %ne3A_107 : i1
      %add3A_114 = arith.addi %rem3A_105, %select_n3A_104 : i32
      %select_n3A_115 = arith.select %and3A_113, %add3A_114, %rem3A_105 : i32
      %dma_start3A_116 = arith.constant 0 : i32
      %dma_start3A_117 = arith.constant 0 : i32
      %dma_start3A_118 = arith.constant 0 : i32
      %dma_start3A_119 = tpu.memref_slice %arg6[%dma_start3A_116, %select_n3A_99, %select_n3A_115, %dma_start3A_118] : memref<2x16x20x64xf32, #tpu.memory_space<vmem>> -> memref<1x1x1x64xf32, #tpu.memory_space<vmem>>
      %dma_start3A_120 = tpu.memref_squeeze %dma_start3A_119 : memref<1x1x1x64xf32, #tpu.memory_space<vmem>> -> memref<1x64xf32, #tpu.memory_space<vmem>>
      %dma_start3A_121 = arith.constant 0 : i32
      %dma_start3A_122 = tpu.memref_slice %arg2[%squeeze3A_75, %dma_start3A_121] : memref<1000001x64xf32, #tpu.memory_space<hbm>> -> memref<1x64xf32, #tpu.memory_space<hbm>>
      %dma_start3A_123 = tpu.memref_slice %arg7[%dma_start3A_117] : memref<2x!tpu.dma_semaphore, #tpu.memory_space<semaphore_mem>> -> memref<1x!tpu.dma_semaphore, #tpu.memory_space<semaphore_mem>>
      %dma_start3A_124 = tpu.memref_squeeze %dma_start3A_123 : memref<1x!tpu.dma_semaphore, #tpu.memory_space<semaphore_mem>> -> memref<!tpu.dma_semaphore, #tpu.memory_space<semaphore_mem>>
      %dma_start3A_125 = arith.constant 0 : i32
      %dma_start3A_126 = tpu.memref_slice %arg6[%dma_start3A_116, %select_n3A_99, %select_n3A_115, %dma_start3A_125] : memref<2x16x20x64xf32, #tpu.memory_space<vmem>> -> memref<1x1x1x64xf32, #tpu.memory_space<vmem>>
      %dma_start3A_127 = tpu.memref_squeeze %dma_start3A_126 : memref<1x1x1x64xf32, #tpu.memory_space<vmem>> -> memref<1x64xf32, #tpu.memory_space<vmem>>
      %dma_start3A_128 = arith.constant 0 : i32
      %dma_start3A_129 = tpu.memref_slice %arg2[%squeeze3A_75, %dma_start3A_128] : memref<1000001x64xf32, #tpu.memory_space<hbm>> -> memref<1x64xf32, #tpu.memory_space<hbm>>
      tpu.enqueue_dma source(%dma_start3A_129 : memref<1x64xf32, #tpu.memory_space<hbm>>) target(%dma_start3A_127 : memref<1x64xf32, #tpu.memory_space<vmem>>) target_semaphore(%dma_start3A_124 : memref<!tpu.dma_semaphore, #tpu.memory_space<semaphore_mem>>)
      %add3A_130 = arith.constant 2 : i32
      %add3A_131 = arith.addi %mul3A_22, %add3A_130 : i32
      %slice3A_132 = vector.extract_strided_slice %get3A_26 {offsets = [2], sizes = [1], strides = [1]} : vector<16xi32> to vector<1xi32>
      %squeeze3A_133 = vector.extract %slice3A_132[0] : i32 from vector<1xi32>
      %jit3A_134 = arith.constant 20 : i32
      %div3A_135 = arith.divsi %add3A_131, %jit3A_134 : i32
      %sign3A_136 = arith.constant 0 : i32
      %sign3A_137 = arith.cmpi sgt, %add3A_131, %sign3A_136 : i32
      %sign3A_138 = arith.extui %sign3A_137 : i1 to i32
      %sign3A_139 = arith.constant 0 : i32
      %sign3A_140 = arith.cmpi slt, %add3A_131, %sign3A_139 : i32
      %sign3A_141 = arith.extui %sign3A_140 : i1 to i32
      %sign3A_142 = arith.subi %sign3A_138, %sign3A_141 : i32
      %sign3A_143 = arith.constant 0 : i32
      %sign3A_144 = arith.cmpi sgt, %jit3A_134, %sign3A_143 : i32
      %sign3A_145 = arith.extui %sign3A_144 : i1 to i32
      %sign3A_146 = arith.constant 0 : i32
      %sign3A_147 = arith.cmpi slt, %jit3A_134, %sign3A_146 : i32
      %sign3A_148 = arith.extui %sign3A_147 : i1 to i32
      %sign3A_149 = arith.subi %sign3A_145, %sign3A_148 : i32
      %ne3A_150 = arith.cmpi ne, %sign3A_142, %sign3A_149 : i32
      %rem3A_151 = arith.remsi %add3A_131, %jit3A_134 : i32
      %ne3A_152 = arith.constant 0 : i32
      %ne3A_153 = arith.cmpi ne, %rem3A_151, %ne3A_152 : i32
      %and3A_154 = arith.andi %ne3A_150, %ne3A_153 : i1
      %sub3A_155 = arith.constant 1 : i32
      %sub3A_156 = arith.subi %div3A_135, %sub3A_155 : i32
      %select_n3A_157 = arith.select %and3A_154, %sub3A_156, %div3A_135 : i32
      %jit3A_158 = arith.constant 20 : i32
      %eq3A_159 = arith.constant 0 : i32
      %eq3A_160 = arith.cmpi eq, %jit3A_158, %eq3A_159 : i32
      %jit3A_161 = arith.constant 1 : i32
      %select_n3A_162 = arith.select %eq3A_160, %jit3A_161, %jit3A_158 : i32
      %rem3A_163 = arith.remsi %add3A_131, %select_n3A_162 : i32
      %ne3A_164 = arith.constant 0 : i32
      %ne3A_165 = arith.cmpi ne, %rem3A_163, %ne3A_164 : i32
      %lt3A_166 = arith.constant 0 : i32
      %lt3A_167 = arith.cmpi slt, %rem3A_163, %lt3A_166 : i32
      %lt3A_168 = arith.constant 0 : i32
      %lt3A_169 = arith.cmpi slt, %select_n3A_162, %lt3A_168 : i32
      %ne3A_170 = arith.xori %lt3A_167, %lt3A_169 : i1
      %and3A_171 = arith.andi %ne3A_170, %ne3A_165 : i1
      %add3A_172 = arith.addi %rem3A_163, %select_n3A_162 : i32
      %select_n3A_173 = arith.select %and3A_171, %add3A_172, %rem3A_163 : i32
      %dma_start3A_174 = arith.constant 0 : i32
      %dma_start3A_175 = arith.constant 0 : i32
      %dma_start3A_176 = arith.constant 0 : i32
      %dma_start3A_177 = tpu.memref_slice %arg6[%dma_start3A_174, %select_n3A_157, %select_n3A_173, %dma_start3A_176] : memref<2x16x20x64xf32, #tpu.memory_space<vmem>> -> memref<1x1x1x64xf32, #tpu.memory_space<vmem>>
      %dma_start3A_178 = tpu.memref_squeeze %dma_start3A_177 : memref<1x1x1x64xf32, #tpu.memory_space<vmem>> -> memref<1x64xf32, #tpu.memory_space<vmem>>
      %dma_start3A_179 = arith.constant 0 : i32
      %dma_start3A_180 = tpu.memref_slice %arg2[%squeeze3A_133, %dma_start3A_179] : memref<1000001x64xf32, #tpu.memory_space<hbm>> -> memref<1x64xf32, #tpu.memory_space<hbm>>
      %dma_start3A_181 = tpu.memref_slice %arg7[%dma_start3A_175] : memref<2x!tpu.dma_semaphore, #tpu.memory_space<semaphore_mem>> -> memref<1x!tpu.dma_semaphore, #tpu.memory_space<semaphore_mem>>
      %dma_start3A_182 = tpu.memref_squeeze %dma_start3A_181 : memref<1x!tpu.dma_semaphore, #tpu.memory_space<semaphore_mem>> -> memref<!tpu.dma_semaphore, #tpu.memory_space<semaphore_mem>>
      %dma_start3A_183 = arith.constant 0 : i32
      %dma_start3A_184 = tpu.memref_slice %arg6[%dma_start3A_174, %select_n3A_157, %select_n3A_173, %dma_start3A_183] : memref<2x16x20x64xf32, #tpu.memory_space<vmem>> -> memref<1x1x1x64xf32, #tpu.memory_space<vmem>>
      %dma_start3A_185 = tpu.memref_squeeze %dma_start3A_184 : memref<1x1x1x64xf32, #tpu.memory_space<vmem>> -> memref<1x64xf32, #tpu.memory_space<vmem>>
      %dma_start3A_186 = arith.constant 0 : i32
      %dma_start3A_187 = tpu.memref_slice %arg2[%squeeze3A_133, %dma_start3A_186] : memref<1000001x64xf32, #tpu.memory_space<hbm>> -> memref<1x64xf32, #tpu.memory_space<hbm>>
      tpu.enqueue_dma source(%dma_start3A_187 : memref<1x64xf32, #tpu.memory_space<hbm>>) target(%dma_start3A_185 : memref<1x64xf32, #tpu.memory_space<vmem>>) target_semaphore(%dma_start3A_182 : memref<!tpu.dma_semaphore, #tpu.memory_space<semaphore_mem>>)
      %add3A_188 = arith.constant 3 : i32
      %add3A_189 = arith.addi %mul3A_22, %add3A_188 : i32
      %slice3A_190 = vector.extract_strided_slice %get3A_26 {offsets = [3], sizes = [1], strides = [1]} : vector<16xi32> to vector<1xi32>
      %squeeze3A_191 = vector.extract %slice3A_190[0] : i32 from vector<1xi32>
      %jit3A_192 = arith.constant 20 : i32
      %div3A_193 = arith.divsi %add3A_189, %jit3A_192 : i32
      %sign3A_194 = arith.constant 0 : i32
      %sign3A_195 = arith.cmpi sgt, %add3A_189, %sign3A_194 : i32
      %sign3A_196 = arith.extui %sign3A_195 : i1 to i32
      %sign3A_197 = arith.constant 0 : i32
      %sign3A_198 = arith.cmpi slt, %add3A_189, %sign3A_197 : i32
      %sign3A_199 = arith.extui %sign3A_198 : i1 to i32
      %sign3A_200 = arith.subi %sign3A_196, %sign3A_199 : i32
      %sign3A_201 = arith.constant 0 : i32
      %sign3A_202 = arith.cmpi sgt, %jit3A_192, %sign3A_201 : i32
      %sign3A_203 = arith.extui %sign3A_202 : i1 to i32
      %sign3A_204 = arith.constant 0 : i32
      %sign3A_205 = arith.cmpi slt, %jit3A_192, %sign3A_204 : i32
      %sign3A_206 = arith.extui %sign3A_205 : i1 to i32
      %sign3A_207 = arith.subi %sign3A_203, %sign3A_206 : i32
      %ne3A_208 = arith.cmpi ne, %sign3A_200, %sign3A_207 : i32
      %rem3A_209 = arith.remsi %add3A_189, %jit3A_192 : i32
      %ne3A_210 = arith.constant 0 : i32
      %ne3A_211 = arith.cmpi ne, %rem3A_209, %ne3A_210 : i32
      %and3A_212 = arith.andi %ne3A_208, %ne3A_211 : i1
      %sub3A_213 = arith.constant 1 : i32
      %sub3A_214 = arith.subi %div3A_193, %sub3A_213 : i32
      %select_n3A_215 = arith.select %and3A_212, %sub3A_214, %div3A_193 : i32
      %jit3A_216 = arith.constant 20 : i32
      %eq3A_217 = arith.constant 0 : i32
      %eq3A_218 = arith.cmpi eq, %jit3A_216, %eq3A_217 : i32
      %jit3A_219 = arith.constant 1 : i32
      %select_n3A_220 = arith.select %eq3A_218, %jit3A_219, %jit3A_216 : i32
      %rem3A_221 = arith.remsi %add3A_189, %select_n3A_220 : i32
      %ne3A_222 = arith.constant 0 : i32
      %ne3A_223 = arith.cmpi ne, %rem3A_221, %ne3A_222 : i32
      %lt3A_224 = arith.constant 0 : i32
      %lt3A_225 = arith.cmpi slt, %rem3A_221, %lt3A_224 : i32
      %lt3A_226 = arith.constant 0 : i32
      %lt3A_227 = arith.cmpi slt, %select_n3A_220, %lt3A_226 : i32
      %ne3A_228 = arith.xori %lt3A_225, %lt3A_227 : i1
      %and3A_229 = arith.andi %ne3A_228, %ne3A_223 : i1
      %add3A_230 = arith.addi %rem3A_221, %select_n3A_220 : i32
      %select_n3A_231 = arith.select %and3A_229, %add3A_230, %rem3A_221 : i32
      %dma_start3A_232 = arith.constant 0 : i32
      %dma_start3A_233 = arith.constant 0 : i32
      %dma_start3A_234 = arith.constant 0 : i32
      %dma_start3A_235 = tpu.memref_slice %arg6[%dma_start3A_232, %select_n3A_215, %select_n3A_231, %dma_start3A_234] : memref<2x16x20x64xf32, #tpu.memory_space<vmem>> -> memref<1x1x1x64xf32, #tpu.memory_space<vmem>>
      %dma_start3A_236 = tpu.memref_squeeze %dma_start3A_235 : memref<1x1x1x64xf32, #tpu.memory_space<vmem>> -> memref<1x64xf32, #tpu.memory_space<vmem>>
      %dma_start3A_237 = arith.constant 0 : i32
      %dma_start3A_238 = tpu.memref_slice %arg2[%squeeze3A_191, %dma_start3A_237] : memref<1000001x64xf32, #tpu.memory_space<hbm>> -> memref<1x64xf32, #tpu.memory_space<hbm>>
      %dma_start3A_239 = tpu.memref_slice %arg7[%dma_start3A_233] : memref<2x!tpu.dma_semaphore, #tpu.memory_space<semaphore_mem>> -> memref<1x!tpu.dma_semaphore, #tpu.memory_space<semaphore_mem>>
      %dma_start3A_240 = tpu.memref_squeeze %dma_start3A_239 : memref<1x!tpu.dma_semaphore, #tpu.memory_space<semaphore_mem>> -> memref<!tpu.dma_semaphore, #tpu.memory_space<semaphore_mem>>
      %dma_start3A_241 = arith.constant 0 : i32
      %dma_start3A_242 = tpu.memref_slice %arg6[%dma_start3A_232, %select_n3A_215, %select_n3A_231, %dma_start3A_241] : memref<2x16x20x64xf32, #tpu.memory_space<vmem>> -> memref<1x1x1x64xf32, #tpu.memory_space<vmem>>
      %dma_start3A_243 = tpu.memref_squeeze %dma_start3A_242 : memref<1x1x1x64xf32, #tpu.memory_space<vmem>> -> memref<1x64xf32, #tpu.memory_space<vmem>>
      %dma_start3A_244 = arith.constant 0 : i32
      %dma_start3A_245 = tpu.memref_slice %arg2[%squeeze3A_191, %dma_start3A_244] : memref<1000001x64xf32, #tpu.memory_space<hbm>> -> memref<1x64xf32, #tpu.memory_space<hbm>>
      tpu.enqueue_dma source(%dma_start3A_245 : memref<1x64xf32, #tpu.memory_space<hbm>>) target(%dma_start3A_243 : memref<1x64xf32, #tpu.memory_space<vmem>>) target_semaphore(%dma_start3A_240 : memref<!tpu.dma_semaphore, #tpu.memory_space<semaphore_mem>>)
      %add3A_246 = arith.constant 4 : i32
      %add3A_247 = arith.addi %mul3A_22, %add3A_246 : i32
      %slice3A_248 = vector.extract_strided_slice %get3A_26 {offsets = [4], sizes = [1], strides = [1]} : vector<16xi32> to vector<1xi32>
      %squeeze3A_249 = vector.extract %slice3A_248[0] : i32 from vector<1xi32>
      %jit3A_250 = arith.constant 20 : i32
      %div3A_251 = arith.divsi %add3A_247, %jit3A_250 : i32
      %sign3A_252 = arith.constant 0 : i32
      %sign3A_253 = arith.cmpi sgt, %add3A_247, %sign3A_252 : i32
      %sign3A_254 = arith.extui %sign3A_253 : i1 to i32
      %sign3A_255 = arith.constant 0 : i32
      %sign3A_256 = arith.cmpi slt, %add3A_247, %sign3A_255 : i32
      %sign3A_257 = arith.extui %sign3A_256 : i1 to i32
      %sign3A_258 = arith.subi %sign3A_254, %sign3A_257 : i32
      %sign3A_259 = arith.constant 0 : i32
      %sign3A_260 = arith.cmpi sgt, %jit3A_250, %sign3A_259 : i32
      %sign3A_261 = arith.extui %sign3A_260 : i1 to i32
      %sign3A_262 = arith.constant 0 : i32
      %sign3A_263 = arith.cmpi slt, %jit3A_250, %sign3A_262 : i32
      %sign3A_264 = arith.extui %sign3A_263 : i1 to i32
      %sign3A_265 = arith.subi %sign3A_261, %sign3A_264 : i32
      %ne3A_266 = arith.cmpi ne, %sign3A_258, %sign3A_265 : i32
      %rem3A_267 = arith.remsi %add3A_247, %jit3A_250 : i32
      %ne3A_268 = arith.constant 0 : i32
      %ne3A_269 = arith.cmpi ne, %rem3A_267, %ne3A_268 : i32
      %and3A_270 = arith.andi %ne3A_266, %ne3A_269 : i1
      %sub3A_271 = arith.constant 1 : i32
      %sub3A_272 = arith.subi %div3A_251, %sub3A_271 : i32
      %select_n3A_273 = arith.select %and3A_270, %sub3A_272, %div3A_251 : i32
      %jit3A_274 = arith.constant 20 : i32
      %eq3A_275 = arith.constant 0 : i32
      %eq3A_276 = arith.cmpi eq, %jit3A_274, %eq3A_275 : i32
      %jit3A_277 = arith.constant 1 : i32
      %select_n3A_278 = arith.select %eq3A_276, %jit3A_277, %jit3A_274 : i32
      %rem3A_279 = arith.remsi %add3A_247, %select_n3A_278 : i32
      %ne3A_280 = arith.constant 0 : i32
      %ne3A_281 = arith.cmpi ne, %rem3A_279, %ne3A_280 : i32
      %lt3A_282 = arith.constant 0 : i32
      %lt3A_283 = arith.cmpi slt, %rem3A_279, %lt3A_282 : i32
      %lt3A_284 = arith.constant 0 : i32
      %lt3A_285 = arith.cmpi slt, %select_n3A_278, %lt3A_284 : i32
      %ne3A_286 = arith.xori %lt3A_283, %lt3A_285 : i1
      %and3A_287 = arith.andi %ne3A_286, %ne3A_281 : i1
      %add3A_288 = arith.addi %rem3A_279, %select_n3A_278 : i32
      %select_n3A_289 = arith.select %and3A_287, %add3A_288, %rem3A_279 : i32
      %dma_start3A_290 = arith.constant 0 : i32
      %dma_start3A_291 = arith.constant 0 : i32
      %dma_start3A_292 = arith.constant 0 : i32
      %dma_start3A_293 = tpu.memref_slice %arg6[%dma_start3A_290, %select_n3A_273, %select_n3A_289, %dma_start3A_292] : memref<2x16x20x64xf32, #tpu.memory_space<vmem>> -> memref<1x1x1x64xf32, #tpu.memory_space<vmem>>
      %dma_start3A_294 = tpu.memref_squeeze %dma_start3A_293 : memref<1x1x1x64xf32, #tpu.memory_space<vmem>> -> memref<1x64xf32, #tpu.memory_space<vmem>>
      %dma_start3A_295 = arith.constant 0 : i32
      %dma_start3A_296 = tpu.memref_slice %arg2[%squeeze3A_249, %dma_start3A_295] : memref<1000001x64xf32, #tpu.memory_space<hbm>> -> memref<1x64xf32, #tpu.memory_space<hbm>>
      %dma_start3A_297 = tpu.memref_slice %arg7[%dma_start3A_291] : memref<2x!tpu.dma_semaphore, #tpu.memory_space<semaphore_mem>> -> memref<1x!tpu.dma_semaphore, #tpu.memory_space<semaphore_mem>>
      %dma_start3A_298 = tpu.memref_squeeze %dma_start3A_297 : memref<1x!tpu.dma_semaphore, #tpu.memory_space<semaphore_mem>> -> memref<!tpu.dma_semaphore, #tpu.memory_space<semaphore_mem>>
      %dma_start3A_299 = arith.constant 0 : i32
      %dma_start3A_300 = tpu.memref_slice %arg6[%dma_start3A_290, %select_n3A_273, %select_n3A_289, %dma_start3A_299] : memref<2x16x20x64xf32, #tpu.memory_space<vmem>> -> memref<1x1x1x64xf32, #tpu.memory_space<vmem>>
      %dma_start3A_301 = tpu.memref_squeeze %dma_start3A_300 : memref<1x1x1x64xf32, #tpu.memory_space<vmem>> -> memref<1x64xf32, #tpu.memory_space<vmem>>
      %dma_start3A_302 = arith.constant 0 : i32
      %dma_start3A_303 = tpu.memref_slice %arg2[%squeeze3A_249, %dma_start3A_302] : memref<1000001x64xf32, #tpu.memory_space<hbm>> -> memref<1x64xf32, #tpu.memory_space<hbm>>
      tpu.enqueue_dma source(%dma_start3A_303 : memref<1x64xf32, #tpu.memory_space<hbm>>) target(%dma_start3A_301 : memref<1x64xf32, #tpu.memory_space<vmem>>) target_semaphore(%dma_start3A_298 : memref<!tpu.dma_semaphore, #tpu.memory_space<semaphore_mem>>)
      %add3A_304 = arith.constant 5 : i32
      %add3A_305 = arith.addi %mul3A_22, %add3A_304 : i32
      %slice3A_306 = vector.extract_strided_slice %get3A_26 {offsets = [5], sizes = [1], strides = [1]} : vector<16xi32> to vector<1xi32>
      %squeeze3A_307 = vector.extract %slice3A_306[0] : i32 from vector<1xi32>
      %jit3A_308 = arith.constant 20 : i32
      %div3A_309 = arith.divsi %add3A_305, %jit3A_308 : i32
      %sign3A_310 = arith.constant 0 : i32
      %sign3A_311 = arith.cmpi sgt, %add3A_305, %sign3A_310 : i32
      %sign3A_312 = arith.extui %sign3A_311 : i1 to i32
      %sign3A_313 = arith.constant 0 : i32
      %sign3A_314 = arith.cmpi slt, %add3A_305, %sign3A_313 : i32
      %sign3A_315 = arith.extui %sign3A_314 : i1 to i32
      %sign3A_316 = arith.subi %sign3A_312, %sign3A_315 : i32
      %sign3A_317 = arith.constant 0 : i32
      %sign3A_318 = arith.cmpi sgt, %jit3A_308, %sign3A_317 : i32
      %sign3A_319 = arith.extui %sign3A_318 : i1 to i32
      %sign3A_320 = arith.constant 0 : i32
      %sign3A_321 = arith.cmpi slt, %jit3A_308, %sign3A_320 : i32
      %sign3A_322 = arith.extui %sign3A_321 : i1 to i32
      %sign3A_323 = arith.subi %sign3A_319, %sign3A_322 : i32
      %ne3A_324 = arith.cmpi ne, %sign3A_316, %sign3A_323 : i32
      %rem3A_325 = arith.remsi %add3A_305, %jit3A_308 : i32
      %ne3A_326 = arith.constant 0 : i32
      %ne3A_327 = arith.cmpi ne, %rem3A_325, %ne3A_326 : i32
      %and3A_328 = arith.andi %ne3A_324, %ne3A_327 : i1
      %sub3A_329 = arith.constant 1 : i32
      %sub3A_330 = arith.subi %div3A_309, %sub3A_329 : i32
      %select_n3A_331 = arith.select %and3A_328, %sub3A_330, %div3A_309 : i32
      %jit3A_332 = arith.constant 20 : i32
      %eq3A_333 = arith.constant 0 : i32
      %eq3A_334 = arith.cmpi eq, %jit3A_332, %eq3A_333 : i32
      %jit3A_335 = arith.constant 1 : i32
      %select_n3A_336 = arith.select %eq3A_334, %jit3A_335, %jit3A_332 : i32
      %rem3A_337 = arith.remsi %add3A_305, %select_n3A_336 : i32
      %ne3A_338 = arith.constant 0 : i32
      %ne3A_339 = arith.cmpi ne, %rem3A_337, %ne3A_338 : i32
      %lt3A_340 = arith.constant 0 : i32
      %lt3A_341 = arith.cmpi slt, %rem3A_337, %lt3A_340 : i32
      %lt3A_342 = arith.constant 0 : i32
      %lt3A_343 = arith.cmpi slt, %select_n3A_336, %lt3A_342 : i32
      %ne3A_344 = arith.xori %lt3A_341, %lt3A_343 : i1
      %and3A_345 = arith.andi %ne3A_344, %ne3A_339 : i1
      %add3A_346 = arith.addi %rem3A_337, %select_n3A_336 : i32
      %select_n3A_347 = arith.select %and3A_345, %add3A_346, %rem3A_337 : i32
      %dma_start3A_348 = arith.constant 0 : i32
      %dma_start3A_349 = arith.constant 0 : i32
      %dma_start3A_350 = arith.constant 0 : i32
      %dma_start3A_351 = tpu.memref_slice %arg6[%dma_start3A_348, %select_n3A_331, %select_n3A_347, %dma_start3A_350] : memref<2x16x20x64xf32, #tpu.memory_space<vmem>> -> memref<1x1x1x64xf32, #tpu.memory_space<vmem>>
      %dma_start3A_352 = tpu.memref_squeeze %dma_start3A_351 : memref<1x1x1x64xf32, #tpu.memory_space<vmem>> -> memref<1x64xf32, #tpu.memory_space<vmem>>
      %dma_start3A_353 = arith.constant 0 : i32
      %dma_start3A_354 = tpu.memref_slice %arg2[%squeeze3A_307, %dma_start3A_353] : memref<1000001x64xf32, #tpu.memory_space<hbm>> -> memref<1x64xf32, #tpu.memory_space<hbm>>
      %dma_start3A_355 = tpu.memref_slice %arg7[%dma_start3A_349] : memref<2x!tpu.dma_semaphore, #tpu.memory_space<semaphore_mem>> -> memref<1x!tpu.dma_semaphore, #tpu.memory_space<semaphore_mem>>
      %dma_start3A_356 = tpu.memref_squeeze %dma_start3A_355 : memref<1x!tpu.dma_semaphore, #tpu.memory_space<semaphore_mem>> -> memref<!tpu.dma_semaphore, #tpu.memory_space<semaphore_mem>>
      %dma_start3A_357 = arith.constant 0 : i32
      %dma_start3A_358 = tpu.memref_slice %arg6[%dma_start3A_348, %select_n3A_331, %select_n3A_347, %dma_start3A_357] : memref<2x16x20x64xf32, #tpu.memory_space<vmem>> -> memref<1x1x1x64xf32, #tpu.memory_space<vmem>>
      %dma_start3A_359 = tpu.memref_squeeze %dma_start3A_358 : memref<1x1x1x64xf32, #tpu.memory_space<vmem>> -> memref<1x64xf32, #tpu.memory_space<vmem>>
      %dma_start3A_360 = arith.constant 0 : i32
      %dma_start3A_361 = tpu.memref_slice %arg2[%squeeze3A_307, %dma_start3A_360] : memref<1000001x64xf32, #tpu.memory_space<hbm>> -> memref<1x64xf32, #tpu.memory_space<hbm>>
      tpu.enqueue_dma source(%dma_start3A_361 : memref<1x64xf32, #tpu.memory_space<hbm>>) target(%dma_start3A_359 : memref<1x64xf32, #tpu.memory_space<vmem>>) target_semaphore(%dma_start3A_356 : memref<!tpu.dma_semaphore, #tpu.memory_space<semaphore_mem>>)
      %add3A_362 = arith.constant 6 : i32
      %add3A_363 = arith.addi %mul3A_22, %add3A_362 : i32
      %slice3A_364 = vector.extract_strided_slice %get3A_26 {offsets = [6], sizes = [1], strides = [1]} : vector<16xi32> to vector<1xi32>
      %squeeze3A_365 = vector.extract %slice3A_364[0] : i32 from vector<1xi32>
      %jit3A_366 = arith.constant 20 : i32
      %div3A_367 = arith.divsi %add3A_363, %jit3A_366 : i32
      %sign3A_368 = arith.constant 0 : i32
      %sign3A_369 = arith.cmpi sgt, %add3A_363, %sign3A_368 : i32
      %sign3A_370 = arith.extui %sign3A_369 : i1 to i32
      %sign3A_371 = arith.constant 0 : i32
      %sign3A_372 = arith.cmpi slt, %add3A_363, %sign3A_371 : i32
      %sign3A_373 = arith.extui %sign3A_372 : i1 to i32
      %sign3A_374 = arith.subi %sign3A_370, %sign3A_373 : i32
      %sign3A_375 = arith.constant 0 : i32
      %sign3A_376 = arith.cmpi sgt, %jit3A_366, %sign3A_375 : i32
      %sign3A_377 = arith.extui %sign3A_376 : i1 to i32
      %sign3A_378 = arith.constant 0 : i32
      %sign3A_379 = arith.cmpi slt, %jit3A_366, %sign3A_378 : i32
      %sign3A_380 = arith.extui %sign3A_379 : i1 to i32
      %sign3A_381 = arith.subi %sign3A_377, %sign3A_380 : i32
      %ne3A_382 = arith.cmpi ne, %sign3A_374, %sign3A_381 : i32
      %rem3A_383 = arith.remsi %add3A_363, %jit3A_366 : i32
      %ne3A_384 = arith.constant 0 : i32
      %ne3A_385 = arith.cmpi ne, %rem3A_383, %ne3A_384 : i32
      %and3A_386 = arith.andi %ne3A_382, %ne3A_385 : i1
      %sub3A_387 = arith.constant 1 : i32
      %sub3A_388 = arith.subi %div3A_367, %sub3A_387 : i32
      %select_n3A_389 = arith.select %and3A_386, %sub3A_388, %div3A_367 : i32
      %jit3A_390 = arith.constant 20 : i32
      %eq3A_391 = arith.constant 0 : i32
      %eq3A_392 = arith.cmpi eq, %jit3A_390, %eq3A_391 : i32
      %jit3A_393 = arith.constant 1 : i32
      %select_n3A_394 = arith.select %eq3A_392, %jit3A_393, %jit3A_390 : i32
      %rem3A_395 = arith.remsi %add3A_363, %select_n3A_394 : i32
      %ne3A_396 = arith.constant 0 : i32
      %ne3A_397 = arith.cmpi ne, %rem3A_395, %ne3A_396 : i32
      %lt3A_398 = arith.constant 0 : i32
      %lt3A_399 = arith.cmpi slt, %rem3A_395, %lt3A_398 : i32
      %lt3A_400 = arith.constant 0 : i32
      %lt3A_401 = arith.cmpi slt, %select_n3A_394, %lt3A_400 : i32
      %ne3A_402 = arith.xori %lt3A_399, %lt3A_401 : i1
      %and3A_403 = arith.andi %ne3A_402, %ne3A_397 : i1
      %add3A_404 = arith.addi %rem3A_395, %select_n3A_394 : i32
      %select_n3A_405 = arith.select %and3A_403, %add3A_404, %rem3A_395 : i32
      %dma_start3A_406 = arith.constant 0 : i32
      %dma_start3A_407 = arith.constant 0 : i32
      %dma_start3A_408 = arith.constant 0 : i32
      %dma_start3A_409 = tpu.memref_slice %arg6[%dma_start3A_406, %select_n3A_389, %select_n3A_405, %dma_start3A_408] : memref<2x16x20x64xf32, #tpu.memory_space<vmem>> -> memref<1x1x1x64xf32, #tpu.memory_space<vmem>>
      %dma_start3A_410 = tpu.memref_squeeze %dma_start3A_409 : memref<1x1x1x64xf32, #tpu.memory_space<vmem>> -> memref<1x64xf32, #tpu.memory_space<vmem>>
      %dma_start3A_411 = arith.constant 0 : i32
      %dma_start3A_412 = tpu.memref_slice %arg2[%squeeze3A_365, %dma_start3A_411] : memref<1000001x64xf32, #tpu.memory_space<hbm>> -> memref<1x64xf32, #tpu.memory_space<hbm>>
      %dma_start3A_413 = tpu.memref_slice %arg7[%dma_start3A_407] : memref<2x!tpu.dma_semaphore, #tpu.memory_space<semaphore_mem>> -> memref<1x!tpu.dma_semaphore, #tpu.memory_space<semaphore_mem>>
      %dma_start3A_414 = tpu.memref_squeeze %dma_start3A_413 : memref<1x!tpu.dma_semaphore, #tpu.memory_space<semaphore_mem>> -> memref<!tpu.dma_semaphore, #tpu.memory_space<semaphore_mem>>
      %dma_start3A_415 = arith.constant 0 : i32
      %dma_start3A_416 = tpu.memref_slice %arg6[%dma_start3A_406, %select_n3A_389, %select_n3A_405, %dma_start3A_415] : memref<2x16x20x64xf32, #tpu.memory_space<vmem>> -> memref<1x1x1x64xf32, #tpu.memory_space<vmem>>
      %dma_start3A_417 = tpu.memref_squeeze %dma_start3A_416 : memref<1x1x1x64xf32, #tpu.memory_space<vmem>> -> memref<1x64xf32, #tpu.memory_space<vmem>>
      %dma_start3A_418 = arith.constant 0 : i32
      %dma_start3A_419 = tpu.memref_slice %arg2[%squeeze3A_365, %dma_start3A_418] : memref<1000001x64xf32, #tpu.memory_space<hbm>> -> memref<1x64xf32, #tpu.memory_space<hbm>>
      tpu.enqueue_dma source(%dma_start3A_419 : memref<1x64xf32, #tpu.memory_space<hbm>>) target(%dma_start3A_417 : memref<1x64xf32, #tpu.memory_space<vmem>>) target_semaphore(%dma_start3A_414 : memref<!tpu.dma_semaphore, #tpu.memory_space<semaphore_mem>>)
      %add3A_420 = arith.constant 7 : i32
      %add3A_421 = arith.addi %mul3A_22, %add3A_420 : i32
      %slice3A_422 = vector.extract_strided_slice %get3A_26 {offsets = [7], sizes = [1], strides = [1]} : vector<16xi32> to vector<1xi32>
      %squeeze3A_423 = vector.extract %slice3A_422[0] : i32 from vector<1xi32>
      %jit3A_424 = arith.constant 20 : i32
      %div3A_425 = arith.divsi %add3A_421, %jit3A_424 : i32
      %sign3A_426 = arith.constant 0 : i32
      %sign3A_427 = arith.cmpi sgt, %add3A_421, %sign3A_426 : i32
      %sign3A_428 = arith.extui %sign3A_427 : i1 to i32
      %sign3A_429 = arith.constant 0 : i32
      %sign3A_430 = arith.cmpi slt, %add3A_421, %sign3A_429 : i32
      %sign3A_431 = arith.extui %sign3A_430 : i1 to i32
      %sign3A_432 = arith.subi %sign3A_428, %sign3A_431 : i32
      %sign3A_433 = arith.constant 0 : i32
      %sign3A_434 = arith.cmpi sgt, %jit3A_424, %sign3A_433 : i32
      %sign3A_435 = arith.extui %sign3A_434 : i1 to i32
      %sign3A_436 = arith.constant 0 : i32
      %sign3A_437 = arith.cmpi slt, %jit3A_424, %sign3A_436 : i32
      %sign3A_438 = arith.extui %sign3A_437 : i1 to i32
      %sign3A_439 = arith.subi %sign3A_435, %sign3A_438 : i32
      %ne3A_440 = arith.cmpi ne, %sign3A_432, %sign3A_439 : i32
      %rem3A_441 = arith.remsi %add3A_421, %jit3A_424 : i32
      %ne3A_442 = arith.constant 0 : i32
      %ne3A_443 = arith.cmpi ne, %rem3A_441, %ne3A_442 : i32
      %and3A_444 = arith.andi %ne3A_440, %ne3A_443 : i1
      %sub3A_445 = arith.constant 1 : i32
      %sub3A_446 = arith.subi %div3A_425, %sub3A_445 : i32
      %select_n3A_447 = arith.select %and3A_444, %sub3A_446, %div3A_425 : i32
      %jit3A_448 = arith.constant 20 : i32
      %eq3A_449 = arith.constant 0 : i32
      %eq3A_450 = arith.cmpi eq, %jit3A_448, %eq3A_449 : i32
      %jit3A_451 = arith.constant 1 : i32
      %select_n3A_452 = arith.select %eq3A_450, %jit3A_451, %jit3A_448 : i32
      %rem3A_453 = arith.remsi %add3A_421, %select_n3A_452 : i32
      %ne3A_454 = arith.constant 0 : i32
      %ne3A_455 = arith.cmpi ne, %rem3A_453, %ne3A_454 : i32
      %lt3A_456 = arith.constant 0 : i32
      %lt3A_457 = arith.cmpi slt, %rem3A_453, %lt3A_456 : i32
      %lt3A_458 = arith.constant 0 : i32
      %lt3A_459 = arith.cmpi slt, %select_n3A_452, %lt3A_458 : i32
      %ne3A_460 = arith.xori %lt3A_457, %lt3A_459 : i1
      %and3A_461 = arith.andi %ne3A_460, %ne3A_455 : i1
      %add3A_462 = arith.addi %rem3A_453, %select_n3A_452 : i32
      %select_n3A_463 = arith.select %and3A_461, %add3A_462, %rem3A_453 : i32
      %dma_start3A_464 = arith.constant 0 : i32
      %dma_start3A_465 = arith.constant 0 : i32
      %dma_start3A_466 = arith.constant 0 : i32
      %dma_start3A_467 = tpu.memref_slice %arg6[%dma_start3A_464, %select_n3A_447, %select_n3A_463, %dma_start3A_466] : memref<2x16x20x64xf32, #tpu.memory_space<vmem>> -> memref<1x1x1x64xf32, #tpu.memory_space<vmem>>
      %dma_start3A_468 = tpu.memref_squeeze %dma_start3A_467 : memref<1x1x1x64xf32, #tpu.memory_space<vmem>> -> memref<1x64xf32, #tpu.memory_space<vmem>>
      %dma_start3A_469 = arith.constant 0 : i32
      %dma_start3A_470 = tpu.memref_slice %arg2[%squeeze3A_423, %dma_start3A_469] : memref<1000001x64xf32, #tpu.memory_space<hbm>> -> memref<1x64xf32, #tpu.memory_space<hbm>>
      %dma_start3A_471 = tpu.memref_slice %arg7[%dma_start3A_465] : memref<2x!tpu.dma_semaphore, #tpu.memory_space<semaphore_mem>> -> memref<1x!tpu.dma_semaphore, #tpu.memory_space<semaphore_mem>>
      %dma_start3A_472 = tpu.memref_squeeze %dma_start3A_471 : memref<1x!tpu.dma_semaphore, #tpu.memory_space<semaphore_mem>> -> memref<!tpu.dma_semaphore, #tpu.memory_space<semaphore_mem>>
      %dma_start3A_473 = arith.constant 0 : i32
      %dma_start3A_474 = tpu.memref_slice %arg6[%dma_start3A_464, %select_n3A_447, %select_n3A_463, %dma_start3A_473] : memref<2x16x20x64xf32, #tpu.memory_space<vmem>> -> memref<1x1x1x64xf32, #tpu.memory_space<vmem>>
      %dma_start3A_475 = tpu.memref_squeeze %dma_start3A_474 : memref<1x1x1x64xf32, #tpu.memory_space<vmem>> -> memref<1x64xf32, #tpu.memory_space<vmem>>
      %dma_start3A_476 = arith.constant 0 : i32
      %dma_start3A_477 = tpu.memref_slice %arg2[%squeeze3A_423, %dma_start3A_476] : memref<1000001x64xf32, #tpu.memory_space<hbm>> -> memref<1x64xf32, #tpu.memory_space<hbm>>
      tpu.enqueue_dma source(%dma_start3A_477 : memref<1x64xf32, #tpu.memory_space<hbm>>) target(%dma_start3A_475 : memref<1x64xf32, #tpu.memory_space<vmem>>) target_semaphore(%dma_start3A_472 : memref<!tpu.dma_semaphore, #tpu.memory_space<semaphore_mem>>)
      %add3A_478 = arith.constant 8 : i32
      %add3A_479 = arith.addi %mul3A_22, %add3A_478 : i32
      %slice3A_480 = vector.extract_strided_slice %get3A_26 {offsets = [8], sizes = [1], strides = [1]} : vector<16xi32> to vector<1xi32>
      %squeeze3A_481 = vector.extract %slice3A_480[0] : i32 from vector<1xi32>
      %jit3A_482 = arith.constant 20 : i32
      %div3A_483 = arith.divsi %add3A_479, %jit3A_482 : i32
      %sign3A_484 = arith.constant 0 : i32
      %sign3A_485 = arith.cmpi sgt, %add3A_479, %sign3A_484 : i32
      %sign3A_486 = arith.extui %sign3A_485 : i1 to i32
      %sign3A_487 = arith.constant 0 : i32
      %sign3A_488 = arith.cmpi slt, %add3A_479, %sign3A_487 : i32
      %sign3A_489 = arith.extui %sign3A_488 : i1 to i32
      %sign3A_490 = arith.subi %sign3A_486, %sign3A_489 : i32
      %sign3A_491 = arith.constant 0 : i32
      %sign3A_492 = arith.cmpi sgt, %jit3A_482, %sign3A_491 : i32
      %sign3A_493 = arith.extui %sign3A_492 : i1 to i32
      %sign3A_494 = arith.constant 0 : i32
      %sign3A_495 = arith.cmpi slt, %jit3A_482, %sign3A_494 : i32
      %sign3A_496 = arith.extui %sign3A_495 : i1 to i32
      %sign3A_497 = arith.subi %sign3A_493, %sign3A_496 : i32
      %ne3A_498 = arith.cmpi ne, %sign3A_490, %sign3A_497 : i32
      %rem3A_499 = arith.remsi %add3A_479, %jit3A_482 : i32
      %ne3A_500 = arith.constant 0 : i32
      %ne3A_501 = arith.cmpi ne, %rem3A_499, %ne3A_500 : i32
      %and3A_502 = arith.andi %ne3A_498, %ne3A_501 : i1
      %sub3A_503 = arith.constant 1 : i32
      %sub3A_504 = arith.subi %div3A_483, %sub3A_503 : i32
      %select_n3A_505 = arith.select %and3A_502, %sub3A_504, %div3A_483 : i32
      %jit3A_506 = arith.constant 20 : i32
      %eq3A_507 = arith.constant 0 : i32
      %eq3A_508 = arith.cmpi eq, %jit3A_506, %eq3A_507 : i32
      %jit3A_509 = arith.constant 1 : i32
      %select_n3A_510 = arith.select %eq3A_508, %jit3A_509, %jit3A_506 : i32
      %rem3A_511 = arith.remsi %add3A_479, %select_n3A_510 : i32
      %ne3A_512 = arith.constant 0 : i32
      %ne3A_513 = arith.cmpi ne, %rem3A_511, %ne3A_512 : i32
      %lt3A_514 = arith.constant 0 : i32
      %lt3A_515 = arith.cmpi slt, %rem3A_511, %lt3A_514 : i32
      %lt3A_516 = arith.constant 0 : i32
      %lt3A_517 = arith.cmpi slt, %select_n3A_510, %lt3A_516 : i32
      %ne3A_518 = arith.xori %lt3A_515, %lt3A_517 : i1
      %and3A_519 = arith.andi %ne3A_518, %ne3A_513 : i1
      %add3A_520 = arith.addi %rem3A_511, %select_n3A_510 : i32
      %select_n3A_521 = arith.select %and3A_519, %add3A_520, %rem3A_511 : i32
      %dma_start3A_522 = arith.constant 0 : i32
      %dma_start3A_523 = arith.constant 0 : i32
      %dma_start3A_524 = arith.constant 0 : i32
      %dma_start3A_525 = tpu.memref_slice %arg6[%dma_start3A_522, %select_n3A_505, %select_n3A_521, %dma_start3A_524] : memref<2x16x20x64xf32, #tpu.memory_space<vmem>> -> memref<1x1x1x64xf32, #tpu.memory_space<vmem>>
      %dma_start3A_526 = tpu.memref_squeeze %dma_start3A_525 : memref<1x1x1x64xf32, #tpu.memory_space<vmem>> -> memref<1x64xf32, #tpu.memory_space<vmem>>
      %dma_start3A_527 = arith.constant 0 : i32
      %dma_start3A_528 = tpu.memref_slice %arg2[%squeeze3A_481, %dma_start3A_527] : memref<1000001x64xf32, #tpu.memory_space<hbm>> -> memref<1x64xf32, #tpu.memory_space<hbm>>
      %dma_start3A_529 = tpu.memref_slice %arg7[%dma_start3A_523] : memref<2x!tpu.dma_semaphore, #tpu.memory_space<semaphore_mem>> -> memref<1x!tpu.dma_semaphore, #tpu.memory_space<semaphore_mem>>
      %dma_start3A_530 = tpu.memref_squeeze %dma_start3A_529 : memref<1x!tpu.dma_semaphore, #tpu.memory_space<semaphore_mem>> -> memref<!tpu.dma_semaphore, #tpu.memory_space<semaphore_mem>>
      %dma_start3A_531 = arith.constant 0 : i32
      %dma_start3A_532 = tpu.memref_slice %arg6[%dma_start3A_522, %select_n3A_505, %select_n3A_521, %dma_start3A_531] : memref<2x16x20x64xf32, #tpu.memory_space<vmem>> -> memref<1x1x1x64xf32, #tpu.memory_space<vmem>>
      %dma_start3A_533 = tpu.memref_squeeze %dma_start3A_532 : memref<1x1x1x64xf32, #tpu.memory_space<vmem>> -> memref<1x64xf32, #tpu.memory_space<vmem>>
      %dma_start3A_534 = arith.constant 0 : i32
      %dma_start3A_535 = tpu.memref_slice %arg2[%squeeze3A_481, %dma_start3A_534] : memref<1000001x64xf32, #tpu.memory_space<hbm>> -> memref<1x64xf32, #tpu.memory_space<hbm>>
      tpu.enqueue_dma source(%dma_start3A_535 : memref<1x64xf32, #tpu.memory_space<hbm>>) target(%dma_start3A_533 : memref<1x64xf32, #tpu.memory_space<vmem>>) target_semaphore(%dma_start3A_530 : memref<!tpu.dma_semaphore, #tpu.memory_space<semaphore_mem>>)
      %add3A_536 = arith.constant 9 : i32
      %add3A_537 = arith.addi %mul3A_22, %add3A_536 : i32
      %slice3A_538 = vector.extract_strided_slice %get3A_26 {offsets = [9], sizes = [1], strides = [1]} : vector<16xi32> to vector<1xi32>
      %squeeze3A_539 = vector.extract %slice3A_538[0] : i32 from vector<1xi32>
      %jit3A_540 = arith.constant 20 : i32
      %div3A_541 = arith.divsi %add3A_537, %jit3A_540 : i32
      %sign3A_542 = arith.constant 0 : i32
      %sign3A_543 = arith.cmpi sgt, %add3A_537, %sign3A_542 : i32
      %sign3A_544 = arith.extui %sign3A_543 : i1 to i32
      %sign3A_545 = arith.constant 0 : i32
      %sign3A_546 = arith.cmpi slt, %add3A_537, %sign3A_545 : i32
      %sign3A_547 = arith.extui %sign3A_546 : i1 to i32
      %sign3A_548 = arith.subi %sign3A_544, %sign3A_547 : i32
      %sign3A_549 = arith.constant 0 : i32
      %sign3A_550 = arith.cmpi sgt, %jit3A_540, %sign3A_549 : i32
      %sign3A_551 = arith.extui %sign3A_550 : i1 to i32
      %sign3A_552 = arith.constant 0 : i32
      %sign3A_553 = arith.cmpi slt, %jit3A_540, %sign3A_552 : i32
      %sign3A_554 = arith.extui %sign3A_553 : i1 to i32
      %sign3A_555 = arith.subi %sign3A_551, %sign3A_554 : i32
      %ne3A_556 = arith.cmpi ne, %sign3A_548, %sign3A_555 : i32
      %rem3A_557 = arith.remsi %add3A_537, %jit3A_540 : i32
      %ne3A_558 = arith.constant 0 : i32
      %ne3A_559 = arith.cmpi ne, %rem3A_557, %ne3A_558 : i32
      %and3A_560 = arith.andi %ne3A_556, %ne3A_559 : i1
      %sub3A_561 = arith.constant 1 : i32
      %sub3A_562 = arith.subi %div3A_541, %sub3A_561 : i32
      %select_n3A_563 = arith.select %and3A_560, %sub3A_562, %div3A_541 : i32
      %jit3A_564 = arith.constant 20 : i32
      %eq3A_565 = arith.constant 0 : i32
      %eq3A_566 = arith.cmpi eq, %jit3A_564, %eq3A_565 : i32
      %jit3A_567 = arith.constant 1 : i32
      %select_n3A_568 = arith.select %eq3A_566, %jit3A_567, %jit3A_564 : i32
      %rem3A_569 = arith.remsi %add3A_537, %select_n3A_568 : i32
      %ne3A_570 = arith.constant 0 : i32
      %ne3A_571 = arith.cmpi ne, %rem3A_569, %ne3A_570 : i32
      %lt3A_572 = arith.constant 0 : i32
      %lt3A_573 = arith.cmpi slt, %rem3A_569, %lt3A_572 : i32
      %lt3A_574 = arith.constant 0 : i32
      %lt3A_575 = arith.cmpi slt, %select_n3A_568, %lt3A_574 : i32
      %ne3A_576 = arith.xori %lt3A_573, %lt3A_575 : i1
      %and3A_577 = arith.andi %ne3A_576, %ne3A_571 : i1
      %add3A_578 = arith.addi %rem3A_569, %select_n3A_568 : i32
      %select_n3A_579 = arith.select %and3A_577, %add3A_578, %rem3A_569 : i32
      %dma_start3A_580 = arith.constant 0 : i32
      %dma_start3A_581 = arith.constant 0 : i32
      %dma_start3A_582 = arith.constant 0 : i32
      %dma_start3A_583 = tpu.memref_slice %arg6[%dma_start3A_580, %select_n3A_563, %select_n3A_579, %dma_start3A_582] : memref<2x16x20x64xf32, #tpu.memory_space<vmem>> -> memref<1x1x1x64xf32, #tpu.memory_space<vmem>>
      %dma_start3A_584 = tpu.memref_squeeze %dma_start3A_583 : memref<1x1x1x64xf32, #tpu.memory_space<vmem>> -> memref<1x64xf32, #tpu.memory_space<vmem>>
      %dma_start3A_585 = arith.constant 0 : i32
      %dma_start3A_586 = tpu.memref_slice %arg2[%squeeze3A_539, %dma_start3A_585] : memref<1000001x64xf32, #tpu.memory_space<hbm>> -> memref<1x64xf32, #tpu.memory_space<hbm>>
      %dma_start3A_587 = tpu.memref_slice %arg7[%dma_start3A_581] : memref<2x!tpu.dma_semaphore, #tpu.memory_space<semaphore_mem>> -> memref<1x!tpu.dma_semaphore, #tpu.memory_space<semaphore_mem>>
      %dma_start3A_588 = tpu.memref_squeeze %dma_start3A_587 : memref<1x!tpu.dma_semaphore, #tpu.memory_space<semaphore_mem>> -> memref<!tpu.dma_semaphore, #tpu.memory_space<semaphore_mem>>
      %dma_start3A_589 = arith.constant 0 : i32
      %dma_start3A_590 = tpu.memref_slice %arg6[%dma_start3A_580, %select_n3A_563, %select_n3A_579, %dma_start3A_589] : memref<2x16x20x64xf32, #tpu.memory_space<vmem>> -> memref<1x1x1x64xf32, #tpu.memory_space<vmem>>
      %dma_start3A_591 = tpu.memref_squeeze %dma_start3A_590 : memref<1x1x1x64xf32, #tpu.memory_space<vmem>> -> memref<1x64xf32, #tpu.memory_space<vmem>>
      %dma_start3A_592 = arith.constant 0 : i32
      %dma_start3A_593 = tpu.memref_slice %arg2[%squeeze3A_539, %dma_start3A_592] : memref<1000001x64xf32, #tpu.memory_space<hbm>> -> memref<1x64xf32, #tpu.memory_space<hbm>>
      tpu.enqueue_dma source(%dma_start3A_593 : memref<1x64xf32, #tpu.memory_space<hbm>>) target(%dma_start3A_591 : memref<1x64xf32, #tpu.memory_space<vmem>>) target_semaphore(%dma_start3A_588 : memref<!tpu.dma_semaphore, #tpu.memory_space<semaphore_mem>>)
      %add3A_594 = arith.constant 10 : i32
      %add3A_595 = arith.addi %mul3A_22, %add3A_594 : i32
      %slice3A_596 = vector.extract_strided_slice %get3A_26 {offsets = [10], sizes = [1], strides = [1]} : vector<16xi32> to vector<1xi32>
      %squeeze3A_597 = vector.extract %slice3A_596[0] : i32 from vector<1xi32>
      %jit3A_598 = arith.constant 20 : i32
      %div3A_599 = arith.divsi %add3A_595, %jit3A_598 : i32
      %sign3A_600 = arith.constant 0 : i32
      %sign3A_601 = arith.cmpi sgt, %add3A_595, %sign3A_600 : i32
      %sign3A_602 = arith.extui %sign3A_601 : i1 to i32
      %sign3A_603 = arith.constant 0 : i32
      %sign3A_604 = arith.cmpi slt, %add3A_595, %sign3A_603 : i32
      %sign3A_605 = arith.extui %sign3A_604 : i1 to i32
      %sign3A_606 = arith.subi %sign3A_602, %sign3A_605 : i32
      %sign3A_607 = arith.constant 0 : i32
      %sign3A_608 = arith.cmpi sgt, %jit3A_598, %sign3A_607 : i32
      %sign3A_609 = arith.extui %sign3A_608 : i1 to i32
      %sign3A_610 = arith.constant 0 : i32
      %sign3A_611 = arith.cmpi slt, %jit3A_598, %sign3A_610 : i32
      %sign3A_612 = arith.extui %sign3A_611 : i1 to i32
      %sign3A_613 = arith.subi %sign3A_609, %sign3A_612 : i32
      %ne3A_614 = arith.cmpi ne, %sign3A_606, %sign3A_613 : i32
      %rem3A_615 = arith.remsi %add3A_595, %jit3A_598 : i32
      %ne3A_616 = arith.constant 0 : i32
      %ne3A_617 = arith.cmpi ne, %rem3A_615, %ne3A_616 : i32
      %and3A_618 = arith.andi %ne3A_614, %ne3A_617 : i1
      %sub3A_619 = arith.constant 1 : i32
      %sub3A_620 = arith.subi %div3A_599, %sub3A_619 : i32
      %select_n3A_621 = arith.select %and3A_618, %sub3A_620, %div3A_599 : i32
      %jit3A_622 = arith.constant 20 : i32
      %eq3A_623 = arith.constant 0 : i32
      %eq3A_624 = arith.cmpi eq, %jit3A_622, %eq3A_623 : i32
      %jit3A_625 = arith.constant 1 : i32
      %select_n3A_626 = arith.select %eq3A_624, %jit3A_625, %jit3A_622 : i32
      %rem3A_627 = arith.remsi %add3A_595, %select_n3A_626 : i32
      %ne3A_628 = arith.constant 0 : i32
      %ne3A_629 = arith.cmpi ne, %rem3A_627, %ne3A_628 : i32
      %lt3A_630 = arith.constant 0 : i32
      %lt3A_631 = arith.cmpi slt, %rem3A_627, %lt3A_630 : i32
      %lt3A_632 = arith.constant 0 : i32
      %lt3A_633 = arith.cmpi slt, %select_n3A_626, %lt3A_632 : i32
      %ne3A_634 = arith.xori %lt3A_631, %lt3A_633 : i1
      %and3A_635 = arith.andi %ne3A_634, %ne3A_629 : i1
      %add3A_636 = arith.addi %rem3A_627, %select_n3A_626 : i32
      %select_n3A_637 = arith.select %and3A_635, %add3A_636, %rem3A_627 : i32
      %dma_start3A_638 = arith.constant 0 : i32
      %dma_start3A_639 = arith.constant 0 : i32
      %dma_start3A_640 = arith.constant 0 : i32
      %dma_start3A_641 = tpu.memref_slice %arg6[%dma_start3A_638, %select_n3A_621, %select_n3A_637, %dma_start3A_640] : memref<2x16x20x64xf32, #tpu.memory_space<vmem>> -> memref<1x1x1x64xf32, #tpu.memory_space<vmem>>
      %dma_start3A_642 = tpu.memref_squeeze %dma_start3A_641 : memref<1x1x1x64xf32, #tpu.memory_space<vmem>> -> memref<1x64xf32, #tpu.memory_space<vmem>>
      %dma_start3A_643 = arith.constant 0 : i32
      %dma_start3A_644 = tpu.memref_slice %arg2[%squeeze3A_597, %dma_start3A_643] : memref<1000001x64xf32, #tpu.memory_space<hbm>> -> memref<1x64xf32, #tpu.memory_space<hbm>>
      %dma_start3A_645 = tpu.memref_slice %arg7[%dma_start3A_639] : memref<2x!tpu.dma_semaphore, #tpu.memory_space<semaphore_mem>> -> memref<1x!tpu.dma_semaphore, #tpu.memory_space<semaphore_mem>>
      %dma_start3A_646 = tpu.memref_squeeze %dma_start3A_645 : memref<1x!tpu.dma_semaphore, #tpu.memory_space<semaphore_mem>> -> memref<!tpu.dma_semaphore, #tpu.memory_space<semaphore_mem>>
      %dma_start3A_647 = arith.constant 0 : i32
      %dma_start3A_648 = tpu.memref_slice %arg6[%dma_start3A_638, %select_n3A_621, %select_n3A_637, %dma_start3A_647] : memref<2x16x20x64xf32, #tpu.memory_space<vmem>> -> memref<1x1x1x64xf32, #tpu.memory_space<vmem>>
      %dma_start3A_649 = tpu.memref_squeeze %dma_start3A_648 : memref<1x1x1x64xf32, #tpu.memory_space<vmem>> -> memref<1x64xf32, #tpu.memory_space<vmem>>
      %dma_start3A_650 = arith.constant 0 : i32
      %dma_start3A_651 = tpu.memref_slice %arg2[%squeeze3A_597, %dma_start3A_650] : memref<1000001x64xf32, #tpu.memory_space<hbm>> -> memref<1x64xf32, #tpu.memory_space<hbm>>
      tpu.enqueue_dma source(%dma_start3A_651 : memref<1x64xf32, #tpu.memory_space<hbm>>) target(%dma_start3A_649 : memref<1x64xf32, #tpu.memory_space<vmem>>) target_semaphore(%dma_start3A_646 : memref<!tpu.dma_semaphore, #tpu.memory_space<semaphore_mem>>)
      %add3A_652 = arith.constant 11 : i32
      %add3A_653 = arith.addi %mul3A_22, %add3A_652 : i32
      %slice3A_654 = vector.extract_strided_slice %get3A_26 {offsets = [11], sizes = [1], strides = [1]} : vector<16xi32> to vector<1xi32>
      %squeeze3A_655 = vector.extract %slice3A_654[0] : i32 from vector<1xi32>
      %jit3A_656 = arith.constant 20 : i32
      %div3A_657 = arith.divsi %add3A_653, %jit3A_656 : i32
      %sign3A_658 = arith.constant 0 : i32
      %sign3A_659 = arith.cmpi sgt, %add3A_653, %sign3A_658 : i32
      %sign3A_660 = arith.extui %sign3A_659 : i1 to i32
      %sign3A_661 = arith.constant 0 : i32
      %sign3A_662 = arith.cmpi slt, %add3A_653, %sign3A_661 : i32
      %sign3A_663 = arith.extui %sign3A_662 : i1 to i32
      %sign3A_664 = arith.subi %sign3A_660, %sign3A_663 : i32
      %sign3A_665 = arith.constant 0 : i32
      %sign3A_666 = arith.cmpi sgt, %jit3A_656, %sign3A_665 : i32
      %sign3A_667 = arith.extui %sign3A_666 : i1 to i32
      %sign3A_668 = arith.constant 0 : i32
      %sign3A_669 = arith.cmpi slt, %jit3A_656, %sign3A_668 : i32
      %sign3A_670 = arith.extui %sign3A_669 : i1 to i32
      %sign3A_671 = arith.subi %sign3A_667, %sign3A_670 : i32
      %ne3A_672 = arith.cmpi ne, %sign3A_664, %sign3A_671 : i32
      %rem3A_673 = arith.remsi %add3A_653, %jit3A_656 : i32
      %ne3A_674 = arith.constant 0 : i32
      %ne3A_675 = arith.cmpi ne, %rem3A_673, %ne3A_674 : i32
      %and3A_676 = arith.andi %ne3A_672, %ne3A_675 : i1
      %sub3A_677 = arith.constant 1 : i32
      %sub3A_678 = arith.subi %div3A_657, %sub3A_677 : i32
      %select_n3A_679 = arith.select %and3A_676, %sub3A_678, %div3A_657 : i32
      %jit3A_680 = arith.constant 20 : i32
      %eq3A_681 = arith.constant 0 : i32
      %eq3A_682 = arith.cmpi eq, %jit3A_680, %eq3A_681 : i32
      %jit3A_683 = arith.constant 1 : i32
      %select_n3A_684 = arith.select %eq3A_682, %jit3A_683, %jit3A_680 : i32
      %rem3A_685 = arith.remsi %add3A_653, %select_n3A_684 : i32
      %ne3A_686 = arith.constant 0 : i32
      %ne3A_687 = arith.cmpi ne, %rem3A_685, %ne3A_686 : i32
      %lt3A_688 = arith.constant 0 : i32
      %lt3A_689 = arith.cmpi slt, %rem3A_685, %lt3A_688 : i32
      %lt3A_690 = arith.constant 0 : i32
      %lt3A_691 = arith.cmpi slt, %select_n3A_684, %lt3A_690 : i32
      %ne3A_692 = arith.xori %lt3A_689, %lt3A_691 : i1
      %and3A_693 = arith.andi %ne3A_692, %ne3A_687 : i1
      %add3A_694 = arith.addi %rem3A_685, %select_n3A_684 : i32
      %select_n3A_695 = arith.select %and3A_693, %add3A_694, %rem3A_685 : i32
      %dma_start3A_696 = arith.constant 0 : i32
      %dma_start3A_697 = arith.constant 0 : i32
      %dma_start3A_698 = arith.constant 0 : i32
      %dma_start3A_699 = tpu.memref_slice %arg6[%dma_start3A_696, %select_n3A_679, %select_n3A_695, %dma_start3A_698] : memref<2x16x20x64xf32, #tpu.memory_space<vmem>> -> memref<1x1x1x64xf32, #tpu.memory_space<vmem>>
      %dma_start3A_700 = tpu.memref_squeeze %dma_start3A_699 : memref<1x1x1x64xf32, #tpu.memory_space<vmem>> -> memref<1x64xf32, #tpu.memory_space<vmem>>
      %dma_start3A_701 = arith.constant 0 : i32
      %dma_start3A_702 = tpu.memref_slice %arg2[%squeeze3A_655, %dma_start3A_701] : memref<1000001x64xf32, #tpu.memory_space<hbm>> -> memref<1x64xf32, #tpu.memory_space<hbm>>
      %dma_start3A_703 = tpu.memref_slice %arg7[%dma_start3A_697] : memref<2x!tpu.dma_semaphore, #tpu.memory_space<semaphore_mem>> -> memref<1x!tpu.dma_semaphore, #tpu.memory_space<semaphore_mem>>
      %dma_start3A_704 = tpu.memref_squeeze %dma_start3A_703 : memref<1x!tpu.dma_semaphore, #tpu.memory_space<semaphore_mem>> -> memref<!tpu.dma_semaphore, #tpu.memory_space<semaphore_mem>>
      %dma_start3A_705 = arith.constant 0 : i32
      %dma_start3A_706 = tpu.memref_slice %arg6[%dma_start3A_696, %select_n3A_679, %select_n3A_695, %dma_start3A_705] : memref<2x16x20x64xf32, #tpu.memory_space<vmem>> -> memref<1x1x1x64xf32, #tpu.memory_space<vmem>>
      %dma_start3A_707 = tpu.memref_squeeze %dma_start3A_706 : memref<1x1x1x64xf32, #tpu.memory_space<vmem>> -> memref<1x64xf32, #tpu.memory_space<vmem>>
      %dma_start3A_708 = arith.constant 0 : i32
      %dma_start3A_709 = tpu.memref_slice %arg2[%squeeze3A_655, %dma_start3A_708] : memref<1000001x64xf32, #tpu.memory_space<hbm>> -> memref<1x64xf32, #tpu.memory_space<hbm>>
      tpu.enqueue_dma source(%dma_start3A_709 : memref<1x64xf32, #tpu.memory_space<hbm>>) target(%dma_start3A_707 : memref<1x64xf32, #tpu.memory_space<vmem>>) target_semaphore(%dma_start3A_704 : memref<!tpu.dma_semaphore, #tpu.memory_space<semaphore_mem>>)
      %add3A_710 = arith.constant 12 : i32
      %add3A_711 = arith.addi %mul3A_22, %add3A_710 : i32
      %slice3A_712 = vector.extract_strided_slice %get3A_26 {offsets = [12], sizes = [1], strides = [1]} : vector<16xi32> to vector<1xi32>
      %squeeze3A_713 = vector.extract %slice3A_712[0] : i32 from vector<1xi32>
      %jit3A_714 = arith.constant 20 : i32
      %div3A_715 = arith.divsi %add3A_711, %jit3A_714 : i32
      %sign3A_716 = arith.constant 0 : i32
      %sign3A_717 = arith.cmpi sgt, %add3A_711, %sign3A_716 : i32
      %sign3A_718 = arith.extui %sign3A_717 : i1 to i32
      %sign3A_719 = arith.constant 0 : i32
      %sign3A_720 = arith.cmpi slt, %add3A_711, %sign3A_719 : i32
      %sign3A_721 = arith.extui %sign3A_720 : i1 to i32
      %sign3A_722 = arith.subi %sign3A_718, %sign3A_721 : i32
      %sign3A_723 = arith.constant 0 : i32
      %sign3A_724 = arith.cmpi sgt, %jit3A_714, %sign3A_723 : i32
      %sign3A_725 = arith.extui %sign3A_724 : i1 to i32
      %sign3A_726 = arith.constant 0 : i32
      %sign3A_727 = arith.cmpi slt, %jit3A_714, %sign3A_726 : i32
      %sign3A_728 = arith.extui %sign3A_727 : i1 to i32
      %sign3A_729 = arith.subi %sign3A_725, %sign3A_728 : i32
      %ne3A_730 = arith.cmpi ne, %sign3A_722, %sign3A_729 : i32
      %rem3A_731 = arith.remsi %add3A_711, %jit3A_714 : i32
      %ne3A_732 = arith.constant 0 : i32
      %ne3A_733 = arith.cmpi ne, %rem3A_731, %ne3A_732 : i32
      %and3A_734 = arith.andi %ne3A_730, %ne3A_733 : i1
      %sub3A_735 = arith.constant 1 : i32
      %sub3A_736 = arith.subi %div3A_715, %sub3A_735 : i32
      %select_n3A_737 = arith.select %and3A_734, %sub3A_736, %div3A_715 : i32
      %jit3A_738 = arith.constant 20 : i32
      %eq3A_739 = arith.constant 0 : i32
      %eq3A_740 = arith.cmpi eq, %jit3A_738, %eq3A_739 : i32
      %jit3A_741 = arith.constant 1 : i32
      %select_n3A_742 = arith.select %eq3A_740, %jit3A_741, %jit3A_738 : i32
      %rem3A_743 = arith.remsi %add3A_711, %select_n3A_742 : i32
      %ne3A_744 = arith.constant 0 : i32
      %ne3A_745 = arith.cmpi ne, %rem3A_743, %ne3A_744 : i32
      %lt3A_746 = arith.constant 0 : i32
      %lt3A_747 = arith.cmpi slt, %rem3A_743, %lt3A_746 : i32
      %lt3A_748 = arith.constant 0 : i32
      %lt3A_749 = arith.cmpi slt, %select_n3A_742, %lt3A_748 : i32
      %ne3A_750 = arith.xori %lt3A_747, %lt3A_749 : i1
      %and3A_751 = arith.andi %ne3A_750, %ne3A_745 : i1
      %add3A_752 = arith.addi %rem3A_743, %select_n3A_742 : i32
      %select_n3A_753 = arith.select %and3A_751, %add3A_752, %rem3A_743 : i32
      %dma_start3A_754 = arith.constant 0 : i32
      %dma_start3A_755 = arith.constant 0 : i32
      %dma_start3A_756 = arith.constant 0 : i32
      %dma_start3A_757 = tpu.memref_slice %arg6[%dma_start3A_754, %select_n3A_737, %select_n3A_753, %dma_start3A_756] : memref<2x16x20x64xf32, #tpu.memory_space<vmem>> -> memref<1x1x1x64xf32, #tpu.memory_space<vmem>>
      %dma_start3A_758 = tpu.memref_squeeze %dma_start3A_757 : memref<1x1x1x64xf32, #tpu.memory_space<vmem>> -> memref<1x64xf32, #tpu.memory_space<vmem>>
      %dma_start3A_759 = arith.constant 0 : i32
      %dma_start3A_760 = tpu.memref_slice %arg2[%squeeze3A_713, %dma_start3A_759] : memref<1000001x64xf32, #tpu.memory_space<hbm>> -> memref<1x64xf32, #tpu.memory_space<hbm>>
      %dma_start3A_761 = tpu.memref_slice %arg7[%dma_start3A_755] : memref<2x!tpu.dma_semaphore, #tpu.memory_space<semaphore_mem>> -> memref<1x!tpu.dma_semaphore, #tpu.memory_space<semaphore_mem>>
      %dma_start3A_762 = tpu.memref_squeeze %dma_start3A_761 : memref<1x!tpu.dma_semaphore, #tpu.memory_space<semaphore_mem>> -> memref<!tpu.dma_semaphore, #tpu.memory_space<semaphore_mem>>
      %dma_start3A_763 = arith.constant 0 : i32
      %dma_start3A_764 = tpu.memref_slice %arg6[%dma_start3A_754, %select_n3A_737, %select_n3A_753, %dma_start3A_763] : memref<2x16x20x64xf32, #tpu.memory_space<vmem>> -> memref<1x1x1x64xf32, #tpu.memory_space<vmem>>
      %dma_start3A_765 = tpu.memref_squeeze %dma_start3A_764 : memref<1x1x1x64xf32, #tpu.memory_space<vmem>> -> memref<1x64xf32, #tpu.memory_space<vmem>>
      %dma_start3A_766 = arith.constant 0 : i32
      %dma_start3A_767 = tpu.memref_slice %arg2[%squeeze3A_713, %dma_start3A_766] : memref<1000001x64xf32, #tpu.memory_space<hbm>> -> memref<1x64xf32, #tpu.memory_space<hbm>>
      tpu.enqueue_dma source(%dma_start3A_767 : memref<1x64xf32, #tpu.memory_space<hbm>>) target(%dma_start3A_765 : memref<1x64xf32, #tpu.memory_space<vmem>>) target_semaphore(%dma_start3A_762 : memref<!tpu.dma_semaphore, #tpu.memory_space<semaphore_mem>>)
      %add3A_768 = arith.constant 13 : i32
      %add3A_769 = arith.addi %mul3A_22, %add3A_768 : i32
      %slice3A_770 = vector.extract_strided_slice %get3A_26 {offsets = [13], sizes = [1], strides = [1]} : vector<16xi32> to vector<1xi32>
      %squeeze3A_771 = vector.extract %slice3A_770[0] : i32 from vector<1xi32>
      %jit3A_772 = arith.constant 20 : i32
      %div3A_773 = arith.divsi %add3A_769, %jit3A_772 : i32
      %sign3A_774 = arith.constant 0 : i32
      %sign3A_775 = arith.cmpi sgt, %add3A_769, %sign3A_774 : i32
      %sign3A_776 = arith.extui %sign3A_775 : i1 to i32
      %sign3A_777 = arith.constant 0 : i32
      %sign3A_778 = arith.cmpi slt, %add3A_769, %sign3A_777 : i32
      %sign3A_779 = arith.extui %sign3A_778 : i1 to i32
      %sign3A_780 = arith.subi %sign3A_776, %sign3A_779 : i32
      %sign3A_781 = arith.constant 0 : i32
      %sign3A_782 = arith.cmpi sgt, %jit3A_772, %sign3A_781 : i32
      %sign3A_783 = arith.extui %sign3A_782 : i1 to i32
      %sign3A_784 = arith.constant 0 : i32
      %sign3A_785 = arith.cmpi slt, %jit3A_772, %sign3A_784 : i32
      %sign3A_786 = arith.extui %sign3A_785 : i1 to i32
      %sign3A_787 = arith.subi %sign3A_783, %sign3A_786 : i32
      %ne3A_788 = arith.cmpi ne, %sign3A_780, %sign3A_787 : i32
      %rem3A_789 = arith.remsi %add3A_769, %jit3A_772 : i32
      %ne3A_790 = arith.constant 0 : i32
      %ne3A_791 = arith.cmpi ne, %rem3A_789, %ne3A_790 : i32
      %and3A_792 = arith.andi %ne3A_788, %ne3A_791 : i1
      %sub3A_793 = arith.constant 1 : i32
      %sub3A_794 = arith.subi %div3A_773, %sub3A_793 : i32
      %select_n3A_795 = arith.select %and3A_792, %sub3A_794, %div3A_773 : i32
      %jit3A_796 = arith.constant 20 : i32
      %eq3A_797 = arith.constant 0 : i32
      %eq3A_798 = arith.cmpi eq, %jit3A_796, %eq3A_797 : i32
      %jit3A_799 = arith.constant 1 : i32
      %select_n3A_800 = arith.select %eq3A_798, %jit3A_799, %jit3A_796 : i32
      %rem3A_801 = arith.remsi %add3A_769, %select_n3A_800 : i32
      %ne3A_802 = arith.constant 0 : i32
      %ne3A_803 = arith.cmpi ne, %rem3A_801, %ne3A_802 : i32
      %lt3A_804 = arith.constant 0 : i32
      %lt3A_805 = arith.cmpi slt, %rem3A_801, %lt3A_804 : i32
      %lt3A_806 = arith.constant 0 : i32
      %lt3A_807 = arith.cmpi slt, %select_n3A_800, %lt3A_806 : i32
      %ne3A_808 = arith.xori %lt3A_805, %lt3A_807 : i1
      %and3A_809 = arith.andi %ne3A_808, %ne3A_803 : i1
      %add3A_810 = arith.addi %rem3A_801, %select_n3A_800 : i32
      %select_n3A_811 = arith.select %and3A_809, %add3A_810, %rem3A_801 : i32
      %dma_start3A_812 = arith.constant 0 : i32
      %dma_start3A_813 = arith.constant 0 : i32
      %dma_start3A_814 = arith.constant 0 : i32
      %dma_start3A_815 = tpu.memref_slice %arg6[%dma_start3A_812, %select_n3A_795, %select_n3A_811, %dma_start3A_814] : memref<2x16x20x64xf32, #tpu.memory_space<vmem>> -> memref<1x1x1x64xf32, #tpu.memory_space<vmem>>
      %dma_start3A_816 = tpu.memref_squeeze %dma_start3A_815 : memref<1x1x1x64xf32, #tpu.memory_space<vmem>> -> memref<1x64xf32, #tpu.memory_space<vmem>>
      %dma_start3A_817 = arith.constant 0 : i32
      %dma_start3A_818 = tpu.memref_slice %arg2[%squeeze3A_771, %dma_start3A_817] : memref<1000001x64xf32, #tpu.memory_space<hbm>> -> memref<1x64xf32, #tpu.memory_space<hbm>>
      %dma_start3A_819 = tpu.memref_slice %arg7[%dma_start3A_813] : memref<2x!tpu.dma_semaphore, #tpu.memory_space<semaphore_mem>> -> memref<1x!tpu.dma_semaphore, #tpu.memory_space<semaphore_mem>>
      %dma_start3A_820 = tpu.memref_squeeze %dma_start3A_819 : memref<1x!tpu.dma_semaphore, #tpu.memory_space<semaphore_mem>> -> memref<!tpu.dma_semaphore, #tpu.memory_space<semaphore_mem>>
      %dma_start3A_821 = arith.constant 0 : i32
      %dma_start3A_822 = tpu.memref_slice %arg6[%dma_start3A_812, %select_n3A_795, %select_n3A_811, %dma_start3A_821] : memref<2x16x20x64xf32, #tpu.memory_space<vmem>> -> memref<1x1x1x64xf32, #tpu.memory_space<vmem>>
      %dma_start3A_823 = tpu.memref_squeeze %dma_start3A_822 : memref<1x1x1x64xf32, #tpu.memory_space<vmem>> -> memref<1x64xf32, #tpu.memory_space<vmem>>
      %dma_start3A_824 = arith.constant 0 : i32
      %dma_start3A_825 = tpu.memref_slice %arg2[%squeeze3A_771, %dma_start3A_824] : memref<1000001x64xf32, #tpu.memory_space<hbm>> -> memref<1x64xf32, #tpu.memory_space<hbm>>
      tpu.enqueue_dma source(%dma_start3A_825 : memref<1x64xf32, #tpu.memory_space<hbm>>) target(%dma_start3A_823 : memref<1x64xf32, #tpu.memory_space<vmem>>) target_semaphore(%dma_start3A_820 : memref<!tpu.dma_semaphore, #tpu.memory_space<semaphore_mem>>)
      %add3A_826 = arith.constant 14 : i32
      %add3A_827 = arith.addi %mul3A_22, %add3A_826 : i32
      %slice3A_828 = vector.extract_strided_slice %get3A_26 {offsets = [14], sizes = [1], strides = [1]} : vector<16xi32> to vector<1xi32>
      %squeeze3A_829 = vector.extract %slice3A_828[0] : i32 from vector<1xi32>
      %jit3A_830 = arith.constant 20 : i32
      %div3A_831 = arith.divsi %add3A_827, %jit3A_830 : i32
      %sign3A_832 = arith.constant 0 : i32
      %sign3A_833 = arith.cmpi sgt, %add3A_827, %sign3A_832 : i32
      %sign3A_834 = arith.extui %sign3A_833 : i1 to i32
      %sign3A_835 = arith.constant 0 : i32
      %sign3A_836 = arith.cmpi slt, %add3A_827, %sign3A_835 : i32
      %sign3A_837 = arith.extui %sign3A_836 : i1 to i32
      %sign3A_838 = arith.subi %sign3A_834, %sign3A_837 : i32
      %sign3A_839 = arith.constant 0 : i32
      %sign3A_840 = arith.cmpi sgt, %jit3A_830, %sign3A_839 : i32
      %sign3A_841 = arith.extui %sign3A_840 : i1 to i32
      %sign3A_842 = arith.constant 0 : i32
      %sign3A_843 = arith.cmpi slt, %jit3A_830, %sign3A_842 : i32
      %sign3A_844 = arith.extui %sign3A_843 : i1 to i32
      %sign3A_845 = arith.subi %sign3A_841, %sign3A_844 : i32
      %ne3A_846 = arith.cmpi ne, %sign3A_838, %sign3A_845 : i32
      %rem3A_847 = arith.remsi %add3A_827, %jit3A_830 : i32
      %ne3A_848 = arith.constant 0 : i32
      %ne3A_849 = arith.cmpi ne, %rem3A_847, %ne3A_848 : i32
      %and3A_850 = arith.andi %ne3A_846, %ne3A_849 : i1
      %sub3A_851 = arith.constant 1 : i32
      %sub3A_852 = arith.subi %div3A_831, %sub3A_851 : i32
      %select_n3A_853 = arith.select %and3A_850, %sub3A_852, %div3A_831 : i32
      %jit3A_854 = arith.constant 20 : i32
      %eq3A_855 = arith.constant 0 : i32
      %eq3A_856 = arith.cmpi eq, %jit3A_854, %eq3A_855 : i32
      %jit3A_857 = arith.constant 1 : i32
      %select_n3A_858 = arith.select %eq3A_856, %jit3A_857, %jit3A_854 : i32
      %rem3A_859 = arith.remsi %add3A_827, %select_n3A_858 : i32
      %ne3A_860 = arith.constant 0 : i32
      %ne3A_861 = arith.cmpi ne, %rem3A_859, %ne3A_860 : i32
      %lt3A_862 = arith.constant 0 : i32
      %lt3A_863 = arith.cmpi slt, %rem3A_859, %lt3A_862 : i32
      %lt3A_864 = arith.constant 0 : i32
      %lt3A_865 = arith.cmpi slt, %select_n3A_858, %lt3A_864 : i32
      %ne3A_866 = arith.xori %lt3A_863, %lt3A_865 : i1
      %and3A_867 = arith.andi %ne3A_866, %ne3A_861 : i1
      %add3A_868 = arith.addi %rem3A_859, %select_n3A_858 : i32
      %select_n3A_869 = arith.select %and3A_867, %add3A_868, %rem3A_859 : i32
      %dma_start3A_870 = arith.constant 0 : i32
      %dma_start3A_871 = arith.constant 0 : i32
      %dma_start3A_872 = arith.constant 0 : i32
      %dma_start3A_873 = tpu.memref_slice %arg6[%dma_start3A_870, %select_n3A_853, %select_n3A_869, %dma_start3A_872] : memref<2x16x20x64xf32, #tpu.memory_space<vmem>> -> memref<1x1x1x64xf32, #tpu.memory_space<vmem>>
      %dma_start3A_874 = tpu.memref_squeeze %dma_start3A_873 : memref<1x1x1x64xf32, #tpu.memory_space<vmem>> -> memref<1x64xf32, #tpu.memory_space<vmem>>
      %dma_start3A_875 = arith.constant 0 : i32
      %dma_start3A_876 = tpu.memref_slice %arg2[%squeeze3A_829, %dma_start3A_875] : memref<1000001x64xf32, #tpu.memory_space<hbm>> -> memref<1x64xf32, #tpu.memory_space<hbm>>
      %dma_start3A_877 = tpu.memref_slice %arg7[%dma_start3A_871] : memref<2x!tpu.dma_semaphore, #tpu.memory_space<semaphore_mem>> -> memref<1x!tpu.dma_semaphore, #tpu.memory_space<semaphore_mem>>
      %dma_start3A_878 = tpu.memref_squeeze %dma_start3A_877 : memref<1x!tpu.dma_semaphore, #tpu.memory_space<semaphore_mem>> -> memref<!tpu.dma_semaphore, #tpu.memory_space<semaphore_mem>>
      %dma_start3A_879 = arith.constant 0 : i32
      %dma_start3A_880 = tpu.memref_slice %arg6[%dma_start3A_870, %select_n3A_853, %select_n3A_869, %dma_start3A_879] : memref<2x16x20x64xf32, #tpu.memory_space<vmem>> -> memref<1x1x1x64xf32, #tpu.memory_space<vmem>>
      %dma_start3A_881 = tpu.memref_squeeze %dma_start3A_880 : memref<1x1x1x64xf32, #tpu.memory_space<vmem>> -> memref<1x64xf32, #tpu.memory_space<vmem>>
      %dma_start3A_882 = arith.constant 0 : i32
      %dma_start3A_883 = tpu.memref_slice %arg2[%squeeze3A_829, %dma_start3A_882] : memref<1000001x64xf32, #tpu.memory_space<hbm>> -> memref<1x64xf32, #tpu.memory_space<hbm>>
      tpu.enqueue_dma source(%dma_start3A_883 : memref<1x64xf32, #tpu.memory_space<hbm>>) target(%dma_start3A_881 : memref<1x64xf32, #tpu.memory_space<vmem>>) target_semaphore(%dma_start3A_878 : memref<!tpu.dma_semaphore, #tpu.memory_space<semaphore_mem>>)
      %add3A_884 = arith.constant 15 : i32
      %add3A_885 = arith.addi %mul3A_22, %add3A_884 : i32
      %slice3A_886 = vector.extract_strided_slice %get3A_26 {offsets = [15], sizes = [1], strides = [1]} : vector<16xi32> to vector<1xi32>
      %squeeze3A_887 = vector.extract %slice3A_886[0] : i32 from vector<1xi32>
      %jit3A_888 = arith.constant 20 : i32
      %div3A_889 = arith.divsi %add3A_885, %jit3A_888 : i32
      %sign3A_890 = arith.constant 0 : i32
      %sign3A_891 = arith.cmpi sgt, %add3A_885, %sign3A_890 : i32
      %sign3A_892 = arith.extui %sign3A_891 : i1 to i32
      %sign3A_893 = arith.constant 0 : i32
      %sign3A_894 = arith.cmpi slt, %add3A_885, %sign3A_893 : i32
      %sign3A_895 = arith.extui %sign3A_894 : i1 to i32
      %sign3A_896 = arith.subi %sign3A_892, %sign3A_895 : i32
      %sign3A_897 = arith.constant 0 : i32
      %sign3A_898 = arith.cmpi sgt, %jit3A_888, %sign3A_897 : i32
      %sign3A_899 = arith.extui %sign3A_898 : i1 to i32
      %sign3A_900 = arith.constant 0 : i32
      %sign3A_901 = arith.cmpi slt, %jit3A_888, %sign3A_900 : i32
      %sign3A_902 = arith.extui %sign3A_901 : i1 to i32
      %sign3A_903 = arith.subi %sign3A_899, %sign3A_902 : i32
      %ne3A_904 = arith.cmpi ne, %sign3A_896, %sign3A_903 : i32
      %rem3A_905 = arith.remsi %add3A_885, %jit3A_888 : i32
      %ne3A_906 = arith.constant 0 : i32
      %ne3A_907 = arith.cmpi ne, %rem3A_905, %ne3A_906 : i32
      %and3A_908 = arith.andi %ne3A_904, %ne3A_907 : i1
      %sub3A_909 = arith.constant 1 : i32
      %sub3A_910 = arith.subi %div3A_889, %sub3A_909 : i32
      %select_n3A_911 = arith.select %and3A_908, %sub3A_910, %div3A_889 : i32
      %jit3A_912 = arith.constant 20 : i32
      %eq3A_913 = arith.constant 0 : i32
      %eq3A_914 = arith.cmpi eq, %jit3A_912, %eq3A_913 : i32
      %jit3A_915 = arith.constant 1 : i32
      %select_n3A_916 = arith.select %eq3A_914, %jit3A_915, %jit3A_912 : i32
      %rem3A_917 = arith.remsi %add3A_885, %select_n3A_916 : i32
      %ne3A_918 = arith.constant 0 : i32
      %ne3A_919 = arith.cmpi ne, %rem3A_917, %ne3A_918 : i32
      %lt3A_920 = arith.constant 0 : i32
      %lt3A_921 = arith.cmpi slt, %rem3A_917, %lt3A_920 : i32
      %lt3A_922 = arith.constant 0 : i32
      %lt3A_923 = arith.cmpi slt, %select_n3A_916, %lt3A_922 : i32
      %ne3A_924 = arith.xori %lt3A_921, %lt3A_923 : i1
      %and3A_925 = arith.andi %ne3A_924, %ne3A_919 : i1
      %add3A_926 = arith.addi %rem3A_917, %select_n3A_916 : i32
      %select_n3A_927 = arith.select %and3A_925, %add3A_926, %rem3A_917 : i32
      %dma_start3A_928 = arith.constant 0 : i32
      %dma_start3A_929 = arith.constant 0 : i32
      %dma_start3A_930 = arith.constant 0 : i32
      %dma_start3A_931 = tpu.memref_slice %arg6[%dma_start3A_928, %select_n3A_911, %select_n3A_927, %dma_start3A_930] : memref<2x16x20x64xf32, #tpu.memory_space<vmem>> -> memref<1x1x1x64xf32, #tpu.memory_space<vmem>>
      %dma_start3A_932 = tpu.memref_squeeze %dma_start3A_931 : memref<1x1x1x64xf32, #tpu.memory_space<vmem>> -> memref<1x64xf32, #tpu.memory_space<vmem>>
      %dma_start3A_933 = arith.constant 0 : i32
      %dma_start3A_934 = tpu.memref_slice %arg2[%squeeze3A_887, %dma_start3A_933] : memref<1000001x64xf32, #tpu.memory_space<hbm>> -> memref<1x64xf32, #tpu.memory_space<hbm>>
      %dma_start3A_935 = tpu.memref_slice %arg7[%dma_start3A_929] : memref<2x!tpu.dma_semaphore, #tpu.memory_space<semaphore_mem>> -> memref<1x!tpu.dma_semaphore, #tpu.memory_space<semaphore_mem>>
      %dma_start3A_936 = tpu.memref_squeeze %dma_start3A_935 : memref<1x!tpu.dma_semaphore, #tpu.memory_space<semaphore_mem>> -> memref<!tpu.dma_semaphore, #tpu.memory_space<semaphore_mem>>
      %dma_start3A_937 = arith.constant 0 : i32
      %dma_start3A_938 = tpu.memref_slice %arg6[%dma_start3A_928, %select_n3A_911, %select_n3A_927, %dma_start3A_937] : memref<2x16x20x64xf32, #tpu.memory_space<vmem>> -> memref<1x1x1x64xf32, #tpu.memory_space<vmem>>
      %dma_start3A_939 = tpu.memref_squeeze %dma_start3A_938 : memref<1x1x1x64xf32, #tpu.memory_space<vmem>> -> memref<1x64xf32, #tpu.memory_space<vmem>>
      %dma_start3A_940 = arith.constant 0 : i32
      %dma_start3A_941 = tpu.memref_slice %arg2[%squeeze3A_887, %dma_start3A_940] : memref<1000001x64xf32, #tpu.memory_space<hbm>> -> memref<1x64xf32, #tpu.memory_space<hbm>>
      tpu.enqueue_dma source(%dma_start3A_941 : memref<1x64xf32, #tpu.memory_space<hbm>>) target(%dma_start3A_939 : memref<1x64xf32, #tpu.memory_space<vmem>>) target_semaphore(%dma_start3A_936 : memref<!tpu.dma_semaphore, #tpu.memory_space<semaphore_mem>>)
    }
    %scan3A_7 = arith.constant 20 : i32
    %run_scoped3A_8 = arith.constant 1 : i32
    %run_scoped3A_9 = arith.constant 1 : i32
    "tpu.region"() ({
      %run_scoped3A_20 = tpu.sem_alloc : memref<!tpu.dma_semaphore, #tpu.memory_space<semaphore_mem>>
      %dma_start3A = arith.constant 0 : i32
      %dma_start3A_21 = tpu.memref_slice %arg5[%run_scoped3A_9, %dma_start3A] : memref<2x320xi32, #tpu.memory_space<vmem>> -> memref<1x320xi32, #tpu.memory_space<vmem>>
      %dma_start3A_22 = tpu.memref_squeeze %dma_start3A_21 : memref<1x320xi32, #tpu.memory_space<vmem>> -> memref<320xi32, #tpu.memory_space<vmem>>
      %dma_start3A_23 = arith.constant 0 : i32
      %dma_start3A_24 = tpu.memref_slice %arg3[%add3A, %run_scoped3A_8, %dma_start3A_23] : memref<32x32x320xi32, #tpu.memory_space<hbm>> -> memref<1x1x320xi32, #tpu.memory_space<hbm>>
      %dma_start3A_25 = tpu.memref_squeeze %dma_start3A_24 : memref<1x1x320xi32, #tpu.memory_space<hbm>> -> memref<320xi32, #tpu.memory_space<hbm>>
      %dma_start3A_26 = arith.constant 0 : i32
      %dma_start3A_27 = tpu.memref_slice %arg5[%run_scoped3A_9, %dma_start3A_26] : memref<2x320xi32, #tpu.memory_space<vmem>> -> memref<1x320xi32, #tpu.memory_space<vmem>>
      %dma_start3A_28 = tpu.memref_squeeze %dma_start3A_27 : memref<1x320xi32, #tpu.memory_space<vmem>> -> memref<320xi32, #tpu.memory_space<vmem>>
      %dma_start3A_29 = arith.constant 0 : i32
      %dma_start3A_30 = tpu.memref_slice %arg3[%add3A, %run_scoped3A_8, %dma_start3A_29] : memref<32x32x320xi32, #tpu.memory_space<hbm>> -> memref<1x1x320xi32, #tpu.memory_space<hbm>>
      %dma_start3A_31 = tpu.memref_squeeze %dma_start3A_30 : memref<1x1x320xi32, #tpu.memory_space<hbm>> -> memref<320xi32, #tpu.memory_space<hbm>>
      tpu.enqueue_dma source(%dma_start3A_31 : memref<320xi32, #tpu.memory_space<hbm>>) target(%dma_start3A_28 : memref<320xi32, #tpu.memory_space<vmem>>) target_semaphore(%run_scoped3A_20 : memref<!tpu.dma_semaphore, #tpu.memory_space<semaphore_mem>>)
      %dma_wait3A = arith.constant 0 : i32
      %dma_wait3A_32 = tpu.memref_slice %arg5[%run_scoped3A_9, %dma_wait3A] : memref<2x320xi32, #tpu.memory_space<vmem>> -> memref<1x320xi32, #tpu.memory_space<vmem>>
      %dma_wait3A_33 = tpu.memref_squeeze %dma_wait3A_32 : memref<1x320xi32, #tpu.memory_space<vmem>> -> memref<320xi32, #tpu.memory_space<vmem>>
      %dma_wait3A_34 = arith.constant 0 : i32
      %dma_wait3A_35 = tpu.memref_slice %arg3[%add3A, %run_scoped3A_8, %dma_wait3A_34] : memref<32x32x320xi32, #tpu.memory_space<hbm>> -> memref<1x1x320xi32, #tpu.memory_space<hbm>>
      %dma_wait3A_36 = tpu.memref_squeeze %dma_wait3A_35 : memref<1x1x320xi32, #tpu.memory_space<hbm>> -> memref<320xi32, #tpu.memory_space<hbm>>
      %dma_wait3A_37 = arith.constant 0 : i32
      %dma_wait3A_38 = tpu.memref_slice %arg5[%run_scoped3A_9, %dma_wait3A_37] : memref<2x320xi32, #tpu.memory_space<vmem>> -> memref<1x320xi32, #tpu.memory_space<vmem>>
      %dma_wait3A_39 = tpu.memref_squeeze %dma_wait3A_38 : memref<1x320xi32, #tpu.memory_space<vmem>> -> memref<320xi32, #tpu.memory_space<vmem>>
      %dma_wait3A_40 = arith.constant 0 : i32
      %dma_wait3A_41 = tpu.memref_slice %arg3[%add3A, %run_scoped3A_8, %dma_wait3A_40] : memref<32x32x320xi32, #tpu.memory_space<hbm>> -> memref<1x1x320xi32, #tpu.memory_space<hbm>>
      %dma_wait3A_42 = tpu.memref_squeeze %dma_wait3A_41 : memref<1x1x320xi32, #tpu.memory_space<hbm>> -> memref<320xi32, #tpu.memory_space<hbm>>
      tpu.wait_dma2 semaphore(%run_scoped3A_20 : memref<!tpu.dma_semaphore, #tpu.memory_space<semaphore_mem>>) src(%dma_wait3A_42 : memref<320xi32, #tpu.memory_space<hbm>>) dst(%dma_wait3A_39 : memref<320xi32, #tpu.memory_space<vmem>>)
      tpu.yield
    }) : () -> ()
    %scan3A_10 = arith.constant 0 : i32
    %scan3A_11 = arith.constant 20 : i32
    %scan3A_12 = arith.addi %scan3A_10, %scan3A_11 : i32
    %scan3A_13 = arith.constant 1 : i32
    scf.for %scan3A_20 = %scan3A_10 to %scan3A_12 step %scan3A_13  : i32 {
      %mul3A_21 = arith.constant 16 : i32
      %mul3A_22 = arith.muli %scan3A_20, %mul3A_21 : i32
      %get3A = arith.constant 1 : i32
      %get3A_23 = arith.index_cast %get3A : i32 to index
      %get3A_24 = arith.index_cast %mul3A_22 : i32 to index
      %get3A_25 = tpu.vector_load %arg5[%get3A_23, %get3A_24] {strides = array<i32>} : memref<2x320xi32, #tpu.memory_space<vmem>>, vector<1x16xi32>,
      %get3A_26 = vector.shape_cast %get3A_25 : vector<1x16xi32> to vector<16xi32>
      %add3A_27 = arith.constant 0 : i32
      %add3A_28 = arith.addi %mul3A_22, %add3A_27 : i32
      %slice3A = vector.extract_strided_slice %get3A_26 {offsets = [0], sizes = [1], strides = [1]} : vector<16xi32> to vector<1xi32>
      %squeeze3A = vector.extract %slice3A[0] : i32 from vector<1xi32>
      %jit3A = arith.constant 20 : i32
      %div3A = arith.divsi %add3A_28, %jit3A : i32
      %sign3A = arith.constant 0 : i32
      %sign3A_29 = arith.cmpi sgt, %add3A_28, %sign3A : i32
      %sign3A_30 = arith.extui %sign3A_29 : i1 to i32
      %sign3A_31 = arith.constant 0 : i32
      %sign3A_32 = arith.cmpi slt, %add3A_28, %sign3A_31 : i32
      %sign3A_33 = arith.extui %sign3A_32 : i1 to i32
      %sign3A_34 = arith.subi %sign3A_30, %sign3A_33 : i32
      %sign3A_35 = arith.constant 0 : i32
      %sign3A_36 = arith.cmpi sgt, %jit3A, %sign3A_35 : i32
      %sign3A_37 = arith.extui %sign3A_36 : i1 to i32
      %sign3A_38 = arith.constant 0 : i32
      %sign3A_39 = arith.cmpi slt, %jit3A, %sign3A_38 : i32
      %sign3A_40 = arith.extui %sign3A_39 : i1 to i32
      %sign3A_41 = arith.subi %sign3A_37, %sign3A_40 : i32
      %ne3A = arith.cmpi ne, %sign3A_34, %sign3A_41 : i32
      %rem3A = arith.remsi %add3A_28, %jit3A : i32
      %ne3A_42 = arith.constant 0 : i32
      %ne3A_43 = arith.cmpi ne, %rem3A, %ne3A_42 : i32
      %and3A = arith.andi %ne3A, %ne3A_43 : i1
      %sub3A = arith.constant 1 : i32
      %sub3A_44 = arith.subi %div3A, %sub3A : i32
      %select_n3A = arith.select %and3A, %sub3A_44, %div3A : i32
      %jit3A_45 = arith.constant 20 : i32
      %eq3A = arith.constant 0 : i32
      %eq3A_46 = arith.cmpi eq, %jit3A_45, %eq3A : i32
      %jit3A_47 = arith.constant 1 : i32
      %select_n3A_48 = arith.select %eq3A_46, %jit3A_47, %jit3A_45 : i32
      %rem3A_49 = arith.remsi %add3A_28, %select_n3A_48 : i32
      %ne3A_50 = arith.constant 0 : i32
      %ne3A_51 = arith.cmpi ne, %rem3A_49, %ne3A_50 : i32
      %lt3A = arith.constant 0 : i32
      %lt3A_52 = arith.cmpi slt, %rem3A_49, %lt3A : i32
      %lt3A_53 = arith.constant 0 : i32
      %lt3A_54 = arith.cmpi slt, %select_n3A_48, %lt3A_53 : i32
      %ne3A_55 = arith.xori %lt3A_52, %lt3A_54 : i1
      %and3A_56 = arith.andi %ne3A_55, %ne3A_51 : i1
      %add3A_57 = arith.addi %rem3A_49, %select_n3A_48 : i32
      %select_n3A_58 = arith.select %and3A_56, %add3A_57, %rem3A_49 : i32
      %dma_start3A = arith.constant 1 : i32
      %dma_start3A_59 = arith.constant 1 : i32
      %dma_start3A_60 = arith.constant 0 : i32
      %dma_start3A_61 = tpu.memref_slice %arg6[%dma_start3A, %select_n3A, %select_n3A_58, %dma_start3A_60] : memref<2x16x20x64xf32, #tpu.memory_space<vmem>> -> memref<1x1x1x64xf32, #tpu.memory_space<vmem>>
      %dma_start3A_62 = tpu.memref_squeeze %dma_start3A_61 : memref<1x1x1x64xf32, #tpu.memory_space<vmem>> -> memref<1x64xf32, #tpu.memory_space<vmem>>
      %dma_start3A_63 = arith.constant 0 : i32
      %dma_start3A_64 = tpu.memref_slice %arg2[%squeeze3A, %dma_start3A_63] : memref<1000001x64xf32, #tpu.memory_space<hbm>> -> memref<1x64xf32, #tpu.memory_space<hbm>>
      %dma_start3A_65 = tpu.memref_slice %arg7[%dma_start3A_59] : memref<2x!tpu.dma_semaphore, #tpu.memory_space<semaphore_mem>> -> memref<1x!tpu.dma_semaphore, #tpu.memory_space<semaphore_mem>>
      %dma_start3A_66 = tpu.memref_squeeze %dma_start3A_65 : memref<1x!tpu.dma_semaphore, #tpu.memory_space<semaphore_mem>> -> memref<!tpu.dma_semaphore, #tpu.memory_space<semaphore_mem>>
      %dma_start3A_67 = arith.constant 0 : i32
      %dma_start3A_68 = tpu.memref_slice %arg6[%dma_start3A, %select_n3A, %select_n3A_58, %dma_start3A_67] : memref<2x16x20x64xf32, #tpu.memory_space<vmem>> -> memref<1x1x1x64xf32, #tpu.memory_space<vmem>>
      %dma_start3A_69 = tpu.memref_squeeze %dma_start3A_68 : memref<1x1x1x64xf32, #tpu.memory_space<vmem>> -> memref<1x64xf32, #tpu.memory_space<vmem>>
      %dma_start3A_70 = arith.constant 0 : i32
      %dma_start3A_71 = tpu.memref_slice %arg2[%squeeze3A, %dma_start3A_70] : memref<1000001x64xf32, #tpu.memory_space<hbm>> -> memref<1x64xf32, #tpu.memory_space<hbm>>
      tpu.enqueue_dma source(%dma_start3A_71 : memref<1x64xf32, #tpu.memory_space<hbm>>) target(%dma_start3A_69 : memref<1x64xf32, #tpu.memory_space<vmem>>) target_semaphore(%dma_start3A_66 : memref<!tpu.dma_semaphore, #tpu.memory_space<semaphore_mem>>)
      %add3A_72 = arith.constant 1 : i32
      %add3A_73 = arith.addi %mul3A_22, %add3A_72 : i32
      %slice3A_74 = vector.extract_strided_slice %get3A_26 {offsets = [1], sizes = [1], strides = [1]} : vector<16xi32> to vector<1xi32>
      %squeeze3A_75 = vector.extract %slice3A_74[0] : i32 from vector<1xi32>
      %jit3A_76 = arith.constant 20 : i32
      %div3A_77 = arith.divsi %add3A_73, %jit3A_76 : i32
      %sign3A_78 = arith.constant 0 : i32
      %sign3A_79 = arith.cmpi sgt, %add3A_73, %sign3A_78 : i32
      %sign3A_80 = arith.extui %sign3A_79 : i1 to i32
      %sign3A_81 = arith.constant 0 : i32
      %sign3A_82 = arith.cmpi slt, %add3A_73, %sign3A_81 : i32
      %sign3A_83 = arith.extui %sign3A_82 : i1 to i32
      %sign3A_84 = arith.subi %sign3A_80, %sign3A_83 : i32
      %sign3A_85 = arith.constant 0 : i32
      %sign3A_86 = arith.cmpi sgt, %jit3A_76, %sign3A_85 : i32
      %sign3A_87 = arith.extui %sign3A_86 : i1 to i32
      %sign3A_88 = arith.constant 0 : i32
      %sign3A_89 = arith.cmpi slt, %jit3A_76, %sign3A_88 : i32
      %sign3A_90 = arith.extui %sign3A_89 : i1 to i32
      %sign3A_91 = arith.subi %sign3A_87, %sign3A_90 : i32
      %ne3A_92 = arith.cmpi ne, %sign3A_84, %sign3A_91 : i32
      %rem3A_93 = arith.remsi %add3A_73, %jit3A_76 : i32
      %ne3A_94 = arith.constant 0 : i32
      %ne3A_95 = arith.cmpi ne, %rem3A_93, %ne3A_94 : i32
      %and3A_96 = arith.andi %ne3A_92, %ne3A_95 : i1
      %sub3A_97 = arith.constant 1 : i32
      %sub3A_98 = arith.subi %div3A_77, %sub3A_97 : i32
      %select_n3A_99 = arith.select %and3A_96, %sub3A_98, %div3A_77 : i32
      %jit3A_100 = arith.constant 20 : i32
      %eq3A_101 = arith.constant 0 : i32
      %eq3A_102 = arith.cmpi eq, %jit3A_100, %eq3A_101 : i32
      %jit3A_103 = arith.constant 1 : i32
      %select_n3A_104 = arith.select %eq3A_102, %jit3A_103, %jit3A_100 : i32
      %rem3A_105 = arith.remsi %add3A_73, %select_n3A_104 : i32
      %ne3A_106 = arith.constant 0 : i32
      %ne3A_107 = arith.cmpi ne, %rem3A_105, %ne3A_106 : i32
      %lt3A_108 = arith.constant 0 : i32
      %lt3A_109 = arith.cmpi slt, %rem3A_105, %lt3A_108 : i32
      %lt3A_110 = arith.constant 0 : i32
      %lt3A_111 = arith.cmpi slt, %select_n3A_104, %lt3A_110 : i32
      %ne3A_112 = arith.xori %lt3A_109, %lt3A_111 : i1
      %and3A_113 = arith.andi %ne3A_112, %ne3A_107 : i1
      %add3A_114 = arith.addi %rem3A_105, %select_n3A_104 : i32
      %select_n3A_115 = arith.select %and3A_113, %add3A_114, %rem3A_105 : i32
      %dma_start3A_116 = arith.constant 1 : i32
      %dma_start3A_117 = arith.constant 1 : i32
      %dma_start3A_118 = arith.constant 0 : i32
      %dma_start3A_119 = tpu.memref_slice %arg6[%dma_start3A_116, %select_n3A_99, %select_n3A_115, %dma_start3A_118] : memref<2x16x20x64xf32, #tpu.memory_space<vmem>> -> memref<1x1x1x64xf32, #tpu.memory_space<vmem>>
      %dma_start3A_120 = tpu.memref_squeeze %dma_start3A_119 : memref<1x1x1x64xf32, #tpu.memory_space<vmem>> -> memref<1x64xf32, #tpu.memory_space<vmem>>
      %dma_start3A_121 = arith.constant 0 : i32
      %dma_start3A_122 = tpu.memref_slice %arg2[%squeeze3A_75, %dma_start3A_121] : memref<1000001x64xf32, #tpu.memory_space<hbm>> -> memref<1x64xf32, #tpu.memory_space<hbm>>
      %dma_start3A_123 = tpu.memref_slice %arg7[%dma_start3A_117] : memref<2x!tpu.dma_semaphore, #tpu.memory_space<semaphore_mem>> -> memref<1x!tpu.dma_semaphore, #tpu.memory_space<semaphore_mem>>
      %dma_start3A_124 = tpu.memref_squeeze %dma_start3A_123 : memref<1x!tpu.dma_semaphore, #tpu.memory_space<semaphore_mem>> -> memref<!tpu.dma_semaphore, #tpu.memory_space<semaphore_mem>>
      %dma_start3A_125 = arith.constant 0 : i32
      %dma_start3A_126 = tpu.memref_slice %arg6[%dma_start3A_116, %select_n3A_99, %select_n3A_115, %dma_start3A_125] : memref<2x16x20x64xf32, #tpu.memory_space<vmem>> -> memref<1x1x1x64xf32, #tpu.memory_space<vmem>>
      %dma_start3A_127 = tpu.memref_squeeze %dma_start3A_126 : memref<1x1x1x64xf32, #tpu.memory_space<vmem>> -> memref<1x64xf32, #tpu.memory_space<vmem>>
      %dma_start3A_128 = arith.constant 0 : i32
      %dma_start3A_129 = tpu.memref_slice %arg2[%squeeze3A_75, %dma_start3A_128] : memref<1000001x64xf32, #tpu.memory_space<hbm>> -> memref<1x64xf32, #tpu.memory_space<hbm>>
      tpu.enqueue_dma source(%dma_start3A_129 : memref<1x64xf32, #tpu.memory_space<hbm>>) target(%dma_start3A_127 : memref<1x64xf32, #tpu.memory_space<vmem>>) target_semaphore(%dma_start3A_124 : memref<!tpu.dma_semaphore, #tpu.memory_space<semaphore_mem>>)
      %add3A_130 = arith.constant 2 : i32
      %add3A_131 = arith.addi %mul3A_22, %add3A_130 : i32
      %slice3A_132 = vector.extract_strided_slice %get3A_26 {offsets = [2], sizes = [1], strides = [1]} : vector<16xi32> to vector<1xi32>
      %squeeze3A_133 = vector.extract %slice3A_132[0] : i32 from vector<1xi32>
      %jit3A_134 = arith.constant 20 : i32
      %div3A_135 = arith.divsi %add3A_131, %jit3A_134 : i32
      %sign3A_136 = arith.constant 0 : i32
      %sign3A_137 = arith.cmpi sgt, %add3A_131, %sign3A_136 : i32
      %sign3A_138 = arith.extui %sign3A_137 : i1 to i32
      %sign3A_139 = arith.constant 0 : i32
      %sign3A_140 = arith.cmpi slt, %add3A_131, %sign3A_139 : i32
      %sign3A_141 = arith.extui %sign3A_140 : i1 to i32
      %sign3A_142 = arith.subi %sign3A_138, %sign3A_141 : i32
      %sign3A_143 = arith.constant 0 : i32
      %sign3A_144 = arith.cmpi sgt, %jit3A_134, %sign3A_143 : i32
      %sign3A_145 = arith.extui %sign3A_144 : i1 to i32
      %sign3A_146 = arith.constant 0 : i32
      %sign3A_147 = arith.cmpi slt, %jit3A_134, %sign3A_146 : i32
      %sign3A_148 = arith.extui %sign3A_147 : i1 to i32
      %sign3A_149 = arith.subi %sign3A_145, %sign3A_148 : i32
      %ne3A_150 = arith.cmpi ne, %sign3A_142, %sign3A_149 : i32
      %rem3A_151 = arith.remsi %add3A_131, %jit3A_134 : i32
      %ne3A_152 = arith.constant 0 : i32
      %ne3A_153 = arith.cmpi ne, %rem3A_151, %ne3A_152 : i32
      %and3A_154 = arith.andi %ne3A_150, %ne3A_153 : i1
      %sub3A_155 = arith.constant 1 : i32
      %sub3A_156 = arith.subi %div3A_135, %sub3A_155 : i32
      %select_n3A_157 = arith.select %and3A_154, %sub3A_156, %div3A_135 : i32
      %jit3A_158 = arith.constant 20 : i32
      %eq3A_159 = arith.constant 0 : i32
      %eq3A_160 = arith.cmpi eq, %jit3A_158, %eq3A_159 : i32
      %jit3A_161 = arith.constant 1 : i32
      %select_n3A_162 = arith.select %eq3A_160, %jit3A_161, %jit3A_158 : i32
      %rem3A_163 = arith.remsi %add3A_131, %select_n3A_162 : i32
      %ne3A_164 = arith.constant 0 : i32
      %ne3A_165 = arith.cmpi ne, %rem3A_163, %ne3A_164 : i32
      %lt3A_166 = arith.constant 0 : i32
      %lt3A_167 = arith.cmpi slt, %rem3A_163, %lt3A_166 : i32
      %lt3A_168 = arith.constant 0 : i32
      %lt3A_169 = arith.cmpi slt, %select_n3A_162, %lt3A_168 : i32
      %ne3A_170 = arith.xori %lt3A_167, %lt3A_169 : i1
      %and3A_171 = arith.andi %ne3A_170, %ne3A_165 : i1
      %add3A_172 = arith.addi %rem3A_163, %select_n3A_162 : i32
      %select_n3A_173 = arith.select %and3A_171, %add3A_172, %rem3A_163 : i32
      %dma_start3A_174 = arith.constant 1 : i32
      %dma_start3A_175 = arith.constant 1 : i32
      %dma_start3A_176 = arith.constant 0 : i32
      %dma_start3A_177 = tpu.memref_slice %arg6[%dma_start3A_174, %select_n3A_157, %select_n3A_173, %dma_start3A_176] : memref<2x16x20x64xf32, #tpu.memory_space<vmem>> -> memref<1x1x1x64xf32, #tpu.memory_space<vmem>>
      %dma_start3A_178 = tpu.memref_squeeze %dma_start3A_177 : memref<1x1x1x64xf32, #tpu.memory_space<vmem>> -> memref<1x64xf32, #tpu.memory_space<vmem>>
      %dma_start3A_179 = arith.constant 0 : i32
      %dma_start3A_180 = tpu.memref_slice %arg2[%squeeze3A_133, %dma_start3A_179] : memref<1000001x64xf32, #tpu.memory_space<hbm>> -> memref<1x64xf32, #tpu.memory_space<hbm>>
      %dma_start3A_181 = tpu.memref_slice %arg7[%dma_start3A_175] : memref<2x!tpu.dma_semaphore, #tpu.memory_space<semaphore_mem>> -> memref<1x!tpu.dma_semaphore, #tpu.memory_space<semaphore_mem>>
      %dma_start3A_182 = tpu.memref_squeeze %dma_start3A_181 : memref<1x!tpu.dma_semaphore, #tpu.memory_space<semaphore_mem>> -> memref<!tpu.dma_semaphore, #tpu.memory_space<semaphore_mem>>
      %dma_start3A_183 = arith.constant 0 : i32
      %dma_start3A_184 = tpu.memref_slice %arg6[%dma_start3A_174, %select_n3A_157, %select_n3A_173, %dma_start3A_183] : memref<2x16x20x64xf32, #tpu.memory_space<vmem>> -> memref<1x1x1x64xf32, #tpu.memory_space<vmem>>
      %dma_start3A_185 = tpu.memref_squeeze %dma_start3A_184 : memref<1x1x1x64xf32, #tpu.memory_space<vmem>> -> memref<1x64xf32, #tpu.memory_space<vmem>>
      %dma_start3A_186 = arith.constant 0 : i32
      %dma_start3A_187 = tpu.memref_slice %arg2[%squeeze3A_133, %dma_start3A_186] : memref<1000001x64xf32, #tpu.memory_space<hbm>> -> memref<1x64xf32, #tpu.memory_space<hbm>>
      tpu.enqueue_dma source(%dma_start3A_187 : memref<1x64xf32, #tpu.memory_space<hbm>>) target(%dma_start3A_185 : memref<1x64xf32, #tpu.memory_space<vmem>>) target_semaphore(%dma_start3A_182 : memref<!tpu.dma_semaphore, #tpu.memory_space<semaphore_mem>>)
      %add3A_188 = arith.constant 3 : i32
      %add3A_189 = arith.addi %mul3A_22, %add3A_188 : i32
      %slice3A_190 = vector.extract_strided_slice %get3A_26 {offsets = [3], sizes = [1], strides = [1]} : vector<16xi32> to vector<1xi32>
      %squeeze3A_191 = vector.extract %slice3A_190[0] : i32 from vector<1xi32>
      %jit3A_192 = arith.constant 20 : i32
      %div3A_193 = arith.divsi %add3A_189, %jit3A_192 : i32
      %sign3A_194 = arith.constant 0 : i32
      %sign3A_195 = arith.cmpi sgt, %add3A_189, %sign3A_194 : i32
      %sign3A_196 = arith.extui %sign3A_195 : i1 to i32
      %sign3A_197 = arith.constant 0 : i32
      %sign3A_198 = arith.cmpi slt, %add3A_189, %sign3A_197 : i32
      %sign3A_199 = arith.extui %sign3A_198 : i1 to i32
      %sign3A_200 = arith.subi %sign3A_196, %sign3A_199 : i32
      %sign3A_201 = arith.constant 0 : i32
      %sign3A_202 = arith.cmpi sgt, %jit3A_192, %sign3A_201 : i32
      %sign3A_203 = arith.extui %sign3A_202 : i1 to i32
      %sign3A_204 = arith.constant 0 : i32
      %sign3A_205 = arith.cmpi slt, %jit3A_192, %sign3A_204 : i32
      %sign3A_206 = arith.extui %sign3A_205 : i1 to i32
      %sign3A_207 = arith.subi %sign3A_203, %sign3A_206 : i32
      %ne3A_208 = arith.cmpi ne, %sign3A_200, %sign3A_207 : i32
      %rem3A_209 = arith.remsi %add3A_189, %jit3A_192 : i32
      %ne3A_210 = arith.constant 0 : i32
      %ne3A_211 = arith.cmpi ne, %rem3A_209, %ne3A_210 : i32
      %and3A_212 = arith.andi %ne3A_208, %ne3A_211 : i1
      %sub3A_213 = arith.constant 1 : i32
      %sub3A_214 = arith.subi %div3A_193, %sub3A_213 : i32
      %select_n3A_215 = arith.select %and3A_212, %sub3A_214, %div3A_193 : i32
      %jit3A_216 = arith.constant 20 : i32
      %eq3A_217 = arith.constant 0 : i32
      %eq3A_218 = arith.cmpi eq, %jit3A_216, %eq3A_217 : i32
      %jit3A_219 = arith.constant 1 : i32
      %select_n3A_220 = arith.select %eq3A_218, %jit3A_219, %jit3A_216 : i32
      %rem3A_221 = arith.remsi %add3A_189, %select_n3A_220 : i32
      %ne3A_222 = arith.constant 0 : i32
      %ne3A_223 = arith.cmpi ne, %rem3A_221, %ne3A_222 : i32
      %lt3A_224 = arith.constant 0 : i32
      %lt3A_225 = arith.cmpi slt, %rem3A_221, %lt3A_224 : i32
      %lt3A_226 = arith.constant 0 : i32
      %lt3A_227 = arith.cmpi slt, %select_n3A_220, %lt3A_226 : i32
      %ne3A_228 = arith.xori %lt3A_225, %lt3A_227 : i1
      %and3A_229 = arith.andi %ne3A_228, %ne3A_223 : i1
      %add3A_230 = arith.addi %rem3A_221, %select_n3A_220 : i32
      %select_n3A_231 = arith.select %and3A_229, %add3A_230, %rem3A_221 : i32
      %dma_start3A_232 = arith.constant 1 : i32
      %dma_start3A_233 = arith.constant 1 : i32
      %dma_start3A_234 = arith.constant 0 : i32
      %dma_start3A_235 = tpu.memref_slice %arg6[%dma_start3A_232, %select_n3A_215, %select_n3A_231, %dma_start3A_234] : memref<2x16x20x64xf32, #tpu.memory_space<vmem>> -> memref<1x1x1x64xf32, #tpu.memory_space<vmem>>
      %dma_start3A_236 = tpu.memref_squeeze %dma_start3A_235 : memref<1x1x1x64xf32, #tpu.memory_space<vmem>> -> memref<1x64xf32, #tpu.memory_space<vmem>>
      %dma_start3A_237 = arith.constant 0 : i32
      %dma_start3A_238 = tpu.memref_slice %arg2[%squeeze3A_191, %dma_start3A_237] : memref<1000001x64xf32, #tpu.memory_space<hbm>> -> memref<1x64xf32, #tpu.memory_space<hbm>>
      %dma_start3A_239 = tpu.memref_slice %arg7[%dma_start3A_233] : memref<2x!tpu.dma_semaphore, #tpu.memory_space<semaphore_mem>> -> memref<1x!tpu.dma_semaphore, #tpu.memory_space<semaphore_mem>>
      %dma_start3A_240 = tpu.memref_squeeze %dma_start3A_239 : memref<1x!tpu.dma_semaphore, #tpu.memory_space<semaphore_mem>> -> memref<!tpu.dma_semaphore, #tpu.memory_space<semaphore_mem>>
      %dma_start3A_241 = arith.constant 0 : i32
      %dma_start3A_242 = tpu.memref_slice %arg6[%dma_start3A_232, %select_n3A_215, %select_n3A_231, %dma_start3A_241] : memref<2x16x20x64xf32, #tpu.memory_space<vmem>> -> memref<1x1x1x64xf32, #tpu.memory_space<vmem>>
      %dma_start3A_243 = tpu.memref_squeeze %dma_start3A_242 : memref<1x1x1x64xf32, #tpu.memory_space<vmem>> -> memref<1x64xf32, #tpu.memory_space<vmem>>
      %dma_start3A_244 = arith.constant 0 : i32
      %dma_start3A_245 = tpu.memref_slice %arg2[%squeeze3A_191, %dma_start3A_244] : memref<1000001x64xf32, #tpu.memory_space<hbm>> -> memref<1x64xf32, #tpu.memory_space<hbm>>
      tpu.enqueue_dma source(%dma_start3A_245 : memref<1x64xf32, #tpu.memory_space<hbm>>) target(%dma_start3A_243 : memref<1x64xf32, #tpu.memory_space<vmem>>) target_semaphore(%dma_start3A_240 : memref<!tpu.dma_semaphore, #tpu.memory_space<semaphore_mem>>)
      %add3A_246 = arith.constant 4 : i32
      %add3A_247 = arith.addi %mul3A_22, %add3A_246 : i32
      %slice3A_248 = vector.extract_strided_slice %get3A_26 {offsets = [4], sizes = [1], strides = [1]} : vector<16xi32> to vector<1xi32>
      %squeeze3A_249 = vector.extract %slice3A_248[0] : i32 from vector<1xi32>
      %jit3A_250 = arith.constant 20 : i32
      %div3A_251 = arith.divsi %add3A_247, %jit3A_250 : i32
      %sign3A_252 = arith.constant 0 : i32
      %sign3A_253 = arith.cmpi sgt, %add3A_247, %sign3A_252 : i32
      %sign3A_254 = arith.extui %sign3A_253 : i1 to i32
      %sign3A_255 = arith.constant 0 : i32
      %sign3A_256 = arith.cmpi slt, %add3A_247, %sign3A_255 : i32
      %sign3A_257 = arith.extui %sign3A_256 : i1 to i32
      %sign3A_258 = arith.subi %sign3A_254, %sign3A_257 : i32
      %sign3A_259 = arith.constant 0 : i32
      %sign3A_260 = arith.cmpi sgt, %jit3A_250, %sign3A_259 : i32
      %sign3A_261 = arith.extui %sign3A_260 : i1 to i32
      %sign3A_262 = arith.constant 0 : i32
      %sign3A_263 = arith.cmpi slt, %jit3A_250, %sign3A_262 : i32
      %sign3A_264 = arith.extui %sign3A_263 : i1 to i32
      %sign3A_265 = arith.subi %sign3A_261, %sign3A_264 : i32
      %ne3A_266 = arith.cmpi ne, %sign3A_258, %sign3A_265 : i32
      %rem3A_267 = arith.remsi %add3A_247, %jit3A_250 : i32
      %ne3A_268 = arith.constant 0 : i32
      %ne3A_269 = arith.cmpi ne, %rem3A_267, %ne3A_268 : i32
      %and3A_270 = arith.andi %ne3A_266, %ne3A_269 : i1
      %sub3A_271 = arith.constant 1 : i32
      %sub3A_272 = arith.subi %div3A_251, %sub3A_271 : i32
      %select_n3A_273 = arith.select %and3A_270, %sub3A_272, %div3A_251 : i32
      %jit3A_274 = arith.constant 20 : i32
      %eq3A_275 = arith.constant 0 : i32
      %eq3A_276 = arith.cmpi eq, %jit3A_274, %eq3A_275 : i32
      %jit3A_277 = arith.constant 1 : i32
      %select_n3A_278 = arith.select %eq3A_276, %jit3A_277, %jit3A_274 : i32
      %rem3A_279 = arith.remsi %add3A_247, %select_n3A_278 : i32
      %ne3A_280 = arith.constant 0 : i32
      %ne3A_281 = arith.cmpi ne, %rem3A_279, %ne3A_280 : i32
      %lt3A_282 = arith.constant 0 : i32
      %lt3A_283 = arith.cmpi slt, %rem3A_279, %lt3A_282 : i32
      %lt3A_284 = arith.constant 0 : i32
      %lt3A_285 = arith.cmpi slt, %select_n3A_278, %lt3A_284 : i32
      %ne3A_286 = arith.xori %lt3A_283, %lt3A_285 : i1
      %and3A_287 = arith.andi %ne3A_286, %ne3A_281 : i1
      %add3A_288 = arith.addi %rem3A_279, %select_n3A_278 : i32
      %select_n3A_289 = arith.select %and3A_287, %add3A_288, %rem3A_279 : i32
      %dma_start3A_290 = arith.constant 1 : i32
      %dma_start3A_291 = arith.constant 1 : i32
      %dma_start3A_292 = arith.constant 0 : i32
      %dma_start3A_293 = tpu.memref_slice %arg6[%dma_start3A_290, %select_n3A_273, %select_n3A_289, %dma_start3A_292] : memref<2x16x20x64xf32, #tpu.memory_space<vmem>> -> memref<1x1x1x64xf32, #tpu.memory_space<vmem>>
      %dma_start3A_294 = tpu.memref_squeeze %dma_start3A_293 : memref<1x1x1x64xf32, #tpu.memory_space<vmem>> -> memref<1x64xf32, #tpu.memory_space<vmem>>
      %dma_start3A_295 = arith.constant 0 : i32
      %dma_start3A_296 = tpu.memref_slice %arg2[%squeeze3A_249, %dma_start3A_295] : memref<1000001x64xf32, #tpu.memory_space<hbm>> -> memref<1x64xf32, #tpu.memory_space<hbm>>
      %dma_start3A_297 = tpu.memref_slice %arg7[%dma_start3A_291] : memref<2x!tpu.dma_semaphore, #tpu.memory_space<semaphore_mem>> -> memref<1x!tpu.dma_semaphore, #tpu.memory_space<semaphore_mem>>
      %dma_start3A_298 = tpu.memref_squeeze %dma_start3A_297 : memref<1x!tpu.dma_semaphore, #tpu.memory_space<semaphore_mem>> -> memref<!tpu.dma_semaphore, #tpu.memory_space<semaphore_mem>>
      %dma_start3A_299 = arith.constant 0 : i32
      %dma_start3A_300 = tpu.memref_slice %arg6[%dma_start3A_290, %select_n3A_273, %select_n3A_289, %dma_start3A_299] : memref<2x16x20x64xf32, #tpu.memory_space<vmem>> -> memref<1x1x1x64xf32, #tpu.memory_space<vmem>>
      %dma_start3A_301 = tpu.memref_squeeze %dma_start3A_300 : memref<1x1x1x64xf32, #tpu.memory_space<vmem>> -> memref<1x64xf32, #tpu.memory_space<vmem>>
      %dma_start3A_302 = arith.constant 0 : i32
      %dma_start3A_303 = tpu.memref_slice %arg2[%squeeze3A_249, %dma_start3A_302] : memref<1000001x64xf32, #tpu.memory_space<hbm>> -> memref<1x64xf32, #tpu.memory_space<hbm>>
      tpu.enqueue_dma source(%dma_start3A_303 : memref<1x64xf32, #tpu.memory_space<hbm>>) target(%dma_start3A_301 : memref<1x64xf32, #tpu.memory_space<vmem>>) target_semaphore(%dma_start3A_298 : memref<!tpu.dma_semaphore, #tpu.memory_space<semaphore_mem>>)
      %add3A_304 = arith.constant 5 : i32
      %add3A_305 = arith.addi %mul3A_22, %add3A_304 : i32
      %slice3A_306 = vector.extract_strided_slice %get3A_26 {offsets = [5], sizes = [1], strides = [1]} : vector<16xi32> to vector<1xi32>
      %squeeze3A_307 = vector.extract %slice3A_306[0] : i32 from vector<1xi32>
      %jit3A_308 = arith.constant 20 : i32
      %div3A_309 = arith.divsi %add3A_305, %jit3A_308 : i32
      %sign3A_310 = arith.constant 0 : i32
      %sign3A_311 = arith.cmpi sgt, %add3A_305, %sign3A_310 : i32
      %sign3A_312 = arith.extui %sign3A_311 : i1 to i32
      %sign3A_313 = arith.constant 0 : i32
      %sign3A_314 = arith.cmpi slt, %add3A_305, %sign3A_313 : i32
      %sign3A_315 = arith.extui %sign3A_314 : i1 to i32
      %sign3A_316 = arith.subi %sign3A_312, %sign3A_315 : i32
      %sign3A_317 = arith.constant 0 : i32
      %sign3A_318 = arith.cmpi sgt, %jit3A_308, %sign3A_317 : i32
      %sign3A_319 = arith.extui %sign3A_318 : i1 to i32
      %sign3A_320 = arith.constant 0 : i32
      %sign3A_321 = arith.cmpi slt, %jit3A_308, %sign3A_320 : i32
      %sign3A_322 = arith.extui %sign3A_321 : i1 to i32
      %sign3A_323 = arith.subi %sign3A_319, %sign3A_322 : i32
      %ne3A_324 = arith.cmpi ne, %sign3A_316, %sign3A_323 : i32
      %rem3A_325 = arith.remsi %add3A_305, %jit3A_308 : i32
      %ne3A_326 = arith.constant 0 : i32
      %ne3A_327 = arith.cmpi ne, %rem3A_325, %ne3A_326 : i32
      %and3A_328 = arith.andi %ne3A_324, %ne3A_327 : i1
      %sub3A_329 = arith.constant 1 : i32
      %sub3A_330 = arith.subi %div3A_309, %sub3A_329 : i32
      %select_n3A_331 = arith.select %and3A_328, %sub3A_330, %div3A_309 : i32
      %jit3A_332 = arith.constant 20 : i32
      %eq3A_333 = arith.constant 0 : i32
      %eq3A_334 = arith.cmpi eq, %jit3A_332, %eq3A_333 : i32
      %jit3A_335 = arith.constant 1 : i32
      %select_n3A_336 = arith.select %eq3A_334, %jit3A_335, %jit3A_332 : i32
      %rem3A_337 = arith.remsi %add3A_305, %select_n3A_336 : i32
      %ne3A_338 = arith.constant 0 : i32
      %ne3A_339 = arith.cmpi ne, %rem3A_337, %ne3A_338 : i32
      %lt3A_340 = arith.constant 0 : i32
      %lt3A_341 = arith.cmpi slt, %rem3A_337, %lt3A_340 : i32
      %lt3A_342 = arith.constant 0 : i32
      %lt3A_343 = arith.cmpi slt, %select_n3A_336, %lt3A_342 : i32
      %ne3A_344 = arith.xori %lt3A_341, %lt3A_343 : i1
      %and3A_345 = arith.andi %ne3A_344, %ne3A_339 : i1
      %add3A_346 = arith.addi %rem3A_337, %select_n3A_336 : i32
      %select_n3A_347 = arith.select %and3A_345, %add3A_346, %rem3A_337 : i32
      %dma_start3A_348 = arith.constant 1 : i32
      %dma_start3A_349 = arith.constant 1 : i32
      %dma_start3A_350 = arith.constant 0 : i32
      %dma_start3A_351 = tpu.memref_slice %arg6[%dma_start3A_348, %select_n3A_331, %select_n3A_347, %dma_start3A_350] : memref<2x16x20x64xf32, #tpu.memory_space<vmem>> -> memref<1x1x1x64xf32, #tpu.memory_space<vmem>>
      %dma_start3A_352 = tpu.memref_squeeze %dma_start3A_351 : memref<1x1x1x64xf32, #tpu.memory_space<vmem>> -> memref<1x64xf32, #tpu.memory_space<vmem>>
      %dma_start3A_353 = arith.constant 0 : i32
      %dma_start3A_354 = tpu.memref_slice %arg2[%squeeze3A_307, %dma_start3A_353] : memref<1000001x64xf32, #tpu.memory_space<hbm>> -> memref<1x64xf32, #tpu.memory_space<hbm>>
      %dma_start3A_355 = tpu.memref_slice %arg7[%dma_start3A_349] : memref<2x!tpu.dma_semaphore, #tpu.memory_space<semaphore_mem>> -> memref<1x!tpu.dma_semaphore, #tpu.memory_space<semaphore_mem>>
      %dma_start3A_356 = tpu.memref_squeeze %dma_start3A_355 : memref<1x!tpu.dma_semaphore, #tpu.memory_space<semaphore_mem>> -> memref<!tpu.dma_semaphore, #tpu.memory_space<semaphore_mem>>
      %dma_start3A_357 = arith.constant 0 : i32
      %dma_start3A_358 = tpu.memref_slice %arg6[%dma_start3A_348, %select_n3A_331, %select_n3A_347, %dma_start3A_357] : memref<2x16x20x64xf32, #tpu.memory_space<vmem>> -> memref<1x1x1x64xf32, #tpu.memory_space<vmem>>
      %dma_start3A_359 = tpu.memref_squeeze %dma_start3A_358 : memref<1x1x1x64xf32, #tpu.memory_space<vmem>> -> memref<1x64xf32, #tpu.memory_space<vmem>>
      %dma_start3A_360 = arith.constant 0 : i32
      %dma_start3A_361 = tpu.memref_slice %arg2[%squeeze3A_307, %dma_start3A_360] : memref<1000001x64xf32, #tpu.memory_space<hbm>> -> memref<1x64xf32, #tpu.memory_space<hbm>>
      tpu.enqueue_dma source(%dma_start3A_361 : memref<1x64xf32, #tpu.memory_space<hbm>>) target(%dma_start3A_359 : memref<1x64xf32, #tpu.memory_space<vmem>>) target_semaphore(%dma_start3A_356 : memref<!tpu.dma_semaphore, #tpu.memory_space<semaphore_mem>>)
      %add3A_362 = arith.constant 6 : i32
      %add3A_363 = arith.addi %mul3A_22, %add3A_362 : i32
      %slice3A_364 = vector.extract_strided_slice %get3A_26 {offsets = [6], sizes = [1], strides = [1]} : vector<16xi32> to vector<1xi32>
      %squeeze3A_365 = vector.extract %slice3A_364[0] : i32 from vector<1xi32>
      %jit3A_366 = arith.constant 20 : i32
      %div3A_367 = arith.divsi %add3A_363, %jit3A_366 : i32
      %sign3A_368 = arith.constant 0 : i32
      %sign3A_369 = arith.cmpi sgt, %add3A_363, %sign3A_368 : i32
      %sign3A_370 = arith.extui %sign3A_369 : i1 to i32
      %sign3A_371 = arith.constant 0 : i32
      %sign3A_372 = arith.cmpi slt, %add3A_363, %sign3A_371 : i32
      %sign3A_373 = arith.extui %sign3A_372 : i1 to i32
      %sign3A_374 = arith.subi %sign3A_370, %sign3A_373 : i32
      %sign3A_375 = arith.constant 0 : i32
      %sign3A_376 = arith.cmpi sgt, %jit3A_366, %sign3A_375 : i32
      %sign3A_377 = arith.extui %sign3A_376 : i1 to i32
      %sign3A_378 = arith.constant 0 : i32
      %sign3A_379 = arith.cmpi slt, %jit3A_366, %sign3A_378 : i32
      %sign3A_380 = arith.extui %sign3A_379 : i1 to i32
      %sign3A_381 = arith.subi %sign3A_377, %sign3A_380 : i32
      %ne3A_382 = arith.cmpi ne, %sign3A_374, %sign3A_381 : i32
      %rem3A_383 = arith.remsi %add3A_363, %jit3A_366 : i32
      %ne3A_384 = arith.constant 0 : i32
      %ne3A_385 = arith.cmpi ne, %rem3A_383, %ne3A_384 : i32
      %and3A_386 = arith.andi %ne3A_382, %ne3A_385 : i1
      %sub3A_387 = arith.constant 1 : i32
      %sub3A_388 = arith.subi %div3A_367, %sub3A_387 : i32
      %select_n3A_389 = arith.select %and3A_386, %sub3A_388, %div3A_367 : i32
      %jit3A_390 = arith.constant 20 : i32
      %eq3A_391 = arith.constant 0 : i32
      %eq3A_392 = arith.cmpi eq, %jit3A_390, %eq3A_391 : i32
      %jit3A_393 = arith.constant 1 : i32
      %select_n3A_394 = arith.select %eq3A_392, %jit3A_393, %jit3A_390 : i32
      %rem3A_395 = arith.remsi %add3A_363, %select_n3A_394 : i32
      %ne3A_396 = arith.constant 0 : i32
      %ne3A_397 = arith.cmpi ne, %rem3A_395, %ne3A_396 : i32
      %lt3A_398 = arith.constant 0 : i32
      %lt3A_399 = arith.cmpi slt, %rem3A_395, %lt3A_398 : i32
      %lt3A_400 = arith.constant 0 : i32
      %lt3A_401 = arith.cmpi slt, %select_n3A_394, %lt3A_400 : i32
      %ne3A_402 = arith.xori %lt3A_399, %lt3A_401 : i1
      %and3A_403 = arith.andi %ne3A_402, %ne3A_397 : i1
      %add3A_404 = arith.addi %rem3A_395, %select_n3A_394 : i32
      %select_n3A_405 = arith.select %and3A_403, %add3A_404, %rem3A_395 : i32
      %dma_start3A_406 = arith.constant 1 : i32
      %dma_start3A_407 = arith.constant 1 : i32
      %dma_start3A_408 = arith.constant 0 : i32
      %dma_start3A_409 = tpu.memref_slice %arg6[%dma_start3A_406, %select_n3A_389, %select_n3A_405, %dma_start3A_408] : memref<2x16x20x64xf32, #tpu.memory_space<vmem>> -> memref<1x1x1x64xf32, #tpu.memory_space<vmem>>
      %dma_start3A_410 = tpu.memref_squeeze %dma_start3A_409 : memref<1x1x1x64xf32, #tpu.memory_space<vmem>> -> memref<1x64xf32, #tpu.memory_space<vmem>>
      %dma_start3A_411 = arith.constant 0 : i32
      %dma_start3A_412 = tpu.memref_slice %arg2[%squeeze3A_365, %dma_start3A_411] : memref<1000001x64xf32, #tpu.memory_space<hbm>> -> memref<1x64xf32, #tpu.memory_space<hbm>>
      %dma_start3A_413 = tpu.memref_slice %arg7[%dma_start3A_407] : memref<2x!tpu.dma_semaphore, #tpu.memory_space<semaphore_mem>> -> memref<1x!tpu.dma_semaphore, #tpu.memory_space<semaphore_mem>>
      %dma_start3A_414 = tpu.memref_squeeze %dma_start3A_413 : memref<1x!tpu.dma_semaphore, #tpu.memory_space<semaphore_mem>> -> memref<!tpu.dma_semaphore, #tpu.memory_space<semaphore_mem>>
      %dma_start3A_415 = arith.constant 0 : i32
      %dma_start3A_416 = tpu.memref_slice %arg6[%dma_start3A_406, %select_n3A_389, %select_n3A_405, %dma_start3A_415] : memref<2x16x20x64xf32, #tpu.memory_space<vmem>> -> memref<1x1x1x64xf32, #tpu.memory_space<vmem>>
      %dma_start3A_417 = tpu.memref_squeeze %dma_start3A_416 : memref<1x1x1x64xf32, #tpu.memory_space<vmem>> -> memref<1x64xf32, #tpu.memory_space<vmem>>
      %dma_start3A_418 = arith.constant 0 : i32
      %dma_start3A_419 = tpu.memref_slice %arg2[%squeeze3A_365, %dma_start3A_418] : memref<1000001x64xf32, #tpu.memory_space<hbm>> -> memref<1x64xf32, #tpu.memory_space<hbm>>
      tpu.enqueue_dma source(%dma_start3A_419 : memref<1x64xf32, #tpu.memory_space<hbm>>) target(%dma_start3A_417 : memref<1x64xf32, #tpu.memory_space<vmem>>) target_semaphore(%dma_start3A_414 : memref<!tpu.dma_semaphore, #tpu.memory_space<semaphore_mem>>)
      %add3A_420 = arith.constant 7 : i32
      %add3A_421 = arith.addi %mul3A_22, %add3A_420 : i32
      %slice3A_422 = vector.extract_strided_slice %get3A_26 {offsets = [7], sizes = [1], strides = [1]} : vector<16xi32> to vector<1xi32>
      %squeeze3A_423 = vector.extract %slice3A_422[0] : i32 from vector<1xi32>
      %jit3A_424 = arith.constant 20 : i32
      %div3A_425 = arith.divsi %add3A_421, %jit3A_424 : i32
      %sign3A_426 = arith.constant 0 : i32
      %sign3A_427 = arith.cmpi sgt, %add3A_421, %sign3A_426 : i32
      %sign3A_428 = arith.extui %sign3A_427 : i1 to i32
      %sign3A_429 = arith.constant 0 : i32
      %sign3A_430 = arith.cmpi slt, %add3A_421, %sign3A_429 : i32
      %sign3A_431 = arith.extui %sign3A_430 : i1 to i32
      %sign3A_432 = arith.subi %sign3A_428, %sign3A_431 : i32
      %sign3A_433 = arith.constant 0 : i32
      %sign3A_434 = arith.cmpi sgt, %jit3A_424, %sign3A_433 : i32
      %sign3A_435 = arith.extui %sign3A_434 : i1 to i32
      %sign3A_436 = arith.constant 0 : i32
      %sign3A_437 = arith.cmpi slt, %jit3A_424, %sign3A_436 : i32
      %sign3A_438 = arith.extui %sign3A_437 : i1 to i32
      %sign3A_439 = arith.subi %sign3A_435, %sign3A_438 : i32
      %ne3A_440 = arith.cmpi ne, %sign3A_432, %sign3A_439 : i32
      %rem3A_441 = arith.remsi %add3A_421, %jit3A_424 : i32
      %ne3A_442 = arith.constant 0 : i32
      %ne3A_443 = arith.cmpi ne, %rem3A_441, %ne3A_442 : i32
      %and3A_444 = arith.andi %ne3A_440, %ne3A_443 : i1
      %sub3A_445 = arith.constant 1 : i32
      %sub3A_446 = arith.subi %div3A_425, %sub3A_445 : i32
      %select_n3A_447 = arith.select %and3A_444, %sub3A_446, %div3A_425 : i32
      %jit3A_448 = arith.constant 20 : i32
      %eq3A_449 = arith.constant 0 : i32
      %eq3A_450 = arith.cmpi eq, %jit3A_448, %eq3A_449 : i32
      %jit3A_451 = arith.constant 1 : i32
      %select_n3A_452 = arith.select %eq3A_450, %jit3A_451, %jit3A_448 : i32
      %rem3A_453 = arith.remsi %add3A_421, %select_n3A_452 : i32
      %ne3A_454 = arith.constant 0 : i32
      %ne3A_455 = arith.cmpi ne, %rem3A_453, %ne3A_454 : i32
      %lt3A_456 = arith.constant 0 : i32
      %lt3A_457 = arith.cmpi slt, %rem3A_453, %lt3A_456 : i32
      %lt3A_458 = arith.constant 0 : i32
      %lt3A_459 = arith.cmpi slt, %select_n3A_452, %lt3A_458 : i32
      %ne3A_460 = arith.xori %lt3A_457, %lt3A_459 : i1
      %and3A_461 = arith.andi %ne3A_460, %ne3A_455 : i1
      %add3A_462 = arith.addi %rem3A_453, %select_n3A_452 : i32
      %select_n3A_463 = arith.select %and3A_461, %add3A_462, %rem3A_453 : i32
      %dma_start3A_464 = arith.constant 1 : i32
      %dma_start3A_465 = arith.constant 1 : i32
      %dma_start3A_466 = arith.constant 0 : i32
      %dma_start3A_467 = tpu.memref_slice %arg6[%dma_start3A_464, %select_n3A_447, %select_n3A_463, %dma_start3A_466] : memref<2x16x20x64xf32, #tpu.memory_space<vmem>> -> memref<1x1x1x64xf32, #tpu.memory_space<vmem>>
      %dma_start3A_468 = tpu.memref_squeeze %dma_start3A_467 : memref<1x1x1x64xf32, #tpu.memory_space<vmem>> -> memref<1x64xf32, #tpu.memory_space<vmem>>
      %dma_start3A_469 = arith.constant 0 : i32
      %dma_start3A_470 = tpu.memref_slice %arg2[%squeeze3A_423, %dma_start3A_469] : memref<1000001x64xf32, #tpu.memory_space<hbm>> -> memref<1x64xf32, #tpu.memory_space<hbm>>
      %dma_start3A_471 = tpu.memref_slice %arg7[%dma_start3A_465] : memref<2x!tpu.dma_semaphore, #tpu.memory_space<semaphore_mem>> -> memref<1x!tpu.dma_semaphore, #tpu.memory_space<semaphore_mem>>
      %dma_start3A_472 = tpu.memref_squeeze %dma_start3A_471 : memref<1x!tpu.dma_semaphore, #tpu.memory_space<semaphore_mem>> -> memref<!tpu.dma_semaphore, #tpu.memory_space<semaphore_mem>>
      %dma_start3A_473 = arith.constant 0 : i32
      %dma_start3A_474 = tpu.memref_slice %arg6[%dma_start3A_464, %select_n3A_447, %select_n3A_463, %dma_start3A_473] : memref<2x16x20x64xf32, #tpu.memory_space<vmem>> -> memref<1x1x1x64xf32, #tpu.memory_space<vmem>>
      %dma_start3A_475 = tpu.memref_squeeze %dma_start3A_474 : memref<1x1x1x64xf32, #tpu.memory_space<vmem>> -> memref<1x64xf32, #tpu.memory_space<vmem>>
      %dma_start3A_476 = arith.constant 0 : i32
      %dma_start3A_477 = tpu.memref_slice %arg2[%squeeze3A_423, %dma_start3A_476] : memref<1000001x64xf32, #tpu.memory_space<hbm>> -> memref<1x64xf32, #tpu.memory_space<hbm>>
      tpu.enqueue_dma source(%dma_start3A_477 : memref<1x64xf32, #tpu.memory_space<hbm>>) target(%dma_start3A_475 : memref<1x64xf32, #tpu.memory_space<vmem>>) target_semaphore(%dma_start3A_472 : memref<!tpu.dma_semaphore, #tpu.memory_space<semaphore_mem>>)
      %add3A_478 = arith.constant 8 : i32
      %add3A_479 = arith.addi %mul3A_22, %add3A_478 : i32
      %slice3A_480 = vector.extract_strided_slice %get3A_26 {offsets = [8], sizes = [1], strides = [1]} : vector<16xi32> to vector<1xi32>
      %squeeze3A_481 = vector.extract %slice3A_480[0] : i32 from vector<1xi32>
      %jit3A_482 = arith.constant 20 : i32
      %div3A_483 = arith.divsi %add3A_479, %jit3A_482 : i32
      %sign3A_484 = arith.constant 0 : i32
      %sign3A_485 = arith.cmpi sgt, %add3A_479, %sign3A_484 : i32
      %sign3A_486 = arith.extui %sign3A_485 : i1 to i32
      %sign3A_487 = arith.constant 0 : i32
      %sign3A_488 = arith.cmpi slt, %add3A_479, %sign3A_487 : i32
      %sign3A_489 = arith.extui %sign3A_488 : i1 to i32
      %sign3A_490 = arith.subi %sign3A_486, %sign3A_489 : i32
      %sign3A_491 = arith.constant 0 : i32
      %sign3A_492 = arith.cmpi sgt, %jit3A_482, %sign3A_491 : i32
      %sign3A_493 = arith.extui %sign3A_492 : i1 to i32
      %sign3A_494 = arith.constant 0 : i32
      %sign3A_495 = arith.cmpi slt, %jit3A_482, %sign3A_494 : i32
      %sign3A_496 = arith.extui %sign3A_495 : i1 to i32
      %sign3A_497 = arith.subi %sign3A_493, %sign3A_496 : i32
      %ne3A_498 = arith.cmpi ne, %sign3A_490, %sign3A_497 : i32
      %rem3A_499 = arith.remsi %add3A_479, %jit3A_482 : i32
      %ne3A_500 = arith.constant 0 : i32
      %ne3A_501 = arith.cmpi ne, %rem3A_499, %ne3A_500 : i32
      %and3A_502 = arith.andi %ne3A_498, %ne3A_501 : i1
      %sub3A_503 = arith.constant 1 : i32
      %sub3A_504 = arith.subi %div3A_483, %sub3A_503 : i32
      %select_n3A_505 = arith.select %and3A_502, %sub3A_504, %div3A_483 : i32
      %jit3A_506 = arith.constant 20 : i32
      %eq3A_507 = arith.constant 0 : i32
      %eq3A_508 = arith.cmpi eq, %jit3A_506, %eq3A_507 : i32
      %jit3A_509 = arith.constant 1 : i32
      %select_n3A_510 = arith.select %eq3A_508, %jit3A_509, %jit3A_506 : i32
      %rem3A_511 = arith.remsi %add3A_479, %select_n3A_510 : i32
      %ne3A_512 = arith.constant 0 : i32
      %ne3A_513 = arith.cmpi ne, %rem3A_511, %ne3A_512 : i32
      %lt3A_514 = arith.constant 0 : i32
      %lt3A_515 = arith.cmpi slt, %rem3A_511, %lt3A_514 : i32
      %lt3A_516 = arith.constant 0 : i32
      %lt3A_517 = arith.cmpi slt, %select_n3A_510, %lt3A_516 : i32
      %ne3A_518 = arith.xori %lt3A_515, %lt3A_517 : i1
      %and3A_519 = arith.andi %ne3A_518, %ne3A_513 : i1
      %add3A_520 = arith.addi %rem3A_511, %select_n3A_510 : i32
      %select_n3A_521 = arith.select %and3A_519, %add3A_520, %rem3A_511 : i32
      %dma_start3A_522 = arith.constant 1 : i32
      %dma_start3A_523 = arith.constant 1 : i32
      %dma_start3A_524 = arith.constant 0 : i32
      %dma_start3A_525 = tpu.memref_slice %arg6[%dma_start3A_522, %select_n3A_505, %select_n3A_521, %dma_start3A_524] : memref<2x16x20x64xf32, #tpu.memory_space<vmem>> -> memref<1x1x1x64xf32, #tpu.memory_space<vmem>>
      %dma_start3A_526 = tpu.memref_squeeze %dma_start3A_525 : memref<1x1x1x64xf32, #tpu.memory_space<vmem>> -> memref<1x64xf32, #tpu.memory_space<vmem>>
      %dma_start3A_527 = arith.constant 0 : i32
      %dma_start3A_528 = tpu.memref_slice %arg2[%squeeze3A_481, %dma_start3A_527] : memref<1000001x64xf32, #tpu.memory_space<hbm>> -> memref<1x64xf32, #tpu.memory_space<hbm>>
      %dma_start3A_529 = tpu.memref_slice %arg7[%dma_start3A_523] : memref<2x!tpu.dma_semaphore, #tpu.memory_space<semaphore_mem>> -> memref<1x!tpu.dma_semaphore, #tpu.memory_space<semaphore_mem>>
      %dma_start3A_530 = tpu.memref_squeeze %dma_start3A_529 : memref<1x!tpu.dma_semaphore, #tpu.memory_space<semaphore_mem>> -> memref<!tpu.dma_semaphore, #tpu.memory_space<semaphore_mem>>
      %dma_start3A_531 = arith.constant 0 : i32
      %dma_start3A_532 = tpu.memref_slice %arg6[%dma_start3A_522, %select_n3A_505, %select_n3A_521, %dma_start3A_531] : memref<2x16x20x64xf32, #tpu.memory_space<vmem>> -> memref<1x1x1x64xf32, #tpu.memory_space<vmem>>
      %dma_start3A_533 = tpu.memref_squeeze %dma_start3A_532 : memref<1x1x1x64xf32, #tpu.memory_space<vmem>> -> memref<1x64xf32, #tpu.memory_space<vmem>>
      %dma_start3A_534 = arith.constant 0 : i32
      %dma_start3A_535 = tpu.memref_slice %arg2[%squeeze3A_481, %dma_start3A_534] : memref<1000001x64xf32, #tpu.memory_space<hbm>> -> memref<1x64xf32, #tpu.memory_space<hbm>>
      tpu.enqueue_dma source(%dma_start3A_535 : memref<1x64xf32, #tpu.memory_space<hbm>>) target(%dma_start3A_533 : memref<1x64xf32, #tpu.memory_space<vmem>>) target_semaphore(%dma_start3A_530 : memref<!tpu.dma_semaphore, #tpu.memory_space<semaphore_mem>>)
      %add3A_536 = arith.constant 9 : i32
      %add3A_537 = arith.addi %mul3A_22, %add3A_536 : i32
      %slice3A_538 = vector.extract_strided_slice %get3A_26 {offsets = [9], sizes = [1], strides = [1]} : vector<16xi32> to vector<1xi32>
      %squeeze3A_539 = vector.extract %slice3A_538[0] : i32 from vector<1xi32>
      %jit3A_540 = arith.constant 20 : i32
      %div3A_541 = arith.divsi %add3A_537, %jit3A_540 : i32
      %sign3A_542 = arith.constant 0 : i32
      %sign3A_543 = arith.cmpi sgt, %add3A_537, %sign3A_542 : i32
      %sign3A_544 = arith.extui %sign3A_543 : i1 to i32
      %sign3A_545 = arith.constant 0 : i32
      %sign3A_546 = arith.cmpi slt, %add3A_537, %sign3A_545 : i32
      %sign3A_547 = arith.extui %sign3A_546 : i1 to i32
      %sign3A_548 = arith.subi %sign3A_544, %sign3A_547 : i32
      %sign3A_549 = arith.constant 0 : i32
      %sign3A_550 = arith.cmpi sgt, %jit3A_540, %sign3A_549 : i32
      %sign3A_551 = arith.extui %sign3A_550 : i1 to i32
      %sign3A_552 = arith.constant 0 : i32
      %sign3A_553 = arith.cmpi slt, %jit3A_540, %sign3A_552 : i32
      %sign3A_554 = arith.extui %sign3A_553 : i1 to i32
      %sign3A_555 = arith.subi %sign3A_551, %sign3A_554 : i32
      %ne3A_556 = arith.cmpi ne, %sign3A_548, %sign3A_555 : i32
      %rem3A_557 = arith.remsi %add3A_537, %jit3A_540 : i32
      %ne3A_558 = arith.constant 0 : i32
      %ne3A_559 = arith.cmpi ne, %rem3A_557, %ne3A_558 : i32
      %and3A_560 = arith.andi %ne3A_556, %ne3A_559 : i1
      %sub3A_561 = arith.constant 1 : i32
      %sub3A_562 = arith.subi %div3A_541, %sub3A_561 : i32
      %select_n3A_563 = arith.select %and3A_560, %sub3A_562, %div3A_541 : i32
      %jit3A_564 = arith.constant 20 : i32
      %eq3A_565 = arith.constant 0 : i32
      %eq3A_566 = arith.cmpi eq, %jit3A_564, %eq3A_565 : i32
      %jit3A_567 = arith.constant 1 : i32
      %select_n3A_568 = arith.select %eq3A_566, %jit3A_567, %jit3A_564 : i32
      %rem3A_569 = arith.remsi %add3A_537, %select_n3A_568 : i32
      %ne3A_570 = arith.constant 0 : i32
      %ne3A_571 = arith.cmpi ne, %rem3A_569, %ne3A_570 : i32
      %lt3A_572 = arith.constant 0 : i32
      %lt3A_573 = arith.cmpi slt, %rem3A_569, %lt3A_572 : i32
      %lt3A_574 = arith.constant 0 : i32
      %lt3A_575 = arith.cmpi slt, %select_n3A_568, %lt3A_574 : i32
      %ne3A_576 = arith.xori %lt3A_573, %lt3A_575 : i1
      %and3A_577 = arith.andi %ne3A_576, %ne3A_571 : i1
      %add3A_578 = arith.addi %rem3A_569, %select_n3A_568 : i32
      %select_n3A_579 = arith.select %and3A_577, %add3A_578, %rem3A_569 : i32
      %dma_start3A_580 = arith.constant 1 : i32
      %dma_start3A_581 = arith.constant 1 : i32
      %dma_start3A_582 = arith.constant 0 : i32
      %dma_start3A_583 = tpu.memref_slice %arg6[%dma_start3A_580, %select_n3A_563, %select_n3A_579, %dma_start3A_582] : memref<2x16x20x64xf32, #tpu.memory_space<vmem>> -> memref<1x1x1x64xf32, #tpu.memory_space<vmem>>
      %dma_start3A_584 = tpu.memref_squeeze %dma_start3A_583 : memref<1x1x1x64xf32, #tpu.memory_space<vmem>> -> memref<1x64xf32, #tpu.memory_space<vmem>>
      %dma_start3A_585 = arith.constant 0 : i32
      %dma_start3A_586 = tpu.memref_slice %arg2[%squeeze3A_539, %dma_start3A_585] : memref<1000001x64xf32, #tpu.memory_space<hbm>> -> memref<1x64xf32, #tpu.memory_space<hbm>>
      %dma_start3A_587 = tpu.memref_slice %arg7[%dma_start3A_581] : memref<2x!tpu.dma_semaphore, #tpu.memory_space<semaphore_mem>> -> memref<1x!tpu.dma_semaphore, #tpu.memory_space<semaphore_mem>>
      %dma_start3A_588 = tpu.memref_squeeze %dma_start3A_587 : memref<1x!tpu.dma_semaphore, #tpu.memory_space<semaphore_mem>> -> memref<!tpu.dma_semaphore, #tpu.memory_space<semaphore_mem>>
      %dma_start3A_589 = arith.constant 0 : i32
      %dma_start3A_590 = tpu.memref_slice %arg6[%dma_start3A_580, %select_n3A_563, %select_n3A_579, %dma_start3A_589] : memref<2x16x20x64xf32, #tpu.memory_space<vmem>> -> memref<1x1x1x64xf32, #tpu.memory_space<vmem>>
      %dma_start3A_591 = tpu.memref_squeeze %dma_start3A_590 : memref<1x1x1x64xf32, #tpu.memory_space<vmem>> -> memref<1x64xf32, #tpu.memory_space<vmem>>
      %dma_start3A_592 = arith.constant 0 : i32
      %dma_start3A_593 = tpu.memref_slice %arg2[%squeeze3A_539, %dma_start3A_592] : memref<1000001x64xf32, #tpu.memory_space<hbm>> -> memref<1x64xf32, #tpu.memory_space<hbm>>
      tpu.enqueue_dma source(%dma_start3A_593 : memref<1x64xf32, #tpu.memory_space<hbm>>) target(%dma_start3A_591 : memref<1x64xf32, #tpu.memory_space<vmem>>) target_semaphore(%dma_start3A_588 : memref<!tpu.dma_semaphore, #tpu.memory_space<semaphore_mem>>)
      %add3A_594 = arith.constant 10 : i32
      %add3A_595 = arith.addi %mul3A_22, %add3A_594 : i32
      %slice3A_596 = vector.extract_strided_slice %get3A_26 {offsets = [10], sizes = [1], strides = [1]} : vector<16xi32> to vector<1xi32>
      %squeeze3A_597 = vector.extract %slice3A_596[0] : i32 from vector<1xi32>
      %jit3A_598 = arith.constant 20 : i32
      %div3A_599 = arith.divsi %add3A_595, %jit3A_598 : i32
      %sign3A_600 = arith.constant 0 : i32
      %sign3A_601 = arith.cmpi sgt, %add3A_595, %sign3A_600 : i32
      %sign3A_602 = arith.extui %sign3A_601 : i1 to i32
      %sign3A_603 = arith.constant 0 : i32
      %sign3A_604 = arith.cmpi slt, %add3A_595, %sign3A_603 : i32
      %sign3A_605 = arith.extui %sign3A_604 : i1 to i32
      %sign3A_606 = arith.subi %sign3A_602, %sign3A_605 : i32
      %sign3A_607 = arith.constant 0 : i32
      %sign3A_608 = arith.cmpi sgt, %jit3A_598, %sign3A_607 : i32
      %sign3A_609 = arith.extui %sign3A_608 : i1 to i32
      %sign3A_610 = arith.constant 0 : i32
      %sign3A_611 = arith.cmpi slt, %jit3A_598, %sign3A_610 : i32
      %sign3A_612 = arith.extui %sign3A_611 : i1 to i32
      %sign3A_613 = arith.subi %sign3A_609, %sign3A_612 : i32
      %ne3A_614 = arith.cmpi ne, %sign3A_606, %sign3A_613 : i32
      %rem3A_615 = arith.remsi %add3A_595, %jit3A_598 : i32
      %ne3A_616 = arith.constant 0 : i32
      %ne3A_617 = arith.cmpi ne, %rem3A_615, %ne3A_616 : i32
      %and3A_618 = arith.andi %ne3A_614, %ne3A_617 : i1
      %sub3A_619 = arith.constant 1 : i32
      %sub3A_620 = arith.subi %div3A_599, %sub3A_619 : i32
      %select_n3A_621 = arith.select %and3A_618, %sub3A_620, %div3A_599 : i32
      %jit3A_622 = arith.constant 20 : i32
      %eq3A_623 = arith.constant 0 : i32
      %eq3A_624 = arith.cmpi eq, %jit3A_622, %eq3A_623 : i32
      %jit3A_625 = arith.constant 1 : i32
      %select_n3A_626 = arith.select %eq3A_624, %jit3A_625, %jit3A_622 : i32
      %rem3A_627 = arith.remsi %add3A_595, %select_n3A_626 : i32
      %ne3A_628 = arith.constant 0 : i32
      %ne3A_629 = arith.cmpi ne, %rem3A_627, %ne3A_628 : i32
      %lt3A_630 = arith.constant 0 : i32
      %lt3A_631 = arith.cmpi slt, %rem3A_627, %lt3A_630 : i32
      %lt3A_632 = arith.constant 0 : i32
      %lt3A_633 = arith.cmpi slt, %select_n3A_626, %lt3A_632 : i32
      %ne3A_634 = arith.xori %lt3A_631, %lt3A_633 : i1
      %and3A_635 = arith.andi %ne3A_634, %ne3A_629 : i1
      %add3A_636 = arith.addi %rem3A_627, %select_n3A_626 : i32
      %select_n3A_637 = arith.select %and3A_635, %add3A_636, %rem3A_627 : i32
      %dma_start3A_638 = arith.constant 1 : i32
      %dma_start3A_639 = arith.constant 1 : i32
      %dma_start3A_640 = arith.constant 0 : i32
      %dma_start3A_641 = tpu.memref_slice %arg6[%dma_start3A_638, %select_n3A_621, %select_n3A_637, %dma_start3A_640] : memref<2x16x20x64xf32, #tpu.memory_space<vmem>> -> memref<1x1x1x64xf32, #tpu.memory_space<vmem>>
      %dma_start3A_642 = tpu.memref_squeeze %dma_start3A_641 : memref<1x1x1x64xf32, #tpu.memory_space<vmem>> -> memref<1x64xf32, #tpu.memory_space<vmem>>
      %dma_start3A_643 = arith.constant 0 : i32
      %dma_start3A_644 = tpu.memref_slice %arg2[%squeeze3A_597, %dma_start3A_643] : memref<1000001x64xf32, #tpu.memory_space<hbm>> -> memref<1x64xf32, #tpu.memory_space<hbm>>
      %dma_start3A_645 = tpu.memref_slice %arg7[%dma_start3A_639] : memref<2x!tpu.dma_semaphore, #tpu.memory_space<semaphore_mem>> -> memref<1x!tpu.dma_semaphore, #tpu.memory_space<semaphore_mem>>
      %dma_start3A_646 = tpu.memref_squeeze %dma_start3A_645 : memref<1x!tpu.dma_semaphore, #tpu.memory_space<semaphore_mem>> -> memref<!tpu.dma_semaphore, #tpu.memory_space<semaphore_mem>>
      %dma_start3A_647 = arith.constant 0 : i32
      %dma_start3A_648 = tpu.memref_slice %arg6[%dma_start3A_638, %select_n3A_621, %select_n3A_637, %dma_start3A_647] : memref<2x16x20x64xf32, #tpu.memory_space<vmem>> -> memref<1x1x1x64xf32, #tpu.memory_space<vmem>>
      %dma_start3A_649 = tpu.memref_squeeze %dma_start3A_648 : memref<1x1x1x64xf32, #tpu.memory_space<vmem>> -> memref<1x64xf32, #tpu.memory_space<vmem>>
      %dma_start3A_650 = arith.constant 0 : i32
      %dma_start3A_651 = tpu.memref_slice %arg2[%squeeze3A_597, %dma_start3A_650] : memref<1000001x64xf32, #tpu.memory_space<hbm>> -> memref<1x64xf32, #tpu.memory_space<hbm>>
      tpu.enqueue_dma source(%dma_start3A_651 : memref<1x64xf32, #tpu.memory_space<hbm>>) target(%dma_start3A_649 : memref<1x64xf32, #tpu.memory_space<vmem>>) target_semaphore(%dma_start3A_646 : memref<!tpu.dma_semaphore, #tpu.memory_space<semaphore_mem>>)
      %add3A_652 = arith.constant 11 : i32
      %add3A_653 = arith.addi %mul3A_22, %add3A_652 : i32
      %slice3A_654 = vector.extract_strided_slice %get3A_26 {offsets = [11], sizes = [1], strides = [1]} : vector<16xi32> to vector<1xi32>
      %squeeze3A_655 = vector.extract %slice3A_654[0] : i32 from vector<1xi32>
      %jit3A_656 = arith.constant 20 : i32
      %div3A_657 = arith.divsi %add3A_653, %jit3A_656 : i32
      %sign3A_658 = arith.constant 0 : i32
      %sign3A_659 = arith.cmpi sgt, %add3A_653, %sign3A_658 : i32
      %sign3A_660 = arith.extui %sign3A_659 : i1 to i32
      %sign3A_661 = arith.constant 0 : i32
      %sign3A_662 = arith.cmpi slt, %add3A_653, %sign3A_661 : i32
      %sign3A_663 = arith.extui %sign3A_662 : i1 to i32
      %sign3A_664 = arith.subi %sign3A_660, %sign3A_663 : i32
      %sign3A_665 = arith.constant 0 : i32
      %sign3A_666 = arith.cmpi sgt, %jit3A_656, %sign3A_665 : i32
      %sign3A_667 = arith.extui %sign3A_666 : i1 to i32
      %sign3A_668 = arith.constant 0 : i32
      %sign3A_669 = arith.cmpi slt, %jit3A_656, %sign3A_668 : i32
      %sign3A_670 = arith.extui %sign3A_669 : i1 to i32
      %sign3A_671 = arith.subi %sign3A_667, %sign3A_670 : i32
      %ne3A_672 = arith.cmpi ne, %sign3A_664, %sign3A_671 : i32
      %rem3A_673 = arith.remsi %add3A_653, %jit3A_656 : i32
      %ne3A_674 = arith.constant 0 : i32
      %ne3A_675 = arith.cmpi ne, %rem3A_673, %ne3A_674 : i32
      %and3A_676 = arith.andi %ne3A_672, %ne3A_675 : i1
      %sub3A_677 = arith.constant 1 : i32
      %sub3A_678 = arith.subi %div3A_657, %sub3A_677 : i32
      %select_n3A_679 = arith.select %and3A_676, %sub3A_678, %div3A_657 : i32
      %jit3A_680 = arith.constant 20 : i32
      %eq3A_681 = arith.constant 0 : i32
      %eq3A_682 = arith.cmpi eq, %jit3A_680, %eq3A_681 : i32
      %jit3A_683 = arith.constant 1 : i32
      %select_n3A_684 = arith.select %eq3A_682, %jit3A_683, %jit3A_680 : i32
      %rem3A_685 = arith.remsi %add3A_653, %select_n3A_684 : i32
      %ne3A_686 = arith.constant 0 : i32
      %ne3A_687 = arith.cmpi ne, %rem3A_685, %ne3A_686 : i32
      %lt3A_688 = arith.constant 0 : i32
      %lt3A_689 = arith.cmpi slt, %rem3A_685, %lt3A_688 : i32
      %lt3A_690 = arith.constant 0 : i32
      %lt3A_691 = arith.cmpi slt, %select_n3A_684, %lt3A_690 : i32
      %ne3A_692 = arith.xori %lt3A_689, %lt3A_691 : i1
      %and3A_693 = arith.andi %ne3A_692, %ne3A_687 : i1
      %add3A_694 = arith.addi %rem3A_685, %select_n3A_684 : i32
      %select_n3A_695 = arith.select %and3A_693, %add3A_694, %rem3A_685 : i32
      %dma_start3A_696 = arith.constant 1 : i32
      %dma_start3A_697 = arith.constant 1 : i32
      %dma_start3A_698 = arith.constant 0 : i32
      %dma_start3A_699 = tpu.memref_slice %arg6[%dma_start3A_696, %select_n3A_679, %select_n3A_695, %dma_start3A_698] : memref<2x16x20x64xf32, #tpu.memory_space<vmem>> -> memref<1x1x1x64xf32, #tpu.memory_space<vmem>>
      %dma_start3A_700 = tpu.memref_squeeze %dma_start3A_699 : memref<1x1x1x64xf32, #tpu.memory_space<vmem>> -> memref<1x64xf32, #tpu.memory_space<vmem>>
      %dma_start3A_701 = arith.constant 0 : i32
      %dma_start3A_702 = tpu.memref_slice %arg2[%squeeze3A_655, %dma_start3A_701] : memref<1000001x64xf32, #tpu.memory_space<hbm>> -> memref<1x64xf32, #tpu.memory_space<hbm>>
      %dma_start3A_703 = tpu.memref_slice %arg7[%dma_start3A_697] : memref<2x!tpu.dma_semaphore, #tpu.memory_space<semaphore_mem>> -> memref<1x!tpu.dma_semaphore, #tpu.memory_space<semaphore_mem>>
      %dma_start3A_704 = tpu.memref_squeeze %dma_start3A_703 : memref<1x!tpu.dma_semaphore, #tpu.memory_space<semaphore_mem>> -> memref<!tpu.dma_semaphore, #tpu.memory_space<semaphore_mem>>
      %dma_start3A_705 = arith.constant 0 : i32
      %dma_start3A_706 = tpu.memref_slice %arg6[%dma_start3A_696, %select_n3A_679, %select_n3A_695, %dma_start3A_705] : memref<2x16x20x64xf32, #tpu.memory_space<vmem>> -> memref<1x1x1x64xf32, #tpu.memory_space<vmem>>
      %dma_start3A_707 = tpu.memref_squeeze %dma_start3A_706 : memref<1x1x1x64xf32, #tpu.memory_space<vmem>> -> memref<1x64xf32, #tpu.memory_space<vmem>>
      %dma_start3A_708 = arith.constant 0 : i32
      %dma_start3A_709 = tpu.memref_slice %arg2[%squeeze3A_655, %dma_start3A_708] : memref<1000001x64xf32, #tpu.memory_space<hbm>> -> memref<1x64xf32, #tpu.memory_space<hbm>>
      tpu.enqueue_dma source(%dma_start3A_709 : memref<1x64xf32, #tpu.memory_space<hbm>>) target(%dma_start3A_707 : memref<1x64xf32, #tpu.memory_space<vmem>>) target_semaphore(%dma_start3A_704 : memref<!tpu.dma_semaphore, #tpu.memory_space<semaphore_mem>>)
      %add3A_710 = arith.constant 12 : i32
      %add3A_711 = arith.addi %mul3A_22, %add3A_710 : i32
      %slice3A_712 = vector.extract_strided_slice %get3A_26 {offsets = [12], sizes = [1], strides = [1]} : vector<16xi32> to vector<1xi32>
      %squeeze3A_713 = vector.extract %slice3A_712[0] : i32 from vector<1xi32>
      %jit3A_714 = arith.constant 20 : i32
      %div3A_715 = arith.divsi %add3A_711, %jit3A_714 : i32
      %sign3A_716 = arith.constant 0 : i32
      %sign3A_717 = arith.cmpi sgt, %add3A_711, %sign3A_716 : i32
      %sign3A_718 = arith.extui %sign3A_717 : i1 to i32
      %sign3A_719 = arith.constant 0 : i32
      %sign3A_720 = arith.cmpi slt, %add3A_711, %sign3A_719 : i32
      %sign3A_721 = arith.extui %sign3A_720 : i1 to i32
      %sign3A_722 = arith.subi %sign3A_718, %sign3A_721 : i32
      %sign3A_723 = arith.constant 0 : i32
      %sign3A_724 = arith.cmpi sgt, %jit3A_714, %sign3A_723 : i32
      %sign3A_725 = arith.extui %sign3A_724 : i1 to i32
      %sign3A_726 = arith.constant 0 : i32
      %sign3A_727 = arith.cmpi slt, %jit3A_714, %sign3A_726 : i32
      %sign3A_728 = arith.extui %sign3A_727 : i1 to i32
      %sign3A_729 = arith.subi %sign3A_725, %sign3A_728 : i32
      %ne3A_730 = arith.cmpi ne, %sign3A_722, %sign3A_729 : i32
      %rem3A_731 = arith.remsi %add3A_711, %jit3A_714 : i32
      %ne3A_732 = arith.constant 0 : i32
      %ne3A_733 = arith.cmpi ne, %rem3A_731, %ne3A_732 : i32
      %and3A_734 = arith.andi %ne3A_730, %ne3A_733 : i1
      %sub3A_735 = arith.constant 1 : i32
      %sub3A_736 = arith.subi %div3A_715, %sub3A_735 : i32
      %select_n3A_737 = arith.select %and3A_734, %sub3A_736, %div3A_715 : i32
      %jit3A_738 = arith.constant 20 : i32
      %eq3A_739 = arith.constant 0 : i32
      %eq3A_740 = arith.cmpi eq, %jit3A_738, %eq3A_739 : i32
      %jit3A_741 = arith.constant 1 : i32
      %select_n3A_742 = arith.select %eq3A_740, %jit3A_741, %jit3A_738 : i32
      %rem3A_743 = arith.remsi %add3A_711, %select_n3A_742 : i32
      %ne3A_744 = arith.constant 0 : i32
      %ne3A_745 = arith.cmpi ne, %rem3A_743, %ne3A_744 : i32
      %lt3A_746 = arith.constant 0 : i32
      %lt3A_747 = arith.cmpi slt, %rem3A_743, %lt3A_746 : i32
      %lt3A_748 = arith.constant 0 : i32
      %lt3A_749 = arith.cmpi slt, %select_n3A_742, %lt3A_748 : i32
      %ne3A_750 = arith.xori %lt3A_747, %lt3A_749 : i1
      %and3A_751 = arith.andi %ne3A_750, %ne3A_745 : i1
      %add3A_752 = arith.addi %rem3A_743, %select_n3A_742 : i32
      %select_n3A_753 = arith.select %and3A_751, %add3A_752, %rem3A_743 : i32
      %dma_start3A_754 = arith.constant 1 : i32
      %dma_start3A_755 = arith.constant 1 : i32
      %dma_start3A_756 = arith.constant 0 : i32
      %dma_start3A_757 = tpu.memref_slice %arg6[%dma_start3A_754, %select_n3A_737, %select_n3A_753, %dma_start3A_756] : memref<2x16x20x64xf32, #tpu.memory_space<vmem>> -> memref<1x1x1x64xf32, #tpu.memory_space<vmem>>
      %dma_start3A_758 = tpu.memref_squeeze %dma_start3A_757 : memref<1x1x1x64xf32, #tpu.memory_space<vmem>> -> memref<1x64xf32, #tpu.memory_space<vmem>>
      %dma_start3A_759 = arith.constant 0 : i32
      %dma_start3A_760 = tpu.memref_slice %arg2[%squeeze3A_713, %dma_start3A_759] : memref<1000001x64xf32, #tpu.memory_space<hbm>> -> memref<1x64xf32, #tpu.memory_space<hbm>>
      %dma_start3A_761 = tpu.memref_slice %arg7[%dma_start3A_755] : memref<2x!tpu.dma_semaphore, #tpu.memory_space<semaphore_mem>> -> memref<1x!tpu.dma_semaphore, #tpu.memory_space<semaphore_mem>>
      %dma_start3A_762 = tpu.memref_squeeze %dma_start3A_761 : memref<1x!tpu.dma_semaphore, #tpu.memory_space<semaphore_mem>> -> memref<!tpu.dma_semaphore, #tpu.memory_space<semaphore_mem>>
      %dma_start3A_763 = arith.constant 0 : i32
      %dma_start3A_764 = tpu.memref_slice %arg6[%dma_start3A_754, %select_n3A_737, %select_n3A_753, %dma_start3A_763] : memref<2x16x20x64xf32, #tpu.memory_space<vmem>> -> memref<1x1x1x64xf32, #tpu.memory_space<vmem>>
      %dma_start3A_765 = tpu.memref_squeeze %dma_start3A_764 : memref<1x1x1x64xf32, #tpu.memory_space<vmem>> -> memref<1x64xf32, #tpu.memory_space<vmem>>
      %dma_start3A_766 = arith.constant 0 : i32
      %dma_start3A_767 = tpu.memref_slice %arg2[%squeeze3A_713, %dma_start3A_766] : memref<1000001x64xf32, #tpu.memory_space<hbm>> -> memref<1x64xf32, #tpu.memory_space<hbm>>
      tpu.enqueue_dma source(%dma_start3A_767 : memref<1x64xf32, #tpu.memory_space<hbm>>) target(%dma_start3A_765 : memref<1x64xf32, #tpu.memory_space<vmem>>) target_semaphore(%dma_start3A_762 : memref<!tpu.dma_semaphore, #tpu.memory_space<semaphore_mem>>)
      %add3A_768 = arith.constant 13 : i32
      %add3A_769 = arith.addi %mul3A_22, %add3A_768 : i32
      %slice3A_770 = vector.extract_strided_slice %get3A_26 {offsets = [13], sizes = [1], strides = [1]} : vector<16xi32> to vector<1xi32>
      %squeeze3A_771 = vector.extract %slice3A_770[0] : i32 from vector<1xi32>
      %jit3A_772 = arith.constant 20 : i32
      %div3A_773 = arith.divsi %add3A_769, %jit3A_772 : i32
      %sign3A_774 = arith.constant 0 : i32
      %sign3A_775 = arith.cmpi sgt, %add3A_769, %sign3A_774 : i32
      %sign3A_776 = arith.extui %sign3A_775 : i1 to i32
      %sign3A_777 = arith.constant 0 : i32
      %sign3A_778 = arith.cmpi slt, %add3A_769, %sign3A_777 : i32
      %sign3A_779 = arith.extui %sign3A_778 : i1 to i32
      %sign3A_780 = arith.subi %sign3A_776, %sign3A_779 : i32
      %sign3A_781 = arith.constant 0 : i32
      %sign3A_782 = arith.cmpi sgt, %jit3A_772, %sign3A_781 : i32
      %sign3A_783 = arith.extui %sign3A_782 : i1 to i32
      %sign3A_784 = arith.constant 0 : i32
      %sign3A_785 = arith.cmpi slt, %jit3A_772, %sign3A_784 : i32
      %sign3A_786 = arith.extui %sign3A_785 : i1 to i32
      %sign3A_787 = arith.subi %sign3A_783, %sign3A_786 : i32
      %ne3A_788 = arith.cmpi ne, %sign3A_780, %sign3A_787 : i32
      %rem3A_789 = arith.remsi %add3A_769, %jit3A_772 : i32
      %ne3A_790 = arith.constant 0 : i32
      %ne3A_791 = arith.cmpi ne, %rem3A_789, %ne3A_790 : i32
      %and3A_792 = arith.andi %ne3A_788, %ne3A_791 : i1
      %sub3A_793 = arith.constant 1 : i32
      %sub3A_794 = arith.subi %div3A_773, %sub3A_793 : i32
      %select_n3A_795 = arith.select %and3A_792, %sub3A_794, %div3A_773 : i32
      %jit3A_796 = arith.constant 20 : i32
      %eq3A_797 = arith.constant 0 : i32
      %eq3A_798 = arith.cmpi eq, %jit3A_796, %eq3A_797 : i32
      %jit3A_799 = arith.constant 1 : i32
      %select_n3A_800 = arith.select %eq3A_798, %jit3A_799, %jit3A_796 : i32
      %rem3A_801 = arith.remsi %add3A_769, %select_n3A_800 : i32
      %ne3A_802 = arith.constant 0 : i32
      %ne3A_803 = arith.cmpi ne, %rem3A_801, %ne3A_802 : i32
      %lt3A_804 = arith.constant 0 : i32
      %lt3A_805 = arith.cmpi slt, %rem3A_801, %lt3A_804 : i32
      %lt3A_806 = arith.constant 0 : i32
      %lt3A_807 = arith.cmpi slt, %select_n3A_800, %lt3A_806 : i32
      %ne3A_808 = arith.xori %lt3A_805, %lt3A_807 : i1
      %and3A_809 = arith.andi %ne3A_808, %ne3A_803 : i1
      %add3A_810 = arith.addi %rem3A_801, %select_n3A_800 : i32
      %select_n3A_811 = arith.select %and3A_809, %add3A_810, %rem3A_801 : i32
      %dma_start3A_812 = arith.constant 1 : i32
      %dma_start3A_813 = arith.constant 1 : i32
      %dma_start3A_814 = arith.constant 0 : i32
      %dma_start3A_815 = tpu.memref_slice %arg6[%dma_start3A_812, %select_n3A_795, %select_n3A_811, %dma_start3A_814] : memref<2x16x20x64xf32, #tpu.memory_space<vmem>> -> memref<1x1x1x64xf32, #tpu.memory_space<vmem>>
      %dma_start3A_816 = tpu.memref_squeeze %dma_start3A_815 : memref<1x1x1x64xf32, #tpu.memory_space<vmem>> -> memref<1x64xf32, #tpu.memory_space<vmem>>
      %dma_start3A_817 = arith.constant 0 : i32
      %dma_start3A_818 = tpu.memref_slice %arg2[%squeeze3A_771, %dma_start3A_817] : memref<1000001x64xf32, #tpu.memory_space<hbm>> -> memref<1x64xf32, #tpu.memory_space<hbm>>
      %dma_start3A_819 = tpu.memref_slice %arg7[%dma_start3A_813] : memref<2x!tpu.dma_semaphore, #tpu.memory_space<semaphore_mem>> -> memref<1x!tpu.dma_semaphore, #tpu.memory_space<semaphore_mem>>
      %dma_start3A_820 = tpu.memref_squeeze %dma_start3A_819 : memref<1x!tpu.dma_semaphore, #tpu.memory_space<semaphore_mem>> -> memref<!tpu.dma_semaphore, #tpu.memory_space<semaphore_mem>>
      %dma_start3A_821 = arith.constant 0 : i32
      %dma_start3A_822 = tpu.memref_slice %arg6[%dma_start3A_812, %select_n3A_795, %select_n3A_811, %dma_start3A_821] : memref<2x16x20x64xf32, #tpu.memory_space<vmem>> -> memref<1x1x1x64xf32, #tpu.memory_space<vmem>>
      %dma_start3A_823 = tpu.memref_squeeze %dma_start3A_822 : memref<1x1x1x64xf32, #tpu.memory_space<vmem>> -> memref<1x64xf32, #tpu.memory_space<vmem>>
      %dma_start3A_824 = arith.constant 0 : i32
      %dma_start3A_825 = tpu.memref_slice %arg2[%squeeze3A_771, %dma_start3A_824] : memref<1000001x64xf32, #tpu.memory_space<hbm>> -> memref<1x64xf32, #tpu.memory_space<hbm>>
      tpu.enqueue_dma source(%dma_start3A_825 : memref<1x64xf32, #tpu.memory_space<hbm>>) target(%dma_start3A_823 : memref<1x64xf32, #tpu.memory_space<vmem>>) target_semaphore(%dma_start3A_820 : memref<!tpu.dma_semaphore, #tpu.memory_space<semaphore_mem>>)
      %add3A_826 = arith.constant 14 : i32
      %add3A_827 = arith.addi %mul3A_22, %add3A_826 : i32
      %slice3A_828 = vector.extract_strided_slice %get3A_26 {offsets = [14], sizes = [1], strides = [1]} : vector<16xi32> to vector<1xi32>
      %squeeze3A_829 = vector.extract %slice3A_828[0] : i32 from vector<1xi32>
      %jit3A_830 = arith.constant 20 : i32
      %div3A_831 = arith.divsi %add3A_827, %jit3A_830 : i32
      %sign3A_832 = arith.constant 0 : i32
      %sign3A_833 = arith.cmpi sgt, %add3A_827, %sign3A_832 : i32
      %sign3A_834 = arith.extui %sign3A_833 : i1 to i32
      %sign3A_835 = arith.constant 0 : i32
      %sign3A_836 = arith.cmpi slt, %add3A_827, %sign3A_835 : i32
      %sign3A_837 = arith.extui %sign3A_836 : i1 to i32
      %sign3A_838 = arith.subi %sign3A_834, %sign3A_837 : i32
      %sign3A_839 = arith.constant 0 : i32
      %sign3A_840 = arith.cmpi sgt, %jit3A_830, %sign3A_839 : i32
      %sign3A_841 = arith.extui %sign3A_840 : i1 to i32
      %sign3A_842 = arith.constant 0 : i32
      %sign3A_843 = arith.cmpi slt, %jit3A_830, %sign3A_842 : i32
      %sign3A_844 = arith.extui %sign3A_843 : i1 to i32
      %sign3A_845 = arith.subi %sign3A_841, %sign3A_844 : i32
      %ne3A_846 = arith.cmpi ne, %sign3A_838, %sign3A_845 : i32
      %rem3A_847 = arith.remsi %add3A_827, %jit3A_830 : i32
      %ne3A_848 = arith.constant 0 : i32
      %ne3A_849 = arith.cmpi ne, %rem3A_847, %ne3A_848 : i32
      %and3A_850 = arith.andi %ne3A_846, %ne3A_849 : i1
      %sub3A_851 = arith.constant 1 : i32
      %sub3A_852 = arith.subi %div3A_831, %sub3A_851 : i32
      %select_n3A_853 = arith.select %and3A_850, %sub3A_852, %div3A_831 : i32
      %jit3A_854 = arith.constant 20 : i32
      %eq3A_855 = arith.constant 0 : i32
      %eq3A_856 = arith.cmpi eq, %jit3A_854, %eq3A_855 : i32
      %jit3A_857 = arith.constant 1 : i32
      %select_n3A_858 = arith.select %eq3A_856, %jit3A_857, %jit3A_854 : i32
      %rem3A_859 = arith.remsi %add3A_827, %select_n3A_858 : i32
      %ne3A_860 = arith.constant 0 : i32
      %ne3A_861 = arith.cmpi ne, %rem3A_859, %ne3A_860 : i32
      %lt3A_862 = arith.constant 0 : i32
      %lt3A_863 = arith.cmpi slt, %rem3A_859, %lt3A_862 : i32
      %lt3A_864 = arith.constant 0 : i32
      %lt3A_865 = arith.cmpi slt, %select_n3A_858, %lt3A_864 : i32
      %ne3A_866 = arith.xori %lt3A_863, %lt3A_865 : i1
      %and3A_867 = arith.andi %ne3A_866, %ne3A_861 : i1
      %add3A_868 = arith.addi %rem3A_859, %select_n3A_858 : i32
      %select_n3A_869 = arith.select %and3A_867, %add3A_868, %rem3A_859 : i32
      %dma_start3A_870 = arith.constant 1 : i32
      %dma_start3A_871 = arith.constant 1 : i32
      %dma_start3A_872 = arith.constant 0 : i32
      %dma_start3A_873 = tpu.memref_slice %arg6[%dma_start3A_870, %select_n3A_853, %select_n3A_869, %dma_start3A_872] : memref<2x16x20x64xf32, #tpu.memory_space<vmem>> -> memref<1x1x1x64xf32, #tpu.memory_space<vmem>>
      %dma_start3A_874 = tpu.memref_squeeze %dma_start3A_873 : memref<1x1x1x64xf32, #tpu.memory_space<vmem>> -> memref<1x64xf32, #tpu.memory_space<vmem>>
      %dma_start3A_875 = arith.constant 0 : i32
      %dma_start3A_876 = tpu.memref_slice %arg2[%squeeze3A_829, %dma_start3A_875] : memref<1000001x64xf32, #tpu.memory_space<hbm>> -> memref<1x64xf32, #tpu.memory_space<hbm>>
      %dma_start3A_877 = tpu.memref_slice %arg7[%dma_start3A_871] : memref<2x!tpu.dma_semaphore, #tpu.memory_space<semaphore_mem>> -> memref<1x!tpu.dma_semaphore, #tpu.memory_space<semaphore_mem>>
      %dma_start3A_878 = tpu.memref_squeeze %dma_start3A_877 : memref<1x!tpu.dma_semaphore, #tpu.memory_space<semaphore_mem>> -> memref<!tpu.dma_semaphore, #tpu.memory_space<semaphore_mem>>
      %dma_start3A_879 = arith.constant 0 : i32
      %dma_start3A_880 = tpu.memref_slice %arg6[%dma_start3A_870, %select_n3A_853, %select_n3A_869, %dma_start3A_879] : memref<2x16x20x64xf32, #tpu.memory_space<vmem>> -> memref<1x1x1x64xf32, #tpu.memory_space<vmem>>
      %dma_start3A_881 = tpu.memref_squeeze %dma_start3A_880 : memref<1x1x1x64xf32, #tpu.memory_space<vmem>> -> memref<1x64xf32, #tpu.memory_space<vmem>>
      %dma_start3A_882 = arith.constant 0 : i32
      %dma_start3A_883 = tpu.memref_slice %arg2[%squeeze3A_829, %dma_start3A_882] : memref<1000001x64xf32, #tpu.memory_space<hbm>> -> memref<1x64xf32, #tpu.memory_space<hbm>>
      tpu.enqueue_dma source(%dma_start3A_883 : memref<1x64xf32, #tpu.memory_space<hbm>>) target(%dma_start3A_881 : memref<1x64xf32, #tpu.memory_space<vmem>>) target_semaphore(%dma_start3A_878 : memref<!tpu.dma_semaphore, #tpu.memory_space<semaphore_mem>>)
      %add3A_884 = arith.constant 15 : i32
      %add3A_885 = arith.addi %mul3A_22, %add3A_884 : i32
      %slice3A_886 = vector.extract_strided_slice %get3A_26 {offsets = [15], sizes = [1], strides = [1]} : vector<16xi32> to vector<1xi32>
      %squeeze3A_887 = vector.extract %slice3A_886[0] : i32 from vector<1xi32>
      %jit3A_888 = arith.constant 20 : i32
      %div3A_889 = arith.divsi %add3A_885, %jit3A_888 : i32
      %sign3A_890 = arith.constant 0 : i32
      %sign3A_891 = arith.cmpi sgt, %add3A_885, %sign3A_890 : i32
      %sign3A_892 = arith.extui %sign3A_891 : i1 to i32
      %sign3A_893 = arith.constant 0 : i32
      %sign3A_894 = arith.cmpi slt, %add3A_885, %sign3A_893 : i32
      %sign3A_895 = arith.extui %sign3A_894 : i1 to i32
      %sign3A_896 = arith.subi %sign3A_892, %sign3A_895 : i32
      %sign3A_897 = arith.constant 0 : i32
      %sign3A_898 = arith.cmpi sgt, %jit3A_888, %sign3A_897 : i32
      %sign3A_899 = arith.extui %sign3A_898 : i1 to i32
      %sign3A_900 = arith.constant 0 : i32
      %sign3A_901 = arith.cmpi slt, %jit3A_888, %sign3A_900 : i32
      %sign3A_902 = arith.extui %sign3A_901 : i1 to i32
      %sign3A_903 = arith.subi %sign3A_899, %sign3A_902 : i32
      %ne3A_904 = arith.cmpi ne, %sign3A_896, %sign3A_903 : i32
      %rem3A_905 = arith.remsi %add3A_885, %jit3A_888 : i32
      %ne3A_906 = arith.constant 0 : i32
      %ne3A_907 = arith.cmpi ne, %rem3A_905, %ne3A_906 : i32
      %and3A_908 = arith.andi %ne3A_904, %ne3A_907 : i1
      %sub3A_909 = arith.constant 1 : i32
      %sub3A_910 = arith.subi %div3A_889, %sub3A_909 : i32
      %select_n3A_911 = arith.select %and3A_908, %sub3A_910, %div3A_889 : i32
      %jit3A_912 = arith.constant 20 : i32
      %eq3A_913 = arith.constant 0 : i32
      %eq3A_914 = arith.cmpi eq, %jit3A_912, %eq3A_913 : i32
      %jit3A_915 = arith.constant 1 : i32
      %select_n3A_916 = arith.select %eq3A_914, %jit3A_915, %jit3A_912 : i32
      %rem3A_917 = arith.remsi %add3A_885, %select_n3A_916 : i32
      %ne3A_918 = arith.constant 0 : i32
      %ne3A_919 = arith.cmpi ne, %rem3A_917, %ne3A_918 : i32
      %lt3A_920 = arith.constant 0 : i32
      %lt3A_921 = arith.cmpi slt, %rem3A_917, %lt3A_920 : i32
      %lt3A_922 = arith.constant 0 : i32
      %lt3A_923 = arith.cmpi slt, %select_n3A_916, %lt3A_922 : i32
      %ne3A_924 = arith.xori %lt3A_921, %lt3A_923 : i1
      %and3A_925 = arith.andi %ne3A_924, %ne3A_919 : i1
      %add3A_926 = arith.addi %rem3A_917, %select_n3A_916 : i32
      %select_n3A_927 = arith.select %and3A_925, %add3A_926, %rem3A_917 : i32
      %dma_start3A_928 = arith.constant 1 : i32
      %dma_start3A_929 = arith.constant 1 : i32
      %dma_start3A_930 = arith.constant 0 : i32
      %dma_start3A_931 = tpu.memref_slice %arg6[%dma_start3A_928, %select_n3A_911, %select_n3A_927, %dma_start3A_930] : memref<2x16x20x64xf32, #tpu.memory_space<vmem>> -> memref<1x1x1x64xf32, #tpu.memory_space<vmem>>
      %dma_start3A_932 = tpu.memref_squeeze %dma_start3A_931 : memref<1x1x1x64xf32, #tpu.memory_space<vmem>> -> memref<1x64xf32, #tpu.memory_space<vmem>>
      %dma_start3A_933 = arith.constant 0 : i32
      %dma_start3A_934 = tpu.memref_slice %arg2[%squeeze3A_887, %dma_start3A_933] : memref<1000001x64xf32, #tpu.memory_space<hbm>> -> memref<1x64xf32, #tpu.memory_space<hbm>>
      %dma_start3A_935 = tpu.memref_slice %arg7[%dma_start3A_929] : memref<2x!tpu.dma_semaphore, #tpu.memory_space<semaphore_mem>> -> memref<1x!tpu.dma_semaphore, #tpu.memory_space<semaphore_mem>>
      %dma_start3A_936 = tpu.memref_squeeze %dma_start3A_935 : memref<1x!tpu.dma_semaphore, #tpu.memory_space<semaphore_mem>> -> memref<!tpu.dma_semaphore, #tpu.memory_space<semaphore_mem>>
      %dma_start3A_937 = arith.constant 0 : i32
      %dma_start3A_938 = tpu.memref_slice %arg6[%dma_start3A_928, %select_n3A_911, %select_n3A_927, %dma_start3A_937] : memref<2x16x20x64xf32, #tpu.memory_space<vmem>> -> memref<1x1x1x64xf32, #tpu.memory_space<vmem>>
      %dma_start3A_939 = tpu.memref_squeeze %dma_start3A_938 : memref<1x1x1x64xf32, #tpu.memory_space<vmem>> -> memref<1x64xf32, #tpu.memory_space<vmem>>
      %dma_start3A_940 = arith.constant 0 : i32
      %dma_start3A_941 = tpu.memref_slice %arg2[%squeeze3A_887, %dma_start3A_940] : memref<1000001x64xf32, #tpu.memory_space<hbm>> -> memref<1x64xf32, #tpu.memory_space<hbm>>
      tpu.enqueue_dma source(%dma_start3A_941 : memref<1x64xf32, #tpu.memory_space<hbm>>) target(%dma_start3A_939 : memref<1x64xf32, #tpu.memory_space<vmem>>) target_semaphore(%dma_start3A_936 : memref<!tpu.dma_semaphore, #tpu.memory_space<semaphore_mem>>)
    }
    %scan3A_14 = arith.constant 20 : i32
    %scan3A_15 = arith.constant 0 : i32
    %scan3A_16 = arith.constant 16 : i32
    %scan3A_17 = arith.addi %scan3A_15, %scan3A_16 : i32
    %scan3A_18 = arith.constant 1 : i32
    scf.for %scan3A_20 = %scan3A_15 to %scan3A_17 step %scan3A_18  : i32 {
      %mul3A_21 = arith.constant 2 : i32
      %mul3A_22 = arith.muli %scan3A_20, %mul3A_21 : i32
      %add3A_23 = arith.constant 0 : i32
      %add3A_24 = arith.addi %mul3A_22, %add3A_23 : i32
      %dma_wait3A = arith.constant 0 : i32
      %dma_wait3A_25 = arith.constant 0 : i32
      %dma_wait3A_26 = arith.constant 0 : i32
      %dma_wait3A_27 = arith.constant 0 : i32
      %dma_wait3A_28 = arith.constant 0 : i32
      %dma_wait3A_29 = tpu.memref_slice %arg6[%dma_wait3A, %dma_wait3A_26, %dma_wait3A_27, %dma_wait3A_28] : memref<2x16x20x64xf32, #tpu.memory_space<vmem>> -> memref<1x16x20x64xf32, #tpu.memory_space<vmem>>
      %dma_wait3A_30 = tpu.memref_squeeze %dma_wait3A_29 : memref<1x16x20x64xf32, #tpu.memory_space<vmem>> -> memref<16x20x64xf32, #tpu.memory_space<vmem>>
      %dma_wait3A_31 = arith.constant 0 : i32
      %dma_wait3A_32 = arith.constant 0 : i32
      %dma_wait3A_33 = arith.constant 0 : i32
      %dma_wait3A_34 = tpu.memref_slice %arg4[%dma_wait3A_31, %dma_wait3A_32, %dma_wait3A_33] : memref<16384x20x64xf32, #tpu.memory_space<hbm>> -> memref<16x20x64xf32, #tpu.memory_space<hbm>>
      %dma_wait3A_35 = tpu.memref_slice %arg7[%dma_wait3A_25] : memref<2x!tpu.dma_semaphore, #tpu.memory_space<semaphore_mem>> -> memref<1x!tpu.dma_semaphore, #tpu.memory_space<semaphore_mem>>
      %dma_wait3A_36 = tpu.memref_squeeze %dma_wait3A_35 : memref<1x!tpu.dma_semaphore, #tpu.memory_space<semaphore_mem>> -> memref<!tpu.dma_semaphore, #tpu.memory_space<semaphore_mem>>
      %dma_wait3A_37 = arith.constant 0 : i32
      %dma_wait3A_38 = arith.constant 0 : i32
      %dma_wait3A_39 = arith.constant 0 : i32
      %dma_wait3A_40 = tpu.memref_slice %arg6[%dma_wait3A, %dma_wait3A_37, %dma_wait3A_38, %dma_wait3A_39] : memref<2x16x20x64xf32, #tpu.memory_space<vmem>> -> memref<1x16x20x64xf32, #tpu.memory_space<vmem>>
      %dma_wait3A_41 = tpu.memref_squeeze %dma_wait3A_40 : memref<1x16x20x64xf32, #tpu.memory_space<vmem>> -> memref<16x20x64xf32, #tpu.memory_space<vmem>>
      %dma_wait3A_42 = arith.constant 0 : i32
      %dma_wait3A_43 = arith.constant 0 : i32
      %dma_wait3A_44 = arith.constant 0 : i32
      %dma_wait3A_45 = tpu.memref_slice %arg4[%dma_wait3A_42, %dma_wait3A_43, %dma_wait3A_44] : memref<16384x20x64xf32, #tpu.memory_space<hbm>> -> memref<16x20x64xf32, #tpu.memory_space<hbm>>
      tpu.wait_dma2 semaphore(%dma_wait3A_36 : memref<!tpu.dma_semaphore, #tpu.memory_space<semaphore_mem>>) src(%dma_wait3A_45 : memref<16x20x64xf32, #tpu.memory_space<hbm>>) dst(%dma_wait3A_41 : memref<16x20x64xf32, #tpu.memory_space<vmem>>)
      %mul3A_46 = arith.constant 16 : i32
      %mul3A_47 = arith.muli %add3A_24, %mul3A_46 : i32
      %add3A_48 = arith.addi %mul3A_2, %mul3A_47 : i32
      %run_scoped3A_49 = arith.constant 0 : i32
      "tpu.region"() ({
        %run_scoped3A_87 = tpu.sem_alloc : memref<!tpu.dma_semaphore, #tpu.memory_space<semaphore_mem>>
        %dma_start3A = arith.constant 0 : i32
        %dma_start3A_88 = arith.constant 0 : i32
        %dma_start3A_89 = arith.constant 0 : i32
        %dma_start3A_90 = tpu.memref_slice %arg6[%run_scoped3A_49, %dma_start3A, %dma_start3A_88, %dma_start3A_89] : memref<2x16x20x64xf32, #tpu.memory_space<vmem>> -> memref<1x16x20x64xf32, #tpu.memory_space<vmem>>
        %dma_start3A_91 = tpu.memref_squeeze %dma_start3A_90 : memref<1x16x20x64xf32, #tpu.memory_space<vmem>> -> memref<16x20x64xf32, #tpu.memory_space<vmem>>
        %dma_start3A_92 = arith.constant 0 : i32
        %dma_start3A_93 = arith.constant 0 : i32
        %dma_start3A_94 = tpu.memref_slice %arg4[%add3A_48, %dma_start3A_92, %dma_start3A_93] : memref<16384x20x64xf32, #tpu.memory_space<hbm>> -> memref<16x20x64xf32, #tpu.memory_space<hbm>>
        %dma_start3A_95 = arith.constant 0 : i32
        %dma_start3A_96 = arith.constant 0 : i32
        %dma_start3A_97 = tpu.memref_slice %arg4[%add3A_48, %dma_start3A_95, %dma_start3A_96] : memref<16384x20x64xf32, #tpu.memory_space<hbm>> -> memref<16x20x64xf32, #tpu.memory_space<hbm>>
        %dma_start3A_98 = arith.constant 0 : i32
        %dma_start3A_99 = arith.constant 0 : i32
        %dma_start3A_100 = arith.constant 0 : i32
        %dma_start3A_101 = tpu.memref_slice %arg6[%run_scoped3A_49, %dma_start3A_98, %dma_start3A_99, %dma_start3A_100] : memref<2x16x20x64xf32, #tpu.memory_space<vmem>> -> memref<1x16x20x64xf32, #tpu.memory_space<vmem>>
        %dma_start3A_102 = tpu.memref_squeeze %dma_start3A_101 : memref<1x16x20x64xf32, #tpu.memory_space<vmem>> -> memref<16x20x64xf32, #tpu.memory_space<vmem>>
        tpu.enqueue_dma source(%dma_start3A_102 : memref<16x20x64xf32, #tpu.memory_space<vmem>>) target(%dma_start3A_97 : memref<16x20x64xf32, #tpu.memory_space<hbm>>) target_semaphore(%run_scoped3A_87 : memref<!tpu.dma_semaphore, #tpu.memory_space<semaphore_mem>>)
        %dma_wait3A_103 = arith.constant 0 : i32
        %dma_wait3A_104 = arith.constant 0 : i32
        %dma_wait3A_105 = arith.constant 0 : i32
        %dma_wait3A_106 = tpu.memref_slice %arg6[%run_scoped3A_49, %dma_wait3A_103, %dma_wait3A_104, %dma_wait3A_105] : memref<2x16x20x64xf32, #tpu.memory_space<vmem>> -> memref<1x16x20x64xf32, #tpu.memory_space<vmem>>
        %dma_wait3A_107 = tpu.memref_squeeze %dma_wait3A_106 : memref<1x16x20x64xf32, #tpu.memory_space<vmem>> -> memref<16x20x64xf32, #tpu.memory_space<vmem>>
        %dma_wait3A_108 = arith.constant 0 : i32
        %dma_wait3A_109 = arith.constant 0 : i32
        %dma_wait3A_110 = tpu.memref_slice %arg4[%add3A_48, %dma_wait3A_108, %dma_wait3A_109] : memref<16384x20x64xf32, #tpu.memory_space<hbm>> -> memref<16x20x64xf32, #tpu.memory_space<hbm>>
        %dma_wait3A_111 = arith.constant 0 : i32
        %dma_wait3A_112 = arith.constant 0 : i32
        %dma_wait3A_113 = tpu.memref_slice %arg4[%add3A_48, %dma_wait3A_111, %dma_wait3A_112] : memref<16384x20x64xf32, #tpu.memory_space<hbm>> -> memref<16x20x64xf32, #tpu.memory_space<hbm>>
        %dma_wait3A_114 = arith.constant 0 : i32
        %dma_wait3A_115 = arith.constant 0 : i32
        %dma_wait3A_116 = arith.constant 0 : i32
        %dma_wait3A_117 = tpu.memref_slice %arg6[%run_scoped3A_49, %dma_wait3A_114, %dma_wait3A_115, %dma_wait3A_116] : memref<2x16x20x64xf32, #tpu.memory_space<vmem>> -> memref<1x16x20x64xf32, #tpu.memory_space<vmem>>
        %dma_wait3A_118 = tpu.memref_squeeze %dma_wait3A_117 : memref<1x16x20x64xf32, #tpu.memory_space<vmem>> -> memref<16x20x64xf32, #tpu.memory_space<vmem>>
        tpu.wait_dma2 semaphore(%run_scoped3A_87 : memref<!tpu.dma_semaphore, #tpu.memory_space<semaphore_mem>>) src(%dma_wait3A_118 : memref<16x20x64xf32, #tpu.memory_space<vmem>>) dst(%dma_wait3A_113 : memref<16x20x64xf32, #tpu.memory_space<hbm>>)
        tpu.yield
      }) : () -> ()
      %lt3A = arith.constant 15 : i32
      %lt3A_50 = arith.cmpi slt, %scan3A_20, %lt3A : i32
      %convert_element_type3A = arith.extui %lt3A_50 : i1 to i32
      %cond3A = arith.constant 0 : i32
      %cond3A_51 = arith.cmpi ne, %convert_element_type3A, %cond3A : i32
      scf.if %cond3A_51 {
        %add3A_87 = arith.constant 2 : i32
        %add3A_88 = arith.addi %add3A_24, %add3A_87 : i32
        %run_scoped3A_89 = arith.constant 0 : i32
        "tpu.region"() ({
          %run_scoped3A_95 = tpu.sem_alloc : memref<!tpu.dma_semaphore, #tpu.memory_space<semaphore_mem>>
          %dma_start3A = arith.constant 0 : i32
          %dma_start3A_96 = tpu.memref_slice %arg5[%run_scoped3A_89, %dma_start3A] : memref<2x320xi32, #tpu.memory_space<vmem>> -> memref<1x320xi32, #tpu.memory_space<vmem>>
          %dma_start3A_97 = tpu.memref_squeeze %dma_start3A_96 : memref<1x320xi32, #tpu.memory_space<vmem>> -> memref<320xi32, #tpu.memory_space<vmem>>
          %dma_start3A_98 = arith.constant 0 : i32
          %dma_start3A_99 = tpu.memref_slice %arg3[%add3A, %add3A_88, %dma_start3A_98] : memref<32x32x320xi32, #tpu.memory_space<hbm>> -> memref<1x1x320xi32, #tpu.memory_space<hbm>>
          %dma_start3A_100 = tpu.memref_squeeze %dma_start3A_99 : memref<1x1x320xi32, #tpu.memory_space<hbm>> -> memref<320xi32, #tpu.memory_space<hbm>>
          %dma_start3A_101 = arith.constant 0 : i32
          %dma_start3A_102 = tpu.memref_slice %arg5[%run_scoped3A_89, %dma_start3A_101] : memref<2x320xi32, #tpu.memory_space<vmem>> -> memref<1x320xi32, #tpu.memory_space<vmem>>
          %dma_start3A_103 = tpu.memref_squeeze %dma_start3A_102 : memref<1x320xi32, #tpu.memory_space<vmem>> -> memref<320xi32, #tpu.memory_space<vmem>>
          %dma_start3A_104 = arith.constant 0 : i32
          %dma_start3A_105 = tpu.memref_slice %arg3[%add3A, %add3A_88, %dma_start3A_104] : memref<32x32x320xi32, #tpu.memory_space<hbm>> -> memref<1x1x320xi32, #tpu.memory_space<hbm>>
          %dma_start3A_106 = tpu.memref_squeeze %dma_start3A_105 : memref<1x1x320xi32, #tpu.memory_space<hbm>> -> memref<320xi32, #tpu.memory_space<hbm>>
          tpu.enqueue_dma source(%dma_start3A_106 : memref<320xi32, #tpu.memory_space<hbm>>) target(%dma_start3A_103 : memref<320xi32, #tpu.memory_space<vmem>>) target_semaphore(%run_scoped3A_95 : memref<!tpu.dma_semaphore, #tpu.memory_space<semaphore_mem>>)
          %dma_wait3A_107 = arith.constant 0 : i32
          %dma_wait3A_108 = tpu.memref_slice %arg5[%run_scoped3A_89, %dma_wait3A_107] : memref<2x320xi32, #tpu.memory_space<vmem>> -> memref<1x320xi32, #tpu.memory_space<vmem>>
          %dma_wait3A_109 = tpu.memref_squeeze %dma_wait3A_108 : memref<1x320xi32, #tpu.memory_space<vmem>> -> memref<320xi32, #tpu.memory_space<vmem>>
          %dma_wait3A_110 = arith.constant 0 : i32
          %dma_wait3A_111 = tpu.memref_slice %arg3[%add3A, %add3A_88, %dma_wait3A_110] : memref<32x32x320xi32, #tpu.memory_space<hbm>> -> memref<1x1x320xi32, #tpu.memory_space<hbm>>
          %dma_wait3A_112 = tpu.memref_squeeze %dma_wait3A_111 : memref<1x1x320xi32, #tpu.memory_space<hbm>> -> memref<320xi32, #tpu.memory_space<hbm>>
          %dma_wait3A_113 = arith.constant 0 : i32
          %dma_wait3A_114 = tpu.memref_slice %arg5[%run_scoped3A_89, %dma_wait3A_113] : memref<2x320xi32, #tpu.memory_space<vmem>> -> memref<1x320xi32, #tpu.memory_space<vmem>>
          %dma_wait3A_115 = tpu.memref_squeeze %dma_wait3A_114 : memref<1x320xi32, #tpu.memory_space<vmem>> -> memref<320xi32, #tpu.memory_space<vmem>>
          %dma_wait3A_116 = arith.constant 0 : i32
          %dma_wait3A_117 = tpu.memref_slice %arg3[%add3A, %add3A_88, %dma_wait3A_116] : memref<32x32x320xi32, #tpu.memory_space<hbm>> -> memref<1x1x320xi32, #tpu.memory_space<hbm>>
          %dma_wait3A_118 = tpu.memref_squeeze %dma_wait3A_117 : memref<1x1x320xi32, #tpu.memory_space<hbm>> -> memref<320xi32, #tpu.memory_space<hbm>>
          tpu.wait_dma2 semaphore(%run_scoped3A_95 : memref<!tpu.dma_semaphore, #tpu.memory_space<semaphore_mem>>) src(%dma_wait3A_118 : memref<320xi32, #tpu.memory_space<hbm>>) dst(%dma_wait3A_115 : memref<320xi32, #tpu.memory_space<vmem>>)
          tpu.yield
        }) : () -> ()
        %scan3A_90 = arith.constant 0 : i32
        %scan3A_91 = arith.constant 20 : i32
        %scan3A_92 = arith.addi %scan3A_90, %scan3A_91 : i32
        %scan3A_93 = arith.constant 1 : i32
        scf.for %scan3A_95 = %scan3A_90 to %scan3A_92 step %scan3A_93  : i32 {
          %mul3A_96 = arith.constant 16 : i32
          %mul3A_97 = arith.muli %scan3A_95, %mul3A_96 : i32
          %get3A = arith.constant 0 : i32
          %get3A_98 = arith.index_cast %get3A : i32 to index
          %get3A_99 = arith.index_cast %mul3A_97 : i32 to index
          %get3A_100 = tpu.vector_load %arg5[%get3A_98, %get3A_99] {strides = array<i32>} : memref<2x320xi32, #tpu.memory_space<vmem>>, vector<1x16xi32>,
          %get3A_101 = vector.shape_cast %get3A_100 : vector<1x16xi32> to vector<16xi32>
          %add3A_102 = arith.constant 0 : i32
          %add3A_103 = arith.addi %mul3A_97, %add3A_102 : i32
          %slice3A = vector.extract_strided_slice %get3A_101 {offsets = [0], sizes = [1], strides = [1]} : vector<16xi32> to vector<1xi32>
          %squeeze3A = vector.extract %slice3A[0] : i32 from vector<1xi32>
          %jit3A = arith.constant 20 : i32
          %div3A = arith.divsi %add3A_103, %jit3A : i32
          %sign3A = arith.constant 0 : i32
          %sign3A_104 = arith.cmpi sgt, %add3A_103, %sign3A : i32
          %sign3A_105 = arith.extui %sign3A_104 : i1 to i32
          %sign3A_106 = arith.constant 0 : i32
          %sign3A_107 = arith.cmpi slt, %add3A_103, %sign3A_106 : i32
          %sign3A_108 = arith.extui %sign3A_107 : i1 to i32
          %sign3A_109 = arith.subi %sign3A_105, %sign3A_108 : i32
          %sign3A_110 = arith.constant 0 : i32
          %sign3A_111 = arith.cmpi sgt, %jit3A, %sign3A_110 : i32
          %sign3A_112 = arith.extui %sign3A_111 : i1 to i32
          %sign3A_113 = arith.constant 0 : i32
          %sign3A_114 = arith.cmpi slt, %jit3A, %sign3A_113 : i32
          %sign3A_115 = arith.extui %sign3A_114 : i1 to i32
          %sign3A_116 = arith.subi %sign3A_112, %sign3A_115 : i32
          %ne3A = arith.cmpi ne, %sign3A_109, %sign3A_116 : i32
          %rem3A = arith.remsi %add3A_103, %jit3A : i32
          %ne3A_117 = arith.constant 0 : i32
          %ne3A_118 = arith.cmpi ne, %rem3A, %ne3A_117 : i32
          %and3A = arith.andi %ne3A, %ne3A_118 : i1
          %sub3A = arith.constant 1 : i32
          %sub3A_119 = arith.subi %div3A, %sub3A : i32
          %select_n3A = arith.select %and3A, %sub3A_119, %div3A : i32
          %jit3A_120 = arith.constant 20 : i32
          %eq3A = arith.constant 0 : i32
          %eq3A_121 = arith.cmpi eq, %jit3A_120, %eq3A : i32
          %jit3A_122 = arith.constant 1 : i32
          %select_n3A_123 = arith.select %eq3A_121, %jit3A_122, %jit3A_120 : i32
          %rem3A_124 = arith.remsi %add3A_103, %select_n3A_123 : i32
          %ne3A_125 = arith.constant 0 : i32
          %ne3A_126 = arith.cmpi ne, %rem3A_124, %ne3A_125 : i32
          %lt3A_127 = arith.constant 0 : i32
          %lt3A_128 = arith.cmpi slt, %rem3A_124, %lt3A_127 : i32
          %lt3A_129 = arith.constant 0 : i32
          %lt3A_130 = arith.cmpi slt, %select_n3A_123, %lt3A_129 : i32
          %ne3A_131 = arith.xori %lt3A_128, %lt3A_130 : i1
          %and3A_132 = arith.andi %ne3A_131, %ne3A_126 : i1
          %add3A_133 = arith.addi %rem3A_124, %select_n3A_123 : i32
          %select_n3A_134 = arith.select %and3A_132, %add3A_133, %rem3A_124 : i32
          %dma_start3A = arith.constant 0 : i32
          %dma_start3A_135 = arith.constant 0 : i32
          %dma_start3A_136 = arith.constant 0 : i32
          %dma_start3A_137 = tpu.memref_slice %arg6[%dma_start3A, %select_n3A, %select_n3A_134, %dma_start3A_136] : memref<2x16x20x64xf32, #tpu.memory_space<vmem>> -> memref<1x1x1x64xf32, #tpu.memory_space<vmem>>
          %dma_start3A_138 = tpu.memref_squeeze %dma_start3A_137 : memref<1x1x1x64xf32, #tpu.memory_space<vmem>> -> memref<1x64xf32, #tpu.memory_space<vmem>>
          %dma_start3A_139 = arith.constant 0 : i32
          %dma_start3A_140 = tpu.memref_slice %arg2[%squeeze3A, %dma_start3A_139] : memref<1000001x64xf32, #tpu.memory_space<hbm>> -> memref<1x64xf32, #tpu.memory_space<hbm>>
          %dma_start3A_141 = tpu.memref_slice %arg7[%dma_start3A_135] : memref<2x!tpu.dma_semaphore, #tpu.memory_space<semaphore_mem>> -> memref<1x!tpu.dma_semaphore, #tpu.memory_space<semaphore_mem>>
          %dma_start3A_142 = tpu.memref_squeeze %dma_start3A_141 : memref<1x!tpu.dma_semaphore, #tpu.memory_space<semaphore_mem>> -> memref<!tpu.dma_semaphore, #tpu.memory_space<semaphore_mem>>
          %dma_start3A_143 = arith.constant 0 : i32
          %dma_start3A_144 = tpu.memref_slice %arg6[%dma_start3A, %select_n3A, %select_n3A_134, %dma_start3A_143] : memref<2x16x20x64xf32, #tpu.memory_space<vmem>> -> memref<1x1x1x64xf32, #tpu.memory_space<vmem>>
          %dma_start3A_145 = tpu.memref_squeeze %dma_start3A_144 : memref<1x1x1x64xf32, #tpu.memory_space<vmem>> -> memref<1x64xf32, #tpu.memory_space<vmem>>
          %dma_start3A_146 = arith.constant 0 : i32
          %dma_start3A_147 = tpu.memref_slice %arg2[%squeeze3A, %dma_start3A_146] : memref<1000001x64xf32, #tpu.memory_space<hbm>> -> memref<1x64xf32, #tpu.memory_space<hbm>>
          tpu.enqueue_dma source(%dma_start3A_147 : memref<1x64xf32, #tpu.memory_space<hbm>>) target(%dma_start3A_145 : memref<1x64xf32, #tpu.memory_space<vmem>>) target_semaphore(%dma_start3A_142 : memref<!tpu.dma_semaphore, #tpu.memory_space<semaphore_mem>>)
          %add3A_148 = arith.constant 1 : i32
          %add3A_149 = arith.addi %mul3A_97, %add3A_148 : i32
          %slice3A_150 = vector.extract_strided_slice %get3A_101 {offsets = [1], sizes = [1], strides = [1]} : vector<16xi32> to vector<1xi32>
          %squeeze3A_151 = vector.extract %slice3A_150[0] : i32 from vector<1xi32>
          %jit3A_152 = arith.constant 20 : i32
          %div3A_153 = arith.divsi %add3A_149, %jit3A_152 : i32
          %sign3A_154 = arith.constant 0 : i32
          %sign3A_155 = arith.cmpi sgt, %add3A_149, %sign3A_154 : i32
          %sign3A_156 = arith.extui %sign3A_155 : i1 to i32
          %sign3A_157 = arith.constant 0 : i32
          %sign3A_158 = arith.cmpi slt, %add3A_149, %sign3A_157 : i32
          %sign3A_159 = arith.extui %sign3A_158 : i1 to i32
          %sign3A_160 = arith.subi %sign3A_156, %sign3A_159 : i32
          %sign3A_161 = arith.constant 0 : i32
          %sign3A_162 = arith.cmpi sgt, %jit3A_152, %sign3A_161 : i32
          %sign3A_163 = arith.extui %sign3A_162 : i1 to i32
          %sign3A_164 = arith.constant 0 : i32
          %sign3A_165 = arith.cmpi slt, %jit3A_152, %sign3A_164 : i32
          %sign3A_166 = arith.extui %sign3A_165 : i1 to i32
          %sign3A_167 = arith.subi %sign3A_163, %sign3A_166 : i32
          %ne3A_168 = arith.cmpi ne, %sign3A_160, %sign3A_167 : i32
          %rem3A_169 = arith.remsi %add3A_149, %jit3A_152 : i32
          %ne3A_170 = arith.constant 0 : i32
          %ne3A_171 = arith.cmpi ne, %rem3A_169, %ne3A_170 : i32
          %and3A_172 = arith.andi %ne3A_168, %ne3A_171 : i1
          %sub3A_173 = arith.constant 1 : i32
          %sub3A_174 = arith.subi %div3A_153, %sub3A_173 : i32
          %select_n3A_175 = arith.select %and3A_172, %sub3A_174, %div3A_153 : i32
          %jit3A_176 = arith.constant 20 : i32
          %eq3A_177 = arith.constant 0 : i32
          %eq3A_178 = arith.cmpi eq, %jit3A_176, %eq3A_177 : i32
          %jit3A_179 = arith.constant 1 : i32
          %select_n3A_180 = arith.select %eq3A_178, %jit3A_179, %jit3A_176 : i32
          %rem3A_181 = arith.remsi %add3A_149, %select_n3A_180 : i32
          %ne3A_182 = arith.constant 0 : i32
          %ne3A_183 = arith.cmpi ne, %rem3A_181, %ne3A_182 : i32
          %lt3A_184 = arith.constant 0 : i32
          %lt3A_185 = arith.cmpi slt, %rem3A_181, %lt3A_184 : i32
          %lt3A_186 = arith.constant 0 : i32
          %lt3A_187 = arith.cmpi slt, %select_n3A_180, %lt3A_186 : i32
          %ne3A_188 = arith.xori %lt3A_185, %lt3A_187 : i1
          %and3A_189 = arith.andi %ne3A_188, %ne3A_183 : i1
          %add3A_190 = arith.addi %rem3A_181, %select_n3A_180 : i32
          %select_n3A_191 = arith.select %and3A_189, %add3A_190, %rem3A_181 : i32
          %dma_start3A_192 = arith.constant 0 : i32
          %dma_start3A_193 = arith.constant 0 : i32
          %dma_start3A_194 = arith.constant 0 : i32
          %dma_start3A_195 = tpu.memref_slice %arg6[%dma_start3A_192, %select_n3A_175, %select_n3A_191, %dma_start3A_194] : memref<2x16x20x64xf32, #tpu.memory_space<vmem>> -> memref<1x1x1x64xf32, #tpu.memory_space<vmem>>
          %dma_start3A_196 = tpu.memref_squeeze %dma_start3A_195 : memref<1x1x1x64xf32, #tpu.memory_space<vmem>> -> memref<1x64xf32, #tpu.memory_space<vmem>>
          %dma_start3A_197 = arith.constant 0 : i32
          %dma_start3A_198 = tpu.memref_slice %arg2[%squeeze3A_151, %dma_start3A_197] : memref<1000001x64xf32, #tpu.memory_space<hbm>> -> memref<1x64xf32, #tpu.memory_space<hbm>>
          %dma_start3A_199 = tpu.memref_slice %arg7[%dma_start3A_193] : memref<2x!tpu.dma_semaphore, #tpu.memory_space<semaphore_mem>> -> memref<1x!tpu.dma_semaphore, #tpu.memory_space<semaphore_mem>>
          %dma_start3A_200 = tpu.memref_squeeze %dma_start3A_199 : memref<1x!tpu.dma_semaphore, #tpu.memory_space<semaphore_mem>> -> memref<!tpu.dma_semaphore, #tpu.memory_space<semaphore_mem>>
          %dma_start3A_201 = arith.constant 0 : i32
          %dma_start3A_202 = tpu.memref_slice %arg6[%dma_start3A_192, %select_n3A_175, %select_n3A_191, %dma_start3A_201] : memref<2x16x20x64xf32, #tpu.memory_space<vmem>> -> memref<1x1x1x64xf32, #tpu.memory_space<vmem>>
          %dma_start3A_203 = tpu.memref_squeeze %dma_start3A_202 : memref<1x1x1x64xf32, #tpu.memory_space<vmem>> -> memref<1x64xf32, #tpu.memory_space<vmem>>
          %dma_start3A_204 = arith.constant 0 : i32
          %dma_start3A_205 = tpu.memref_slice %arg2[%squeeze3A_151, %dma_start3A_204] : memref<1000001x64xf32, #tpu.memory_space<hbm>> -> memref<1x64xf32, #tpu.memory_space<hbm>>
          tpu.enqueue_dma source(%dma_start3A_205 : memref<1x64xf32, #tpu.memory_space<hbm>>) target(%dma_start3A_203 : memref<1x64xf32, #tpu.memory_space<vmem>>) target_semaphore(%dma_start3A_200 : memref<!tpu.dma_semaphore, #tpu.memory_space<semaphore_mem>>)
          %add3A_206 = arith.constant 2 : i32
          %add3A_207 = arith.addi %mul3A_97, %add3A_206 : i32
          %slice3A_208 = vector.extract_strided_slice %get3A_101 {offsets = [2], sizes = [1], strides = [1]} : vector<16xi32> to vector<1xi32>
          %squeeze3A_209 = vector.extract %slice3A_208[0] : i32 from vector<1xi32>
          %jit3A_210 = arith.constant 20 : i32
          %div3A_211 = arith.divsi %add3A_207, %jit3A_210 : i32
          %sign3A_212 = arith.constant 0 : i32
          %sign3A_213 = arith.cmpi sgt, %add3A_207, %sign3A_212 : i32
          %sign3A_214 = arith.extui %sign3A_213 : i1 to i32
          %sign3A_215 = arith.constant 0 : i32
          %sign3A_216 = arith.cmpi slt, %add3A_207, %sign3A_215 : i32
          %sign3A_217 = arith.extui %sign3A_216 : i1 to i32
          %sign3A_218 = arith.subi %sign3A_214, %sign3A_217 : i32
          %sign3A_219 = arith.constant 0 : i32
          %sign3A_220 = arith.cmpi sgt, %jit3A_210, %sign3A_219 : i32
          %sign3A_221 = arith.extui %sign3A_220 : i1 to i32
          %sign3A_222 = arith.constant 0 : i32
          %sign3A_223 = arith.cmpi slt, %jit3A_210, %sign3A_222 : i32
          %sign3A_224 = arith.extui %sign3A_223 : i1 to i32
          %sign3A_225 = arith.subi %sign3A_221, %sign3A_224 : i32
          %ne3A_226 = arith.cmpi ne, %sign3A_218, %sign3A_225 : i32
          %rem3A_227 = arith.remsi %add3A_207, %jit3A_210 : i32
          %ne3A_228 = arith.constant 0 : i32
          %ne3A_229 = arith.cmpi ne, %rem3A_227, %ne3A_228 : i32
          %and3A_230 = arith.andi %ne3A_226, %ne3A_229 : i1
          %sub3A_231 = arith.constant 1 : i32
          %sub3A_232 = arith.subi %div3A_211, %sub3A_231 : i32
          %select_n3A_233 = arith.select %and3A_230, %sub3A_232, %div3A_211 : i32
          %jit3A_234 = arith.constant 20 : i32
          %eq3A_235 = arith.constant 0 : i32
          %eq3A_236 = arith.cmpi eq, %jit3A_234, %eq3A_235 : i32
          %jit3A_237 = arith.constant 1 : i32
          %select_n3A_238 = arith.select %eq3A_236, %jit3A_237, %jit3A_234 : i32
          %rem3A_239 = arith.remsi %add3A_207, %select_n3A_238 : i32
          %ne3A_240 = arith.constant 0 : i32
          %ne3A_241 = arith.cmpi ne, %rem3A_239, %ne3A_240 : i32
          %lt3A_242 = arith.constant 0 : i32
          %lt3A_243 = arith.cmpi slt, %rem3A_239, %lt3A_242 : i32
          %lt3A_244 = arith.constant 0 : i32
          %lt3A_245 = arith.cmpi slt, %select_n3A_238, %lt3A_244 : i32
          %ne3A_246 = arith.xori %lt3A_243, %lt3A_245 : i1
          %and3A_247 = arith.andi %ne3A_246, %ne3A_241 : i1
          %add3A_248 = arith.addi %rem3A_239, %select_n3A_238 : i32
          %select_n3A_249 = arith.select %and3A_247, %add3A_248, %rem3A_239 : i32
          %dma_start3A_250 = arith.constant 0 : i32
          %dma_start3A_251 = arith.constant 0 : i32
          %dma_start3A_252 = arith.constant 0 : i32
          %dma_start3A_253 = tpu.memref_slice %arg6[%dma_start3A_250, %select_n3A_233, %select_n3A_249, %dma_start3A_252] : memref<2x16x20x64xf32, #tpu.memory_space<vmem>> -> memref<1x1x1x64xf32, #tpu.memory_space<vmem>>
          %dma_start3A_254 = tpu.memref_squeeze %dma_start3A_253 : memref<1x1x1x64xf32, #tpu.memory_space<vmem>> -> memref<1x64xf32, #tpu.memory_space<vmem>>
          %dma_start3A_255 = arith.constant 0 : i32
          %dma_start3A_256 = tpu.memref_slice %arg2[%squeeze3A_209, %dma_start3A_255] : memref<1000001x64xf32, #tpu.memory_space<hbm>> -> memref<1x64xf32, #tpu.memory_space<hbm>>
          %dma_start3A_257 = tpu.memref_slice %arg7[%dma_start3A_251] : memref<2x!tpu.dma_semaphore, #tpu.memory_space<semaphore_mem>> -> memref<1x!tpu.dma_semaphore, #tpu.memory_space<semaphore_mem>>
          %dma_start3A_258 = tpu.memref_squeeze %dma_start3A_257 : memref<1x!tpu.dma_semaphore, #tpu.memory_space<semaphore_mem>> -> memref<!tpu.dma_semaphore, #tpu.memory_space<semaphore_mem>>
          %dma_start3A_259 = arith.constant 0 : i32
          %dma_start3A_260 = tpu.memref_slice %arg6[%dma_start3A_250, %select_n3A_233, %select_n3A_249, %dma_start3A_259] : memref<2x16x20x64xf32, #tpu.memory_space<vmem>> -> memref<1x1x1x64xf32, #tpu.memory_space<vmem>>
          %dma_start3A_261 = tpu.memref_squeeze %dma_start3A_260 : memref<1x1x1x64xf32, #tpu.memory_space<vmem>> -> memref<1x64xf32, #tpu.memory_space<vmem>>
          %dma_start3A_262 = arith.constant 0 : i32
          %dma_start3A_263 = tpu.memref_slice %arg2[%squeeze3A_209, %dma_start3A_262] : memref<1000001x64xf32, #tpu.memory_space<hbm>> -> memref<1x64xf32, #tpu.memory_space<hbm>>
          tpu.enqueue_dma source(%dma_start3A_263 : memref<1x64xf32, #tpu.memory_space<hbm>>) target(%dma_start3A_261 : memref<1x64xf32, #tpu.memory_space<vmem>>) target_semaphore(%dma_start3A_258 : memref<!tpu.dma_semaphore, #tpu.memory_space<semaphore_mem>>)
          %add3A_264 = arith.constant 3 : i32
          %add3A_265 = arith.addi %mul3A_97, %add3A_264 : i32
          %slice3A_266 = vector.extract_strided_slice %get3A_101 {offsets = [3], sizes = [1], strides = [1]} : vector<16xi32> to vector<1xi32>
          %squeeze3A_267 = vector.extract %slice3A_266[0] : i32 from vector<1xi32>
          %jit3A_268 = arith.constant 20 : i32
          %div3A_269 = arith.divsi %add3A_265, %jit3A_268 : i32
          %sign3A_270 = arith.constant 0 : i32
          %sign3A_271 = arith.cmpi sgt, %add3A_265, %sign3A_270 : i32
          %sign3A_272 = arith.extui %sign3A_271 : i1 to i32
          %sign3A_273 = arith.constant 0 : i32
          %sign3A_274 = arith.cmpi slt, %add3A_265, %sign3A_273 : i32
          %sign3A_275 = arith.extui %sign3A_274 : i1 to i32
          %sign3A_276 = arith.subi %sign3A_272, %sign3A_275 : i32
          %sign3A_277 = arith.constant 0 : i32
          %sign3A_278 = arith.cmpi sgt, %jit3A_268, %sign3A_277 : i32
          %sign3A_279 = arith.extui %sign3A_278 : i1 to i32
          %sign3A_280 = arith.constant 0 : i32
          %sign3A_281 = arith.cmpi slt, %jit3A_268, %sign3A_280 : i32
          %sign3A_282 = arith.extui %sign3A_281 : i1 to i32
          %sign3A_283 = arith.subi %sign3A_279, %sign3A_282 : i32
          %ne3A_284 = arith.cmpi ne, %sign3A_276, %sign3A_283 : i32
          %rem3A_285 = arith.remsi %add3A_265, %jit3A_268 : i32
          %ne3A_286 = arith.constant 0 : i32
          %ne3A_287 = arith.cmpi ne, %rem3A_285, %ne3A_286 : i32
          %and3A_288 = arith.andi %ne3A_284, %ne3A_287 : i1
          %sub3A_289 = arith.constant 1 : i32
          %sub3A_290 = arith.subi %div3A_269, %sub3A_289 : i32
          %select_n3A_291 = arith.select %and3A_288, %sub3A_290, %div3A_269 : i32
          %jit3A_292 = arith.constant 20 : i32
          %eq3A_293 = arith.constant 0 : i32
          %eq3A_294 = arith.cmpi eq, %jit3A_292, %eq3A_293 : i32
          %jit3A_295 = arith.constant 1 : i32
          %select_n3A_296 = arith.select %eq3A_294, %jit3A_295, %jit3A_292 : i32
          %rem3A_297 = arith.remsi %add3A_265, %select_n3A_296 : i32
          %ne3A_298 = arith.constant 0 : i32
          %ne3A_299 = arith.cmpi ne, %rem3A_297, %ne3A_298 : i32
          %lt3A_300 = arith.constant 0 : i32
          %lt3A_301 = arith.cmpi slt, %rem3A_297, %lt3A_300 : i32
          %lt3A_302 = arith.constant 0 : i32
          %lt3A_303 = arith.cmpi slt, %select_n3A_296, %lt3A_302 : i32
          %ne3A_304 = arith.xori %lt3A_301, %lt3A_303 : i1
          %and3A_305 = arith.andi %ne3A_304, %ne3A_299 : i1
          %add3A_306 = arith.addi %rem3A_297, %select_n3A_296 : i32
          %select_n3A_307 = arith.select %and3A_305, %add3A_306, %rem3A_297 : i32
          %dma_start3A_308 = arith.constant 0 : i32
          %dma_start3A_309 = arith.constant 0 : i32
          %dma_start3A_310 = arith.constant 0 : i32
          %dma_start3A_311 = tpu.memref_slice %arg6[%dma_start3A_308, %select_n3A_291, %select_n3A_307, %dma_start3A_310] : memref<2x16x20x64xf32, #tpu.memory_space<vmem>> -> memref<1x1x1x64xf32, #tpu.memory_space<vmem>>
          %dma_start3A_312 = tpu.memref_squeeze %dma_start3A_311 : memref<1x1x1x64xf32, #tpu.memory_space<vmem>> -> memref<1x64xf32, #tpu.memory_space<vmem>>
          %dma_start3A_313 = arith.constant 0 : i32
          %dma_start3A_314 = tpu.memref_slice %arg2[%squeeze3A_267, %dma_start3A_313] : memref<1000001x64xf32, #tpu.memory_space<hbm>> -> memref<1x64xf32, #tpu.memory_space<hbm>>
          %dma_start3A_315 = tpu.memref_slice %arg7[%dma_start3A_309] : memref<2x!tpu.dma_semaphore, #tpu.memory_space<semaphore_mem>> -> memref<1x!tpu.dma_semaphore, #tpu.memory_space<semaphore_mem>>
          %dma_start3A_316 = tpu.memref_squeeze %dma_start3A_315 : memref<1x!tpu.dma_semaphore, #tpu.memory_space<semaphore_mem>> -> memref<!tpu.dma_semaphore, #tpu.memory_space<semaphore_mem>>
          %dma_start3A_317 = arith.constant 0 : i32
          %dma_start3A_318 = tpu.memref_slice %arg6[%dma_start3A_308, %select_n3A_291, %select_n3A_307, %dma_start3A_317] : memref<2x16x20x64xf32, #tpu.memory_space<vmem>> -> memref<1x1x1x64xf32, #tpu.memory_space<vmem>>
          %dma_start3A_319 = tpu.memref_squeeze %dma_start3A_318 : memref<1x1x1x64xf32, #tpu.memory_space<vmem>> -> memref<1x64xf32, #tpu.memory_space<vmem>>
          %dma_start3A_320 = arith.constant 0 : i32
          %dma_start3A_321 = tpu.memref_slice %arg2[%squeeze3A_267, %dma_start3A_320] : memref<1000001x64xf32, #tpu.memory_space<hbm>> -> memref<1x64xf32, #tpu.memory_space<hbm>>
          tpu.enqueue_dma source(%dma_start3A_321 : memref<1x64xf32, #tpu.memory_space<hbm>>) target(%dma_start3A_319 : memref<1x64xf32, #tpu.memory_space<vmem>>) target_semaphore(%dma_start3A_316 : memref<!tpu.dma_semaphore, #tpu.memory_space<semaphore_mem>>)
          %add3A_322 = arith.constant 4 : i32
          %add3A_323 = arith.addi %mul3A_97, %add3A_322 : i32
          %slice3A_324 = vector.extract_strided_slice %get3A_101 {offsets = [4], sizes = [1], strides = [1]} : vector<16xi32> to vector<1xi32>
          %squeeze3A_325 = vector.extract %slice3A_324[0] : i32 from vector<1xi32>
          %jit3A_326 = arith.constant 20 : i32
          %div3A_327 = arith.divsi %add3A_323, %jit3A_326 : i32
          %sign3A_328 = arith.constant 0 : i32
          %sign3A_329 = arith.cmpi sgt, %add3A_323, %sign3A_328 : i32
          %sign3A_330 = arith.extui %sign3A_329 : i1 to i32
          %sign3A_331 = arith.constant 0 : i32
          %sign3A_332 = arith.cmpi slt, %add3A_323, %sign3A_331 : i32
          %sign3A_333 = arith.extui %sign3A_332 : i1 to i32
          %sign3A_334 = arith.subi %sign3A_330, %sign3A_333 : i32
          %sign3A_335 = arith.constant 0 : i32
          %sign3A_336 = arith.cmpi sgt, %jit3A_326, %sign3A_335 : i32
          %sign3A_337 = arith.extui %sign3A_336 : i1 to i32
          %sign3A_338 = arith.constant 0 : i32
          %sign3A_339 = arith.cmpi slt, %jit3A_326, %sign3A_338 : i32
          %sign3A_340 = arith.extui %sign3A_339 : i1 to i32
          %sign3A_341 = arith.subi %sign3A_337, %sign3A_340 : i32
          %ne3A_342 = arith.cmpi ne, %sign3A_334, %sign3A_341 : i32
          %rem3A_343 = arith.remsi %add3A_323, %jit3A_326 : i32
          %ne3A_344 = arith.constant 0 : i32
          %ne3A_345 = arith.cmpi ne, %rem3A_343, %ne3A_344 : i32
          %and3A_346 = arith.andi %ne3A_342, %ne3A_345 : i1
          %sub3A_347 = arith.constant 1 : i32
          %sub3A_348 = arith.subi %div3A_327, %sub3A_347 : i32
          %select_n3A_349 = arith.select %and3A_346, %sub3A_348, %div3A_327 : i32
          %jit3A_350 = arith.constant 20 : i32
          %eq3A_351 = arith.constant 0 : i32
          %eq3A_352 = arith.cmpi eq, %jit3A_350, %eq3A_351 : i32
          %jit3A_353 = arith.constant 1 : i32
          %select_n3A_354 = arith.select %eq3A_352, %jit3A_353, %jit3A_350 : i32
          %rem3A_355 = arith.remsi %add3A_323, %select_n3A_354 : i32
          %ne3A_356 = arith.constant 0 : i32
          %ne3A_357 = arith.cmpi ne, %rem3A_355, %ne3A_356 : i32
          %lt3A_358 = arith.constant 0 : i32
          %lt3A_359 = arith.cmpi slt, %rem3A_355, %lt3A_358 : i32
          %lt3A_360 = arith.constant 0 : i32
          %lt3A_361 = arith.cmpi slt, %select_n3A_354, %lt3A_360 : i32
          %ne3A_362 = arith.xori %lt3A_359, %lt3A_361 : i1
          %and3A_363 = arith.andi %ne3A_362, %ne3A_357 : i1
          %add3A_364 = arith.addi %rem3A_355, %select_n3A_354 : i32
          %select_n3A_365 = arith.select %and3A_363, %add3A_364, %rem3A_355 : i32
          %dma_start3A_366 = arith.constant 0 : i32
          %dma_start3A_367 = arith.constant 0 : i32
          %dma_start3A_368 = arith.constant 0 : i32
          %dma_start3A_369 = tpu.memref_slice %arg6[%dma_start3A_366, %select_n3A_349, %select_n3A_365, %dma_start3A_368] : memref<2x16x20x64xf32, #tpu.memory_space<vmem>> -> memref<1x1x1x64xf32, #tpu.memory_space<vmem>>
          %dma_start3A_370 = tpu.memref_squeeze %dma_start3A_369 : memref<1x1x1x64xf32, #tpu.memory_space<vmem>> -> memref<1x64xf32, #tpu.memory_space<vmem>>
          %dma_start3A_371 = arith.constant 0 : i32
          %dma_start3A_372 = tpu.memref_slice %arg2[%squeeze3A_325, %dma_start3A_371] : memref<1000001x64xf32, #tpu.memory_space<hbm>> -> memref<1x64xf32, #tpu.memory_space<hbm>>
          %dma_start3A_373 = tpu.memref_slice %arg7[%dma_start3A_367] : memref<2x!tpu.dma_semaphore, #tpu.memory_space<semaphore_mem>> -> memref<1x!tpu.dma_semaphore, #tpu.memory_space<semaphore_mem>>
          %dma_start3A_374 = tpu.memref_squeeze %dma_start3A_373 : memref<1x!tpu.dma_semaphore, #tpu.memory_space<semaphore_mem>> -> memref<!tpu.dma_semaphore, #tpu.memory_space<semaphore_mem>>
          %dma_start3A_375 = arith.constant 0 : i32
          %dma_start3A_376 = tpu.memref_slice %arg6[%dma_start3A_366, %select_n3A_349, %select_n3A_365, %dma_start3A_375] : memref<2x16x20x64xf32, #tpu.memory_space<vmem>> -> memref<1x1x1x64xf32, #tpu.memory_space<vmem>>
          %dma_start3A_377 = tpu.memref_squeeze %dma_start3A_376 : memref<1x1x1x64xf32, #tpu.memory_space<vmem>> -> memref<1x64xf32, #tpu.memory_space<vmem>>
          %dma_start3A_378 = arith.constant 0 : i32
          %dma_start3A_379 = tpu.memref_slice %arg2[%squeeze3A_325, %dma_start3A_378] : memref<1000001x64xf32, #tpu.memory_space<hbm>> -> memref<1x64xf32, #tpu.memory_space<hbm>>
          tpu.enqueue_dma source(%dma_start3A_379 : memref<1x64xf32, #tpu.memory_space<hbm>>) target(%dma_start3A_377 : memref<1x64xf32, #tpu.memory_space<vmem>>) target_semaphore(%dma_start3A_374 : memref<!tpu.dma_semaphore, #tpu.memory_space<semaphore_mem>>)
          %add3A_380 = arith.constant 5 : i32
          %add3A_381 = arith.addi %mul3A_97, %add3A_380 : i32
          %slice3A_382 = vector.extract_strided_slice %get3A_101 {offsets = [5], sizes = [1], strides = [1]} : vector<16xi32> to vector<1xi32>
          %squeeze3A_383 = vector.extract %slice3A_382[0] : i32 from vector<1xi32>
          %jit3A_384 = arith.constant 20 : i32
          %div3A_385 = arith.divsi %add3A_381, %jit3A_384 : i32
          %sign3A_386 = arith.constant 0 : i32
          %sign3A_387 = arith.cmpi sgt, %add3A_381, %sign3A_386 : i32
          %sign3A_388 = arith.extui %sign3A_387 : i1 to i32
          %sign3A_389 = arith.constant 0 : i32
          %sign3A_390 = arith.cmpi slt, %add3A_381, %sign3A_389 : i32
          %sign3A_391 = arith.extui %sign3A_390 : i1 to i32
          %sign3A_392 = arith.subi %sign3A_388, %sign3A_391 : i32
          %sign3A_393 = arith.constant 0 : i32
          %sign3A_394 = arith.cmpi sgt, %jit3A_384, %sign3A_393 : i32
          %sign3A_395 = arith.extui %sign3A_394 : i1 to i32
          %sign3A_396 = arith.constant 0 : i32
          %sign3A_397 = arith.cmpi slt, %jit3A_384, %sign3A_396 : i32
          %sign3A_398 = arith.extui %sign3A_397 : i1 to i32
          %sign3A_399 = arith.subi %sign3A_395, %sign3A_398 : i32
          %ne3A_400 = arith.cmpi ne, %sign3A_392, %sign3A_399 : i32
          %rem3A_401 = arith.remsi %add3A_381, %jit3A_384 : i32
          %ne3A_402 = arith.constant 0 : i32
          %ne3A_403 = arith.cmpi ne, %rem3A_401, %ne3A_402 : i32
          %and3A_404 = arith.andi %ne3A_400, %ne3A_403 : i1
          %sub3A_405 = arith.constant 1 : i32
          %sub3A_406 = arith.subi %div3A_385, %sub3A_405 : i32
          %select_n3A_407 = arith.select %and3A_404, %sub3A_406, %div3A_385 : i32
          %jit3A_408 = arith.constant 20 : i32
          %eq3A_409 = arith.constant 0 : i32
          %eq3A_410 = arith.cmpi eq, %jit3A_408, %eq3A_409 : i32
          %jit3A_411 = arith.constant 1 : i32
          %select_n3A_412 = arith.select %eq3A_410, %jit3A_411, %jit3A_408 : i32
          %rem3A_413 = arith.remsi %add3A_381, %select_n3A_412 : i32
          %ne3A_414 = arith.constant 0 : i32
          %ne3A_415 = arith.cmpi ne, %rem3A_413, %ne3A_414 : i32
          %lt3A_416 = arith.constant 0 : i32
          %lt3A_417 = arith.cmpi slt, %rem3A_413, %lt3A_416 : i32
          %lt3A_418 = arith.constant 0 : i32
          %lt3A_419 = arith.cmpi slt, %select_n3A_412, %lt3A_418 : i32
          %ne3A_420 = arith.xori %lt3A_417, %lt3A_419 : i1
          %and3A_421 = arith.andi %ne3A_420, %ne3A_415 : i1
          %add3A_422 = arith.addi %rem3A_413, %select_n3A_412 : i32
          %select_n3A_423 = arith.select %and3A_421, %add3A_422, %rem3A_413 : i32
          %dma_start3A_424 = arith.constant 0 : i32
          %dma_start3A_425 = arith.constant 0 : i32
          %dma_start3A_426 = arith.constant 0 : i32
          %dma_start3A_427 = tpu.memref_slice %arg6[%dma_start3A_424, %select_n3A_407, %select_n3A_423, %dma_start3A_426] : memref<2x16x20x64xf32, #tpu.memory_space<vmem>> -> memref<1x1x1x64xf32, #tpu.memory_space<vmem>>
          %dma_start3A_428 = tpu.memref_squeeze %dma_start3A_427 : memref<1x1x1x64xf32, #tpu.memory_space<vmem>> -> memref<1x64xf32, #tpu.memory_space<vmem>>
          %dma_start3A_429 = arith.constant 0 : i32
          %dma_start3A_430 = tpu.memref_slice %arg2[%squeeze3A_383, %dma_start3A_429] : memref<1000001x64xf32, #tpu.memory_space<hbm>> -> memref<1x64xf32, #tpu.memory_space<hbm>>
          %dma_start3A_431 = tpu.memref_slice %arg7[%dma_start3A_425] : memref<2x!tpu.dma_semaphore, #tpu.memory_space<semaphore_mem>> -> memref<1x!tpu.dma_semaphore, #tpu.memory_space<semaphore_mem>>
          %dma_start3A_432 = tpu.memref_squeeze %dma_start3A_431 : memref<1x!tpu.dma_semaphore, #tpu.memory_space<semaphore_mem>> -> memref<!tpu.dma_semaphore, #tpu.memory_space<semaphore_mem>>
          %dma_start3A_433 = arith.constant 0 : i32
          %dma_start3A_434 = tpu.memref_slice %arg6[%dma_start3A_424, %select_n3A_407, %select_n3A_423, %dma_start3A_433] : memref<2x16x20x64xf32, #tpu.memory_space<vmem>> -> memref<1x1x1x64xf32, #tpu.memory_space<vmem>>
          %dma_start3A_435 = tpu.memref_squeeze %dma_start3A_434 : memref<1x1x1x64xf32, #tpu.memory_space<vmem>> -> memref<1x64xf32, #tpu.memory_space<vmem>>
          %dma_start3A_436 = arith.constant 0 : i32
          %dma_start3A_437 = tpu.memref_slice %arg2[%squeeze3A_383, %dma_start3A_436] : memref<1000001x64xf32, #tpu.memory_space<hbm>> -> memref<1x64xf32, #tpu.memory_space<hbm>>
          tpu.enqueue_dma source(%dma_start3A_437 : memref<1x64xf32, #tpu.memory_space<hbm>>) target(%dma_start3A_435 : memref<1x64xf32, #tpu.memory_space<vmem>>) target_semaphore(%dma_start3A_432 : memref<!tpu.dma_semaphore, #tpu.memory_space<semaphore_mem>>)
          %add3A_438 = arith.constant 6 : i32
          %add3A_439 = arith.addi %mul3A_97, %add3A_438 : i32
          %slice3A_440 = vector.extract_strided_slice %get3A_101 {offsets = [6], sizes = [1], strides = [1]} : vector<16xi32> to vector<1xi32>
          %squeeze3A_441 = vector.extract %slice3A_440[0] : i32 from vector<1xi32>
          %jit3A_442 = arith.constant 20 : i32
          %div3A_443 = arith.divsi %add3A_439, %jit3A_442 : i32
          %sign3A_444 = arith.constant 0 : i32
          %sign3A_445 = arith.cmpi sgt, %add3A_439, %sign3A_444 : i32
          %sign3A_446 = arith.extui %sign3A_445 : i1 to i32
          %sign3A_447 = arith.constant 0 : i32
          %sign3A_448 = arith.cmpi slt, %add3A_439, %sign3A_447 : i32
          %sign3A_449 = arith.extui %sign3A_448 : i1 to i32
          %sign3A_450 = arith.subi %sign3A_446, %sign3A_449 : i32
          %sign3A_451 = arith.constant 0 : i32
          %sign3A_452 = arith.cmpi sgt, %jit3A_442, %sign3A_451 : i32
          %sign3A_453 = arith.extui %sign3A_452 : i1 to i32
          %sign3A_454 = arith.constant 0 : i32
          %sign3A_455 = arith.cmpi slt, %jit3A_442, %sign3A_454 : i32
          %sign3A_456 = arith.extui %sign3A_455 : i1 to i32
          %sign3A_457 = arith.subi %sign3A_453, %sign3A_456 : i32
          %ne3A_458 = arith.cmpi ne, %sign3A_450, %sign3A_457 : i32
          %rem3A_459 = arith.remsi %add3A_439, %jit3A_442 : i32
          %ne3A_460 = arith.constant 0 : i32
          %ne3A_461 = arith.cmpi ne, %rem3A_459, %ne3A_460 : i32
          %and3A_462 = arith.andi %ne3A_458, %ne3A_461 : i1
          %sub3A_463 = arith.constant 1 : i32
          %sub3A_464 = arith.subi %div3A_443, %sub3A_463 : i32
          %select_n3A_465 = arith.select %and3A_462, %sub3A_464, %div3A_443 : i32
          %jit3A_466 = arith.constant 20 : i32
          %eq3A_467 = arith.constant 0 : i32
          %eq3A_468 = arith.cmpi eq, %jit3A_466, %eq3A_467 : i32
          %jit3A_469 = arith.constant 1 : i32
          %select_n3A_470 = arith.select %eq3A_468, %jit3A_469, %jit3A_466 : i32
          %rem3A_471 = arith.remsi %add3A_439, %select_n3A_470 : i32
          %ne3A_472 = arith.constant 0 : i32
          %ne3A_473 = arith.cmpi ne, %rem3A_471, %ne3A_472 : i32
          %lt3A_474 = arith.constant 0 : i32
          %lt3A_475 = arith.cmpi slt, %rem3A_471, %lt3A_474 : i32
          %lt3A_476 = arith.constant 0 : i32
          %lt3A_477 = arith.cmpi slt, %select_n3A_470, %lt3A_476 : i32
          %ne3A_478 = arith.xori %lt3A_475, %lt3A_477 : i1
          %and3A_479 = arith.andi %ne3A_478, %ne3A_473 : i1
          %add3A_480 = arith.addi %rem3A_471, %select_n3A_470 : i32
          %select_n3A_481 = arith.select %and3A_479, %add3A_480, %rem3A_471 : i32
          %dma_start3A_482 = arith.constant 0 : i32
          %dma_start3A_483 = arith.constant 0 : i32
          %dma_start3A_484 = arith.constant 0 : i32
          %dma_start3A_485 = tpu.memref_slice %arg6[%dma_start3A_482, %select_n3A_465, %select_n3A_481, %dma_start3A_484] : memref<2x16x20x64xf32, #tpu.memory_space<vmem>> -> memref<1x1x1x64xf32, #tpu.memory_space<vmem>>
          %dma_start3A_486 = tpu.memref_squeeze %dma_start3A_485 : memref<1x1x1x64xf32, #tpu.memory_space<vmem>> -> memref<1x64xf32, #tpu.memory_space<vmem>>
          %dma_start3A_487 = arith.constant 0 : i32
          %dma_start3A_488 = tpu.memref_slice %arg2[%squeeze3A_441, %dma_start3A_487] : memref<1000001x64xf32, #tpu.memory_space<hbm>> -> memref<1x64xf32, #tpu.memory_space<hbm>>
          %dma_start3A_489 = tpu.memref_slice %arg7[%dma_start3A_483] : memref<2x!tpu.dma_semaphore, #tpu.memory_space<semaphore_mem>> -> memref<1x!tpu.dma_semaphore, #tpu.memory_space<semaphore_mem>>
          %dma_start3A_490 = tpu.memref_squeeze %dma_start3A_489 : memref<1x!tpu.dma_semaphore, #tpu.memory_space<semaphore_mem>> -> memref<!tpu.dma_semaphore, #tpu.memory_space<semaphore_mem>>
          %dma_start3A_491 = arith.constant 0 : i32
          %dma_start3A_492 = tpu.memref_slice %arg6[%dma_start3A_482, %select_n3A_465, %select_n3A_481, %dma_start3A_491] : memref<2x16x20x64xf32, #tpu.memory_space<vmem>> -> memref<1x1x1x64xf32, #tpu.memory_space<vmem>>
          %dma_start3A_493 = tpu.memref_squeeze %dma_start3A_492 : memref<1x1x1x64xf32, #tpu.memory_space<vmem>> -> memref<1x64xf32, #tpu.memory_space<vmem>>
          %dma_start3A_494 = arith.constant 0 : i32
          %dma_start3A_495 = tpu.memref_slice %arg2[%squeeze3A_441, %dma_start3A_494] : memref<1000001x64xf32, #tpu.memory_space<hbm>> -> memref<1x64xf32, #tpu.memory_space<hbm>>
          tpu.enqueue_dma source(%dma_start3A_495 : memref<1x64xf32, #tpu.memory_space<hbm>>) target(%dma_start3A_493 : memref<1x64xf32, #tpu.memory_space<vmem>>) target_semaphore(%dma_start3A_490 : memref<!tpu.dma_semaphore, #tpu.memory_space<semaphore_mem>>)
          %add3A_496 = arith.constant 7 : i32
          %add3A_497 = arith.addi %mul3A_97, %add3A_496 : i32
          %slice3A_498 = vector.extract_strided_slice %get3A_101 {offsets = [7], sizes = [1], strides = [1]} : vector<16xi32> to vector<1xi32>
          %squeeze3A_499 = vector.extract %slice3A_498[0] : i32 from vector<1xi32>
          %jit3A_500 = arith.constant 20 : i32
          %div3A_501 = arith.divsi %add3A_497, %jit3A_500 : i32
          %sign3A_502 = arith.constant 0 : i32
          %sign3A_503 = arith.cmpi sgt, %add3A_497, %sign3A_502 : i32
          %sign3A_504 = arith.extui %sign3A_503 : i1 to i32
          %sign3A_505 = arith.constant 0 : i32
          %sign3A_506 = arith.cmpi slt, %add3A_497, %sign3A_505 : i32
          %sign3A_507 = arith.extui %sign3A_506 : i1 to i32
          %sign3A_508 = arith.subi %sign3A_504, %sign3A_507 : i32
          %sign3A_509 = arith.constant 0 : i32
          %sign3A_510 = arith.cmpi sgt, %jit3A_500, %sign3A_509 : i32
          %sign3A_511 = arith.extui %sign3A_510 : i1 to i32
          %sign3A_512 = arith.constant 0 : i32
          %sign3A_513 = arith.cmpi slt, %jit3A_500, %sign3A_512 : i32
          %sign3A_514 = arith.extui %sign3A_513 : i1 to i32
          %sign3A_515 = arith.subi %sign3A_511, %sign3A_514 : i32
          %ne3A_516 = arith.cmpi ne, %sign3A_508, %sign3A_515 : i32
          %rem3A_517 = arith.remsi %add3A_497, %jit3A_500 : i32
          %ne3A_518 = arith.constant 0 : i32
          %ne3A_519 = arith.cmpi ne, %rem3A_517, %ne3A_518 : i32
          %and3A_520 = arith.andi %ne3A_516, %ne3A_519 : i1
          %sub3A_521 = arith.constant 1 : i32
          %sub3A_522 = arith.subi %div3A_501, %sub3A_521 : i32
          %select_n3A_523 = arith.select %and3A_520, %sub3A_522, %div3A_501 : i32
          %jit3A_524 = arith.constant 20 : i32
          %eq3A_525 = arith.constant 0 : i32
          %eq3A_526 = arith.cmpi eq, %jit3A_524, %eq3A_525 : i32
          %jit3A_527 = arith.constant 1 : i32
          %select_n3A_528 = arith.select %eq3A_526, %jit3A_527, %jit3A_524 : i32
          %rem3A_529 = arith.remsi %add3A_497, %select_n3A_528 : i32
          %ne3A_530 = arith.constant 0 : i32
          %ne3A_531 = arith.cmpi ne, %rem3A_529, %ne3A_530 : i32
          %lt3A_532 = arith.constant 0 : i32
          %lt3A_533 = arith.cmpi slt, %rem3A_529, %lt3A_532 : i32
          %lt3A_534 = arith.constant 0 : i32
          %lt3A_535 = arith.cmpi slt, %select_n3A_528, %lt3A_534 : i32
          %ne3A_536 = arith.xori %lt3A_533, %lt3A_535 : i1
          %and3A_537 = arith.andi %ne3A_536, %ne3A_531 : i1
          %add3A_538 = arith.addi %rem3A_529, %select_n3A_528 : i32
          %select_n3A_539 = arith.select %and3A_537, %add3A_538, %rem3A_529 : i32
          %dma_start3A_540 = arith.constant 0 : i32
          %dma_start3A_541 = arith.constant 0 : i32
          %dma_start3A_542 = arith.constant 0 : i32
          %dma_start3A_543 = tpu.memref_slice %arg6[%dma_start3A_540, %select_n3A_523, %select_n3A_539, %dma_start3A_542] : memref<2x16x20x64xf32, #tpu.memory_space<vmem>> -> memref<1x1x1x64xf32, #tpu.memory_space<vmem>>
          %dma_start3A_544 = tpu.memref_squeeze %dma_start3A_543 : memref<1x1x1x64xf32, #tpu.memory_space<vmem>> -> memref<1x64xf32, #tpu.memory_space<vmem>>
          %dma_start3A_545 = arith.constant 0 : i32
          %dma_start3A_546 = tpu.memref_slice %arg2[%squeeze3A_499, %dma_start3A_545] : memref<1000001x64xf32, #tpu.memory_space<hbm>> -> memref<1x64xf32, #tpu.memory_space<hbm>>
          %dma_start3A_547 = tpu.memref_slice %arg7[%dma_start3A_541] : memref<2x!tpu.dma_semaphore, #tpu.memory_space<semaphore_mem>> -> memref<1x!tpu.dma_semaphore, #tpu.memory_space<semaphore_mem>>
          %dma_start3A_548 = tpu.memref_squeeze %dma_start3A_547 : memref<1x!tpu.dma_semaphore, #tpu.memory_space<semaphore_mem>> -> memref<!tpu.dma_semaphore, #tpu.memory_space<semaphore_mem>>
          %dma_start3A_549 = arith.constant 0 : i32
          %dma_start3A_550 = tpu.memref_slice %arg6[%dma_start3A_540, %select_n3A_523, %select_n3A_539, %dma_start3A_549] : memref<2x16x20x64xf32, #tpu.memory_space<vmem>> -> memref<1x1x1x64xf32, #tpu.memory_space<vmem>>
          %dma_start3A_551 = tpu.memref_squeeze %dma_start3A_550 : memref<1x1x1x64xf32, #tpu.memory_space<vmem>> -> memref<1x64xf32, #tpu.memory_space<vmem>>
          %dma_start3A_552 = arith.constant 0 : i32
          %dma_start3A_553 = tpu.memref_slice %arg2[%squeeze3A_499, %dma_start3A_552] : memref<1000001x64xf32, #tpu.memory_space<hbm>> -> memref<1x64xf32, #tpu.memory_space<hbm>>
          tpu.enqueue_dma source(%dma_start3A_553 : memref<1x64xf32, #tpu.memory_space<hbm>>) target(%dma_start3A_551 : memref<1x64xf32, #tpu.memory_space<vmem>>) target_semaphore(%dma_start3A_548 : memref<!tpu.dma_semaphore, #tpu.memory_space<semaphore_mem>>)
          %add3A_554 = arith.constant 8 : i32
          %add3A_555 = arith.addi %mul3A_97, %add3A_554 : i32
          %slice3A_556 = vector.extract_strided_slice %get3A_101 {offsets = [8], sizes = [1], strides = [1]} : vector<16xi32> to vector<1xi32>
          %squeeze3A_557 = vector.extract %slice3A_556[0] : i32 from vector<1xi32>
          %jit3A_558 = arith.constant 20 : i32
          %div3A_559 = arith.divsi %add3A_555, %jit3A_558 : i32
          %sign3A_560 = arith.constant 0 : i32
          %sign3A_561 = arith.cmpi sgt, %add3A_555, %sign3A_560 : i32
          %sign3A_562 = arith.extui %sign3A_561 : i1 to i32
          %sign3A_563 = arith.constant 0 : i32
          %sign3A_564 = arith.cmpi slt, %add3A_555, %sign3A_563 : i32
          %sign3A_565 = arith.extui %sign3A_564 : i1 to i32
          %sign3A_566 = arith.subi %sign3A_562, %sign3A_565 : i32
          %sign3A_567 = arith.constant 0 : i32
          %sign3A_568 = arith.cmpi sgt, %jit3A_558, %sign3A_567 : i32
          %sign3A_569 = arith.extui %sign3A_568 : i1 to i32
          %sign3A_570 = arith.constant 0 : i32
          %sign3A_571 = arith.cmpi slt, %jit3A_558, %sign3A_570 : i32
          %sign3A_572 = arith.extui %sign3A_571 : i1 to i32
          %sign3A_573 = arith.subi %sign3A_569, %sign3A_572 : i32
          %ne3A_574 = arith.cmpi ne, %sign3A_566, %sign3A_573 : i32
          %rem3A_575 = arith.remsi %add3A_555, %jit3A_558 : i32
          %ne3A_576 = arith.constant 0 : i32
          %ne3A_577 = arith.cmpi ne, %rem3A_575, %ne3A_576 : i32
          %and3A_578 = arith.andi %ne3A_574, %ne3A_577 : i1
          %sub3A_579 = arith.constant 1 : i32
          %sub3A_580 = arith.subi %div3A_559, %sub3A_579 : i32
          %select_n3A_581 = arith.select %and3A_578, %sub3A_580, %div3A_559 : i32
          %jit3A_582 = arith.constant 20 : i32
          %eq3A_583 = arith.constant 0 : i32
          %eq3A_584 = arith.cmpi eq, %jit3A_582, %eq3A_583 : i32
          %jit3A_585 = arith.constant 1 : i32
          %select_n3A_586 = arith.select %eq3A_584, %jit3A_585, %jit3A_582 : i32
          %rem3A_587 = arith.remsi %add3A_555, %select_n3A_586 : i32
          %ne3A_588 = arith.constant 0 : i32
          %ne3A_589 = arith.cmpi ne, %rem3A_587, %ne3A_588 : i32
          %lt3A_590 = arith.constant 0 : i32
          %lt3A_591 = arith.cmpi slt, %rem3A_587, %lt3A_590 : i32
          %lt3A_592 = arith.constant 0 : i32
          %lt3A_593 = arith.cmpi slt, %select_n3A_586, %lt3A_592 : i32
          %ne3A_594 = arith.xori %lt3A_591, %lt3A_593 : i1
          %and3A_595 = arith.andi %ne3A_594, %ne3A_589 : i1
          %add3A_596 = arith.addi %rem3A_587, %select_n3A_586 : i32
          %select_n3A_597 = arith.select %and3A_595, %add3A_596, %rem3A_587 : i32
          %dma_start3A_598 = arith.constant 0 : i32
          %dma_start3A_599 = arith.constant 0 : i32
          %dma_start3A_600 = arith.constant 0 : i32
          %dma_start3A_601 = tpu.memref_slice %arg6[%dma_start3A_598, %select_n3A_581, %select_n3A_597, %dma_start3A_600] : memref<2x16x20x64xf32, #tpu.memory_space<vmem>> -> memref<1x1x1x64xf32, #tpu.memory_space<vmem>>
          %dma_start3A_602 = tpu.memref_squeeze %dma_start3A_601 : memref<1x1x1x64xf32, #tpu.memory_space<vmem>> -> memref<1x64xf32, #tpu.memory_space<vmem>>
          %dma_start3A_603 = arith.constant 0 : i32
          %dma_start3A_604 = tpu.memref_slice %arg2[%squeeze3A_557, %dma_start3A_603] : memref<1000001x64xf32, #tpu.memory_space<hbm>> -> memref<1x64xf32, #tpu.memory_space<hbm>>
          %dma_start3A_605 = tpu.memref_slice %arg7[%dma_start3A_599] : memref<2x!tpu.dma_semaphore, #tpu.memory_space<semaphore_mem>> -> memref<1x!tpu.dma_semaphore, #tpu.memory_space<semaphore_mem>>
          %dma_start3A_606 = tpu.memref_squeeze %dma_start3A_605 : memref<1x!tpu.dma_semaphore, #tpu.memory_space<semaphore_mem>> -> memref<!tpu.dma_semaphore, #tpu.memory_space<semaphore_mem>>
          %dma_start3A_607 = arith.constant 0 : i32
          %dma_start3A_608 = tpu.memref_slice %arg6[%dma_start3A_598, %select_n3A_581, %select_n3A_597, %dma_start3A_607] : memref<2x16x20x64xf32, #tpu.memory_space<vmem>> -> memref<1x1x1x64xf32, #tpu.memory_space<vmem>>
          %dma_start3A_609 = tpu.memref_squeeze %dma_start3A_608 : memref<1x1x1x64xf32, #tpu.memory_space<vmem>> -> memref<1x64xf32, #tpu.memory_space<vmem>>
          %dma_start3A_610 = arith.constant 0 : i32
          %dma_start3A_611 = tpu.memref_slice %arg2[%squeeze3A_557, %dma_start3A_610] : memref<1000001x64xf32, #tpu.memory_space<hbm>> -> memref<1x64xf32, #tpu.memory_space<hbm>>
          tpu.enqueue_dma source(%dma_start3A_611 : memref<1x64xf32, #tpu.memory_space<hbm>>) target(%dma_start3A_609 : memref<1x64xf32, #tpu.memory_space<vmem>>) target_semaphore(%dma_start3A_606 : memref<!tpu.dma_semaphore, #tpu.memory_space<semaphore_mem>>)
          %add3A_612 = arith.constant 9 : i32
          %add3A_613 = arith.addi %mul3A_97, %add3A_612 : i32
          %slice3A_614 = vector.extract_strided_slice %get3A_101 {offsets = [9], sizes = [1], strides = [1]} : vector<16xi32> to vector<1xi32>
          %squeeze3A_615 = vector.extract %slice3A_614[0] : i32 from vector<1xi32>
          %jit3A_616 = arith.constant 20 : i32
          %div3A_617 = arith.divsi %add3A_613, %jit3A_616 : i32
          %sign3A_618 = arith.constant 0 : i32
          %sign3A_619 = arith.cmpi sgt, %add3A_613, %sign3A_618 : i32
          %sign3A_620 = arith.extui %sign3A_619 : i1 to i32
          %sign3A_621 = arith.constant 0 : i32
          %sign3A_622 = arith.cmpi slt, %add3A_613, %sign3A_621 : i32
          %sign3A_623 = arith.extui %sign3A_622 : i1 to i32
          %sign3A_624 = arith.subi %sign3A_620, %sign3A_623 : i32
          %sign3A_625 = arith.constant 0 : i32
          %sign3A_626 = arith.cmpi sgt, %jit3A_616, %sign3A_625 : i32
          %sign3A_627 = arith.extui %sign3A_626 : i1 to i32
          %sign3A_628 = arith.constant 0 : i32
          %sign3A_629 = arith.cmpi slt, %jit3A_616, %sign3A_628 : i32
          %sign3A_630 = arith.extui %sign3A_629 : i1 to i32
          %sign3A_631 = arith.subi %sign3A_627, %sign3A_630 : i32
          %ne3A_632 = arith.cmpi ne, %sign3A_624, %sign3A_631 : i32
          %rem3A_633 = arith.remsi %add3A_613, %jit3A_616 : i32
          %ne3A_634 = arith.constant 0 : i32
          %ne3A_635 = arith.cmpi ne, %rem3A_633, %ne3A_634 : i32
          %and3A_636 = arith.andi %ne3A_632, %ne3A_635 : i1
          %sub3A_637 = arith.constant 1 : i32
          %sub3A_638 = arith.subi %div3A_617, %sub3A_637 : i32
          %select_n3A_639 = arith.select %and3A_636, %sub3A_638, %div3A_617 : i32
          %jit3A_640 = arith.constant 20 : i32
          %eq3A_641 = arith.constant 0 : i32
          %eq3A_642 = arith.cmpi eq, %jit3A_640, %eq3A_641 : i32
          %jit3A_643 = arith.constant 1 : i32
          %select_n3A_644 = arith.select %eq3A_642, %jit3A_643, %jit3A_640 : i32
          %rem3A_645 = arith.remsi %add3A_613, %select_n3A_644 : i32
          %ne3A_646 = arith.constant 0 : i32
          %ne3A_647 = arith.cmpi ne, %rem3A_645, %ne3A_646 : i32
          %lt3A_648 = arith.constant 0 : i32
          %lt3A_649 = arith.cmpi slt, %rem3A_645, %lt3A_648 : i32
          %lt3A_650 = arith.constant 0 : i32
          %lt3A_651 = arith.cmpi slt, %select_n3A_644, %lt3A_650 : i32
          %ne3A_652 = arith.xori %lt3A_649, %lt3A_651 : i1
          %and3A_653 = arith.andi %ne3A_652, %ne3A_647 : i1
          %add3A_654 = arith.addi %rem3A_645, %select_n3A_644 : i32
          %select_n3A_655 = arith.select %and3A_653, %add3A_654, %rem3A_645 : i32
          %dma_start3A_656 = arith.constant 0 : i32
          %dma_start3A_657 = arith.constant 0 : i32
          %dma_start3A_658 = arith.constant 0 : i32
          %dma_start3A_659 = tpu.memref_slice %arg6[%dma_start3A_656, %select_n3A_639, %select_n3A_655, %dma_start3A_658] : memref<2x16x20x64xf32, #tpu.memory_space<vmem>> -> memref<1x1x1x64xf32, #tpu.memory_space<vmem>>
          %dma_start3A_660 = tpu.memref_squeeze %dma_start3A_659 : memref<1x1x1x64xf32, #tpu.memory_space<vmem>> -> memref<1x64xf32, #tpu.memory_space<vmem>>
          %dma_start3A_661 = arith.constant 0 : i32
          %dma_start3A_662 = tpu.memref_slice %arg2[%squeeze3A_615, %dma_start3A_661] : memref<1000001x64xf32, #tpu.memory_space<hbm>> -> memref<1x64xf32, #tpu.memory_space<hbm>>
          %dma_start3A_663 = tpu.memref_slice %arg7[%dma_start3A_657] : memref<2x!tpu.dma_semaphore, #tpu.memory_space<semaphore_mem>> -> memref<1x!tpu.dma_semaphore, #tpu.memory_space<semaphore_mem>>
          %dma_start3A_664 = tpu.memref_squeeze %dma_start3A_663 : memref<1x!tpu.dma_semaphore, #tpu.memory_space<semaphore_mem>> -> memref<!tpu.dma_semaphore, #tpu.memory_space<semaphore_mem>>
          %dma_start3A_665 = arith.constant 0 : i32
          %dma_start3A_666 = tpu.memref_slice %arg6[%dma_start3A_656, %select_n3A_639, %select_n3A_655, %dma_start3A_665] : memref<2x16x20x64xf32, #tpu.memory_space<vmem>> -> memref<1x1x1x64xf32, #tpu.memory_space<vmem>>
          %dma_start3A_667 = tpu.memref_squeeze %dma_start3A_666 : memref<1x1x1x64xf32, #tpu.memory_space<vmem>> -> memref<1x64xf32, #tpu.memory_space<vmem>>
          %dma_start3A_668 = arith.constant 0 : i32
          %dma_start3A_669 = tpu.memref_slice %arg2[%squeeze3A_615, %dma_start3A_668] : memref<1000001x64xf32, #tpu.memory_space<hbm>> -> memref<1x64xf32, #tpu.memory_space<hbm>>
          tpu.enqueue_dma source(%dma_start3A_669 : memref<1x64xf32, #tpu.memory_space<hbm>>) target(%dma_start3A_667 : memref<1x64xf32, #tpu.memory_space<vmem>>) target_semaphore(%dma_start3A_664 : memref<!tpu.dma_semaphore, #tpu.memory_space<semaphore_mem>>)
          %add3A_670 = arith.constant 10 : i32
          %add3A_671 = arith.addi %mul3A_97, %add3A_670 : i32
          %slice3A_672 = vector.extract_strided_slice %get3A_101 {offsets = [10], sizes = [1], strides = [1]} : vector<16xi32> to vector<1xi32>
          %squeeze3A_673 = vector.extract %slice3A_672[0] : i32 from vector<1xi32>
          %jit3A_674 = arith.constant 20 : i32
          %div3A_675 = arith.divsi %add3A_671, %jit3A_674 : i32
          %sign3A_676 = arith.constant 0 : i32
          %sign3A_677 = arith.cmpi sgt, %add3A_671, %sign3A_676 : i32
          %sign3A_678 = arith.extui %sign3A_677 : i1 to i32
          %sign3A_679 = arith.constant 0 : i32
          %sign3A_680 = arith.cmpi slt, %add3A_671, %sign3A_679 : i32
          %sign3A_681 = arith.extui %sign3A_680 : i1 to i32
          %sign3A_682 = arith.subi %sign3A_678, %sign3A_681 : i32
          %sign3A_683 = arith.constant 0 : i32
          %sign3A_684 = arith.cmpi sgt, %jit3A_674, %sign3A_683 : i32
          %sign3A_685 = arith.extui %sign3A_684 : i1 to i32
          %sign3A_686 = arith.constant 0 : i32
          %sign3A_687 = arith.cmpi slt, %jit3A_674, %sign3A_686 : i32
          %sign3A_688 = arith.extui %sign3A_687 : i1 to i32
          %sign3A_689 = arith.subi %sign3A_685, %sign3A_688 : i32
          %ne3A_690 = arith.cmpi ne, %sign3A_682, %sign3A_689 : i32
          %rem3A_691 = arith.remsi %add3A_671, %jit3A_674 : i32
          %ne3A_692 = arith.constant 0 : i32
          %ne3A_693 = arith.cmpi ne, %rem3A_691, %ne3A_692 : i32
          %and3A_694 = arith.andi %ne3A_690, %ne3A_693 : i1
          %sub3A_695 = arith.constant 1 : i32
          %sub3A_696 = arith.subi %div3A_675, %sub3A_695 : i32
          %select_n3A_697 = arith.select %and3A_694, %sub3A_696, %div3A_675 : i32
          %jit3A_698 = arith.constant 20 : i32
          %eq3A_699 = arith.constant 0 : i32
          %eq3A_700 = arith.cmpi eq, %jit3A_698, %eq3A_699 : i32
          %jit3A_701 = arith.constant 1 : i32
          %select_n3A_702 = arith.select %eq3A_700, %jit3A_701, %jit3A_698 : i32
          %rem3A_703 = arith.remsi %add3A_671, %select_n3A_702 : i32
          %ne3A_704 = arith.constant 0 : i32
          %ne3A_705 = arith.cmpi ne, %rem3A_703, %ne3A_704 : i32
          %lt3A_706 = arith.constant 0 : i32
          %lt3A_707 = arith.cmpi slt, %rem3A_703, %lt3A_706 : i32
          %lt3A_708 = arith.constant 0 : i32
          %lt3A_709 = arith.cmpi slt, %select_n3A_702, %lt3A_708 : i32
          %ne3A_710 = arith.xori %lt3A_707, %lt3A_709 : i1
          %and3A_711 = arith.andi %ne3A_710, %ne3A_705 : i1
          %add3A_712 = arith.addi %rem3A_703, %select_n3A_702 : i32
          %select_n3A_713 = arith.select %and3A_711, %add3A_712, %rem3A_703 : i32
          %dma_start3A_714 = arith.constant 0 : i32
          %dma_start3A_715 = arith.constant 0 : i32
          %dma_start3A_716 = arith.constant 0 : i32
          %dma_start3A_717 = tpu.memref_slice %arg6[%dma_start3A_714, %select_n3A_697, %select_n3A_713, %dma_start3A_716] : memref<2x16x20x64xf32, #tpu.memory_space<vmem>> -> memref<1x1x1x64xf32, #tpu.memory_space<vmem>>
          %dma_start3A_718 = tpu.memref_squeeze %dma_start3A_717 : memref<1x1x1x64xf32, #tpu.memory_space<vmem>> -> memref<1x64xf32, #tpu.memory_space<vmem>>
          %dma_start3A_719 = arith.constant 0 : i32
          %dma_start3A_720 = tpu.memref_slice %arg2[%squeeze3A_673, %dma_start3A_719] : memref<1000001x64xf32, #tpu.memory_space<hbm>> -> memref<1x64xf32, #tpu.memory_space<hbm>>
          %dma_start3A_721 = tpu.memref_slice %arg7[%dma_start3A_715] : memref<2x!tpu.dma_semaphore, #tpu.memory_space<semaphore_mem>> -> memref<1x!tpu.dma_semaphore, #tpu.memory_space<semaphore_mem>>
          %dma_start3A_722 = tpu.memref_squeeze %dma_start3A_721 : memref<1x!tpu.dma_semaphore, #tpu.memory_space<semaphore_mem>> -> memref<!tpu.dma_semaphore, #tpu.memory_space<semaphore_mem>>
          %dma_start3A_723 = arith.constant 0 : i32
          %dma_start3A_724 = tpu.memref_slice %arg6[%dma_start3A_714, %select_n3A_697, %select_n3A_713, %dma_start3A_723] : memref<2x16x20x64xf32, #tpu.memory_space<vmem>> -> memref<1x1x1x64xf32, #tpu.memory_space<vmem>>
          %dma_start3A_725 = tpu.memref_squeeze %dma_start3A_724 : memref<1x1x1x64xf32, #tpu.memory_space<vmem>> -> memref<1x64xf32, #tpu.memory_space<vmem>>
          %dma_start3A_726 = arith.constant 0 : i32
          %dma_start3A_727 = tpu.memref_slice %arg2[%squeeze3A_673, %dma_start3A_726] : memref<1000001x64xf32, #tpu.memory_space<hbm>> -> memref<1x64xf32, #tpu.memory_space<hbm>>
          tpu.enqueue_dma source(%dma_start3A_727 : memref<1x64xf32, #tpu.memory_space<hbm>>) target(%dma_start3A_725 : memref<1x64xf32, #tpu.memory_space<vmem>>) target_semaphore(%dma_start3A_722 : memref<!tpu.dma_semaphore, #tpu.memory_space<semaphore_mem>>)
          %add3A_728 = arith.constant 11 : i32
          %add3A_729 = arith.addi %mul3A_97, %add3A_728 : i32
          %slice3A_730 = vector.extract_strided_slice %get3A_101 {offsets = [11], sizes = [1], strides = [1]} : vector<16xi32> to vector<1xi32>
          %squeeze3A_731 = vector.extract %slice3A_730[0] : i32 from vector<1xi32>
          %jit3A_732 = arith.constant 20 : i32
          %div3A_733 = arith.divsi %add3A_729, %jit3A_732 : i32
          %sign3A_734 = arith.constant 0 : i32
          %sign3A_735 = arith.cmpi sgt, %add3A_729, %sign3A_734 : i32
          %sign3A_736 = arith.extui %sign3A_735 : i1 to i32
          %sign3A_737 = arith.constant 0 : i32
          %sign3A_738 = arith.cmpi slt, %add3A_729, %sign3A_737 : i32
          %sign3A_739 = arith.extui %sign3A_738 : i1 to i32
          %sign3A_740 = arith.subi %sign3A_736, %sign3A_739 : i32
          %sign3A_741 = arith.constant 0 : i32
          %sign3A_742 = arith.cmpi sgt, %jit3A_732, %sign3A_741 : i32
          %sign3A_743 = arith.extui %sign3A_742 : i1 to i32
          %sign3A_744 = arith.constant 0 : i32
          %sign3A_745 = arith.cmpi slt, %jit3A_732, %sign3A_744 : i32
          %sign3A_746 = arith.extui %sign3A_745 : i1 to i32
          %sign3A_747 = arith.subi %sign3A_743, %sign3A_746 : i32
          %ne3A_748 = arith.cmpi ne, %sign3A_740, %sign3A_747 : i32
          %rem3A_749 = arith.remsi %add3A_729, %jit3A_732 : i32
          %ne3A_750 = arith.constant 0 : i32
          %ne3A_751 = arith.cmpi ne, %rem3A_749, %ne3A_750 : i32
          %and3A_752 = arith.andi %ne3A_748, %ne3A_751 : i1
          %sub3A_753 = arith.constant 1 : i32
          %sub3A_754 = arith.subi %div3A_733, %sub3A_753 : i32
          %select_n3A_755 = arith.select %and3A_752, %sub3A_754, %div3A_733 : i32
          %jit3A_756 = arith.constant 20 : i32
          %eq3A_757 = arith.constant 0 : i32
          %eq3A_758 = arith.cmpi eq, %jit3A_756, %eq3A_757 : i32
          %jit3A_759 = arith.constant 1 : i32
          %select_n3A_760 = arith.select %eq3A_758, %jit3A_759, %jit3A_756 : i32
          %rem3A_761 = arith.remsi %add3A_729, %select_n3A_760 : i32
          %ne3A_762 = arith.constant 0 : i32
          %ne3A_763 = arith.cmpi ne, %rem3A_761, %ne3A_762 : i32
          %lt3A_764 = arith.constant 0 : i32
          %lt3A_765 = arith.cmpi slt, %rem3A_761, %lt3A_764 : i32
          %lt3A_766 = arith.constant 0 : i32
          %lt3A_767 = arith.cmpi slt, %select_n3A_760, %lt3A_766 : i32
          %ne3A_768 = arith.xori %lt3A_765, %lt3A_767 : i1
          %and3A_769 = arith.andi %ne3A_768, %ne3A_763 : i1
          %add3A_770 = arith.addi %rem3A_761, %select_n3A_760 : i32
          %select_n3A_771 = arith.select %and3A_769, %add3A_770, %rem3A_761 : i32
          %dma_start3A_772 = arith.constant 0 : i32
          %dma_start3A_773 = arith.constant 0 : i32
          %dma_start3A_774 = arith.constant 0 : i32
          %dma_start3A_775 = tpu.memref_slice %arg6[%dma_start3A_772, %select_n3A_755, %select_n3A_771, %dma_start3A_774] : memref<2x16x20x64xf32, #tpu.memory_space<vmem>> -> memref<1x1x1x64xf32, #tpu.memory_space<vmem>>
          %dma_start3A_776 = tpu.memref_squeeze %dma_start3A_775 : memref<1x1x1x64xf32, #tpu.memory_space<vmem>> -> memref<1x64xf32, #tpu.memory_space<vmem>>
          %dma_start3A_777 = arith.constant 0 : i32
          %dma_start3A_778 = tpu.memref_slice %arg2[%squeeze3A_731, %dma_start3A_777] : memref<1000001x64xf32, #tpu.memory_space<hbm>> -> memref<1x64xf32, #tpu.memory_space<hbm>>
          %dma_start3A_779 = tpu.memref_slice %arg7[%dma_start3A_773] : memref<2x!tpu.dma_semaphore, #tpu.memory_space<semaphore_mem>> -> memref<1x!tpu.dma_semaphore, #tpu.memory_space<semaphore_mem>>
          %dma_start3A_780 = tpu.memref_squeeze %dma_start3A_779 : memref<1x!tpu.dma_semaphore, #tpu.memory_space<semaphore_mem>> -> memref<!tpu.dma_semaphore, #tpu.memory_space<semaphore_mem>>
          %dma_start3A_781 = arith.constant 0 : i32
          %dma_start3A_782 = tpu.memref_slice %arg6[%dma_start3A_772, %select_n3A_755, %select_n3A_771, %dma_start3A_781] : memref<2x16x20x64xf32, #tpu.memory_space<vmem>> -> memref<1x1x1x64xf32, #tpu.memory_space<vmem>>
          %dma_start3A_783 = tpu.memref_squeeze %dma_start3A_782 : memref<1x1x1x64xf32, #tpu.memory_space<vmem>> -> memref<1x64xf32, #tpu.memory_space<vmem>>
          %dma_start3A_784 = arith.constant 0 : i32
          %dma_start3A_785 = tpu.memref_slice %arg2[%squeeze3A_731, %dma_start3A_784] : memref<1000001x64xf32, #tpu.memory_space<hbm>> -> memref<1x64xf32, #tpu.memory_space<hbm>>
          tpu.enqueue_dma source(%dma_start3A_785 : memref<1x64xf32, #tpu.memory_space<hbm>>) target(%dma_start3A_783 : memref<1x64xf32, #tpu.memory_space<vmem>>) target_semaphore(%dma_start3A_780 : memref<!tpu.dma_semaphore, #tpu.memory_space<semaphore_mem>>)
          %add3A_786 = arith.constant 12 : i32
          %add3A_787 = arith.addi %mul3A_97, %add3A_786 : i32
          %slice3A_788 = vector.extract_strided_slice %get3A_101 {offsets = [12], sizes = [1], strides = [1]} : vector<16xi32> to vector<1xi32>
          %squeeze3A_789 = vector.extract %slice3A_788[0] : i32 from vector<1xi32>
          %jit3A_790 = arith.constant 20 : i32
          %div3A_791 = arith.divsi %add3A_787, %jit3A_790 : i32
          %sign3A_792 = arith.constant 0 : i32
          %sign3A_793 = arith.cmpi sgt, %add3A_787, %sign3A_792 : i32
          %sign3A_794 = arith.extui %sign3A_793 : i1 to i32
          %sign3A_795 = arith.constant 0 : i32
          %sign3A_796 = arith.cmpi slt, %add3A_787, %sign3A_795 : i32
          %sign3A_797 = arith.extui %sign3A_796 : i1 to i32
          %sign3A_798 = arith.subi %sign3A_794, %sign3A_797 : i32
          %sign3A_799 = arith.constant 0 : i32
          %sign3A_800 = arith.cmpi sgt, %jit3A_790, %sign3A_799 : i32
          %sign3A_801 = arith.extui %sign3A_800 : i1 to i32
          %sign3A_802 = arith.constant 0 : i32
          %sign3A_803 = arith.cmpi slt, %jit3A_790, %sign3A_802 : i32
          %sign3A_804 = arith.extui %sign3A_803 : i1 to i32
          %sign3A_805 = arith.subi %sign3A_801, %sign3A_804 : i32
          %ne3A_806 = arith.cmpi ne, %sign3A_798, %sign3A_805 : i32
          %rem3A_807 = arith.remsi %add3A_787, %jit3A_790 : i32
          %ne3A_808 = arith.constant 0 : i32
          %ne3A_809 = arith.cmpi ne, %rem3A_807, %ne3A_808 : i32
          %and3A_810 = arith.andi %ne3A_806, %ne3A_809 : i1
          %sub3A_811 = arith.constant 1 : i32
          %sub3A_812 = arith.subi %div3A_791, %sub3A_811 : i32
          %select_n3A_813 = arith.select %and3A_810, %sub3A_812, %div3A_791 : i32
          %jit3A_814 = arith.constant 20 : i32
          %eq3A_815 = arith.constant 0 : i32
          %eq3A_816 = arith.cmpi eq, %jit3A_814, %eq3A_815 : i32
          %jit3A_817 = arith.constant 1 : i32
          %select_n3A_818 = arith.select %eq3A_816, %jit3A_817, %jit3A_814 : i32
          %rem3A_819 = arith.remsi %add3A_787, %select_n3A_818 : i32
          %ne3A_820 = arith.constant 0 : i32
          %ne3A_821 = arith.cmpi ne, %rem3A_819, %ne3A_820 : i32
          %lt3A_822 = arith.constant 0 : i32
          %lt3A_823 = arith.cmpi slt, %rem3A_819, %lt3A_822 : i32
          %lt3A_824 = arith.constant 0 : i32
          %lt3A_825 = arith.cmpi slt, %select_n3A_818, %lt3A_824 : i32
          %ne3A_826 = arith.xori %lt3A_823, %lt3A_825 : i1
          %and3A_827 = arith.andi %ne3A_826, %ne3A_821 : i1
          %add3A_828 = arith.addi %rem3A_819, %select_n3A_818 : i32
          %select_n3A_829 = arith.select %and3A_827, %add3A_828, %rem3A_819 : i32
          %dma_start3A_830 = arith.constant 0 : i32
          %dma_start3A_831 = arith.constant 0 : i32
          %dma_start3A_832 = arith.constant 0 : i32
          %dma_start3A_833 = tpu.memref_slice %arg6[%dma_start3A_830, %select_n3A_813, %select_n3A_829, %dma_start3A_832] : memref<2x16x20x64xf32, #tpu.memory_space<vmem>> -> memref<1x1x1x64xf32, #tpu.memory_space<vmem>>
          %dma_start3A_834 = tpu.memref_squeeze %dma_start3A_833 : memref<1x1x1x64xf32, #tpu.memory_space<vmem>> -> memref<1x64xf32, #tpu.memory_space<vmem>>
          %dma_start3A_835 = arith.constant 0 : i32
          %dma_start3A_836 = tpu.memref_slice %arg2[%squeeze3A_789, %dma_start3A_835] : memref<1000001x64xf32, #tpu.memory_space<hbm>> -> memref<1x64xf32, #tpu.memory_space<hbm>>
          %dma_start3A_837 = tpu.memref_slice %arg7[%dma_start3A_831] : memref<2x!tpu.dma_semaphore, #tpu.memory_space<semaphore_mem>> -> memref<1x!tpu.dma_semaphore, #tpu.memory_space<semaphore_mem>>
          %dma_start3A_838 = tpu.memref_squeeze %dma_start3A_837 : memref<1x!tpu.dma_semaphore, #tpu.memory_space<semaphore_mem>> -> memref<!tpu.dma_semaphore, #tpu.memory_space<semaphore_mem>>
          %dma_start3A_839 = arith.constant 0 : i32
          %dma_start3A_840 = tpu.memref_slice %arg6[%dma_start3A_830, %select_n3A_813, %select_n3A_829, %dma_start3A_839] : memref<2x16x20x64xf32, #tpu.memory_space<vmem>> -> memref<1x1x1x64xf32, #tpu.memory_space<vmem>>
          %dma_start3A_841 = tpu.memref_squeeze %dma_start3A_840 : memref<1x1x1x64xf32, #tpu.memory_space<vmem>> -> memref<1x64xf32, #tpu.memory_space<vmem>>
          %dma_start3A_842 = arith.constant 0 : i32
          %dma_start3A_843 = tpu.memref_slice %arg2[%squeeze3A_789, %dma_start3A_842] : memref<1000001x64xf32, #tpu.memory_space<hbm>> -> memref<1x64xf32, #tpu.memory_space<hbm>>
          tpu.enqueue_dma source(%dma_start3A_843 : memref<1x64xf32, #tpu.memory_space<hbm>>) target(%dma_start3A_841 : memref<1x64xf32, #tpu.memory_space<vmem>>) target_semaphore(%dma_start3A_838 : memref<!tpu.dma_semaphore, #tpu.memory_space<semaphore_mem>>)
          %add3A_844 = arith.constant 13 : i32
          %add3A_845 = arith.addi %mul3A_97, %add3A_844 : i32
          %slice3A_846 = vector.extract_strided_slice %get3A_101 {offsets = [13], sizes = [1], strides = [1]} : vector<16xi32> to vector<1xi32>
          %squeeze3A_847 = vector.extract %slice3A_846[0] : i32 from vector<1xi32>
          %jit3A_848 = arith.constant 20 : i32
          %div3A_849 = arith.divsi %add3A_845, %jit3A_848 : i32
          %sign3A_850 = arith.constant 0 : i32
          %sign3A_851 = arith.cmpi sgt, %add3A_845, %sign3A_850 : i32
          %sign3A_852 = arith.extui %sign3A_851 : i1 to i32
          %sign3A_853 = arith.constant 0 : i32
          %sign3A_854 = arith.cmpi slt, %add3A_845, %sign3A_853 : i32
          %sign3A_855 = arith.extui %sign3A_854 : i1 to i32
          %sign3A_856 = arith.subi %sign3A_852, %sign3A_855 : i32
          %sign3A_857 = arith.constant 0 : i32
          %sign3A_858 = arith.cmpi sgt, %jit3A_848, %sign3A_857 : i32
          %sign3A_859 = arith.extui %sign3A_858 : i1 to i32
          %sign3A_860 = arith.constant 0 : i32
          %sign3A_861 = arith.cmpi slt, %jit3A_848, %sign3A_860 : i32
          %sign3A_862 = arith.extui %sign3A_861 : i1 to i32
          %sign3A_863 = arith.subi %sign3A_859, %sign3A_862 : i32
          %ne3A_864 = arith.cmpi ne, %sign3A_856, %sign3A_863 : i32
          %rem3A_865 = arith.remsi %add3A_845, %jit3A_848 : i32
          %ne3A_866 = arith.constant 0 : i32
          %ne3A_867 = arith.cmpi ne, %rem3A_865, %ne3A_866 : i32
          %and3A_868 = arith.andi %ne3A_864, %ne3A_867 : i1
          %sub3A_869 = arith.constant 1 : i32
          %sub3A_870 = arith.subi %div3A_849, %sub3A_869 : i32
          %select_n3A_871 = arith.select %and3A_868, %sub3A_870, %div3A_849 : i32
          %jit3A_872 = arith.constant 20 : i32
          %eq3A_873 = arith.constant 0 : i32
          %eq3A_874 = arith.cmpi eq, %jit3A_872, %eq3A_873 : i32
          %jit3A_875 = arith.constant 1 : i32
          %select_n3A_876 = arith.select %eq3A_874, %jit3A_875, %jit3A_872 : i32
          %rem3A_877 = arith.remsi %add3A_845, %select_n3A_876 : i32
          %ne3A_878 = arith.constant 0 : i32
          %ne3A_879 = arith.cmpi ne, %rem3A_877, %ne3A_878 : i32
          %lt3A_880 = arith.constant 0 : i32
          %lt3A_881 = arith.cmpi slt, %rem3A_877, %lt3A_880 : i32
          %lt3A_882 = arith.constant 0 : i32
          %lt3A_883 = arith.cmpi slt, %select_n3A_876, %lt3A_882 : i32
          %ne3A_884 = arith.xori %lt3A_881, %lt3A_883 : i1
          %and3A_885 = arith.andi %ne3A_884, %ne3A_879 : i1
          %add3A_886 = arith.addi %rem3A_877, %select_n3A_876 : i32
          %select_n3A_887 = arith.select %and3A_885, %add3A_886, %rem3A_877 : i32
          %dma_start3A_888 = arith.constant 0 : i32
          %dma_start3A_889 = arith.constant 0 : i32
          %dma_start3A_890 = arith.constant 0 : i32
          %dma_start3A_891 = tpu.memref_slice %arg6[%dma_start3A_888, %select_n3A_871, %select_n3A_887, %dma_start3A_890] : memref<2x16x20x64xf32, #tpu.memory_space<vmem>> -> memref<1x1x1x64xf32, #tpu.memory_space<vmem>>
          %dma_start3A_892 = tpu.memref_squeeze %dma_start3A_891 : memref<1x1x1x64xf32, #tpu.memory_space<vmem>> -> memref<1x64xf32, #tpu.memory_space<vmem>>
          %dma_start3A_893 = arith.constant 0 : i32
          %dma_start3A_894 = tpu.memref_slice %arg2[%squeeze3A_847, %dma_start3A_893] : memref<1000001x64xf32, #tpu.memory_space<hbm>> -> memref<1x64xf32, #tpu.memory_space<hbm>>
          %dma_start3A_895 = tpu.memref_slice %arg7[%dma_start3A_889] : memref<2x!tpu.dma_semaphore, #tpu.memory_space<semaphore_mem>> -> memref<1x!tpu.dma_semaphore, #tpu.memory_space<semaphore_mem>>
          %dma_start3A_896 = tpu.memref_squeeze %dma_start3A_895 : memref<1x!tpu.dma_semaphore, #tpu.memory_space<semaphore_mem>> -> memref<!tpu.dma_semaphore, #tpu.memory_space<semaphore_mem>>
          %dma_start3A_897 = arith.constant 0 : i32
          %dma_start3A_898 = tpu.memref_slice %arg6[%dma_start3A_888, %select_n3A_871, %select_n3A_887, %dma_start3A_897] : memref<2x16x20x64xf32, #tpu.memory_space<vmem>> -> memref<1x1x1x64xf32, #tpu.memory_space<vmem>>
          %dma_start3A_899 = tpu.memref_squeeze %dma_start3A_898 : memref<1x1x1x64xf32, #tpu.memory_space<vmem>> -> memref<1x64xf32, #tpu.memory_space<vmem>>
          %dma_start3A_900 = arith.constant 0 : i32
          %dma_start3A_901 = tpu.memref_slice %arg2[%squeeze3A_847, %dma_start3A_900] : memref<1000001x64xf32, #tpu.memory_space<hbm>> -> memref<1x64xf32, #tpu.memory_space<hbm>>
          tpu.enqueue_dma source(%dma_start3A_901 : memref<1x64xf32, #tpu.memory_space<hbm>>) target(%dma_start3A_899 : memref<1x64xf32, #tpu.memory_space<vmem>>) target_semaphore(%dma_start3A_896 : memref<!tpu.dma_semaphore, #tpu.memory_space<semaphore_mem>>)
          %add3A_902 = arith.constant 14 : i32
          %add3A_903 = arith.addi %mul3A_97, %add3A_902 : i32
          %slice3A_904 = vector.extract_strided_slice %get3A_101 {offsets = [14], sizes = [1], strides = [1]} : vector<16xi32> to vector<1xi32>
          %squeeze3A_905 = vector.extract %slice3A_904[0] : i32 from vector<1xi32>
          %jit3A_906 = arith.constant 20 : i32
          %div3A_907 = arith.divsi %add3A_903, %jit3A_906 : i32
          %sign3A_908 = arith.constant 0 : i32
          %sign3A_909 = arith.cmpi sgt, %add3A_903, %sign3A_908 : i32
          %sign3A_910 = arith.extui %sign3A_909 : i1 to i32
          %sign3A_911 = arith.constant 0 : i32
          %sign3A_912 = arith.cmpi slt, %add3A_903, %sign3A_911 : i32
          %sign3A_913 = arith.extui %sign3A_912 : i1 to i32
          %sign3A_914 = arith.subi %sign3A_910, %sign3A_913 : i32
          %sign3A_915 = arith.constant 0 : i32
          %sign3A_916 = arith.cmpi sgt, %jit3A_906, %sign3A_915 : i32
          %sign3A_917 = arith.extui %sign3A_916 : i1 to i32
          %sign3A_918 = arith.constant 0 : i32
          %sign3A_919 = arith.cmpi slt, %jit3A_906, %sign3A_918 : i32
          %sign3A_920 = arith.extui %sign3A_919 : i1 to i32
          %sign3A_921 = arith.subi %sign3A_917, %sign3A_920 : i32
          %ne3A_922 = arith.cmpi ne, %sign3A_914, %sign3A_921 : i32
          %rem3A_923 = arith.remsi %add3A_903, %jit3A_906 : i32
          %ne3A_924 = arith.constant 0 : i32
          %ne3A_925 = arith.cmpi ne, %rem3A_923, %ne3A_924 : i32
          %and3A_926 = arith.andi %ne3A_922, %ne3A_925 : i1
          %sub3A_927 = arith.constant 1 : i32
          %sub3A_928 = arith.subi %div3A_907, %sub3A_927 : i32
          %select_n3A_929 = arith.select %and3A_926, %sub3A_928, %div3A_907 : i32
          %jit3A_930 = arith.constant 20 : i32
          %eq3A_931 = arith.constant 0 : i32
          %eq3A_932 = arith.cmpi eq, %jit3A_930, %eq3A_931 : i32
          %jit3A_933 = arith.constant 1 : i32
          %select_n3A_934 = arith.select %eq3A_932, %jit3A_933, %jit3A_930 : i32
          %rem3A_935 = arith.remsi %add3A_903, %select_n3A_934 : i32
          %ne3A_936 = arith.constant 0 : i32
          %ne3A_937 = arith.cmpi ne, %rem3A_935, %ne3A_936 : i32
          %lt3A_938 = arith.constant 0 : i32
          %lt3A_939 = arith.cmpi slt, %rem3A_935, %lt3A_938 : i32
          %lt3A_940 = arith.constant 0 : i32
          %lt3A_941 = arith.cmpi slt, %select_n3A_934, %lt3A_940 : i32
          %ne3A_942 = arith.xori %lt3A_939, %lt3A_941 : i1
          %and3A_943 = arith.andi %ne3A_942, %ne3A_937 : i1
          %add3A_944 = arith.addi %rem3A_935, %select_n3A_934 : i32
          %select_n3A_945 = arith.select %and3A_943, %add3A_944, %rem3A_935 : i32
          %dma_start3A_946 = arith.constant 0 : i32
          %dma_start3A_947 = arith.constant 0 : i32
          %dma_start3A_948 = arith.constant 0 : i32
          %dma_start3A_949 = tpu.memref_slice %arg6[%dma_start3A_946, %select_n3A_929, %select_n3A_945, %dma_start3A_948] : memref<2x16x20x64xf32, #tpu.memory_space<vmem>> -> memref<1x1x1x64xf32, #tpu.memory_space<vmem>>
          %dma_start3A_950 = tpu.memref_squeeze %dma_start3A_949 : memref<1x1x1x64xf32, #tpu.memory_space<vmem>> -> memref<1x64xf32, #tpu.memory_space<vmem>>
          %dma_start3A_951 = arith.constant 0 : i32
          %dma_start3A_952 = tpu.memref_slice %arg2[%squeeze3A_905, %dma_start3A_951] : memref<1000001x64xf32, #tpu.memory_space<hbm>> -> memref<1x64xf32, #tpu.memory_space<hbm>>
          %dma_start3A_953 = tpu.memref_slice %arg7[%dma_start3A_947] : memref<2x!tpu.dma_semaphore, #tpu.memory_space<semaphore_mem>> -> memref<1x!tpu.dma_semaphore, #tpu.memory_space<semaphore_mem>>
          %dma_start3A_954 = tpu.memref_squeeze %dma_start3A_953 : memref<1x!tpu.dma_semaphore, #tpu.memory_space<semaphore_mem>> -> memref<!tpu.dma_semaphore, #tpu.memory_space<semaphore_mem>>
          %dma_start3A_955 = arith.constant 0 : i32
          %dma_start3A_956 = tpu.memref_slice %arg6[%dma_start3A_946, %select_n3A_929, %select_n3A_945, %dma_start3A_955] : memref<2x16x20x64xf32, #tpu.memory_space<vmem>> -> memref<1x1x1x64xf32, #tpu.memory_space<vmem>>
          %dma_start3A_957 = tpu.memref_squeeze %dma_start3A_956 : memref<1x1x1x64xf32, #tpu.memory_space<vmem>> -> memref<1x64xf32, #tpu.memory_space<vmem>>
          %dma_start3A_958 = arith.constant 0 : i32
          %dma_start3A_959 = tpu.memref_slice %arg2[%squeeze3A_905, %dma_start3A_958] : memref<1000001x64xf32, #tpu.memory_space<hbm>> -> memref<1x64xf32, #tpu.memory_space<hbm>>
          tpu.enqueue_dma source(%dma_start3A_959 : memref<1x64xf32, #tpu.memory_space<hbm>>) target(%dma_start3A_957 : memref<1x64xf32, #tpu.memory_space<vmem>>) target_semaphore(%dma_start3A_954 : memref<!tpu.dma_semaphore, #tpu.memory_space<semaphore_mem>>)
          %add3A_960 = arith.constant 15 : i32
          %add3A_961 = arith.addi %mul3A_97, %add3A_960 : i32
          %slice3A_962 = vector.extract_strided_slice %get3A_101 {offsets = [15], sizes = [1], strides = [1]} : vector<16xi32> to vector<1xi32>
          %squeeze3A_963 = vector.extract %slice3A_962[0] : i32 from vector<1xi32>
          %jit3A_964 = arith.constant 20 : i32
          %div3A_965 = arith.divsi %add3A_961, %jit3A_964 : i32
          %sign3A_966 = arith.constant 0 : i32
          %sign3A_967 = arith.cmpi sgt, %add3A_961, %sign3A_966 : i32
          %sign3A_968 = arith.extui %sign3A_967 : i1 to i32
          %sign3A_969 = arith.constant 0 : i32
          %sign3A_970 = arith.cmpi slt, %add3A_961, %sign3A_969 : i32
          %sign3A_971 = arith.extui %sign3A_970 : i1 to i32
          %sign3A_972 = arith.subi %sign3A_968, %sign3A_971 : i32
          %sign3A_973 = arith.constant 0 : i32
          %sign3A_974 = arith.cmpi sgt, %jit3A_964, %sign3A_973 : i32
          %sign3A_975 = arith.extui %sign3A_974 : i1 to i32
          %sign3A_976 = arith.constant 0 : i32
          %sign3A_977 = arith.cmpi slt, %jit3A_964, %sign3A_976 : i32
          %sign3A_978 = arith.extui %sign3A_977 : i1 to i32
          %sign3A_979 = arith.subi %sign3A_975, %sign3A_978 : i32
          %ne3A_980 = arith.cmpi ne, %sign3A_972, %sign3A_979 : i32
          %rem3A_981 = arith.remsi %add3A_961, %jit3A_964 : i32
          %ne3A_982 = arith.constant 0 : i32
          %ne3A_983 = arith.cmpi ne, %rem3A_981, %ne3A_982 : i32
          %and3A_984 = arith.andi %ne3A_980, %ne3A_983 : i1
          %sub3A_985 = arith.constant 1 : i32
          %sub3A_986 = arith.subi %div3A_965, %sub3A_985 : i32
          %select_n3A_987 = arith.select %and3A_984, %sub3A_986, %div3A_965 : i32
          %jit3A_988 = arith.constant 20 : i32
          %eq3A_989 = arith.constant 0 : i32
          %eq3A_990 = arith.cmpi eq, %jit3A_988, %eq3A_989 : i32
          %jit3A_991 = arith.constant 1 : i32
          %select_n3A_992 = arith.select %eq3A_990, %jit3A_991, %jit3A_988 : i32
          %rem3A_993 = arith.remsi %add3A_961, %select_n3A_992 : i32
          %ne3A_994 = arith.constant 0 : i32
          %ne3A_995 = arith.cmpi ne, %rem3A_993, %ne3A_994 : i32
          %lt3A_996 = arith.constant 0 : i32
          %lt3A_997 = arith.cmpi slt, %rem3A_993, %lt3A_996 : i32
          %lt3A_998 = arith.constant 0 : i32
          %lt3A_999 = arith.cmpi slt, %select_n3A_992, %lt3A_998 : i32
          %ne3A_1000 = arith.xori %lt3A_997, %lt3A_999 : i1
          %and3A_1001 = arith.andi %ne3A_1000, %ne3A_995 : i1
          %add3A_1002 = arith.addi %rem3A_993, %select_n3A_992 : i32
          %select_n3A_1003 = arith.select %and3A_1001, %add3A_1002, %rem3A_993 : i32
          %dma_start3A_1004 = arith.constant 0 : i32
          %dma_start3A_1005 = arith.constant 0 : i32
          %dma_start3A_1006 = arith.constant 0 : i32
          %dma_start3A_1007 = tpu.memref_slice %arg6[%dma_start3A_1004, %select_n3A_987, %select_n3A_1003, %dma_start3A_1006] : memref<2x16x20x64xf32, #tpu.memory_space<vmem>> -> memref<1x1x1x64xf32, #tpu.memory_space<vmem>>
          %dma_start3A_1008 = tpu.memref_squeeze %dma_start3A_1007 : memref<1x1x1x64xf32, #tpu.memory_space<vmem>> -> memref<1x64xf32, #tpu.memory_space<vmem>>
          %dma_start3A_1009 = arith.constant 0 : i32
          %dma_start3A_1010 = tpu.memref_slice %arg2[%squeeze3A_963, %dma_start3A_1009] : memref<1000001x64xf32, #tpu.memory_space<hbm>> -> memref<1x64xf32, #tpu.memory_space<hbm>>
          %dma_start3A_1011 = tpu.memref_slice %arg7[%dma_start3A_1005] : memref<2x!tpu.dma_semaphore, #tpu.memory_space<semaphore_mem>> -> memref<1x!tpu.dma_semaphore, #tpu.memory_space<semaphore_mem>>
          %dma_start3A_1012 = tpu.memref_squeeze %dma_start3A_1011 : memref<1x!tpu.dma_semaphore, #tpu.memory_space<semaphore_mem>> -> memref<!tpu.dma_semaphore, #tpu.memory_space<semaphore_mem>>
          %dma_start3A_1013 = arith.constant 0 : i32
          %dma_start3A_1014 = tpu.memref_slice %arg6[%dma_start3A_1004, %select_n3A_987, %select_n3A_1003, %dma_start3A_1013] : memref<2x16x20x64xf32, #tpu.memory_space<vmem>> -> memref<1x1x1x64xf32, #tpu.memory_space<vmem>>
          %dma_start3A_1015 = tpu.memref_squeeze %dma_start3A_1014 : memref<1x1x1x64xf32, #tpu.memory_space<vmem>> -> memref<1x64xf32, #tpu.memory_space<vmem>>
          %dma_start3A_1016 = arith.constant 0 : i32
          %dma_start3A_1017 = tpu.memref_slice %arg2[%squeeze3A_963, %dma_start3A_1016] : memref<1000001x64xf32, #tpu.memory_space<hbm>> -> memref<1x64xf32, #tpu.memory_space<hbm>>
          tpu.enqueue_dma source(%dma_start3A_1017 : memref<1x64xf32, #tpu.memory_space<hbm>>) target(%dma_start3A_1015 : memref<1x64xf32, #tpu.memory_space<vmem>>) target_semaphore(%dma_start3A_1012 : memref<!tpu.dma_semaphore, #tpu.memory_space<semaphore_mem>>)
        }
        %scan3A_94 = arith.constant 20 : i32
      } else {
      }
      %mul3A_52 = arith.constant 2 : i32
      %mul3A_53 = arith.muli %scan3A_20, %mul3A_52 : i32
      %add3A_54 = arith.constant 1 : i32
      %add3A_55 = arith.addi %mul3A_53, %add3A_54 : i32
      %dma_wait3A_56 = arith.constant 1 : i32
      %dma_wait3A_57 = arith.constant 1 : i32
      %dma_wait3A_58 = arith.constant 0 : i32
      %dma_wait3A_59 = arith.constant 0 : i32
      %dma_wait3A_60 = arith.constant 0 : i32
      %dma_wait3A_61 = tpu.memref_slice %arg6[%dma_wait3A_56, %dma_wait3A_58, %dma_wait3A_59, %dma_wait3A_60] : memref<2x16x20x64xf32, #tpu.memory_space<vmem>> -> memref<1x16x20x64xf32, #tpu.memory_space<vmem>>
      %dma_wait3A_62 = tpu.memref_squeeze %dma_wait3A_61 : memref<1x16x20x64xf32, #tpu.memory_space<vmem>> -> memref<16x20x64xf32, #tpu.memory_space<vmem>>
      %dma_wait3A_63 = arith.constant 0 : i32
      %dma_wait3A_64 = arith.constant 0 : i32
      %dma_wait3A_65 = arith.constant 0 : i32
      %dma_wait3A_66 = tpu.memref_slice %arg4[%dma_wait3A_63, %dma_wait3A_64, %dma_wait3A_65] : memref<16384x20x64xf32, #tpu.memory_space<hbm>> -> memref<16x20x64xf32, #tpu.memory_space<hbm>>
      %dma_wait3A_67 = tpu.memref_slice %arg7[%dma_wait3A_57] : memref<2x!tpu.dma_semaphore, #tpu.memory_space<semaphore_mem>> -> memref<1x!tpu.dma_semaphore, #tpu.memory_space<semaphore_mem>>
      %dma_wait3A_68 = tpu.memref_squeeze %dma_wait3A_67 : memref<1x!tpu.dma_semaphore, #tpu.memory_space<semaphore_mem>> -> memref<!tpu.dma_semaphore, #tpu.memory_space<semaphore_mem>>
      %dma_wait3A_69 = arith.constant 0 : i32
      %dma_wait3A_70 = arith.constant 0 : i32
      %dma_wait3A_71 = arith.constant 0 : i32
      %dma_wait3A_72 = tpu.memref_slice %arg6[%dma_wait3A_56, %dma_wait3A_69, %dma_wait3A_70, %dma_wait3A_71] : memref<2x16x20x64xf32, #tpu.memory_space<vmem>> -> memref<1x16x20x64xf32, #tpu.memory_space<vmem>>
      %dma_wait3A_73 = tpu.memref_squeeze %dma_wait3A_72 : memref<1x16x20x64xf32, #tpu.memory_space<vmem>> -> memref<16x20x64xf32, #tpu.memory_space<vmem>>
      %dma_wait3A_74 = arith.constant 0 : i32
      %dma_wait3A_75 = arith.constant 0 : i32
      %dma_wait3A_76 = arith.constant 0 : i32
      %dma_wait3A_77 = tpu.memref_slice %arg4[%dma_wait3A_74, %dma_wait3A_75, %dma_wait3A_76] : memref<16384x20x64xf32, #tpu.memory_space<hbm>> -> memref<16x20x64xf32, #tpu.memory_space<hbm>>
      tpu.wait_dma2 semaphore(%dma_wait3A_68 : memref<!tpu.dma_semaphore, #tpu.memory_space<semaphore_mem>>) src(%dma_wait3A_77 : memref<16x20x64xf32, #tpu.memory_space<hbm>>) dst(%dma_wait3A_73 : memref<16x20x64xf32, #tpu.memory_space<vmem>>)
      %mul3A_78 = arith.constant 16 : i32
      %mul3A_79 = arith.muli %add3A_55, %mul3A_78 : i32
      %add3A_80 = arith.addi %mul3A_2, %mul3A_79 : i32
      %run_scoped3A_81 = arith.constant 1 : i32
      "tpu.region"() ({
        %run_scoped3A_87 = tpu.sem_alloc : memref<!tpu.dma_semaphore, #tpu.memory_space<semaphore_mem>>
        %dma_start3A = arith.constant 0 : i32
        %dma_start3A_88 = arith.constant 0 : i32
        %dma_start3A_89 = arith.constant 0 : i32
        %dma_start3A_90 = tpu.memref_slice %arg6[%run_scoped3A_81, %dma_start3A, %dma_start3A_88, %dma_start3A_89] : memref<2x16x20x64xf32, #tpu.memory_space<vmem>> -> memref<1x16x20x64xf32, #tpu.memory_space<vmem>>
        %dma_start3A_91 = tpu.memref_squeeze %dma_start3A_90 : memref<1x16x20x64xf32, #tpu.memory_space<vmem>> -> memref<16x20x64xf32, #tpu.memory_space<vmem>>
        %dma_start3A_92 = arith.constant 0 : i32
        %dma_start3A_93 = arith.constant 0 : i32
        %dma_start3A_94 = tpu.memref_slice %arg4[%add3A_80, %dma_start3A_92, %dma_start3A_93] : memref<16384x20x64xf32, #tpu.memory_space<hbm>> -> memref<16x20x64xf32, #tpu.memory_space<hbm>>
        %dma_start3A_95 = arith.constant 0 : i32
        %dma_start3A_96 = arith.constant 0 : i32
        %dma_start3A_97 = tpu.memref_slice %arg4[%add3A_80, %dma_start3A_95, %dma_start3A_96] : memref<16384x20x64xf32, #tpu.memory_space<hbm>> -> memref<16x20x64xf32, #tpu.memory_space<hbm>>
        %dma_start3A_98 = arith.constant 0 : i32
        %dma_start3A_99 = arith.constant 0 : i32
        %dma_start3A_100 = arith.constant 0 : i32
        %dma_start3A_101 = tpu.memref_slice %arg6[%run_scoped3A_81, %dma_start3A_98, %dma_start3A_99, %dma_start3A_100] : memref<2x16x20x64xf32, #tpu.memory_space<vmem>> -> memref<1x16x20x64xf32, #tpu.memory_space<vmem>>
        %dma_start3A_102 = tpu.memref_squeeze %dma_start3A_101 : memref<1x16x20x64xf32, #tpu.memory_space<vmem>> -> memref<16x20x64xf32, #tpu.memory_space<vmem>>
        tpu.enqueue_dma source(%dma_start3A_102 : memref<16x20x64xf32, #tpu.memory_space<vmem>>) target(%dma_start3A_97 : memref<16x20x64xf32, #tpu.memory_space<hbm>>) target_semaphore(%run_scoped3A_87 : memref<!tpu.dma_semaphore, #tpu.memory_space<semaphore_mem>>)
        %dma_wait3A_103 = arith.constant 0 : i32
        %dma_wait3A_104 = arith.constant 0 : i32
        %dma_wait3A_105 = arith.constant 0 : i32
        %dma_wait3A_106 = tpu.memref_slice %arg6[%run_scoped3A_81, %dma_wait3A_103, %dma_wait3A_104, %dma_wait3A_105] : memref<2x16x20x64xf32, #tpu.memory_space<vmem>> -> memref<1x16x20x64xf32, #tpu.memory_space<vmem>>
        %dma_wait3A_107 = tpu.memref_squeeze %dma_wait3A_106 : memref<1x16x20x64xf32, #tpu.memory_space<vmem>> -> memref<16x20x64xf32, #tpu.memory_space<vmem>>
        %dma_wait3A_108 = arith.constant 0 : i32
        %dma_wait3A_109 = arith.constant 0 : i32
        %dma_wait3A_110 = tpu.memref_slice %arg4[%add3A_80, %dma_wait3A_108, %dma_wait3A_109] : memref<16384x20x64xf32, #tpu.memory_space<hbm>> -> memref<16x20x64xf32, #tpu.memory_space<hbm>>
        %dma_wait3A_111 = arith.constant 0 : i32
        %dma_wait3A_112 = arith.constant 0 : i32
        %dma_wait3A_113 = tpu.memref_slice %arg4[%add3A_80, %dma_wait3A_111, %dma_wait3A_112] : memref<16384x20x64xf32, #tpu.memory_space<hbm>> -> memref<16x20x64xf32, #tpu.memory_space<hbm>>
        %dma_wait3A_114 = arith.constant 0 : i32
        %dma_wait3A_115 = arith.constant 0 : i32
        %dma_wait3A_116 = arith.constant 0 : i32
        %dma_wait3A_117 = tpu.memref_slice %arg6[%run_scoped3A_81, %dma_wait3A_114, %dma_wait3A_115, %dma_wait3A_116] : memref<2x16x20x64xf32, #tpu.memory_space<vmem>> -> memref<1x16x20x64xf32, #tpu.memory_space<vmem>>
        %dma_wait3A_118 = tpu.memref_squeeze %dma_wait3A_117 : memref<1x16x20x64xf32, #tpu.memory_space<vmem>> -> memref<16x20x64xf32, #tpu.memory_space<vmem>>
        tpu.wait_dma2 semaphore(%run_scoped3A_87 : memref<!tpu.dma_semaphore, #tpu.memory_space<semaphore_mem>>) src(%dma_wait3A_118 : memref<16x20x64xf32, #tpu.memory_space<vmem>>) dst(%dma_wait3A_113 : memref<16x20x64xf32, #tpu.memory_space<hbm>>)
        tpu.yield
      }) : () -> ()
      %lt3A_82 = arith.constant 15 : i32
      %lt3A_83 = arith.cmpi slt, %scan3A_20, %lt3A_82 : i32
      %convert_element_type3A_84 = arith.extui %lt3A_83 : i1 to i32
      %cond3A_85 = arith.constant 0 : i32
      %cond3A_86 = arith.cmpi ne, %convert_element_type3A_84, %cond3A_85 : i32
      scf.if %cond3A_86 {
        %add3A_87 = arith.constant 2 : i32
        %add3A_88 = arith.addi %add3A_55, %add3A_87 : i32
        %run_scoped3A_89 = arith.constant 1 : i32
        "tpu.region"() ({
          %run_scoped3A_95 = tpu.sem_alloc : memref<!tpu.dma_semaphore, #tpu.memory_space<semaphore_mem>>
          %dma_start3A = arith.constant 0 : i32
          %dma_start3A_96 = tpu.memref_slice %arg5[%run_scoped3A_89, %dma_start3A] : memref<2x320xi32, #tpu.memory_space<vmem>> -> memref<1x320xi32, #tpu.memory_space<vmem>>
          %dma_start3A_97 = tpu.memref_squeeze %dma_start3A_96 : memref<1x320xi32, #tpu.memory_space<vmem>> -> memref<320xi32, #tpu.memory_space<vmem>>
          %dma_start3A_98 = arith.constant 0 : i32
          %dma_start3A_99 = tpu.memref_slice %arg3[%add3A, %add3A_88, %dma_start3A_98] : memref<32x32x320xi32, #tpu.memory_space<hbm>> -> memref<1x1x320xi32, #tpu.memory_space<hbm>>
          %dma_start3A_100 = tpu.memref_squeeze %dma_start3A_99 : memref<1x1x320xi32, #tpu.memory_space<hbm>> -> memref<320xi32, #tpu.memory_space<hbm>>
          %dma_start3A_101 = arith.constant 0 : i32
          %dma_start3A_102 = tpu.memref_slice %arg5[%run_scoped3A_89, %dma_start3A_101] : memref<2x320xi32, #tpu.memory_space<vmem>> -> memref<1x320xi32, #tpu.memory_space<vmem>>
          %dma_start3A_103 = tpu.memref_squeeze %dma_start3A_102 : memref<1x320xi32, #tpu.memory_space<vmem>> -> memref<320xi32, #tpu.memory_space<vmem>>
          %dma_start3A_104 = arith.constant 0 : i32
          %dma_start3A_105 = tpu.memref_slice %arg3[%add3A, %add3A_88, %dma_start3A_104] : memref<32x32x320xi32, #tpu.memory_space<hbm>> -> memref<1x1x320xi32, #tpu.memory_space<hbm>>
          %dma_start3A_106 = tpu.memref_squeeze %dma_start3A_105 : memref<1x1x320xi32, #tpu.memory_space<hbm>> -> memref<320xi32, #tpu.memory_space<hbm>>
          tpu.enqueue_dma source(%dma_start3A_106 : memref<320xi32, #tpu.memory_space<hbm>>) target(%dma_start3A_103 : memref<320xi32, #tpu.memory_space<vmem>>) target_semaphore(%run_scoped3A_95 : memref<!tpu.dma_semaphore, #tpu.memory_space<semaphore_mem>>)
          %dma_wait3A_107 = arith.constant 0 : i32
          %dma_wait3A_108 = tpu.memref_slice %arg5[%run_scoped3A_89, %dma_wait3A_107] : memref<2x320xi32, #tpu.memory_space<vmem>> -> memref<1x320xi32, #tpu.memory_space<vmem>>
          %dma_wait3A_109 = tpu.memref_squeeze %dma_wait3A_108 : memref<1x320xi32, #tpu.memory_space<vmem>> -> memref<320xi32, #tpu.memory_space<vmem>>
          %dma_wait3A_110 = arith.constant 0 : i32
          %dma_wait3A_111 = tpu.memref_slice %arg3[%add3A, %add3A_88, %dma_wait3A_110] : memref<32x32x320xi32, #tpu.memory_space<hbm>> -> memref<1x1x320xi32, #tpu.memory_space<hbm>>
          %dma_wait3A_112 = tpu.memref_squeeze %dma_wait3A_111 : memref<1x1x320xi32, #tpu.memory_space<hbm>> -> memref<320xi32, #tpu.memory_space<hbm>>
          %dma_wait3A_113 = arith.constant 0 : i32
          %dma_wait3A_114 = tpu.memref_slice %arg5[%run_scoped3A_89, %dma_wait3A_113] : memref<2x320xi32, #tpu.memory_space<vmem>> -> memref<1x320xi32, #tpu.memory_space<vmem>>
          %dma_wait3A_115 = tpu.memref_squeeze %dma_wait3A_114 : memref<1x320xi32, #tpu.memory_space<vmem>> -> memref<320xi32, #tpu.memory_space<vmem>>
          %dma_wait3A_116 = arith.constant 0 : i32
          %dma_wait3A_117 = tpu.memref_slice %arg3[%add3A, %add3A_88, %dma_wait3A_116] : memref<32x32x320xi32, #tpu.memory_space<hbm>> -> memref<1x1x320xi32, #tpu.memory_space<hbm>>
          %dma_wait3A_118 = tpu.memref_squeeze %dma_wait3A_117 : memref<1x1x320xi32, #tpu.memory_space<hbm>> -> memref<320xi32, #tpu.memory_space<hbm>>
          tpu.wait_dma2 semaphore(%run_scoped3A_95 : memref<!tpu.dma_semaphore, #tpu.memory_space<semaphore_mem>>) src(%dma_wait3A_118 : memref<320xi32, #tpu.memory_space<hbm>>) dst(%dma_wait3A_115 : memref<320xi32, #tpu.memory_space<vmem>>)
          tpu.yield
        }) : () -> ()
        %scan3A_90 = arith.constant 0 : i32
        %scan3A_91 = arith.constant 20 : i32
        %scan3A_92 = arith.addi %scan3A_90, %scan3A_91 : i32
        %scan3A_93 = arith.constant 1 : i32
        scf.for %scan3A_95 = %scan3A_90 to %scan3A_92 step %scan3A_93  : i32 {
          %mul3A_96 = arith.constant 16 : i32
          %mul3A_97 = arith.muli %scan3A_95, %mul3A_96 : i32
          %get3A = arith.constant 1 : i32
          %get3A_98 = arith.index_cast %get3A : i32 to index
          %get3A_99 = arith.index_cast %mul3A_97 : i32 to index
          %get3A_100 = tpu.vector_load %arg5[%get3A_98, %get3A_99] {strides = array<i32>} : memref<2x320xi32, #tpu.memory_space<vmem>>, vector<1x16xi32>,
          %get3A_101 = vector.shape_cast %get3A_100 : vector<1x16xi32> to vector<16xi32>
          %add3A_102 = arith.constant 0 : i32
          %add3A_103 = arith.addi %mul3A_97, %add3A_102 : i32
          %slice3A = vector.extract_strided_slice %get3A_101 {offsets = [0], sizes = [1], strides = [1]} : vector<16xi32> to vector<1xi32>
          %squeeze3A = vector.extract %slice3A[0] : i32 from vector<1xi32>
          %jit3A = arith.constant 20 : i32
          %div3A = arith.divsi %add3A_103, %jit3A : i32
          %sign3A = arith.constant 0 : i32
          %sign3A_104 = arith.cmpi sgt, %add3A_103, %sign3A : i32
          %sign3A_105 = arith.extui %sign3A_104 : i1 to i32
          %sign3A_106 = arith.constant 0 : i32
          %sign3A_107 = arith.cmpi slt, %add3A_103, %sign3A_106 : i32
          %sign3A_108 = arith.extui %sign3A_107 : i1 to i32
          %sign3A_109 = arith.subi %sign3A_105, %sign3A_108 : i32
          %sign3A_110 = arith.constant 0 : i32
          %sign3A_111 = arith.cmpi sgt, %jit3A, %sign3A_110 : i32
          %sign3A_112 = arith.extui %sign3A_111 : i1 to i32
          %sign3A_113 = arith.constant 0 : i32
          %sign3A_114 = arith.cmpi slt, %jit3A, %sign3A_113 : i32
          %sign3A_115 = arith.extui %sign3A_114 : i1 to i32
          %sign3A_116 = arith.subi %sign3A_112, %sign3A_115 : i32
          %ne3A = arith.cmpi ne, %sign3A_109, %sign3A_116 : i32
          %rem3A = arith.remsi %add3A_103, %jit3A : i32
          %ne3A_117 = arith.constant 0 : i32
          %ne3A_118 = arith.cmpi ne, %rem3A, %ne3A_117 : i32
          %and3A = arith.andi %ne3A, %ne3A_118 : i1
          %sub3A = arith.constant 1 : i32
          %sub3A_119 = arith.subi %div3A, %sub3A : i32
          %select_n3A = arith.select %and3A, %sub3A_119, %div3A : i32
          %jit3A_120 = arith.constant 20 : i32
          %eq3A = arith.constant 0 : i32
          %eq3A_121 = arith.cmpi eq, %jit3A_120, %eq3A : i32
          %jit3A_122 = arith.constant 1 : i32
          %select_n3A_123 = arith.select %eq3A_121, %jit3A_122, %jit3A_120 : i32
          %rem3A_124 = arith.remsi %add3A_103, %select_n3A_123 : i32
          %ne3A_125 = arith.constant 0 : i32
          %ne3A_126 = arith.cmpi ne, %rem3A_124, %ne3A_125 : i32
          %lt3A_127 = arith.constant 0 : i32
          %lt3A_128 = arith.cmpi slt, %rem3A_124, %lt3A_127 : i32
          %lt3A_129 = arith.constant 0 : i32
          %lt3A_130 = arith.cmpi slt, %select_n3A_123, %lt3A_129 : i32
          %ne3A_131 = arith.xori %lt3A_128, %lt3A_130 : i1
          %and3A_132 = arith.andi %ne3A_131, %ne3A_126 : i1
          %add3A_133 = arith.addi %rem3A_124, %select_n3A_123 : i32
          %select_n3A_134 = arith.select %and3A_132, %add3A_133, %rem3A_124 : i32
          %dma_start3A = arith.constant 1 : i32
          %dma_start3A_135 = arith.constant 1 : i32
          %dma_start3A_136 = arith.constant 0 : i32
          %dma_start3A_137 = tpu.memref_slice %arg6[%dma_start3A, %select_n3A, %select_n3A_134, %dma_start3A_136] : memref<2x16x20x64xf32, #tpu.memory_space<vmem>> -> memref<1x1x1x64xf32, #tpu.memory_space<vmem>>
          %dma_start3A_138 = tpu.memref_squeeze %dma_start3A_137 : memref<1x1x1x64xf32, #tpu.memory_space<vmem>> -> memref<1x64xf32, #tpu.memory_space<vmem>>
          %dma_start3A_139 = arith.constant 0 : i32
          %dma_start3A_140 = tpu.memref_slice %arg2[%squeeze3A, %dma_start3A_139] : memref<1000001x64xf32, #tpu.memory_space<hbm>> -> memref<1x64xf32, #tpu.memory_space<hbm>>
          %dma_start3A_141 = tpu.memref_slice %arg7[%dma_start3A_135] : memref<2x!tpu.dma_semaphore, #tpu.memory_space<semaphore_mem>> -> memref<1x!tpu.dma_semaphore, #tpu.memory_space<semaphore_mem>>
          %dma_start3A_142 = tpu.memref_squeeze %dma_start3A_141 : memref<1x!tpu.dma_semaphore, #tpu.memory_space<semaphore_mem>> -> memref<!tpu.dma_semaphore, #tpu.memory_space<semaphore_mem>>
          %dma_start3A_143 = arith.constant 0 : i32
          %dma_start3A_144 = tpu.memref_slice %arg6[%dma_start3A, %select_n3A, %select_n3A_134, %dma_start3A_143] : memref<2x16x20x64xf32, #tpu.memory_space<vmem>> -> memref<1x1x1x64xf32, #tpu.memory_space<vmem>>
          %dma_start3A_145 = tpu.memref_squeeze %dma_start3A_144 : memref<1x1x1x64xf32, #tpu.memory_space<vmem>> -> memref<1x64xf32, #tpu.memory_space<vmem>>
          %dma_start3A_146 = arith.constant 0 : i32
          %dma_start3A_147 = tpu.memref_slice %arg2[%squeeze3A, %dma_start3A_146] : memref<1000001x64xf32, #tpu.memory_space<hbm>> -> memref<1x64xf32, #tpu.memory_space<hbm>>
          tpu.enqueue_dma source(%dma_start3A_147 : memref<1x64xf32, #tpu.memory_space<hbm>>) target(%dma_start3A_145 : memref<1x64xf32, #tpu.memory_space<vmem>>) target_semaphore(%dma_start3A_142 : memref<!tpu.dma_semaphore, #tpu.memory_space<semaphore_mem>>)
          %add3A_148 = arith.constant 1 : i32
          %add3A_149 = arith.addi %mul3A_97, %add3A_148 : i32
          %slice3A_150 = vector.extract_strided_slice %get3A_101 {offsets = [1], sizes = [1], strides = [1]} : vector<16xi32> to vector<1xi32>
          %squeeze3A_151 = vector.extract %slice3A_150[0] : i32 from vector<1xi32>
          %jit3A_152 = arith.constant 20 : i32
          %div3A_153 = arith.divsi %add3A_149, %jit3A_152 : i32
          %sign3A_154 = arith.constant 0 : i32
          %sign3A_155 = arith.cmpi sgt, %add3A_149, %sign3A_154 : i32
          %sign3A_156 = arith.extui %sign3A_155 : i1 to i32
          %sign3A_157 = arith.constant 0 : i32
          %sign3A_158 = arith.cmpi slt, %add3A_149, %sign3A_157 : i32
          %sign3A_159 = arith.extui %sign3A_158 : i1 to i32
          %sign3A_160 = arith.subi %sign3A_156, %sign3A_159 : i32
          %sign3A_161 = arith.constant 0 : i32
          %sign3A_162 = arith.cmpi sgt, %jit3A_152, %sign3A_161 : i32
          %sign3A_163 = arith.extui %sign3A_162 : i1 to i32
          %sign3A_164 = arith.constant 0 : i32
          %sign3A_165 = arith.cmpi slt, %jit3A_152, %sign3A_164 : i32
          %sign3A_166 = arith.extui %sign3A_165 : i1 to i32
          %sign3A_167 = arith.subi %sign3A_163, %sign3A_166 : i32
          %ne3A_168 = arith.cmpi ne, %sign3A_160, %sign3A_167 : i32
          %rem3A_169 = arith.remsi %add3A_149, %jit3A_152 : i32
          %ne3A_170 = arith.constant 0 : i32
          %ne3A_171 = arith.cmpi ne, %rem3A_169, %ne3A_170 : i32
          %and3A_172 = arith.andi %ne3A_168, %ne3A_171 : i1
          %sub3A_173 = arith.constant 1 : i32
          %sub3A_174 = arith.subi %div3A_153, %sub3A_173 : i32
          %select_n3A_175 = arith.select %and3A_172, %sub3A_174, %div3A_153 : i32
          %jit3A_176 = arith.constant 20 : i32
          %eq3A_177 = arith.constant 0 : i32
          %eq3A_178 = arith.cmpi eq, %jit3A_176, %eq3A_177 : i32
          %jit3A_179 = arith.constant 1 : i32
          %select_n3A_180 = arith.select %eq3A_178, %jit3A_179, %jit3A_176 : i32
          %rem3A_181 = arith.remsi %add3A_149, %select_n3A_180 : i32
          %ne3A_182 = arith.constant 0 : i32
          %ne3A_183 = arith.cmpi ne, %rem3A_181, %ne3A_182 : i32
          %lt3A_184 = arith.constant 0 : i32
          %lt3A_185 = arith.cmpi slt, %rem3A_181, %lt3A_184 : i32
          %lt3A_186 = arith.constant 0 : i32
          %lt3A_187 = arith.cmpi slt, %select_n3A_180, %lt3A_186 : i32
          %ne3A_188 = arith.xori %lt3A_185, %lt3A_187 : i1
          %and3A_189 = arith.andi %ne3A_188, %ne3A_183 : i1
          %add3A_190 = arith.addi %rem3A_181, %select_n3A_180 : i32
          %select_n3A_191 = arith.select %and3A_189, %add3A_190, %rem3A_181 : i32
          %dma_start3A_192 = arith.constant 1 : i32
          %dma_start3A_193 = arith.constant 1 : i32
          %dma_start3A_194 = arith.constant 0 : i32
          %dma_start3A_195 = tpu.memref_slice %arg6[%dma_start3A_192, %select_n3A_175, %select_n3A_191, %dma_start3A_194] : memref<2x16x20x64xf32, #tpu.memory_space<vmem>> -> memref<1x1x1x64xf32, #tpu.memory_space<vmem>>
          %dma_start3A_196 = tpu.memref_squeeze %dma_start3A_195 : memref<1x1x1x64xf32, #tpu.memory_space<vmem>> -> memref<1x64xf32, #tpu.memory_space<vmem>>
          %dma_start3A_197 = arith.constant 0 : i32
          %dma_start3A_198 = tpu.memref_slice %arg2[%squeeze3A_151, %dma_start3A_197] : memref<1000001x64xf32, #tpu.memory_space<hbm>> -> memref<1x64xf32, #tpu.memory_space<hbm>>
          %dma_start3A_199 = tpu.memref_slice %arg7[%dma_start3A_193] : memref<2x!tpu.dma_semaphore, #tpu.memory_space<semaphore_mem>> -> memref<1x!tpu.dma_semaphore, #tpu.memory_space<semaphore_mem>>
          %dma_start3A_200 = tpu.memref_squeeze %dma_start3A_199 : memref<1x!tpu.dma_semaphore, #tpu.memory_space<semaphore_mem>> -> memref<!tpu.dma_semaphore, #tpu.memory_space<semaphore_mem>>
          %dma_start3A_201 = arith.constant 0 : i32
          %dma_start3A_202 = tpu.memref_slice %arg6[%dma_start3A_192, %select_n3A_175, %select_n3A_191, %dma_start3A_201] : memref<2x16x20x64xf32, #tpu.memory_space<vmem>> -> memref<1x1x1x64xf32, #tpu.memory_space<vmem>>
          %dma_start3A_203 = tpu.memref_squeeze %dma_start3A_202 : memref<1x1x1x64xf32, #tpu.memory_space<vmem>> -> memref<1x64xf32, #tpu.memory_space<vmem>>
          %dma_start3A_204 = arith.constant 0 : i32
          %dma_start3A_205 = tpu.memref_slice %arg2[%squeeze3A_151, %dma_start3A_204] : memref<1000001x64xf32, #tpu.memory_space<hbm>> -> memref<1x64xf32, #tpu.memory_space<hbm>>
          tpu.enqueue_dma source(%dma_start3A_205 : memref<1x64xf32, #tpu.memory_space<hbm>>) target(%dma_start3A_203 : memref<1x64xf32, #tpu.memory_space<vmem>>) target_semaphore(%dma_start3A_200 : memref<!tpu.dma_semaphore, #tpu.memory_space<semaphore_mem>>)
          %add3A_206 = arith.constant 2 : i32
          %add3A_207 = arith.addi %mul3A_97, %add3A_206 : i32
          %slice3A_208 = vector.extract_strided_slice %get3A_101 {offsets = [2], sizes = [1], strides = [1]} : vector<16xi32> to vector<1xi32>
          %squeeze3A_209 = vector.extract %slice3A_208[0] : i32 from vector<1xi32>
          %jit3A_210 = arith.constant 20 : i32
          %div3A_211 = arith.divsi %add3A_207, %jit3A_210 : i32
          %sign3A_212 = arith.constant 0 : i32
          %sign3A_213 = arith.cmpi sgt, %add3A_207, %sign3A_212 : i32
          %sign3A_214 = arith.extui %sign3A_213 : i1 to i32
          %sign3A_215 = arith.constant 0 : i32
          %sign3A_216 = arith.cmpi slt, %add3A_207, %sign3A_215 : i32
          %sign3A_217 = arith.extui %sign3A_216 : i1 to i32
          %sign3A_218 = arith.subi %sign3A_214, %sign3A_217 : i32
          %sign3A_219 = arith.constant 0 : i32
          %sign3A_220 = arith.cmpi sgt, %jit3A_210, %sign3A_219 : i32
          %sign3A_221 = arith.extui %sign3A_220 : i1 to i32
          %sign3A_222 = arith.constant 0 : i32
          %sign3A_223 = arith.cmpi slt, %jit3A_210, %sign3A_222 : i32
          %sign3A_224 = arith.extui %sign3A_223 : i1 to i32
          %sign3A_225 = arith.subi %sign3A_221, %sign3A_224 : i32
          %ne3A_226 = arith.cmpi ne, %sign3A_218, %sign3A_225 : i32
          %rem3A_227 = arith.remsi %add3A_207, %jit3A_210 : i32
          %ne3A_228 = arith.constant 0 : i32
          %ne3A_229 = arith.cmpi ne, %rem3A_227, %ne3A_228 : i32
          %and3A_230 = arith.andi %ne3A_226, %ne3A_229 : i1
          %sub3A_231 = arith.constant 1 : i32
          %sub3A_232 = arith.subi %div3A_211, %sub3A_231 : i32
          %select_n3A_233 = arith.select %and3A_230, %sub3A_232, %div3A_211 : i32
          %jit3A_234 = arith.constant 20 : i32
          %eq3A_235 = arith.constant 0 : i32
          %eq3A_236 = arith.cmpi eq, %jit3A_234, %eq3A_235 : i32
          %jit3A_237 = arith.constant 1 : i32
          %select_n3A_238 = arith.select %eq3A_236, %jit3A_237, %jit3A_234 : i32
          %rem3A_239 = arith.remsi %add3A_207, %select_n3A_238 : i32
          %ne3A_240 = arith.constant 0 : i32
          %ne3A_241 = arith.cmpi ne, %rem3A_239, %ne3A_240 : i32
          %lt3A_242 = arith.constant 0 : i32
          %lt3A_243 = arith.cmpi slt, %rem3A_239, %lt3A_242 : i32
          %lt3A_244 = arith.constant 0 : i32
          %lt3A_245 = arith.cmpi slt, %select_n3A_238, %lt3A_244 : i32
          %ne3A_246 = arith.xori %lt3A_243, %lt3A_245 : i1
          %and3A_247 = arith.andi %ne3A_246, %ne3A_241 : i1
          %add3A_248 = arith.addi %rem3A_239, %select_n3A_238 : i32
          %select_n3A_249 = arith.select %and3A_247, %add3A_248, %rem3A_239 : i32
          %dma_start3A_250 = arith.constant 1 : i32
          %dma_start3A_251 = arith.constant 1 : i32
          %dma_start3A_252 = arith.constant 0 : i32
          %dma_start3A_253 = tpu.memref_slice %arg6[%dma_start3A_250, %select_n3A_233, %select_n3A_249, %dma_start3A_252] : memref<2x16x20x64xf32, #tpu.memory_space<vmem>> -> memref<1x1x1x64xf32, #tpu.memory_space<vmem>>
          %dma_start3A_254 = tpu.memref_squeeze %dma_start3A_253 : memref<1x1x1x64xf32, #tpu.memory_space<vmem>> -> memref<1x64xf32, #tpu.memory_space<vmem>>
          %dma_start3A_255 = arith.constant 0 : i32
          %dma_start3A_256 = tpu.memref_slice %arg2[%squeeze3A_209, %dma_start3A_255] : memref<1000001x64xf32, #tpu.memory_space<hbm>> -> memref<1x64xf32, #tpu.memory_space<hbm>>
          %dma_start3A_257 = tpu.memref_slice %arg7[%dma_start3A_251] : memref<2x!tpu.dma_semaphore, #tpu.memory_space<semaphore_mem>> -> memref<1x!tpu.dma_semaphore, #tpu.memory_space<semaphore_mem>>
          %dma_start3A_258 = tpu.memref_squeeze %dma_start3A_257 : memref<1x!tpu.dma_semaphore, #tpu.memory_space<semaphore_mem>> -> memref<!tpu.dma_semaphore, #tpu.memory_space<semaphore_mem>>
          %dma_start3A_259 = arith.constant 0 : i32
          %dma_start3A_260 = tpu.memref_slice %arg6[%dma_start3A_250, %select_n3A_233, %select_n3A_249, %dma_start3A_259] : memref<2x16x20x64xf32, #tpu.memory_space<vmem>> -> memref<1x1x1x64xf32, #tpu.memory_space<vmem>>
          %dma_start3A_261 = tpu.memref_squeeze %dma_start3A_260 : memref<1x1x1x64xf32, #tpu.memory_space<vmem>> -> memref<1x64xf32, #tpu.memory_space<vmem>>
          %dma_start3A_262 = arith.constant 0 : i32
          %dma_start3A_263 = tpu.memref_slice %arg2[%squeeze3A_209, %dma_start3A_262] : memref<1000001x64xf32, #tpu.memory_space<hbm>> -> memref<1x64xf32, #tpu.memory_space<hbm>>
          tpu.enqueue_dma source(%dma_start3A_263 : memref<1x64xf32, #tpu.memory_space<hbm>>) target(%dma_start3A_261 : memref<1x64xf32, #tpu.memory_space<vmem>>) target_semaphore(%dma_start3A_258 : memref<!tpu.dma_semaphore, #tpu.memory_space<semaphore_mem>>)
          %add3A_264 = arith.constant 3 : i32
          %add3A_265 = arith.addi %mul3A_97, %add3A_264 : i32
          %slice3A_266 = vector.extract_strided_slice %get3A_101 {offsets = [3], sizes = [1], strides = [1]} : vector<16xi32> to vector<1xi32>
          %squeeze3A_267 = vector.extract %slice3A_266[0] : i32 from vector<1xi32>
          %jit3A_268 = arith.constant 20 : i32
          %div3A_269 = arith.divsi %add3A_265, %jit3A_268 : i32
          %sign3A_270 = arith.constant 0 : i32
          %sign3A_271 = arith.cmpi sgt, %add3A_265, %sign3A_270 : i32
          %sign3A_272 = arith.extui %sign3A_271 : i1 to i32
          %sign3A_273 = arith.constant 0 : i32
          %sign3A_274 = arith.cmpi slt, %add3A_265, %sign3A_273 : i32
          %sign3A_275 = arith.extui %sign3A_274 : i1 to i32
          %sign3A_276 = arith.subi %sign3A_272, %sign3A_275 : i32
          %sign3A_277 = arith.constant 0 : i32
          %sign3A_278 = arith.cmpi sgt, %jit3A_268, %sign3A_277 : i32
          %sign3A_279 = arith.extui %sign3A_278 : i1 to i32
          %sign3A_280 = arith.constant 0 : i32
          %sign3A_281 = arith.cmpi slt, %jit3A_268, %sign3A_280 : i32
          %sign3A_282 = arith.extui %sign3A_281 : i1 to i32
          %sign3A_283 = arith.subi %sign3A_279, %sign3A_282 : i32
          %ne3A_284 = arith.cmpi ne, %sign3A_276, %sign3A_283 : i32
          %rem3A_285 = arith.remsi %add3A_265, %jit3A_268 : i32
          %ne3A_286 = arith.constant 0 : i32
          %ne3A_287 = arith.cmpi ne, %rem3A_285, %ne3A_286 : i32
          %and3A_288 = arith.andi %ne3A_284, %ne3A_287 : i1
          %sub3A_289 = arith.constant 1 : i32
          %sub3A_290 = arith.subi %div3A_269, %sub3A_289 : i32
          %select_n3A_291 = arith.select %and3A_288, %sub3A_290, %div3A_269 : i32
          %jit3A_292 = arith.constant 20 : i32
          %eq3A_293 = arith.constant 0 : i32
          %eq3A_294 = arith.cmpi eq, %jit3A_292, %eq3A_293 : i32
          %jit3A_295 = arith.constant 1 : i32
          %select_n3A_296 = arith.select %eq3A_294, %jit3A_295, %jit3A_292 : i32
          %rem3A_297 = arith.remsi %add3A_265, %select_n3A_296 : i32
          %ne3A_298 = arith.constant 0 : i32
          %ne3A_299 = arith.cmpi ne, %rem3A_297, %ne3A_298 : i32
          %lt3A_300 = arith.constant 0 : i32
          %lt3A_301 = arith.cmpi slt, %rem3A_297, %lt3A_300 : i32
          %lt3A_302 = arith.constant 0 : i32
          %lt3A_303 = arith.cmpi slt, %select_n3A_296, %lt3A_302 : i32
          %ne3A_304 = arith.xori %lt3A_301, %lt3A_303 : i1
          %and3A_305 = arith.andi %ne3A_304, %ne3A_299 : i1
          %add3A_306 = arith.addi %rem3A_297, %select_n3A_296 : i32
          %select_n3A_307 = arith.select %and3A_305, %add3A_306, %rem3A_297 : i32
          %dma_start3A_308 = arith.constant 1 : i32
          %dma_start3A_309 = arith.constant 1 : i32
          %dma_start3A_310 = arith.constant 0 : i32
          %dma_start3A_311 = tpu.memref_slice %arg6[%dma_start3A_308, %select_n3A_291, %select_n3A_307, %dma_start3A_310] : memref<2x16x20x64xf32, #tpu.memory_space<vmem>> -> memref<1x1x1x64xf32, #tpu.memory_space<vmem>>
          %dma_start3A_312 = tpu.memref_squeeze %dma_start3A_311 : memref<1x1x1x64xf32, #tpu.memory_space<vmem>> -> memref<1x64xf32, #tpu.memory_space<vmem>>
          %dma_start3A_313 = arith.constant 0 : i32
          %dma_start3A_314 = tpu.memref_slice %arg2[%squeeze3A_267, %dma_start3A_313] : memref<1000001x64xf32, #tpu.memory_space<hbm>> -> memref<1x64xf32, #tpu.memory_space<hbm>>
          %dma_start3A_315 = tpu.memref_slice %arg7[%dma_start3A_309] : memref<2x!tpu.dma_semaphore, #tpu.memory_space<semaphore_mem>> -> memref<1x!tpu.dma_semaphore, #tpu.memory_space<semaphore_mem>>
          %dma_start3A_316 = tpu.memref_squeeze %dma_start3A_315 : memref<1x!tpu.dma_semaphore, #tpu.memory_space<semaphore_mem>> -> memref<!tpu.dma_semaphore, #tpu.memory_space<semaphore_mem>>
          %dma_start3A_317 = arith.constant 0 : i32
          %dma_start3A_318 = tpu.memref_slice %arg6[%dma_start3A_308, %select_n3A_291, %select_n3A_307, %dma_start3A_317] : memref<2x16x20x64xf32, #tpu.memory_space<vmem>> -> memref<1x1x1x64xf32, #tpu.memory_space<vmem>>
          %dma_start3A_319 = tpu.memref_squeeze %dma_start3A_318 : memref<1x1x1x64xf32, #tpu.memory_space<vmem>> -> memref<1x64xf32, #tpu.memory_space<vmem>>
          %dma_start3A_320 = arith.constant 0 : i32
          %dma_start3A_321 = tpu.memref_slice %arg2[%squeeze3A_267, %dma_start3A_320] : memref<1000001x64xf32, #tpu.memory_space<hbm>> -> memref<1x64xf32, #tpu.memory_space<hbm>>
          tpu.enqueue_dma source(%dma_start3A_321 : memref<1x64xf32, #tpu.memory_space<hbm>>) target(%dma_start3A_319 : memref<1x64xf32, #tpu.memory_space<vmem>>) target_semaphore(%dma_start3A_316 : memref<!tpu.dma_semaphore, #tpu.memory_space<semaphore_mem>>)
          %add3A_322 = arith.constant 4 : i32
          %add3A_323 = arith.addi %mul3A_97, %add3A_322 : i32
          %slice3A_324 = vector.extract_strided_slice %get3A_101 {offsets = [4], sizes = [1], strides = [1]} : vector<16xi32> to vector<1xi32>
          %squeeze3A_325 = vector.extract %slice3A_324[0] : i32 from vector<1xi32>
          %jit3A_326 = arith.constant 20 : i32
          %div3A_327 = arith.divsi %add3A_323, %jit3A_326 : i32
          %sign3A_328 = arith.constant 0 : i32
          %sign3A_329 = arith.cmpi sgt, %add3A_323, %sign3A_328 : i32
          %sign3A_330 = arith.extui %sign3A_329 : i1 to i32
          %sign3A_331 = arith.constant 0 : i32
          %sign3A_332 = arith.cmpi slt, %add3A_323, %sign3A_331 : i32
          %sign3A_333 = arith.extui %sign3A_332 : i1 to i32
          %sign3A_334 = arith.subi %sign3A_330, %sign3A_333 : i32
          %sign3A_335 = arith.constant 0 : i32
          %sign3A_336 = arith.cmpi sgt, %jit3A_326, %sign3A_335 : i32
          %sign3A_337 = arith.extui %sign3A_336 : i1 to i32
          %sign3A_338 = arith.constant 0 : i32
          %sign3A_339 = arith.cmpi slt, %jit3A_326, %sign3A_338 : i32
          %sign3A_340 = arith.extui %sign3A_339 : i1 to i32
          %sign3A_341 = arith.subi %sign3A_337, %sign3A_340 : i32
          %ne3A_342 = arith.cmpi ne, %sign3A_334, %sign3A_341 : i32
          %rem3A_343 = arith.remsi %add3A_323, %jit3A_326 : i32
          %ne3A_344 = arith.constant 0 : i32
          %ne3A_345 = arith.cmpi ne, %rem3A_343, %ne3A_344 : i32
          %and3A_346 = arith.andi %ne3A_342, %ne3A_345 : i1
          %sub3A_347 = arith.constant 1 : i32
          %sub3A_348 = arith.subi %div3A_327, %sub3A_347 : i32
          %select_n3A_349 = arith.select %and3A_346, %sub3A_348, %div3A_327 : i32
          %jit3A_350 = arith.constant 20 : i32
          %eq3A_351 = arith.constant 0 : i32
          %eq3A_352 = arith.cmpi eq, %jit3A_350, %eq3A_351 : i32
          %jit3A_353 = arith.constant 1 : i32
          %select_n3A_354 = arith.select %eq3A_352, %jit3A_353, %jit3A_350 : i32
          %rem3A_355 = arith.remsi %add3A_323, %select_n3A_354 : i32
          %ne3A_356 = arith.constant 0 : i32
          %ne3A_357 = arith.cmpi ne, %rem3A_355, %ne3A_356 : i32
          %lt3A_358 = arith.constant 0 : i32
          %lt3A_359 = arith.cmpi slt, %rem3A_355, %lt3A_358 : i32
          %lt3A_360 = arith.constant 0 : i32
          %lt3A_361 = arith.cmpi slt, %select_n3A_354, %lt3A_360 : i32
          %ne3A_362 = arith.xori %lt3A_359, %lt3A_361 : i1
          %and3A_363 = arith.andi %ne3A_362, %ne3A_357 : i1
          %add3A_364 = arith.addi %rem3A_355, %select_n3A_354 : i32
          %select_n3A_365 = arith.select %and3A_363, %add3A_364, %rem3A_355 : i32
          %dma_start3A_366 = arith.constant 1 : i32
          %dma_start3A_367 = arith.constant 1 : i32
          %dma_start3A_368 = arith.constant 0 : i32
          %dma_start3A_369 = tpu.memref_slice %arg6[%dma_start3A_366, %select_n3A_349, %select_n3A_365, %dma_start3A_368] : memref<2x16x20x64xf32, #tpu.memory_space<vmem>> -> memref<1x1x1x64xf32, #tpu.memory_space<vmem>>
          %dma_start3A_370 = tpu.memref_squeeze %dma_start3A_369 : memref<1x1x1x64xf32, #tpu.memory_space<vmem>> -> memref<1x64xf32, #tpu.memory_space<vmem>>
          %dma_start3A_371 = arith.constant 0 : i32
          %dma_start3A_372 = tpu.memref_slice %arg2[%squeeze3A_325, %dma_start3A_371] : memref<1000001x64xf32, #tpu.memory_space<hbm>> -> memref<1x64xf32, #tpu.memory_space<hbm>>
          %dma_start3A_373 = tpu.memref_slice %arg7[%dma_start3A_367] : memref<2x!tpu.dma_semaphore, #tpu.memory_space<semaphore_mem>> -> memref<1x!tpu.dma_semaphore, #tpu.memory_space<semaphore_mem>>
          %dma_start3A_374 = tpu.memref_squeeze %dma_start3A_373 : memref<1x!tpu.dma_semaphore, #tpu.memory_space<semaphore_mem>> -> memref<!tpu.dma_semaphore, #tpu.memory_space<semaphore_mem>>
          %dma_start3A_375 = arith.constant 0 : i32
          %dma_start3A_376 = tpu.memref_slice %arg6[%dma_start3A_366, %select_n3A_349, %select_n3A_365, %dma_start3A_375] : memref<2x16x20x64xf32, #tpu.memory_space<vmem>> -> memref<1x1x1x64xf32, #tpu.memory_space<vmem>>
          %dma_start3A_377 = tpu.memref_squeeze %dma_start3A_376 : memref<1x1x1x64xf32, #tpu.memory_space<vmem>> -> memref<1x64xf32, #tpu.memory_space<vmem>>
          %dma_start3A_378 = arith.constant 0 : i32
          %dma_start3A_379 = tpu.memref_slice %arg2[%squeeze3A_325, %dma_start3A_378] : memref<1000001x64xf32, #tpu.memory_space<hbm>> -> memref<1x64xf32, #tpu.memory_space<hbm>>
          tpu.enqueue_dma source(%dma_start3A_379 : memref<1x64xf32, #tpu.memory_space<hbm>>) target(%dma_start3A_377 : memref<1x64xf32, #tpu.memory_space<vmem>>) target_semaphore(%dma_start3A_374 : memref<!tpu.dma_semaphore, #tpu.memory_space<semaphore_mem>>)
          %add3A_380 = arith.constant 5 : i32
          %add3A_381 = arith.addi %mul3A_97, %add3A_380 : i32
          %slice3A_382 = vector.extract_strided_slice %get3A_101 {offsets = [5], sizes = [1], strides = [1]} : vector<16xi32> to vector<1xi32>
          %squeeze3A_383 = vector.extract %slice3A_382[0] : i32 from vector<1xi32>
          %jit3A_384 = arith.constant 20 : i32
          %div3A_385 = arith.divsi %add3A_381, %jit3A_384 : i32
          %sign3A_386 = arith.constant 0 : i32
          %sign3A_387 = arith.cmpi sgt, %add3A_381, %sign3A_386 : i32
          %sign3A_388 = arith.extui %sign3A_387 : i1 to i32
          %sign3A_389 = arith.constant 0 : i32
          %sign3A_390 = arith.cmpi slt, %add3A_381, %sign3A_389 : i32
          %sign3A_391 = arith.extui %sign3A_390 : i1 to i32
          %sign3A_392 = arith.subi %sign3A_388, %sign3A_391 : i32
          %sign3A_393 = arith.constant 0 : i32
          %sign3A_394 = arith.cmpi sgt, %jit3A_384, %sign3A_393 : i32
          %sign3A_395 = arith.extui %sign3A_394 : i1 to i32
          %sign3A_396 = arith.constant 0 : i32
          %sign3A_397 = arith.cmpi slt, %jit3A_384, %sign3A_396 : i32
          %sign3A_398 = arith.extui %sign3A_397 : i1 to i32
          %sign3A_399 = arith.subi %sign3A_395, %sign3A_398 : i32
          %ne3A_400 = arith.cmpi ne, %sign3A_392, %sign3A_399 : i32
          %rem3A_401 = arith.remsi %add3A_381, %jit3A_384 : i32
          %ne3A_402 = arith.constant 0 : i32
          %ne3A_403 = arith.cmpi ne, %rem3A_401, %ne3A_402 : i32
          %and3A_404 = arith.andi %ne3A_400, %ne3A_403 : i1
          %sub3A_405 = arith.constant 1 : i32
          %sub3A_406 = arith.subi %div3A_385, %sub3A_405 : i32
          %select_n3A_407 = arith.select %and3A_404, %sub3A_406, %div3A_385 : i32
          %jit3A_408 = arith.constant 20 : i32
          %eq3A_409 = arith.constant 0 : i32
          %eq3A_410 = arith.cmpi eq, %jit3A_408, %eq3A_409 : i32
          %jit3A_411 = arith.constant 1 : i32
          %select_n3A_412 = arith.select %eq3A_410, %jit3A_411, %jit3A_408 : i32
          %rem3A_413 = arith.remsi %add3A_381, %select_n3A_412 : i32
          %ne3A_414 = arith.constant 0 : i32
          %ne3A_415 = arith.cmpi ne, %rem3A_413, %ne3A_414 : i32
          %lt3A_416 = arith.constant 0 : i32
          %lt3A_417 = arith.cmpi slt, %rem3A_413, %lt3A_416 : i32
          %lt3A_418 = arith.constant 0 : i32
          %lt3A_419 = arith.cmpi slt, %select_n3A_412, %lt3A_418 : i32
          %ne3A_420 = arith.xori %lt3A_417, %lt3A_419 : i1
          %and3A_421 = arith.andi %ne3A_420, %ne3A_415 : i1
          %add3A_422 = arith.addi %rem3A_413, %select_n3A_412 : i32
          %select_n3A_423 = arith.select %and3A_421, %add3A_422, %rem3A_413 : i32
          %dma_start3A_424 = arith.constant 1 : i32
          %dma_start3A_425 = arith.constant 1 : i32
          %dma_start3A_426 = arith.constant 0 : i32
          %dma_start3A_427 = tpu.memref_slice %arg6[%dma_start3A_424, %select_n3A_407, %select_n3A_423, %dma_start3A_426] : memref<2x16x20x64xf32, #tpu.memory_space<vmem>> -> memref<1x1x1x64xf32, #tpu.memory_space<vmem>>
          %dma_start3A_428 = tpu.memref_squeeze %dma_start3A_427 : memref<1x1x1x64xf32, #tpu.memory_space<vmem>> -> memref<1x64xf32, #tpu.memory_space<vmem>>
          %dma_start3A_429 = arith.constant 0 : i32
          %dma_start3A_430 = tpu.memref_slice %arg2[%squeeze3A_383, %dma_start3A_429] : memref<1000001x64xf32, #tpu.memory_space<hbm>> -> memref<1x64xf32, #tpu.memory_space<hbm>>
          %dma_start3A_431 = tpu.memref_slice %arg7[%dma_start3A_425] : memref<2x!tpu.dma_semaphore, #tpu.memory_space<semaphore_mem>> -> memref<1x!tpu.dma_semaphore, #tpu.memory_space<semaphore_mem>>
          %dma_start3A_432 = tpu.memref_squeeze %dma_start3A_431 : memref<1x!tpu.dma_semaphore, #tpu.memory_space<semaphore_mem>> -> memref<!tpu.dma_semaphore, #tpu.memory_space<semaphore_mem>>
          %dma_start3A_433 = arith.constant 0 : i32
          %dma_start3A_434 = tpu.memref_slice %arg6[%dma_start3A_424, %select_n3A_407, %select_n3A_423, %dma_start3A_433] : memref<2x16x20x64xf32, #tpu.memory_space<vmem>> -> memref<1x1x1x64xf32, #tpu.memory_space<vmem>>
          %dma_start3A_435 = tpu.memref_squeeze %dma_start3A_434 : memref<1x1x1x64xf32, #tpu.memory_space<vmem>> -> memref<1x64xf32, #tpu.memory_space<vmem>>
          %dma_start3A_436 = arith.constant 0 : i32
          %dma_start3A_437 = tpu.memref_slice %arg2[%squeeze3A_383, %dma_start3A_436] : memref<1000001x64xf32, #tpu.memory_space<hbm>> -> memref<1x64xf32, #tpu.memory_space<hbm>>
          tpu.enqueue_dma source(%dma_start3A_437 : memref<1x64xf32, #tpu.memory_space<hbm>>) target(%dma_start3A_435 : memref<1x64xf32, #tpu.memory_space<vmem>>) target_semaphore(%dma_start3A_432 : memref<!tpu.dma_semaphore, #tpu.memory_space<semaphore_mem>>)
          %add3A_438 = arith.constant 6 : i32
          %add3A_439 = arith.addi %mul3A_97, %add3A_438 : i32
          %slice3A_440 = vector.extract_strided_slice %get3A_101 {offsets = [6], sizes = [1], strides = [1]} : vector<16xi32> to vector<1xi32>
          %squeeze3A_441 = vector.extract %slice3A_440[0] : i32 from vector<1xi32>
          %jit3A_442 = arith.constant 20 : i32
          %div3A_443 = arith.divsi %add3A_439, %jit3A_442 : i32
          %sign3A_444 = arith.constant 0 : i32
          %sign3A_445 = arith.cmpi sgt, %add3A_439, %sign3A_444 : i32
          %sign3A_446 = arith.extui %sign3A_445 : i1 to i32
          %sign3A_447 = arith.constant 0 : i32
          %sign3A_448 = arith.cmpi slt, %add3A_439, %sign3A_447 : i32
          %sign3A_449 = arith.extui %sign3A_448 : i1 to i32
          %sign3A_450 = arith.subi %sign3A_446, %sign3A_449 : i32
          %sign3A_451 = arith.constant 0 : i32
          %sign3A_452 = arith.cmpi sgt, %jit3A_442, %sign3A_451 : i32
          %sign3A_453 = arith.extui %sign3A_452 : i1 to i32
          %sign3A_454 = arith.constant 0 : i32
          %sign3A_455 = arith.cmpi slt, %jit3A_442, %sign3A_454 : i32
          %sign3A_456 = arith.extui %sign3A_455 : i1 to i32
          %sign3A_457 = arith.subi %sign3A_453, %sign3A_456 : i32
          %ne3A_458 = arith.cmpi ne, %sign3A_450, %sign3A_457 : i32
          %rem3A_459 = arith.remsi %add3A_439, %jit3A_442 : i32
          %ne3A_460 = arith.constant 0 : i32
          %ne3A_461 = arith.cmpi ne, %rem3A_459, %ne3A_460 : i32
          %and3A_462 = arith.andi %ne3A_458, %ne3A_461 : i1
          %sub3A_463 = arith.constant 1 : i32
          %sub3A_464 = arith.subi %div3A_443, %sub3A_463 : i32
          %select_n3A_465 = arith.select %and3A_462, %sub3A_464, %div3A_443 : i32
          %jit3A_466 = arith.constant 20 : i32
          %eq3A_467 = arith.constant 0 : i32
          %eq3A_468 = arith.cmpi eq, %jit3A_466, %eq3A_467 : i32
          %jit3A_469 = arith.constant 1 : i32
          %select_n3A_470 = arith.select %eq3A_468, %jit3A_469, %jit3A_466 : i32
          %rem3A_471 = arith.remsi %add3A_439, %select_n3A_470 : i32
          %ne3A_472 = arith.constant 0 : i32
          %ne3A_473 = arith.cmpi ne, %rem3A_471, %ne3A_472 : i32
          %lt3A_474 = arith.constant 0 : i32
          %lt3A_475 = arith.cmpi slt, %rem3A_471, %lt3A_474 : i32
          %lt3A_476 = arith.constant 0 : i32
          %lt3A_477 = arith.cmpi slt, %select_n3A_470, %lt3A_476 : i32
          %ne3A_478 = arith.xori %lt3A_475, %lt3A_477 : i1
          %and3A_479 = arith.andi %ne3A_478, %ne3A_473 : i1
          %add3A_480 = arith.addi %rem3A_471, %select_n3A_470 : i32
          %select_n3A_481 = arith.select %and3A_479, %add3A_480, %rem3A_471 : i32
          %dma_start3A_482 = arith.constant 1 : i32
          %dma_start3A_483 = arith.constant 1 : i32
          %dma_start3A_484 = arith.constant 0 : i32
          %dma_start3A_485 = tpu.memref_slice %arg6[%dma_start3A_482, %select_n3A_465, %select_n3A_481, %dma_start3A_484] : memref<2x16x20x64xf32, #tpu.memory_space<vmem>> -> memref<1x1x1x64xf32, #tpu.memory_space<vmem>>
          %dma_start3A_486 = tpu.memref_squeeze %dma_start3A_485 : memref<1x1x1x64xf32, #tpu.memory_space<vmem>> -> memref<1x64xf32, #tpu.memory_space<vmem>>
          %dma_start3A_487 = arith.constant 0 : i32
          %dma_start3A_488 = tpu.memref_slice %arg2[%squeeze3A_441, %dma_start3A_487] : memref<1000001x64xf32, #tpu.memory_space<hbm>> -> memref<1x64xf32, #tpu.memory_space<hbm>>
          %dma_start3A_489 = tpu.memref_slice %arg7[%dma_start3A_483] : memref<2x!tpu.dma_semaphore, #tpu.memory_space<semaphore_mem>> -> memref<1x!tpu.dma_semaphore, #tpu.memory_space<semaphore_mem>>
          %dma_start3A_490 = tpu.memref_squeeze %dma_start3A_489 : memref<1x!tpu.dma_semaphore, #tpu.memory_space<semaphore_mem>> -> memref<!tpu.dma_semaphore, #tpu.memory_space<semaphore_mem>>
          %dma_start3A_491 = arith.constant 0 : i32
          %dma_start3A_492 = tpu.memref_slice %arg6[%dma_start3A_482, %select_n3A_465, %select_n3A_481, %dma_start3A_491] : memref<2x16x20x64xf32, #tpu.memory_space<vmem>> -> memref<1x1x1x64xf32, #tpu.memory_space<vmem>>
          %dma_start3A_493 = tpu.memref_squeeze %dma_start3A_492 : memref<1x1x1x64xf32, #tpu.memory_space<vmem>> -> memref<1x64xf32, #tpu.memory_space<vmem>>
          %dma_start3A_494 = arith.constant 0 : i32
          %dma_start3A_495 = tpu.memref_slice %arg2[%squeeze3A_441, %dma_start3A_494] : memref<1000001x64xf32, #tpu.memory_space<hbm>> -> memref<1x64xf32, #tpu.memory_space<hbm>>
          tpu.enqueue_dma source(%dma_start3A_495 : memref<1x64xf32, #tpu.memory_space<hbm>>) target(%dma_start3A_493 : memref<1x64xf32, #tpu.memory_space<vmem>>) target_semaphore(%dma_start3A_490 : memref<!tpu.dma_semaphore, #tpu.memory_space<semaphore_mem>>)
          %add3A_496 = arith.constant 7 : i32
          %add3A_497 = arith.addi %mul3A_97, %add3A_496 : i32
          %slice3A_498 = vector.extract_strided_slice %get3A_101 {offsets = [7], sizes = [1], strides = [1]} : vector<16xi32> to vector<1xi32>
          %squeeze3A_499 = vector.extract %slice3A_498[0] : i32 from vector<1xi32>
          %jit3A_500 = arith.constant 20 : i32
          %div3A_501 = arith.divsi %add3A_497, %jit3A_500 : i32
          %sign3A_502 = arith.constant 0 : i32
          %sign3A_503 = arith.cmpi sgt, %add3A_497, %sign3A_502 : i32
          %sign3A_504 = arith.extui %sign3A_503 : i1 to i32
          %sign3A_505 = arith.constant 0 : i32
          %sign3A_506 = arith.cmpi slt, %add3A_497, %sign3A_505 : i32
          %sign3A_507 = arith.extui %sign3A_506 : i1 to i32
          %sign3A_508 = arith.subi %sign3A_504, %sign3A_507 : i32
          %sign3A_509 = arith.constant 0 : i32
          %sign3A_510 = arith.cmpi sgt, %jit3A_500, %sign3A_509 : i32
          %sign3A_511 = arith.extui %sign3A_510 : i1 to i32
          %sign3A_512 = arith.constant 0 : i32
          %sign3A_513 = arith.cmpi slt, %jit3A_500, %sign3A_512 : i32
          %sign3A_514 = arith.extui %sign3A_513 : i1 to i32
          %sign3A_515 = arith.subi %sign3A_511, %sign3A_514 : i32
          %ne3A_516 = arith.cmpi ne, %sign3A_508, %sign3A_515 : i32
          %rem3A_517 = arith.remsi %add3A_497, %jit3A_500 : i32
          %ne3A_518 = arith.constant 0 : i32
          %ne3A_519 = arith.cmpi ne, %rem3A_517, %ne3A_518 : i32
          %and3A_520 = arith.andi %ne3A_516, %ne3A_519 : i1
          %sub3A_521 = arith.constant 1 : i32
          %sub3A_522 = arith.subi %div3A_501, %sub3A_521 : i32
          %select_n3A_523 = arith.select %and3A_520, %sub3A_522, %div3A_501 : i32
          %jit3A_524 = arith.constant 20 : i32
          %eq3A_525 = arith.constant 0 : i32
          %eq3A_526 = arith.cmpi eq, %jit3A_524, %eq3A_525 : i32
          %jit3A_527 = arith.constant 1 : i32
          %select_n3A_528 = arith.select %eq3A_526, %jit3A_527, %jit3A_524 : i32
          %rem3A_529 = arith.remsi %add3A_497, %select_n3A_528 : i32
          %ne3A_530 = arith.constant 0 : i32
          %ne3A_531 = arith.cmpi ne, %rem3A_529, %ne3A_530 : i32
          %lt3A_532 = arith.constant 0 : i32
          %lt3A_533 = arith.cmpi slt, %rem3A_529, %lt3A_532 : i32
          %lt3A_534 = arith.constant 0 : i32
          %lt3A_535 = arith.cmpi slt, %select_n3A_528, %lt3A_534 : i32
          %ne3A_536 = arith.xori %lt3A_533, %lt3A_535 : i1
          %and3A_537 = arith.andi %ne3A_536, %ne3A_531 : i1
          %add3A_538 = arith.addi %rem3A_529, %select_n3A_528 : i32
          %select_n3A_539 = arith.select %and3A_537, %add3A_538, %rem3A_529 : i32
          %dma_start3A_540 = arith.constant 1 : i32
          %dma_start3A_541 = arith.constant 1 : i32
          %dma_start3A_542 = arith.constant 0 : i32
          %dma_start3A_543 = tpu.memref_slice %arg6[%dma_start3A_540, %select_n3A_523, %select_n3A_539, %dma_start3A_542] : memref<2x16x20x64xf32, #tpu.memory_space<vmem>> -> memref<1x1x1x64xf32, #tpu.memory_space<vmem>>
          %dma_start3A_544 = tpu.memref_squeeze %dma_start3A_543 : memref<1x1x1x64xf32, #tpu.memory_space<vmem>> -> memref<1x64xf32, #tpu.memory_space<vmem>>
          %dma_start3A_545 = arith.constant 0 : i32
          %dma_start3A_546 = tpu.memref_slice %arg2[%squeeze3A_499, %dma_start3A_545] : memref<1000001x64xf32, #tpu.memory_space<hbm>> -> memref<1x64xf32, #tpu.memory_space<hbm>>
          %dma_start3A_547 = tpu.memref_slice %arg7[%dma_start3A_541] : memref<2x!tpu.dma_semaphore, #tpu.memory_space<semaphore_mem>> -> memref<1x!tpu.dma_semaphore, #tpu.memory_space<semaphore_mem>>
          %dma_start3A_548 = tpu.memref_squeeze %dma_start3A_547 : memref<1x!tpu.dma_semaphore, #tpu.memory_space<semaphore_mem>> -> memref<!tpu.dma_semaphore, #tpu.memory_space<semaphore_mem>>
          %dma_start3A_549 = arith.constant 0 : i32
          %dma_start3A_550 = tpu.memref_slice %arg6[%dma_start3A_540, %select_n3A_523, %select_n3A_539, %dma_start3A_549] : memref<2x16x20x64xf32, #tpu.memory_space<vmem>> -> memref<1x1x1x64xf32, #tpu.memory_space<vmem>>
          %dma_start3A_551 = tpu.memref_squeeze %dma_start3A_550 : memref<1x1x1x64xf32, #tpu.memory_space<vmem>> -> memref<1x64xf32, #tpu.memory_space<vmem>>
          %dma_start3A_552 = arith.constant 0 : i32
          %dma_start3A_553 = tpu.memref_slice %arg2[%squeeze3A_499, %dma_start3A_552] : memref<1000001x64xf32, #tpu.memory_space<hbm>> -> memref<1x64xf32, #tpu.memory_space<hbm>>
          tpu.enqueue_dma source(%dma_start3A_553 : memref<1x64xf32, #tpu.memory_space<hbm>>) target(%dma_start3A_551 : memref<1x64xf32, #tpu.memory_space<vmem>>) target_semaphore(%dma_start3A_548 : memref<!tpu.dma_semaphore, #tpu.memory_space<semaphore_mem>>)
          %add3A_554 = arith.constant 8 : i32
          %add3A_555 = arith.addi %mul3A_97, %add3A_554 : i32
          %slice3A_556 = vector.extract_strided_slice %get3A_101 {offsets = [8], sizes = [1], strides = [1]} : vector<16xi32> to vector<1xi32>
          %squeeze3A_557 = vector.extract %slice3A_556[0] : i32 from vector<1xi32>
          %jit3A_558 = arith.constant 20 : i32
          %div3A_559 = arith.divsi %add3A_555, %jit3A_558 : i32
          %sign3A_560 = arith.constant 0 : i32
          %sign3A_561 = arith.cmpi sgt, %add3A_555, %sign3A_560 : i32
          %sign3A_562 = arith.extui %sign3A_561 : i1 to i32
          %sign3A_563 = arith.constant 0 : i32
          %sign3A_564 = arith.cmpi slt, %add3A_555, %sign3A_563 : i32
          %sign3A_565 = arith.extui %sign3A_564 : i1 to i32
          %sign3A_566 = arith.subi %sign3A_562, %sign3A_565 : i32
          %sign3A_567 = arith.constant 0 : i32
          %sign3A_568 = arith.cmpi sgt, %jit3A_558, %sign3A_567 : i32
          %sign3A_569 = arith.extui %sign3A_568 : i1 to i32
          %sign3A_570 = arith.constant 0 : i32
          %sign3A_571 = arith.cmpi slt, %jit3A_558, %sign3A_570 : i32
          %sign3A_572 = arith.extui %sign3A_571 : i1 to i32
          %sign3A_573 = arith.subi %sign3A_569, %sign3A_572 : i32
          %ne3A_574 = arith.cmpi ne, %sign3A_566, %sign3A_573 : i32
          %rem3A_575 = arith.remsi %add3A_555, %jit3A_558 : i32
          %ne3A_576 = arith.constant 0 : i32
          %ne3A_577 = arith.cmpi ne, %rem3A_575, %ne3A_576 : i32
          %and3A_578 = arith.andi %ne3A_574, %ne3A_577 : i1
          %sub3A_579 = arith.constant 1 : i32
          %sub3A_580 = arith.subi %div3A_559, %sub3A_579 : i32
          %select_n3A_581 = arith.select %and3A_578, %sub3A_580, %div3A_559 : i32
          %jit3A_582 = arith.constant 20 : i32
          %eq3A_583 = arith.constant 0 : i32
          %eq3A_584 = arith.cmpi eq, %jit3A_582, %eq3A_583 : i32
          %jit3A_585 = arith.constant 1 : i32
          %select_n3A_586 = arith.select %eq3A_584, %jit3A_585, %jit3A_582 : i32
          %rem3A_587 = arith.remsi %add3A_555, %select_n3A_586 : i32
          %ne3A_588 = arith.constant 0 : i32
          %ne3A_589 = arith.cmpi ne, %rem3A_587, %ne3A_588 : i32
          %lt3A_590 = arith.constant 0 : i32
          %lt3A_591 = arith.cmpi slt, %rem3A_587, %lt3A_590 : i32
          %lt3A_592 = arith.constant 0 : i32
          %lt3A_593 = arith.cmpi slt, %select_n3A_586, %lt3A_592 : i32
          %ne3A_594 = arith.xori %lt3A_591, %lt3A_593 : i1
          %and3A_595 = arith.andi %ne3A_594, %ne3A_589 : i1
          %add3A_596 = arith.addi %rem3A_587, %select_n3A_586 : i32
          %select_n3A_597 = arith.select %and3A_595, %add3A_596, %rem3A_587 : i32
          %dma_start3A_598 = arith.constant 1 : i32
          %dma_start3A_599 = arith.constant 1 : i32
          %dma_start3A_600 = arith.constant 0 : i32
          %dma_start3A_601 = tpu.memref_slice %arg6[%dma_start3A_598, %select_n3A_581, %select_n3A_597, %dma_start3A_600] : memref<2x16x20x64xf32, #tpu.memory_space<vmem>> -> memref<1x1x1x64xf32, #tpu.memory_space<vmem>>
          %dma_start3A_602 = tpu.memref_squeeze %dma_start3A_601 : memref<1x1x1x64xf32, #tpu.memory_space<vmem>> -> memref<1x64xf32, #tpu.memory_space<vmem>>
          %dma_start3A_603 = arith.constant 0 : i32
          %dma_start3A_604 = tpu.memref_slice %arg2[%squeeze3A_557, %dma_start3A_603] : memref<1000001x64xf32, #tpu.memory_space<hbm>> -> memref<1x64xf32, #tpu.memory_space<hbm>>
          %dma_start3A_605 = tpu.memref_slice %arg7[%dma_start3A_599] : memref<2x!tpu.dma_semaphore, #tpu.memory_space<semaphore_mem>> -> memref<1x!tpu.dma_semaphore, #tpu.memory_space<semaphore_mem>>
          %dma_start3A_606 = tpu.memref_squeeze %dma_start3A_605 : memref<1x!tpu.dma_semaphore, #tpu.memory_space<semaphore_mem>> -> memref<!tpu.dma_semaphore, #tpu.memory_space<semaphore_mem>>
          %dma_start3A_607 = arith.constant 0 : i32
          %dma_start3A_608 = tpu.memref_slice %arg6[%dma_start3A_598, %select_n3A_581, %select_n3A_597, %dma_start3A_607] : memref<2x16x20x64xf32, #tpu.memory_space<vmem>> -> memref<1x1x1x64xf32, #tpu.memory_space<vmem>>
          %dma_start3A_609 = tpu.memref_squeeze %dma_start3A_608 : memref<1x1x1x64xf32, #tpu.memory_space<vmem>> -> memref<1x64xf32, #tpu.memory_space<vmem>>
          %dma_start3A_610 = arith.constant 0 : i32
          %dma_start3A_611 = tpu.memref_slice %arg2[%squeeze3A_557, %dma_start3A_610] : memref<1000001x64xf32, #tpu.memory_space<hbm>> -> memref<1x64xf32, #tpu.memory_space<hbm>>
          tpu.enqueue_dma source(%dma_start3A_611 : memref<1x64xf32, #tpu.memory_space<hbm>>) target(%dma_start3A_609 : memref<1x64xf32, #tpu.memory_space<vmem>>) target_semaphore(%dma_start3A_606 : memref<!tpu.dma_semaphore, #tpu.memory_space<semaphore_mem>>)
          %add3A_612 = arith.constant 9 : i32
          %add3A_613 = arith.addi %mul3A_97, %add3A_612 : i32
          %slice3A_614 = vector.extract_strided_slice %get3A_101 {offsets = [9], sizes = [1], strides = [1]} : vector<16xi32> to vector<1xi32>
          %squeeze3A_615 = vector.extract %slice3A_614[0] : i32 from vector<1xi32>
          %jit3A_616 = arith.constant 20 : i32
          %div3A_617 = arith.divsi %add3A_613, %jit3A_616 : i32
          %sign3A_618 = arith.constant 0 : i32
          %sign3A_619 = arith.cmpi sgt, %add3A_613, %sign3A_618 : i32
          %sign3A_620 = arith.extui %sign3A_619 : i1 to i32
          %sign3A_621 = arith.constant 0 : i32
          %sign3A_622 = arith.cmpi slt, %add3A_613, %sign3A_621 : i32
          %sign3A_623 = arith.extui %sign3A_622 : i1 to i32
          %sign3A_624 = arith.subi %sign3A_620, %sign3A_623 : i32
          %sign3A_625 = arith.constant 0 : i32
          %sign3A_626 = arith.cmpi sgt, %jit3A_616, %sign3A_625 : i32
          %sign3A_627 = arith.extui %sign3A_626 : i1 to i32
          %sign3A_628 = arith.constant 0 : i32
          %sign3A_629 = arith.cmpi slt, %jit3A_616, %sign3A_628 : i32
          %sign3A_630 = arith.extui %sign3A_629 : i1 to i32
          %sign3A_631 = arith.subi %sign3A_627, %sign3A_630 : i32
          %ne3A_632 = arith.cmpi ne, %sign3A_624, %sign3A_631 : i32
          %rem3A_633 = arith.remsi %add3A_613, %jit3A_616 : i32
          %ne3A_634 = arith.constant 0 : i32
          %ne3A_635 = arith.cmpi ne, %rem3A_633, %ne3A_634 : i32
          %and3A_636 = arith.andi %ne3A_632, %ne3A_635 : i1
          %sub3A_637 = arith.constant 1 : i32
          %sub3A_638 = arith.subi %div3A_617, %sub3A_637 : i32
          %select_n3A_639 = arith.select %and3A_636, %sub3A_638, %div3A_617 : i32
          %jit3A_640 = arith.constant 20 : i32
          %eq3A_641 = arith.constant 0 : i32
          %eq3A_642 = arith.cmpi eq, %jit3A_640, %eq3A_641 : i32
          %jit3A_643 = arith.constant 1 : i32
          %select_n3A_644 = arith.select %eq3A_642, %jit3A_643, %jit3A_640 : i32
          %rem3A_645 = arith.remsi %add3A_613, %select_n3A_644 : i32
          %ne3A_646 = arith.constant 0 : i32
          %ne3A_647 = arith.cmpi ne, %rem3A_645, %ne3A_646 : i32
          %lt3A_648 = arith.constant 0 : i32
          %lt3A_649 = arith.cmpi slt, %rem3A_645, %lt3A_648 : i32
          %lt3A_650 = arith.constant 0 : i32
          %lt3A_651 = arith.cmpi slt, %select_n3A_644, %lt3A_650 : i32
          %ne3A_652 = arith.xori %lt3A_649, %lt3A_651 : i1
          %and3A_653 = arith.andi %ne3A_652, %ne3A_647 : i1
          %add3A_654 = arith.addi %rem3A_645, %select_n3A_644 : i32
          %select_n3A_655 = arith.select %and3A_653, %add3A_654, %rem3A_645 : i32
          %dma_start3A_656 = arith.constant 1 : i32
          %dma_start3A_657 = arith.constant 1 : i32
          %dma_start3A_658 = arith.constant 0 : i32
          %dma_start3A_659 = tpu.memref_slice %arg6[%dma_start3A_656, %select_n3A_639, %select_n3A_655, %dma_start3A_658] : memref<2x16x20x64xf32, #tpu.memory_space<vmem>> -> memref<1x1x1x64xf32, #tpu.memory_space<vmem>>
          %dma_start3A_660 = tpu.memref_squeeze %dma_start3A_659 : memref<1x1x1x64xf32, #tpu.memory_space<vmem>> -> memref<1x64xf32, #tpu.memory_space<vmem>>
          %dma_start3A_661 = arith.constant 0 : i32
          %dma_start3A_662 = tpu.memref_slice %arg2[%squeeze3A_615, %dma_start3A_661] : memref<1000001x64xf32, #tpu.memory_space<hbm>> -> memref<1x64xf32, #tpu.memory_space<hbm>>
          %dma_start3A_663 = tpu.memref_slice %arg7[%dma_start3A_657] : memref<2x!tpu.dma_semaphore, #tpu.memory_space<semaphore_mem>> -> memref<1x!tpu.dma_semaphore, #tpu.memory_space<semaphore_mem>>
          %dma_start3A_664 = tpu.memref_squeeze %dma_start3A_663 : memref<1x!tpu.dma_semaphore, #tpu.memory_space<semaphore_mem>> -> memref<!tpu.dma_semaphore, #tpu.memory_space<semaphore_mem>>
          %dma_start3A_665 = arith.constant 0 : i32
          %dma_start3A_666 = tpu.memref_slice %arg6[%dma_start3A_656, %select_n3A_639, %select_n3A_655, %dma_start3A_665] : memref<2x16x20x64xf32, #tpu.memory_space<vmem>> -> memref<1x1x1x64xf32, #tpu.memory_space<vmem>>
          %dma_start3A_667 = tpu.memref_squeeze %dma_start3A_666 : memref<1x1x1x64xf32, #tpu.memory_space<vmem>> -> memref<1x64xf32, #tpu.memory_space<vmem>>
          %dma_start3A_668 = arith.constant 0 : i32
          %dma_start3A_669 = tpu.memref_slice %arg2[%squeeze3A_615, %dma_start3A_668] : memref<1000001x64xf32, #tpu.memory_space<hbm>> -> memref<1x64xf32, #tpu.memory_space<hbm>>
          tpu.enqueue_dma source(%dma_start3A_669 : memref<1x64xf32, #tpu.memory_space<hbm>>) target(%dma_start3A_667 : memref<1x64xf32, #tpu.memory_space<vmem>>) target_semaphore(%dma_start3A_664 : memref<!tpu.dma_semaphore, #tpu.memory_space<semaphore_mem>>)
          %add3A_670 = arith.constant 10 : i32
          %add3A_671 = arith.addi %mul3A_97, %add3A_670 : i32
          %slice3A_672 = vector.extract_strided_slice %get3A_101 {offsets = [10], sizes = [1], strides = [1]} : vector<16xi32> to vector<1xi32>
          %squeeze3A_673 = vector.extract %slice3A_672[0] : i32 from vector<1xi32>
          %jit3A_674 = arith.constant 20 : i32
          %div3A_675 = arith.divsi %add3A_671, %jit3A_674 : i32
          %sign3A_676 = arith.constant 0 : i32
          %sign3A_677 = arith.cmpi sgt, %add3A_671, %sign3A_676 : i32
          %sign3A_678 = arith.extui %sign3A_677 : i1 to i32
          %sign3A_679 = arith.constant 0 : i32
          %sign3A_680 = arith.cmpi slt, %add3A_671, %sign3A_679 : i32
          %sign3A_681 = arith.extui %sign3A_680 : i1 to i32
          %sign3A_682 = arith.subi %sign3A_678, %sign3A_681 : i32
          %sign3A_683 = arith.constant 0 : i32
          %sign3A_684 = arith.cmpi sgt, %jit3A_674, %sign3A_683 : i32
          %sign3A_685 = arith.extui %sign3A_684 : i1 to i32
          %sign3A_686 = arith.constant 0 : i32
          %sign3A_687 = arith.cmpi slt, %jit3A_674, %sign3A_686 : i32
          %sign3A_688 = arith.extui %sign3A_687 : i1 to i32
          %sign3A_689 = arith.subi %sign3A_685, %sign3A_688 : i32
          %ne3A_690 = arith.cmpi ne, %sign3A_682, %sign3A_689 : i32
          %rem3A_691 = arith.remsi %add3A_671, %jit3A_674 : i32
          %ne3A_692 = arith.constant 0 : i32
          %ne3A_693 = arith.cmpi ne, %rem3A_691, %ne3A_692 : i32
          %and3A_694 = arith.andi %ne3A_690, %ne3A_693 : i1
          %sub3A_695 = arith.constant 1 : i32
          %sub3A_696 = arith.subi %div3A_675, %sub3A_695 : i32
          %select_n3A_697 = arith.select %and3A_694, %sub3A_696, %div3A_675 : i32
          %jit3A_698 = arith.constant 20 : i32
          %eq3A_699 = arith.constant 0 : i32
          %eq3A_700 = arith.cmpi eq, %jit3A_698, %eq3A_699 : i32
          %jit3A_701 = arith.constant 1 : i32
          %select_n3A_702 = arith.select %eq3A_700, %jit3A_701, %jit3A_698 : i32
          %rem3A_703 = arith.remsi %add3A_671, %select_n3A_702 : i32
          %ne3A_704 = arith.constant 0 : i32
          %ne3A_705 = arith.cmpi ne, %rem3A_703, %ne3A_704 : i32
          %lt3A_706 = arith.constant 0 : i32
          %lt3A_707 = arith.cmpi slt, %rem3A_703, %lt3A_706 : i32
          %lt3A_708 = arith.constant 0 : i32
          %lt3A_709 = arith.cmpi slt, %select_n3A_702, %lt3A_708 : i32
          %ne3A_710 = arith.xori %lt3A_707, %lt3A_709 : i1
          %and3A_711 = arith.andi %ne3A_710, %ne3A_705 : i1
          %add3A_712 = arith.addi %rem3A_703, %select_n3A_702 : i32
          %select_n3A_713 = arith.select %and3A_711, %add3A_712, %rem3A_703 : i32
          %dma_start3A_714 = arith.constant 1 : i32
          %dma_start3A_715 = arith.constant 1 : i32
          %dma_start3A_716 = arith.constant 0 : i32
          %dma_start3A_717 = tpu.memref_slice %arg6[%dma_start3A_714, %select_n3A_697, %select_n3A_713, %dma_start3A_716] : memref<2x16x20x64xf32, #tpu.memory_space<vmem>> -> memref<1x1x1x64xf32, #tpu.memory_space<vmem>>
          %dma_start3A_718 = tpu.memref_squeeze %dma_start3A_717 : memref<1x1x1x64xf32, #tpu.memory_space<vmem>> -> memref<1x64xf32, #tpu.memory_space<vmem>>
          %dma_start3A_719 = arith.constant 0 : i32
          %dma_start3A_720 = tpu.memref_slice %arg2[%squeeze3A_673, %dma_start3A_719] : memref<1000001x64xf32, #tpu.memory_space<hbm>> -> memref<1x64xf32, #tpu.memory_space<hbm>>
          %dma_start3A_721 = tpu.memref_slice %arg7[%dma_start3A_715] : memref<2x!tpu.dma_semaphore, #tpu.memory_space<semaphore_mem>> -> memref<1x!tpu.dma_semaphore, #tpu.memory_space<semaphore_mem>>
          %dma_start3A_722 = tpu.memref_squeeze %dma_start3A_721 : memref<1x!tpu.dma_semaphore, #tpu.memory_space<semaphore_mem>> -> memref<!tpu.dma_semaphore, #tpu.memory_space<semaphore_mem>>
          %dma_start3A_723 = arith.constant 0 : i32
          %dma_start3A_724 = tpu.memref_slice %arg6[%dma_start3A_714, %select_n3A_697, %select_n3A_713, %dma_start3A_723] : memref<2x16x20x64xf32, #tpu.memory_space<vmem>> -> memref<1x1x1x64xf32, #tpu.memory_space<vmem>>
          %dma_start3A_725 = tpu.memref_squeeze %dma_start3A_724 : memref<1x1x1x64xf32, #tpu.memory_space<vmem>> -> memref<1x64xf32, #tpu.memory_space<vmem>>
          %dma_start3A_726 = arith.constant 0 : i32
          %dma_start3A_727 = tpu.memref_slice %arg2[%squeeze3A_673, %dma_start3A_726] : memref<1000001x64xf32, #tpu.memory_space<hbm>> -> memref<1x64xf32, #tpu.memory_space<hbm>>
          tpu.enqueue_dma source(%dma_start3A_727 : memref<1x64xf32, #tpu.memory_space<hbm>>) target(%dma_start3A_725 : memref<1x64xf32, #tpu.memory_space<vmem>>) target_semaphore(%dma_start3A_722 : memref<!tpu.dma_semaphore, #tpu.memory_space<semaphore_mem>>)
          %add3A_728 = arith.constant 11 : i32
          %add3A_729 = arith.addi %mul3A_97, %add3A_728 : i32
          %slice3A_730 = vector.extract_strided_slice %get3A_101 {offsets = [11], sizes = [1], strides = [1]} : vector<16xi32> to vector<1xi32>
          %squeeze3A_731 = vector.extract %slice3A_730[0] : i32 from vector<1xi32>
          %jit3A_732 = arith.constant 20 : i32
          %div3A_733 = arith.divsi %add3A_729, %jit3A_732 : i32
          %sign3A_734 = arith.constant 0 : i32
          %sign3A_735 = arith.cmpi sgt, %add3A_729, %sign3A_734 : i32
          %sign3A_736 = arith.extui %sign3A_735 : i1 to i32
          %sign3A_737 = arith.constant 0 : i32
          %sign3A_738 = arith.cmpi slt, %add3A_729, %sign3A_737 : i32
          %sign3A_739 = arith.extui %sign3A_738 : i1 to i32
          %sign3A_740 = arith.subi %sign3A_736, %sign3A_739 : i32
          %sign3A_741 = arith.constant 0 : i32
          %sign3A_742 = arith.cmpi sgt, %jit3A_732, %sign3A_741 : i32
          %sign3A_743 = arith.extui %sign3A_742 : i1 to i32
          %sign3A_744 = arith.constant 0 : i32
          %sign3A_745 = arith.cmpi slt, %jit3A_732, %sign3A_744 : i32
          %sign3A_746 = arith.extui %sign3A_745 : i1 to i32
          %sign3A_747 = arith.subi %sign3A_743, %sign3A_746 : i32
          %ne3A_748 = arith.cmpi ne, %sign3A_740, %sign3A_747 : i32
          %rem3A_749 = arith.remsi %add3A_729, %jit3A_732 : i32
          %ne3A_750 = arith.constant 0 : i32
          %ne3A_751 = arith.cmpi ne, %rem3A_749, %ne3A_750 : i32
          %and3A_752 = arith.andi %ne3A_748, %ne3A_751 : i1
          %sub3A_753 = arith.constant 1 : i32
          %sub3A_754 = arith.subi %div3A_733, %sub3A_753 : i32
          %select_n3A_755 = arith.select %and3A_752, %sub3A_754, %div3A_733 : i32
          %jit3A_756 = arith.constant 20 : i32
          %eq3A_757 = arith.constant 0 : i32
          %eq3A_758 = arith.cmpi eq, %jit3A_756, %eq3A_757 : i32
          %jit3A_759 = arith.constant 1 : i32
          %select_n3A_760 = arith.select %eq3A_758, %jit3A_759, %jit3A_756 : i32
          %rem3A_761 = arith.remsi %add3A_729, %select_n3A_760 : i32
          %ne3A_762 = arith.constant 0 : i32
          %ne3A_763 = arith.cmpi ne, %rem3A_761, %ne3A_762 : i32
          %lt3A_764 = arith.constant 0 : i32
          %lt3A_765 = arith.cmpi slt, %rem3A_761, %lt3A_764 : i32
          %lt3A_766 = arith.constant 0 : i32
          %lt3A_767 = arith.cmpi slt, %select_n3A_760, %lt3A_766 : i32
          %ne3A_768 = arith.xori %lt3A_765, %lt3A_767 : i1
          %and3A_769 = arith.andi %ne3A_768, %ne3A_763 : i1
          %add3A_770 = arith.addi %rem3A_761, %select_n3A_760 : i32
          %select_n3A_771 = arith.select %and3A_769, %add3A_770, %rem3A_761 : i32
          %dma_start3A_772 = arith.constant 1 : i32
          %dma_start3A_773 = arith.constant 1 : i32
          %dma_start3A_774 = arith.constant 0 : i32
          %dma_start3A_775 = tpu.memref_slice %arg6[%dma_start3A_772, %select_n3A_755, %select_n3A_771, %dma_start3A_774] : memref<2x16x20x64xf32, #tpu.memory_space<vmem>> -> memref<1x1x1x64xf32, #tpu.memory_space<vmem>>
          %dma_start3A_776 = tpu.memref_squeeze %dma_start3A_775 : memref<1x1x1x64xf32, #tpu.memory_space<vmem>> -> memref<1x64xf32, #tpu.memory_space<vmem>>
          %dma_start3A_777 = arith.constant 0 : i32
          %dma_start3A_778 = tpu.memref_slice %arg2[%squeeze3A_731, %dma_start3A_777] : memref<1000001x64xf32, #tpu.memory_space<hbm>> -> memref<1x64xf32, #tpu.memory_space<hbm>>
          %dma_start3A_779 = tpu.memref_slice %arg7[%dma_start3A_773] : memref<2x!tpu.dma_semaphore, #tpu.memory_space<semaphore_mem>> -> memref<1x!tpu.dma_semaphore, #tpu.memory_space<semaphore_mem>>
          %dma_start3A_780 = tpu.memref_squeeze %dma_start3A_779 : memref<1x!tpu.dma_semaphore, #tpu.memory_space<semaphore_mem>> -> memref<!tpu.dma_semaphore, #tpu.memory_space<semaphore_mem>>
          %dma_start3A_781 = arith.constant 0 : i32
          %dma_start3A_782 = tpu.memref_slice %arg6[%dma_start3A_772, %select_n3A_755, %select_n3A_771, %dma_start3A_781] : memref<2x16x20x64xf32, #tpu.memory_space<vmem>> -> memref<1x1x1x64xf32, #tpu.memory_space<vmem>>
          %dma_start3A_783 = tpu.memref_squeeze %dma_start3A_782 : memref<1x1x1x64xf32, #tpu.memory_space<vmem>> -> memref<1x64xf32, #tpu.memory_space<vmem>>
          %dma_start3A_784 = arith.constant 0 : i32
          %dma_start3A_785 = tpu.memref_slice %arg2[%squeeze3A_731, %dma_start3A_784] : memref<1000001x64xf32, #tpu.memory_space<hbm>> -> memref<1x64xf32, #tpu.memory_space<hbm>>
          tpu.enqueue_dma source(%dma_start3A_785 : memref<1x64xf32, #tpu.memory_space<hbm>>) target(%dma_start3A_783 : memref<1x64xf32, #tpu.memory_space<vmem>>) target_semaphore(%dma_start3A_780 : memref<!tpu.dma_semaphore, #tpu.memory_space<semaphore_mem>>)
          %add3A_786 = arith.constant 12 : i32
          %add3A_787 = arith.addi %mul3A_97, %add3A_786 : i32
          %slice3A_788 = vector.extract_strided_slice %get3A_101 {offsets = [12], sizes = [1], strides = [1]} : vector<16xi32> to vector<1xi32>
          %squeeze3A_789 = vector.extract %slice3A_788[0] : i32 from vector<1xi32>
          %jit3A_790 = arith.constant 20 : i32
          %div3A_791 = arith.divsi %add3A_787, %jit3A_790 : i32
          %sign3A_792 = arith.constant 0 : i32
          %sign3A_793 = arith.cmpi sgt, %add3A_787, %sign3A_792 : i32
          %sign3A_794 = arith.extui %sign3A_793 : i1 to i32
          %sign3A_795 = arith.constant 0 : i32
          %sign3A_796 = arith.cmpi slt, %add3A_787, %sign3A_795 : i32
          %sign3A_797 = arith.extui %sign3A_796 : i1 to i32
          %sign3A_798 = arith.subi %sign3A_794, %sign3A_797 : i32
          %sign3A_799 = arith.constant 0 : i32
          %sign3A_800 = arith.cmpi sgt, %jit3A_790, %sign3A_799 : i32
          %sign3A_801 = arith.extui %sign3A_800 : i1 to i32
          %sign3A_802 = arith.constant 0 : i32
          %sign3A_803 = arith.cmpi slt, %jit3A_790, %sign3A_802 : i32
          %sign3A_804 = arith.extui %sign3A_803 : i1 to i32
          %sign3A_805 = arith.subi %sign3A_801, %sign3A_804 : i32
          %ne3A_806 = arith.cmpi ne, %sign3A_798, %sign3A_805 : i32
          %rem3A_807 = arith.remsi %add3A_787, %jit3A_790 : i32
          %ne3A_808 = arith.constant 0 : i32
          %ne3A_809 = arith.cmpi ne, %rem3A_807, %ne3A_808 : i32
          %and3A_810 = arith.andi %ne3A_806, %ne3A_809 : i1
          %sub3A_811 = arith.constant 1 : i32
          %sub3A_812 = arith.subi %div3A_791, %sub3A_811 : i32
          %select_n3A_813 = arith.select %and3A_810, %sub3A_812, %div3A_791 : i32
          %jit3A_814 = arith.constant 20 : i32
          %eq3A_815 = arith.constant 0 : i32
          %eq3A_816 = arith.cmpi eq, %jit3A_814, %eq3A_815 : i32
          %jit3A_817 = arith.constant 1 : i32
          %select_n3A_818 = arith.select %eq3A_816, %jit3A_817, %jit3A_814 : i32
          %rem3A_819 = arith.remsi %add3A_787, %select_n3A_818 : i32
          %ne3A_820 = arith.constant 0 : i32
          %ne3A_821 = arith.cmpi ne, %rem3A_819, %ne3A_820 : i32
          %lt3A_822 = arith.constant 0 : i32
          %lt3A_823 = arith.cmpi slt, %rem3A_819, %lt3A_822 : i32
          %lt3A_824 = arith.constant 0 : i32
          %lt3A_825 = arith.cmpi slt, %select_n3A_818, %lt3A_824 : i32
          %ne3A_826 = arith.xori %lt3A_823, %lt3A_825 : i1
          %and3A_827 = arith.andi %ne3A_826, %ne3A_821 : i1
          %add3A_828 = arith.addi %rem3A_819, %select_n3A_818 : i32
          %select_n3A_829 = arith.select %and3A_827, %add3A_828, %rem3A_819 : i32
          %dma_start3A_830 = arith.constant 1 : i32
          %dma_start3A_831 = arith.constant 1 : i32
          %dma_start3A_832 = arith.constant 0 : i32
          %dma_start3A_833 = tpu.memref_slice %arg6[%dma_start3A_830, %select_n3A_813, %select_n3A_829, %dma_start3A_832] : memref<2x16x20x64xf32, #tpu.memory_space<vmem>> -> memref<1x1x1x64xf32, #tpu.memory_space<vmem>>
          %dma_start3A_834 = tpu.memref_squeeze %dma_start3A_833 : memref<1x1x1x64xf32, #tpu.memory_space<vmem>> -> memref<1x64xf32, #tpu.memory_space<vmem>>
          %dma_start3A_835 = arith.constant 0 : i32
          %dma_start3A_836 = tpu.memref_slice %arg2[%squeeze3A_789, %dma_start3A_835] : memref<1000001x64xf32, #tpu.memory_space<hbm>> -> memref<1x64xf32, #tpu.memory_space<hbm>>
          %dma_start3A_837 = tpu.memref_slice %arg7[%dma_start3A_831] : memref<2x!tpu.dma_semaphore, #tpu.memory_space<semaphore_mem>> -> memref<1x!tpu.dma_semaphore, #tpu.memory_space<semaphore_mem>>
          %dma_start3A_838 = tpu.memref_squeeze %dma_start3A_837 : memref<1x!tpu.dma_semaphore, #tpu.memory_space<semaphore_mem>> -> memref<!tpu.dma_semaphore, #tpu.memory_space<semaphore_mem>>
          %dma_start3A_839 = arith.constant 0 : i32
          %dma_start3A_840 = tpu.memref_slice %arg6[%dma_start3A_830, %select_n3A_813, %select_n3A_829, %dma_start3A_839] : memref<2x16x20x64xf32, #tpu.memory_space<vmem>> -> memref<1x1x1x64xf32, #tpu.memory_space<vmem>>
          %dma_start3A_841 = tpu.memref_squeeze %dma_start3A_840 : memref<1x1x1x64xf32, #tpu.memory_space<vmem>> -> memref<1x64xf32, #tpu.memory_space<vmem>>
          %dma_start3A_842 = arith.constant 0 : i32
          %dma_start3A_843 = tpu.memref_slice %arg2[%squeeze3A_789, %dma_start3A_842] : memref<1000001x64xf32, #tpu.memory_space<hbm>> -> memref<1x64xf32, #tpu.memory_space<hbm>>
          tpu.enqueue_dma source(%dma_start3A_843 : memref<1x64xf32, #tpu.memory_space<hbm>>) target(%dma_start3A_841 : memref<1x64xf32, #tpu.memory_space<vmem>>) target_semaphore(%dma_start3A_838 : memref<!tpu.dma_semaphore, #tpu.memory_space<semaphore_mem>>)
          %add3A_844 = arith.constant 13 : i32
          %add3A_845 = arith.addi %mul3A_97, %add3A_844 : i32
          %slice3A_846 = vector.extract_strided_slice %get3A_101 {offsets = [13], sizes = [1], strides = [1]} : vector<16xi32> to vector<1xi32>
          %squeeze3A_847 = vector.extract %slice3A_846[0] : i32 from vector<1xi32>
          %jit3A_848 = arith.constant 20 : i32
          %div3A_849 = arith.divsi %add3A_845, %jit3A_848 : i32
          %sign3A_850 = arith.constant 0 : i32
          %sign3A_851 = arith.cmpi sgt, %add3A_845, %sign3A_850 : i32
          %sign3A_852 = arith.extui %sign3A_851 : i1 to i32
          %sign3A_853 = arith.constant 0 : i32
          %sign3A_854 = arith.cmpi slt, %add3A_845, %sign3A_853 : i32
          %sign3A_855 = arith.extui %sign3A_854 : i1 to i32
          %sign3A_856 = arith.subi %sign3A_852, %sign3A_855 : i32
          %sign3A_857 = arith.constant 0 : i32
          %sign3A_858 = arith.cmpi sgt, %jit3A_848, %sign3A_857 : i32
          %sign3A_859 = arith.extui %sign3A_858 : i1 to i32
          %sign3A_860 = arith.constant 0 : i32
          %sign3A_861 = arith.cmpi slt, %jit3A_848, %sign3A_860 : i32
          %sign3A_862 = arith.extui %sign3A_861 : i1 to i32
          %sign3A_863 = arith.subi %sign3A_859, %sign3A_862 : i32
          %ne3A_864 = arith.cmpi ne, %sign3A_856, %sign3A_863 : i32
          %rem3A_865 = arith.remsi %add3A_845, %jit3A_848 : i32
          %ne3A_866 = arith.constant 0 : i32
          %ne3A_867 = arith.cmpi ne, %rem3A_865, %ne3A_866 : i32
          %and3A_868 = arith.andi %ne3A_864, %ne3A_867 : i1
          %sub3A_869 = arith.constant 1 : i32
          %sub3A_870 = arith.subi %div3A_849, %sub3A_869 : i32
          %select_n3A_871 = arith.select %and3A_868, %sub3A_870, %div3A_849 : i32
          %jit3A_872 = arith.constant 20 : i32
          %eq3A_873 = arith.constant 0 : i32
          %eq3A_874 = arith.cmpi eq, %jit3A_872, %eq3A_873 : i32
          %jit3A_875 = arith.constant 1 : i32
          %select_n3A_876 = arith.select %eq3A_874, %jit3A_875, %jit3A_872 : i32
          %rem3A_877 = arith.remsi %add3A_845, %select_n3A_876 : i32
          %ne3A_878 = arith.constant 0 : i32
          %ne3A_879 = arith.cmpi ne, %rem3A_877, %ne3A_878 : i32
          %lt3A_880 = arith.constant 0 : i32
          %lt3A_881 = arith.cmpi slt, %rem3A_877, %lt3A_880 : i32
          %lt3A_882 = arith.constant 0 : i32
          %lt3A_883 = arith.cmpi slt, %select_n3A_876, %lt3A_882 : i32
          %ne3A_884 = arith.xori %lt3A_881, %lt3A_883 : i1
          %and3A_885 = arith.andi %ne3A_884, %ne3A_879 : i1
          %add3A_886 = arith.addi %rem3A_877, %select_n3A_876 : i32
          %select_n3A_887 = arith.select %and3A_885, %add3A_886, %rem3A_877 : i32
          %dma_start3A_888 = arith.constant 1 : i32
          %dma_start3A_889 = arith.constant 1 : i32
          %dma_start3A_890 = arith.constant 0 : i32
          %dma_start3A_891 = tpu.memref_slice %arg6[%dma_start3A_888, %select_n3A_871, %select_n3A_887, %dma_start3A_890] : memref<2x16x20x64xf32, #tpu.memory_space<vmem>> -> memref<1x1x1x64xf32, #tpu.memory_space<vmem>>
          %dma_start3A_892 = tpu.memref_squeeze %dma_start3A_891 : memref<1x1x1x64xf32, #tpu.memory_space<vmem>> -> memref<1x64xf32, #tpu.memory_space<vmem>>
          %dma_start3A_893 = arith.constant 0 : i32
          %dma_start3A_894 = tpu.memref_slice %arg2[%squeeze3A_847, %dma_start3A_893] : memref<1000001x64xf32, #tpu.memory_space<hbm>> -> memref<1x64xf32, #tpu.memory_space<hbm>>
          %dma_start3A_895 = tpu.memref_slice %arg7[%dma_start3A_889] : memref<2x!tpu.dma_semaphore, #tpu.memory_space<semaphore_mem>> -> memref<1x!tpu.dma_semaphore, #tpu.memory_space<semaphore_mem>>
          %dma_start3A_896 = tpu.memref_squeeze %dma_start3A_895 : memref<1x!tpu.dma_semaphore, #tpu.memory_space<semaphore_mem>> -> memref<!tpu.dma_semaphore, #tpu.memory_space<semaphore_mem>>
          %dma_start3A_897 = arith.constant 0 : i32
          %dma_start3A_898 = tpu.memref_slice %arg6[%dma_start3A_888, %select_n3A_871, %select_n3A_887, %dma_start3A_897] : memref<2x16x20x64xf32, #tpu.memory_space<vmem>> -> memref<1x1x1x64xf32, #tpu.memory_space<vmem>>
          %dma_start3A_899 = tpu.memref_squeeze %dma_start3A_898 : memref<1x1x1x64xf32, #tpu.memory_space<vmem>> -> memref<1x64xf32, #tpu.memory_space<vmem>>
          %dma_start3A_900 = arith.constant 0 : i32
          %dma_start3A_901 = tpu.memref_slice %arg2[%squeeze3A_847, %dma_start3A_900] : memref<1000001x64xf32, #tpu.memory_space<hbm>> -> memref<1x64xf32, #tpu.memory_space<hbm>>
          tpu.enqueue_dma source(%dma_start3A_901 : memref<1x64xf32, #tpu.memory_space<hbm>>) target(%dma_start3A_899 : memref<1x64xf32, #tpu.memory_space<vmem>>) target_semaphore(%dma_start3A_896 : memref<!tpu.dma_semaphore, #tpu.memory_space<semaphore_mem>>)
          %add3A_902 = arith.constant 14 : i32
          %add3A_903 = arith.addi %mul3A_97, %add3A_902 : i32
          %slice3A_904 = vector.extract_strided_slice %get3A_101 {offsets = [14], sizes = [1], strides = [1]} : vector<16xi32> to vector<1xi32>
          %squeeze3A_905 = vector.extract %slice3A_904[0] : i32 from vector<1xi32>
          %jit3A_906 = arith.constant 20 : i32
          %div3A_907 = arith.divsi %add3A_903, %jit3A_906 : i32
          %sign3A_908 = arith.constant 0 : i32
          %sign3A_909 = arith.cmpi sgt, %add3A_903, %sign3A_908 : i32
          %sign3A_910 = arith.extui %sign3A_909 : i1 to i32
          %sign3A_911 = arith.constant 0 : i32
          %sign3A_912 = arith.cmpi slt, %add3A_903, %sign3A_911 : i32
          %sign3A_913 = arith.extui %sign3A_912 : i1 to i32
          %sign3A_914 = arith.subi %sign3A_910, %sign3A_913 : i32
          %sign3A_915 = arith.constant 0 : i32
          %sign3A_916 = arith.cmpi sgt, %jit3A_906, %sign3A_915 : i32
          %sign3A_917 = arith.extui %sign3A_916 : i1 to i32
          %sign3A_918 = arith.constant 0 : i32
          %sign3A_919 = arith.cmpi slt, %jit3A_906, %sign3A_918 : i32
          %sign3A_920 = arith.extui %sign3A_919 : i1 to i32
          %sign3A_921 = arith.subi %sign3A_917, %sign3A_920 : i32
          %ne3A_922 = arith.cmpi ne, %sign3A_914, %sign3A_921 : i32
          %rem3A_923 = arith.remsi %add3A_903, %jit3A_906 : i32
          %ne3A_924 = arith.constant 0 : i32
          %ne3A_925 = arith.cmpi ne, %rem3A_923, %ne3A_924 : i32
          %and3A_926 = arith.andi %ne3A_922, %ne3A_925 : i1
          %sub3A_927 = arith.constant 1 : i32
          %sub3A_928 = arith.subi %div3A_907, %sub3A_927 : i32
          %select_n3A_929 = arith.select %and3A_926, %sub3A_928, %div3A_907 : i32
          %jit3A_930 = arith.constant 20 : i32
          %eq3A_931 = arith.constant 0 : i32
          %eq3A_932 = arith.cmpi eq, %jit3A_930, %eq3A_931 : i32
          %jit3A_933 = arith.constant 1 : i32
          %select_n3A_934 = arith.select %eq3A_932, %jit3A_933, %jit3A_930 : i32
          %rem3A_935 = arith.remsi %add3A_903, %select_n3A_934 : i32
          %ne3A_936 = arith.constant 0 : i32
          %ne3A_937 = arith.cmpi ne, %rem3A_935, %ne3A_936 : i32
          %lt3A_938 = arith.constant 0 : i32
          %lt3A_939 = arith.cmpi slt, %rem3A_935, %lt3A_938 : i32
          %lt3A_940 = arith.constant 0 : i32
          %lt3A_941 = arith.cmpi slt, %select_n3A_934, %lt3A_940 : i32
          %ne3A_942 = arith.xori %lt3A_939, %lt3A_941 : i1
          %and3A_943 = arith.andi %ne3A_942, %ne3A_937 : i1
          %add3A_944 = arith.addi %rem3A_935, %select_n3A_934 : i32
          %select_n3A_945 = arith.select %and3A_943, %add3A_944, %rem3A_935 : i32
          %dma_start3A_946 = arith.constant 1 : i32
          %dma_start3A_947 = arith.constant 1 : i32
          %dma_start3A_948 = arith.constant 0 : i32
          %dma_start3A_949 = tpu.memref_slice %arg6[%dma_start3A_946, %select_n3A_929, %select_n3A_945, %dma_start3A_948] : memref<2x16x20x64xf32, #tpu.memory_space<vmem>> -> memref<1x1x1x64xf32, #tpu.memory_space<vmem>>
          %dma_start3A_950 = tpu.memref_squeeze %dma_start3A_949 : memref<1x1x1x64xf32, #tpu.memory_space<vmem>> -> memref<1x64xf32, #tpu.memory_space<vmem>>
          %dma_start3A_951 = arith.constant 0 : i32
          %dma_start3A_952 = tpu.memref_slice %arg2[%squeeze3A_905, %dma_start3A_951] : memref<1000001x64xf32, #tpu.memory_space<hbm>> -> memref<1x64xf32, #tpu.memory_space<hbm>>
          %dma_start3A_953 = tpu.memref_slice %arg7[%dma_start3A_947] : memref<2x!tpu.dma_semaphore, #tpu.memory_space<semaphore_mem>> -> memref<1x!tpu.dma_semaphore, #tpu.memory_space<semaphore_mem>>
          %dma_start3A_954 = tpu.memref_squeeze %dma_start3A_953 : memref<1x!tpu.dma_semaphore, #tpu.memory_space<semaphore_mem>> -> memref<!tpu.dma_semaphore, #tpu.memory_space<semaphore_mem>>
          %dma_start3A_955 = arith.constant 0 : i32
          %dma_start3A_956 = tpu.memref_slice %arg6[%dma_start3A_946, %select_n3A_929, %select_n3A_945, %dma_start3A_955] : memref<2x16x20x64xf32, #tpu.memory_space<vmem>> -> memref<1x1x1x64xf32, #tpu.memory_space<vmem>>
          %dma_start3A_957 = tpu.memref_squeeze %dma_start3A_956 : memref<1x1x1x64xf32, #tpu.memory_space<vmem>> -> memref<1x64xf32, #tpu.memory_space<vmem>>
          %dma_start3A_958 = arith.constant 0 : i32
          %dma_start3A_959 = tpu.memref_slice %arg2[%squeeze3A_905, %dma_start3A_958] : memref<1000001x64xf32, #tpu.memory_space<hbm>> -> memref<1x64xf32, #tpu.memory_space<hbm>>
          tpu.enqueue_dma source(%dma_start3A_959 : memref<1x64xf32, #tpu.memory_space<hbm>>) target(%dma_start3A_957 : memref<1x64xf32, #tpu.memory_space<vmem>>) target_semaphore(%dma_start3A_954 : memref<!tpu.dma_semaphore, #tpu.memory_space<semaphore_mem>>)
          %add3A_960 = arith.constant 15 : i32
          %add3A_961 = arith.addi %mul3A_97, %add3A_960 : i32
          %slice3A_962 = vector.extract_strided_slice %get3A_101 {offsets = [15], sizes = [1], strides = [1]} : vector<16xi32> to vector<1xi32>
          %squeeze3A_963 = vector.extract %slice3A_962[0] : i32 from vector<1xi32>
          %jit3A_964 = arith.constant 20 : i32
          %div3A_965 = arith.divsi %add3A_961, %jit3A_964 : i32
          %sign3A_966 = arith.constant 0 : i32
          %sign3A_967 = arith.cmpi sgt, %add3A_961, %sign3A_966 : i32
          %sign3A_968 = arith.extui %sign3A_967 : i1 to i32
          %sign3A_969 = arith.constant 0 : i32
          %sign3A_970 = arith.cmpi slt, %add3A_961, %sign3A_969 : i32
          %sign3A_971 = arith.extui %sign3A_970 : i1 to i32
          %sign3A_972 = arith.subi %sign3A_968, %sign3A_971 : i32
          %sign3A_973 = arith.constant 0 : i32
          %sign3A_974 = arith.cmpi sgt, %jit3A_964, %sign3A_973 : i32
          %sign3A_975 = arith.extui %sign3A_974 : i1 to i32
          %sign3A_976 = arith.constant 0 : i32
          %sign3A_977 = arith.cmpi slt, %jit3A_964, %sign3A_976 : i32
          %sign3A_978 = arith.extui %sign3A_977 : i1 to i32
          %sign3A_979 = arith.subi %sign3A_975, %sign3A_978 : i32
          %ne3A_980 = arith.cmpi ne, %sign3A_972, %sign3A_979 : i32
          %rem3A_981 = arith.remsi %add3A_961, %jit3A_964 : i32
          %ne3A_982 = arith.constant 0 : i32
          %ne3A_983 = arith.cmpi ne, %rem3A_981, %ne3A_982 : i32
          %and3A_984 = arith.andi %ne3A_980, %ne3A_983 : i1
          %sub3A_985 = arith.constant 1 : i32
          %sub3A_986 = arith.subi %div3A_965, %sub3A_985 : i32
          %select_n3A_987 = arith.select %and3A_984, %sub3A_986, %div3A_965 : i32
          %jit3A_988 = arith.constant 20 : i32
          %eq3A_989 = arith.constant 0 : i32
          %eq3A_990 = arith.cmpi eq, %jit3A_988, %eq3A_989 : i32
          %jit3A_991 = arith.constant 1 : i32
          %select_n3A_992 = arith.select %eq3A_990, %jit3A_991, %jit3A_988 : i32
          %rem3A_993 = arith.remsi %add3A_961, %select_n3A_992 : i32
          %ne3A_994 = arith.constant 0 : i32
          %ne3A_995 = arith.cmpi ne, %rem3A_993, %ne3A_994 : i32
          %lt3A_996 = arith.constant 0 : i32
          %lt3A_997 = arith.cmpi slt, %rem3A_993, %lt3A_996 : i32
          %lt3A_998 = arith.constant 0 : i32
          %lt3A_999 = arith.cmpi slt, %select_n3A_992, %lt3A_998 : i32
          %ne3A_1000 = arith.xori %lt3A_997, %lt3A_999 : i1
          %and3A_1001 = arith.andi %ne3A_1000, %ne3A_995 : i1
          %add3A_1002 = arith.addi %rem3A_993, %select_n3A_992 : i32
          %select_n3A_1003 = arith.select %and3A_1001, %add3A_1002, %rem3A_993 : i32
          %dma_start3A_1004 = arith.constant 1 : i32
          %dma_start3A_1005 = arith.constant 1 : i32
          %dma_start3A_1006 = arith.constant 0 : i32
          %dma_start3A_1007 = tpu.memref_slice %arg6[%dma_start3A_1004, %select_n3A_987, %select_n3A_1003, %dma_start3A_1006] : memref<2x16x20x64xf32, #tpu.memory_space<vmem>> -> memref<1x1x1x64xf32, #tpu.memory_space<vmem>>
          %dma_start3A_1008 = tpu.memref_squeeze %dma_start3A_1007 : memref<1x1x1x64xf32, #tpu.memory_space<vmem>> -> memref<1x64xf32, #tpu.memory_space<vmem>>
          %dma_start3A_1009 = arith.constant 0 : i32
          %dma_start3A_1010 = tpu.memref_slice %arg2[%squeeze3A_963, %dma_start3A_1009] : memref<1000001x64xf32, #tpu.memory_space<hbm>> -> memref<1x64xf32, #tpu.memory_space<hbm>>
          %dma_start3A_1011 = tpu.memref_slice %arg7[%dma_start3A_1005] : memref<2x!tpu.dma_semaphore, #tpu.memory_space<semaphore_mem>> -> memref<1x!tpu.dma_semaphore, #tpu.memory_space<semaphore_mem>>
          %dma_start3A_1012 = tpu.memref_squeeze %dma_start3A_1011 : memref<1x!tpu.dma_semaphore, #tpu.memory_space<semaphore_mem>> -> memref<!tpu.dma_semaphore, #tpu.memory_space<semaphore_mem>>
          %dma_start3A_1013 = arith.constant 0 : i32
          %dma_start3A_1014 = tpu.memref_slice %arg6[%dma_start3A_1004, %select_n3A_987, %select_n3A_1003, %dma_start3A_1013] : memref<2x16x20x64xf32, #tpu.memory_space<vmem>> -> memref<1x1x1x64xf32, #tpu.memory_space<vmem>>
          %dma_start3A_1015 = tpu.memref_squeeze %dma_start3A_1014 : memref<1x1x1x64xf32, #tpu.memory_space<vmem>> -> memref<1x64xf32, #tpu.memory_space<vmem>>
          %dma_start3A_1016 = arith.constant 0 : i32
          %dma_start3A_1017 = tpu.memref_slice %arg2[%squeeze3A_963, %dma_start3A_1016] : memref<1000001x64xf32, #tpu.memory_space<hbm>> -> memref<1x64xf32, #tpu.memory_space<hbm>>
          tpu.enqueue_dma source(%dma_start3A_1017 : memref<1x64xf32, #tpu.memory_space<hbm>>) target(%dma_start3A_1015 : memref<1x64xf32, #tpu.memory_space<vmem>>) target_semaphore(%dma_start3A_1012 : memref<!tpu.dma_semaphore, #tpu.memory_space<semaphore_mem>>)
        }
        %scan3A_94 = arith.constant 20 : i32
      } else {
      }
    }
    %scan3A_19 = arith.constant 16 : i32
    return
  }
}

</mosaic_0001>

<sc_bundles>
// kernel: kernel.3.cloned.1.call-start
scs
__scs_entry_jumppad:
0x0: {  	(pc) =	sbr.rel $0x88, $3  }
0x1: {  	(tag) =	ssettag $0x0;
	lr =	simm.s32 $0x1  }
0x2: {  	[smem:$0x3F9F] =	sst lr;
	_ =	strace $0xD0000000  }
0x3: {  	_ = 	snop  }
0x4: {  	_ = 	snop  }
0x5: {  	_ = 	snop  }
0x6: {  	_ = 	snop  }
0x7: {  	_ = 	snop  }
__scs_overlays_trampoline_lowered:
0x8: {  	[smem:$0x3FAE] =	sst s0  }
0x9: {  	[smem:$0x3FAF] =	sst s1  }
0xa: {  	[smem:$0x3FB0] =	sst s2  }
0xb: {  	[smem:$0x3FB1] =	sst s3  }
0xc: {  	[smem:$0x3FB2] =	sst s4  }
0xd: {  	[smem:$0x3FB3] =	sst s5  }
0xe: {  	[smem:$0x3FB4] =	sst s6  }
0xf: {  	[smem:$0x3FB5] =	sst s7  }
0x10: {  	[smem:$0x3FB6] =	sst s8  }
0x11: {  	[smem:$0x3FB7] =	sst s9;
	s0 =	simm.s32 @!p0 $0x0  }
0x12: {  	s1 =	sld [smem:$0x3F9D];
	s0 =	simm.s32 @p0 $0x1  }
0x13: {  	[smem:$0x3FB8] =	sst s0;
	s0 =	simm.s32 @!p1 $0x0  }
0x14: {  	s2 =	sld [smem:$0x3F9C];
	s0 =	simm.s32 @p1 $0x1  }
0x15: {  	[smem:$0x3FB9] =	sst s0;
	s0 =	simm.s32 @!p2 $0x0  }
0x16: {  	s3 =	sld [smem:$0x3FDB];
	s0 =	simm.s32 @p2 $0x1  }
0x17: {  	s4 =	simm.s32 $0x1BF5;
	[smem:$0x3FBB] =	sst s0  }
0x18: {  	s0 =	sld [smem:$0x3F9E];
	_ =	swait.ge [sflag:s4], $0x0  }
0x19: {  	s7 =	sld [smem:$0x3F9F]  }
0x1a: {  	s8 =	sadd.s32 $0xFFFFE003, lr  }
0x1b: {  	s9 =	sadd.s32 $0xFFFFFEF7, lr;
	s5 =	simm.s32 $0xFFFFFFFF;
	p2 =	slt.u32 s8, $0xFFFFF086  }
0x1c: {  	p1 =	slt.u32 s9, $0xF7A;
	s5 =	simm.s32 @!p2 $0x0  }
0x1d: {  	s5 =	simm.s32 @p1 $0x1;
	p0 =	seq.s32 s7, s2  }
0x1e: {  	s7 =	smul.u32 @!p0 $0xF7A, s2;
	p2 =	seq.s32 @!p0 s5, $0x0  }
0x1f: {  	s9 =	smul.u32 $0xF7A, s1;
	s8 =	simm.s32 @!p0 $0x1BF5;
	p2 =	por !p2, p0  }
0x20: {  	[sflag:s8] =	ssyncset.s32 @!p0 $0xFFFFF086;
	s6 =	sadd.s32 @!p0 s3, s7;
	s7 =	simm.s32 @!p0 $0x108  }
0x21: {  	s3 =	sadd.s32 s3, s9;
	s6 =	sadd.s32 @!p0 $0x88, s6;
	s7 =	simm.s32 @p2 $0x1082  }
0x22: {  	[simem:s7], [sflag:s8] =	dma.local @!p0 [hbm:s6], $0xF7A  }
0x23: {  	s9 =	sor.u32 $0xD0000000, s2;
	s6 =	simm.s32 $0x108;
	_ =	swait.ge @!p0 [sflag:s8], $0x0  }
0x24: {  	s3 =	sadd.s32 $0x88, s3;
	s6 =	simm.s32 @!p1 $0x1082;
	[sflag:s4] =	ssyncset.s32 $0xFFFFF086  }
0x25: {  	[simem:s6], [sflag:s4] =	dma.local [hbm:s3], $0xF7A  }
0x26: {  	[smem:$0x3F9F] =	sst s1;
	(tag) =	ssettag s2;
	_ =	strace s9  }
0x27: {  	s1 =	sld [smem:$0x3FAF]  }
0x28: {  	s2 =	sld [smem:$0x3FB0]  }
0x29: {  	s4 =	sld [smem:$0x3FB2]  }
0x2a: {  	p0 =	seq.s32 s5, $0x0;
	s5 =	sld [smem:$0x3FB3]  }
0x2b: {  	s6 =	sld [smem:$0x3FB4]  }
0x2c: {  	s7 =	sld [smem:$0x3FB5]  }
0x2d: {  	s3 =	simm.s32 $0x108;
	s8 =	sld [smem:$0x3FB6]  }
0x2e: {  	s3 =	simm.s32 @!p0 $0x1082;
	s9 =	sld [smem:$0x3FB7]  }
0x2f: {  	lr =	sadd.s32 s0, s3;
	s0 =	sld [smem:$0x3FAE]  }
0x30: {  	s3 =	sld [smem:$0x3FB1]  }
0x31: {  	[smem:$0x3FBA] =	sst s10  }
0x32: {  	s10 =	sld [smem:$0x3FB8];
	_ =	sdelay $0x3  }
0x33: {  	p0 =	seq.s32 s10, $0x1;
	s10 =	sld [smem:$0x3FBA];
	_ =	sdelay $0x3  }
0x34: {  	[smem:$0x3FBA] =	sst s10  }
0x35: {  	s10 =	sld [smem:$0x3FB9];
	_ =	sdelay $0x3  }
0x36: {  	p1 =	seq.s32 s10, $0x1;
	s10 =	sld [smem:$0x3FBA];
	_ =	sdelay $0x3  }
0x37: {  	[smem:$0x3FBA] =	sst s10  }
0x38: {  	s10 =	sld [smem:$0x3FBB]  }
0x39: {  	_ = 	snop;
	(pc) =	sbr.ind lr, $3  }
0x3a: {  	_ = 	snop  }
0x3b: {  	_ = 	snop  }
0x3c: {  	p2 =	seq.s32 s10, $0x1;
	s10 =	sld [smem:$0x3FBA]  }
0x3d: {  	_ =	shalt  }
0x3e: {  	_ =	shalt  }
0x3f: {  	_ =	shalt  }
0x40: {  	_ =	shalt  }
0x41: {  	_ =	shalt  }
0x42: {  	_ =	shalt  }
0x43: {  	_ =	shalt  }
0x44: {  	_ =	shalt  }
0x45: {  	_ =	shalt  }
0x46: {  	_ =	shalt  }
0x47: {  	_ =	shalt  }
0x48: {  	_ =	shalt  }
0x49: {  	_ =	shalt  }
0x4a: {  	_ =	shalt  }
0x4b: {  	_ =	shalt  }
0x4c: {  	_ =	shalt  }
0x4d: {  	_ =	shalt  }
0x4e: {  	_ =	shalt  }
0x4f: {  	_ =	shalt  }
0x50: {  	_ =	shalt  }
0x51: {  	_ =	shalt  }
0x52: {  	_ =	shalt  }
0x53: {  	_ =	shalt  }
0x54: {  	_ =	shalt  }
0x55: {  	_ =	shalt  }
0x56: {  	_ =	shalt  }
0x57: {  	_ =	shalt  }
0x58: {  	_ =	shalt  }
0x59: {  	_ =	shalt  }
0x5a: {  	_ =	shalt  }
0x5b: {  	_ =	shalt  }
0x5c: {  	_ =	shalt  }
0x5d: {  	_ =	shalt  }
0x5e: {  	_ =	shalt  }
0x5f: {  	_ =	shalt  }
0x60: {  	_ =	shalt  }
0x61: {  	_ =	shalt  }
0x62: {  	_ =	shalt  }
0x63: {  	_ =	shalt  }
0x64: {  	_ =	shalt  }
0x65: {  	_ =	shalt  }
0x66: {  	_ =	shalt  }
0x67: {  	_ =	shalt  }
0x68: {  	_ =	shalt  }
0x69: {  	_ =	shalt  }
0x6a: {  	_ =	shalt  }
0x6b: {  	_ =	shalt  }
0x6c: {  	_ =	shalt  }
0x6d: {  	_ =	shalt  }
0x6e: {  	_ =	shalt  }
0x6f: {  	_ =	shalt  }
0x70: {  	_ =	shalt  }
0x71: {  	_ =	shalt  }
0x72: {  	_ =	shalt  }
0x73: {  	_ =	shalt  }
0x74: {  	_ =	shalt  }
0x75: {  	_ =	shalt  }
0x76: {  	_ =	shalt  }
0x77: {  	_ =	shalt  }
0x78: {  	_ =	shalt  }
0x79: {  	_ =	shalt  }
0x7a: {  	_ =	shalt  }
0x7b: {  	_ =	shalt  }
0x7c: {  	_ =	shalt  }
0x7d: {  	_ =	shalt  }
0x7e: {  	_ =	shalt  }
0x7f: {  	_ =	shalt  }
0x80: {  	_ =	shalt  }
0x81: {  	_ =	shalt  }
0x82: {  	_ =	shalt  }
0x83: {  	_ =	shalt  }
0x84: {  	_ =	shalt  }
0x85: {  	_ =	shalt  }
0x86: {  	_ =	shalt  }
0x87: {  	_ =	shalt  }
.Lfunc_end0:
.L_simem_size_0:
called_computation_lowered:
.L_overlay_start_0:
0x88: {  	s2 =	sld [smem:$0x3FD9]  }
0x89: {  	s3 =	sld [smem:$0x3FFE];
	_ =	sdelay $0x1  }
0x8a: {  	s1 =	srdreg.scid  }
0x8b: {  	s0 =	sand.u32 $0x1, s1  }
0x8c: {  	s17 =	sshll.u32 s0, $0xA;
	s2 =	sadd.s32 s3, s2  }
0x8d: {  	s2 =	sadd.s32 s2, s17  }
0x8e: {  	[smem:$0x3FC6] =	sst s2  }
0x8f: {  	_ = 	snop  }
0x90: {  	s2 =	sld [smem:$0x3FD0];
	(tm) =	ssettm $0x1  }
0x91: {  	s18 =	sld [smem:$0x3FFB];
	_ =	sdelay $0x3  }
0x92: {  	_ =	strace s18  }
0x93: {  	s3 =	sld [smem:$0x3FFC];
	_ =	sdelay $0x3  }
0x94: {  	_ =	strace s3  }
0x95: {  	s3 =	sld [smem:$0x3FFD];
	_ =	sdelay $0x3  }
0x96: {  	_ =	strace s3  }
0x97: {  	_ =	strace $0x8FFFFFFF  }
0x98: {  	s19 =	sld [smem:$0x3FDB];
	_ =	sdelay $0x1  }
0x99: {  	s4 =	simm.s32 $_scs_section_size  }
0x9a: {  	s5 =	simm.s32 $_size__tile_overlayer_lowered;
	s6 =	simm.s32 $_tile_overlayer_lowered  }
0x9b: {  	s22 =	simm.s32 $0x1BFF;
	s21 =	sshll.u32 s6, $0x1;
	s3 =	sadd.s32 s4, s19  }
0x9c: {  	s7 =	simm.s32 $0x0;
	s20 =	sshll.u32 s5, $0x1;
	s5 =	sadd.s32 s21, s3  }
0x9d: {  	[timem:s7], [sflag:s22] =	dma.local [hbm:s5], s20  }
0x9e: {  	_ =	swait.ge [sflag:s22], s20  }
0x9f: {  	s4 =	ssub.s32 $0x0, s20;
	[sflag:s22] =	ssyncset.done $0x0  }
0xa0: {  	[sflag:s22] =	ssyncadd.s32 s4;
	_ =	sdelay $0x1  }
0xa1: {  	s23 =	simm.s32 $0x1B8B  }
0xa2: {  	_ =	swait.ge [sflag:s23], $0x1  }
0xa3: {  	[sflag:s23] =	ssyncset.done $0x0  }
0xa4: {  	s25 =	simm.s32 $0x1B8E;
	s24 =	sld [smem:$0x3FFE];
	[sflag:s23] =	ssyncadd.s32 $0xFFFFFFFF  }
0xa5: {  	s26 =	simm.s32 $execute0_lowered;
	[smem:$0x3FD2] =	sst s25  }
0xa6: {  	s5 =	sshll.u32 s26, $0x1;
	_ =	strace $0x80000046;
	[dreg:$0x1] =	wrdreg $0xFFFFFFFF  }
0xa7: {  	s28 =	simm.s32 $_size_execute0_lowered;
	s3 =	sadd.s32 s3, s5;
	[dreg:$0x0] =	wrdreg $0x0  }
0xa8: {  	s5 =	sshll.u32 s28, $0x1;
	[dreg:$0x2] =	wrdreg s3  }
0xa9: {  	[dreg:$0x3] =	wrdreg s5  }
0xaa: {  	[dreg:$0x4] =	wrdreg $0xC0  }
0xab: {  	_ =	task [dreg:s7], $0x5FFFF  }
0xac: {  	[dreg:$0x1] =	wrdreg $0xFFFFFFFF  }
0xad: {  	[dreg:$0x0] =	wrdreg $0x60  }
0xae: {  	[dreg:$0x2] =	wrdreg s24  }
0xaf: {  	[dreg:$0x3] =	wrdreg s2  }
0xb0: {  	[dreg:$0x4] =	wrdreg $0x9  }
0xb1: {  	_ =	task.clear_ibuf [dreg:s7], $0x5FFFF;
	_ =	strace $0x90000046  }
0xb2: {  	s29 =	simm.s32 $0x9;
	_ =	strace $0x80000048  }
0xb3: {  	_ =	swait.ge [sflag:s29], $0x1  }
0xb4: {  	[sflag:s29] =	ssyncadd.s32 $0xFFFFFFFF  }
0xb5: {  	_ =	strace $0x90000048  }
0xb6: {  	_ =	sfence  }
0xb7: {  	s30 =	sld [smem:$0x0];
	_ =	sdelay $0x2  }
0xb8: {  	s31 =	sshll.u32 s1, $0xD;
	s1 =	sshrl.u32 s1, $0x2  }
0xb9: {  	s3 =	sand.u32 $0x4000, s31;
	s1 =	sadd.s32 s1, s30  }
0xba: {  	s0 =	sor.u32 s3, s0;
	s1 =	sshll.u32 s1, $0x11  }
0xbb: {  	s0 =	sor.u32 s1, s0  }
0xbc: {  	s0 =	sadd.s32 $0x8F2B, s0  }
0xbd: {  	[sflag:s0] =	ssyncadd.remote.s32 $0x1  }
0xbe: {  	_ =	sfence.sel $0xFFFF  }
0xbf: {  	[dreg:$0x0] =	wrdreg $0xFFFFFFFF;
	(pc) =	sbr.abs _section_cstart, $3  }
0xc0: {  	[dreg:$0x1] =	wrdreg $0xFFFFFFFF  }
0xc1: {  	_ =	task.clear_ibuf [dreg:s7], $0x2FFFF;
	_ =	strace $0x9FFFFFFF  }
0xc2: {  	(tm) =	ssettm $0x7FFFFFFF  }
0xc3: {  	_ =	shalt  }
tec
execute0_lowered:
.L_overlay_start_1:
0x0: {  	(tag) =	ssettag $0x1  }
0x1: {  	s0 =	rddreg [dreg:$0x0]  }
0x2: {  	s1 =	srdreg.scid;
	s2 =	stileid.u32  }
0x3: {  	s4 =	rddreg [dreg:$0x1];
	s10 =	simm.s32 $0x0;
	s1 =	sand.u32 $0x1, s1  }
0x4: {  	[smem:$0x7FF] =	sst s10;
	s20 =	sadd.s32 $0x400, s0;
	s0 =	sadd.s32 $0xF42A00, s0  }
0x5: {  	s2 =	sshll.u32 s2, $0x1;
	_ =	strace $0x80000047;
	[smem:$0x7F6] =	sst s0  }
0x6: {  	s2 =	sor.u32 s1, s2;
	s1 =	ssub.s32 $0x2, s1;
	[dreg:$0x3] =	wrdreg s20  }
0x7: {  	s3 =	smul.u32 $0x3000, s2;
	s25 =	sshrl.u32 s1, $0x1;
	s26 =	sshll.u32 s2, $0x9  }
0x8: {  	s0 =	ssub.s32 s1, s25;
	[smem:$0x7F8] =	sst s26  }
0x9: {  	[smem:$0x7F7] =	sst s3;
	s3 =	sshrl.u32 s3, $0x3;
	s0 =	smax.u32 s0, $0x1  }
.Ltmp0:
0xa: {  	s28 =	sadd.s32 s4, s3;
	[smem:$0x7FA] =	sst s0;
	(pc) =	sbr.rel .LBB2_1-.Ltmp0, $4  }
0xb: {  	s29 =	sadd.s32 $0x10, s28;
	[smem:$0x7FC] =	sst s28  }
0xc: {  	s30 =	sadd.s32 $0x80, s28;
	[smem:$0x7F9] =	sst s29  }
0xd: {  	s31 =	sadd.s32 $0x100, s28;
	[smem:$0x7FB] =	sst s30  }
0xe: {  	s1 =	simm.s32 $0x0;
	s3 =	simm.s32 $0x3;
	[smem:$0x7FD] =	sst s31  }
.LBB2_14:
0xf: {  	s1 =	sld [smem:$0x7F2]  }
0x10: {  	s0 =	sld [smem:$0x7FA];
	_ =	sdelay $0x1  }
0x11: {  	s1 =	sadd.s32 $0x1, s1  }
0x12: {  	p0 =	sne.s32 s1, s0  }
.Ltmp1:
0x13: {  	_ = 	snop;
	(pc) =	sbr.rel @!p0 .LBB2_15-.Ltmp1, $1  }
0x14: {  	_ =	sdelay $0x3  }
.LBB2_1:
0x15: {  	s0 =	sld [smem:$0x7FC];
	_ =	sdelay $0x1  }
0x16: {  	s14 =	sld [smem:$0x7FB]  }
0x17: {  	[tilespmem:s10], [sflag:$0x3] =	stream.linear.gather [hbm4b:s0+s10], $0x80, $0x38;
	[tilespmem:$0x18300] =	vst v63  }
0x18: {  	s15 =	simm.s32 $0x100;
	s16 =	sld [smem:$0x7FD]  }
0x19: {  	[tilespmem:s15], [sflag:$0x3] =	stream.linear.gather [hbm4b:s14+s10], $0x80, $0x38;
	[tilespmem:$0x18300] =	vst v63  }
0x1a: {  	[smem:$0x7F2] =	sst s1;
	s17 =	simm.s32 $0x200  }
0x1b: {  	[tilespmem:s17], [sflag:$0x3] =	stream.linear.gather [hbm4b:s16+s10], $0x80, $0x38;
	[tilespmem:$0x18300] =	vst v63  }
0x1c: {  	_ =	swait.ge [sflag:s3], $0x180  }
0x1d: {  	s18 =	sand.u32 $0x70, s10;
	s19 =	sand.u32 $0x300, s10;
	[sflag:s3] =	ssyncset.done $0x0  }
0x1e: {  	s0 =	sor.u32 s18, s19;
	[sflag:s3] =	ssyncadd.s32 $0xFFFFFE80  }
0x1f: {  	v0 =	vld [tilespmem:s0+$0x0];
	_ =	sdelay $0x3  }
0x20: {  	s20 =	sand.u32 $0xFFFF, s10;
	s21 =	sor.u32 $0x9, s10  }
0x21: {  	s5 =	sor.u32 $0x5, s10;
	s1 =	smul.u32 $0xCCCD, s20;
	s4 =	sand.u32 $0xFFFF, s21;
	v0 =	vshll.u32 v0, $0x4  }
0x22: {  	s6 =	sor.u32 $0x6, s10;
	s12 =	sand.u32 $0xFFFF, s5;
	s4 =	smul.u32 $0xCCCD, s4;
	(v2sf) =	vpush v0, $0x7  }
0x23: {  	s8 =	sor.u32 $0x1, s10;
	s23 =	sand.u32 $0xFFFF, s6;
	s12 =	smul.u32 $0xCCCD, s12;
	(v2sf) =	vpush v0, $0x9  }
0x24: {  	s7 =	sand.u32 $0xFFFF, s8;
	s19 =	smul.u32 $0xCCCD, s23  }
0x25: {  	s2 =	sor.u32 $0x8, s10;
	s1 =	sshrl.u32 s1, $0x14;
	s23 =	smul.u32 $0xCCCD, s7  }
0x26: {  	s22 =	sand.u32 $0xFFFF, s2;
	s15 =	sor.u32 $0x2, s10;
	s16 =	smul.u32 $0x3000, s1;
	(v2sf) =	vpush v0, $0x1  }
0x27: {  	s18 =	sand.u32 $0xFFFF, s15;
	s3 =	smul.u32 $0xCCCD, s22;
	(v2sf) =	vpush v0, $0x8  }
0x28: {  	s30 =	simm.s32 $0x10;
	s9 =	sor.u32 $0x4, s10;
	s18 =	smul.u32 $0xCCCD, s18;
	(v2sf) =	vpush v0, $0xE  }
0x29: {  	s11 =	sor.u32 $0x3, s10;
	s1 =	smul.u32 $0x14, s1;
	s3 =	sshrl.u32 s3, $0x14  }
0x2a: {  	s31 =	simm.s32 $0x0;
	s24 =	sand.u32 $0xFFFF, s11;
	s14 =	smul.u32 $0x3000, s3  }
0x2b: {  	s13 =	sshrl.u32 s4, $0x14;
	s17 =	sand.u32 $0xFFFF, s9;
	s3 =	smul.u32 $0x14, s3;
	(v2sf) =	vpush v0, $0xD  }
0x2c: {  	s12 =	sshrl.u32 s12, $0x14;
	s19 =	sshrl.u32 s19, $0x14;
	s17 =	smul.u32 $0xCCCD, s17  }
0x2d: {  	[dreg:$0x10] =	wrdreg s21;
	s2 =	ssub.s32 s2, s3;
	s3 =	smul.u32 $0xCCCD, s24  }
0x2e: {  	s25 =	sshrl.u32 s16, $0x2;
	s18 =	sshrl.u32 s18, $0x14;
	s1 =	ssub.s32 $0x0, s1;
	(v2sf) =	vpush v0, $0x3  }
0x2f: {  	s4 =	sor.u32 $0x300, s25;
	s0 =	simm.s32 $0x0;
	s3 =	sshrl.u32 s3, $0x14  }
0x30: {  	s21 =	sshrl.u32 s17, $0x14;
	s7 =	sor.u32 $0x7, s0;
	s24 =	smul.u32 $0x14, s3  }
0x31: {  	s14 =	sshrl.u32 s14, $0x2;
	s2 =	sshll.u32 s2, $0x7;
	s26 =	spop (v2sf)  }
0x32: {  	s11 =	ssub.s32 s11, s24;
	s24 =	smul.u32 $0x14, s19;
	(v2sf) =	vpush v0, $0xB;
	s20 =	spop (v2sf)  }
0x33: {  	(v2sf) =	vpush v0, $0x0;
	s17 =	sand.u32 $0x1FFFFFF0, s26;
	s26 =	sshrl.u32 s23, $0x14;
	s23 =	smul.u32 $0x14, s18  }
0x34: {  	s2 =	sand.u32 $0x3F80, s2;
	s25 =	sand.u32 $0x1FFFFFF0, s20;
	(v2sf) =	vpush v0, $0xC;
	s20 =	smul.u32 $0x14, s26  }
0x35: {  	s6 =	ssub.s32 s6, s24;
	s22 =	spop (v2sf);
	s26 =	smul.u32 $0x14, s12  }
0x36: {  	s24 =	sshll.u32 s6, $0x7;
	s10 =	spop (v2sf);
	[dreg:$0x11] =	wrdreg s25  }
0x37: {  	s16 =	sand.u32 $0x1FFFFFF0, s10;
	s10 =	smul.u32 $0x14, s21;
	s25 =	spop (v2sf)  }
0x38: {  	s8 =	ssub.s32 s8, s20;
	s20 =	sadd.s32 s2, s14;
	s26 =	ssub.s32 s5, s26  }
0x39: {  	s5 =	smul.u32 $0x3000, s13;
	[dreg:$0x1e] =	wrdreg s16;
	s16 =	sand.u32 $0x1FFFFFF0, s22  }
0x3a: {  	s3 =	spop (v2sf);
	s29 =	sand.u32 $0x1FFFFFF0, s25;
	s25 =	smul.u32 $0x3000, s21  }
0x3b: {  	s8 =	sshll.u32 s8, $0x7;
	[smem:$0x7F5] =	sst s20;
	s21 =	ssub.s32 s15, s23  }
0x3c: {  	s23 =	smul.u32 $0x3000, s19;
	[smem:$0x7F3] =	sst s16;
	s9 =	ssub.s32 s9, s10  }
0x3d: {  	s22 =	spop (v2sf);
	s8 =	sand.u32 $0x3F80, s8;
	s16 =	sshll.u32 s11, $0x7  }
0x3e: {  	s14 =	sshll.u32 s21, $0x7;
	s11 =	smul.u32 $0x3000, s12;
	s9 =	sshll.u32 s9, $0x7  }
0x3f: {  	s10 =	sadd.s32 s8, s4;
	s18 =	sshrl.u32 s25, $0x2;
	s8 =	sand.u32 $0x3F80, s16  }
0x40: {  	(v2sf) =	vpush v0, $0x6;
	s16 =	sshll.u32 s1, $0x7;
	s1 =	sand.u32 $0x3F80, s14;
	s22 =	sand.u32 $0x1FFFFFF0, s22  }
0x41: {  	(v2sf) =	vpush v0, $0xA;
	[smem:$0x7F4] =	sst s10;
	s20 =	sadd.s32 s8, s4;
	s25 =	spop (v2sf)  }
0x42: {  	(v2sf) =	vpush v0, $0x2;
	s0 =	sand.u32 $0x3F80, s9;
	s10 =	sand.u32 $0xFFFF, s7;
	s2 =	spop (v2sf)  }
0x43: {  	(v2sf) =	vpush v0, $0xF;
	s8 =	sadd.s32 s0, s18;
	s28 =	smul.u32 $0xCCCD, s10;
	s18 =	spop (v2sf)  }
0x44: {  	s14 =	simm.s32 $0x0;
	s19 =	sand.u32 $0x3F80, s16;
	(v2sf) =	vpush v0, $0x4;
	s21 =	sand.u32 $0x1FFFFFF0, s18  }
0x45: {  	s28 =	sshrl.u32 s28, $0x14;
	(v2sf) =	vpush v0, $0x5;
	s15 =	sand.u32 $0x1FFFFFF0, s2;
	[dreg:$0x17] =	wrdreg s21  }
.LBB2_2:
0x46: {  	[smem:$0x7F0] =	sst s29  }
0x47: {  	[smem:$0x7EB] =	sst s31;
	p0 =	sne.s32 s30, $0x130;
	s29 =	sadd.s32 s19, s4  }
0x48: {  	s0 =	smov.u32 s30;
	s30 =	sadd.s32 $0x10, s30;
	s31 =	smul.u32 $0x14, s28  }
0x49: {  	s10 =	sand.u32 $0x1FFFFFF0, s3;
	s12 =	sadd.s32 s1, s4;
	s1 =	rddreg [dreg:$0x3]  }
0x4a: {  	s18 =	sand.u32 $0x1FFFFFF0, s25;
	s19 =	sshll.u32 s26, $0x7;
	[smem:$0x7EF] =	sst s0  }
0x4b: {  	s21 =	smul.u32 $0x3000, s28;
	s2 =	sshrl.u32 s23, $0x2;
	[dreg:$0x4] =	wrdreg s30  }
0x4c: {  	s23 =	sor.u32 $0xB, s14;
	s13 =	smul.u32 $0x14, s13;
	[smem:$0x7EE] =	sst s10  }
0x4d: {  	s30 =	sand.u32 $0x3F80, s24;
	[smem:$0x7EC] =	sst s12;
	s16 =	sshrl.u32 s11, $0x2  }
0x4e: {  	[smem:$0x7ED] =	sst s18;
	s3 =	sand.u32 $0x3F80, s19;
	s19 =	sadd.s32 s1, s17  }
0x4f: {  	s17 =	sshrl.u32 s5, $0x2;
	s5 =	sor.u32 $0xE, s14;
	s22 =	sadd.s32 s1, s22  }
0x50: {  	s15 =	sadd.s32 s1, s15;
	s7 =	ssub.s32 s7, s31;
	s11 =	sshrl.u32 s21, $0x2  }
0x51: {  	s28 =	sadd.s32 s3, s16;
	s3 =	smov.u32 s20;
	s7 =	sshll.u32 s7, $0x7  }
0x52: {  	s21 =	sadd.s32 $0x300, s8;
	s28 =	sadd.s32 $0x300, s28;
	s25 =	sand.u32 $0x3F80, s7  }
0x53: {  	s7 =	sadd.s32 s30, s2;
	s30 =	sand.u32 $0xFFFF, s23;
	s2 =	rddreg [dreg:$0x10]  }
0x54: {  	s31 =	sadd.s32 s25, s11;
	s11 =	sor.u32 $0xA, s14;
	s26 =	sadd.s32 $0x300, s7  }
0x55: {  	s7 =	smul.u32 $0xCCCD, s30;
	s13 =	ssub.s32 s2, s13;
	s16 =	sand.u32 $0xFFFF, s11  }
0x56: {  	s13 =	sshll.u32 s13, $0x7;
	s16 =	smul.u32 $0xCCCD, s16;
	s24 =	spop (v2sf)  }
0x57: {  	s30 =	sor.u32 $0xC, s14;
	s13 =	sand.u32 $0x3F80, s13;
	s0 =	spop (v2sf)  }
0x58: {  	s7 =	sshrl.u32 s7, $0x14;
	s16 =	sshrl.u32 s16, $0x14;
	s12 =	spop (v2sf)  }
0x59: {  	s4 =	sand.u32 $0x1FFFFFF0, s24;
	s24 =	sor.u32 $0xF, s14;
	s6 =	spop (v2sf)  }
0x5a: {  	s25 =	sand.u32 $0x1FFFFFF0, s0;
	s0 =	sadd.s32 s13, s17;
	s6 =	sand.u32 $0x1FFFFFF0, s6  }
0x5b: {  	s17 =	sand.u32 $0xFFFF, s30;
	s10 =	spop (v2sf);
	[smem:$0x7F1] =	sst s6  }
0x5c: {  	s12 =	sand.u32 $0x1FFFFFF0, s12;
	s9 =	spop (v2sf);
	s6 =	sld [smem:$0x7F3]  }
0x5d: {  	s18 =	sand.u32 $0x1FFFFFF0, s10;
	s10 =	sor.u32 $0xD, s14;
	s2 =	sand.u32 $0x1FFFFFF0, s9  }
0x5e: {  	s9 =	rddreg [dreg:$0x1e];
	s14 =	sadd.s32 s1, s2;
	s2 =	smul.u32 $0x14, s16  }
0x5f: {  	s16 =	smul.u32 $0x3000, s16;
	s20 =	sadd.s32 s1, s6;
	s6 =	simm.s32 $0x0  }
0x60: {  	[tilespmem:s29], [sflag:$0x1] =	stream.linear.gather [hbm4b:s15+s6], $0x80, $0x38;
	[tilespmem:$0x18300] =	vst v63  }
0x61: {  	s0 =	sadd.s32 $0x300, s0;
	s15 =	smul.u32 $0xCCCD, s17;
	s17 =	sld [smem:$0x7F5]  }
0x62: {  	s12 =	sadd.s32 s1, s12;
	s8 =	sadd.s32 s1, s9;
	s9 =	sand.u32 $0xFFFF, s5  }
0x63: {  	s9 =	smul.u32 $0xCCCD, s9;
	s13 =	sshrl.u32 s16, $0x2;
	s2 =	ssub.s32 s11, s2  }
0x64: {  	s29 =	sadd.s32 $0x300, s31;
	s16 =	sadd.s32 $0x300, s17;
	s17 =	sld [smem:$0x7F4]  }
0x65: {  	s2 =	sshll.u32 s2, $0x7;
	s11 =	sshrl.u32 s15, $0x14;
	s15 =	sand.u32 $0xFFFF, s10  }
0x66: {  	s31 =	sld [smem:$0x7EB];
	s2 =	sand.u32 $0x3F80, s2;
	s15 =	smul.u32 $0xCCCD, s15  }
0x67: {  	[tilespmem:s17], [sflag:$0x1] =	stream.linear.gather [hbm4b:s20+s6], $0x80, $0x38;
	[tilespmem:$0x18300] =	vst v63  }
0x68: {  	s2 =	sadd.s32 s2, s13;
	s13 =	sshrl.u32 s15, $0x14;
	s17 =	smul.u32 $0x3000, s7  }
0x69: {  	s18 =	sadd.s32 s1, s18;
	s9 =	sshrl.u32 s9, $0x14;
	s15 =	smul.u32 $0x14, s13  }
0x6a: {  	s20 =	sadd.s32 s1, s4;
	s4 =	sld [smem:$0x7EC];
	s7 =	smul.u32 $0x14, s7  }
0x6b: {  	s31 =	sadd.s32 $0x20, s31;
	s2 =	sadd.s32 $0x300, s2;
	s13 =	smul.u32 $0x3000, s13  }
0x6c: {  	s10 =	ssub.s32 s10, s15;
	s7 =	ssub.s32 s23, s7;
	s23 =	smul.u32 $0x14, s9  }
0x6d: {  	[tilespmem:s4], [sflag:$0x1] =	stream.linear.gather [hbm4b:s12+s6], $0x80, $0x38;
	[tilespmem:$0x18300] =	vst v63  }
0x6e: {  	s15 =	sshrl.u32 s17, $0x2;
	s12 =	smul.u32 $0x14, s11;
	s10 =	sshll.u32 s10, $0x7  }
0x6f: {  	s11 =	smul.u32 $0x3000, s11;
	s7 =	sshll.u32 s7, $0x7;
	s10 =	sand.u32 $0x3F80, s10  }
0x70: {  	[tilespmem:s3], [sflag:$0x1] =	stream.linear.gather [hbm4b:s22+s6], $0x80, $0x38;
	[tilespmem:$0x18300] =	vst v63  }
0x71: {  	s5 =	ssub.s32 s5, s23;
	s3 =	rddreg [dreg:$0x11];
	s12 =	ssub.s32 s30, s12  }
0x72: {  	s11 =	sshrl.u32 s11, $0x2;
	s22 =	sshrl.u32 s13, $0x2;
	s12 =	sshll.u32 s12, $0x7  }
0x73: {  	[tilespmem:s21], [sflag:$0x1] =	stream.linear.gather [hbm4b:s18+s6], $0x80, $0x38;
	[tilespmem:$0x18300] =	vst v63  }
0x74: {  	s13 =	sand.u32 $0xFFFF, s24;
	s21 =	sadd.s32 s1, s25;
	s12 =	sand.u32 $0x3F80, s12  }
0x75: {  	[tilespmem:s28], [sflag:$0x1] =	stream.linear.gather [hbm4b:s14+s6], $0x80, $0x38;
	[tilespmem:$0x18300] =	vst v63  }
0x76: {  	s25 =	sand.u32 $0x3F80, s7;
	s7 =	sld [smem:$0x7EF];
	s11 =	sadd.s32 s12, s11  }
0x77: {  	[tilespmem:s26], [sflag:$0x1] =	stream.linear.gather [hbm4b:s20+s6], $0x80, $0x38;
	[tilespmem:$0x18300] =	vst v63  }
0x78: {  	s12 =	sld [smem:$0x7F1];
	s26 =	sadd.s32 s10, s22;
	s10 =	smul.u32 $0x3000, s9  }
0x79: {  	s5 =	sshll.u32 s5, $0x7;
	s9 =	smul.u32 $0xCCCD, s13;
	s22 =	rddreg [dreg:$0x17]  }
0x7a: {  	[tilespmem:s29], [sflag:$0x1] =	stream.linear.gather [hbm4b:s19+s6], $0x80, $0x38;
	[tilespmem:$0x18300] =	vst v63  }
0x7b: {  	s4 =	sadd.s32 s1, s3;
	s14 =	smov.u32 s7;
	s19 =	sld [smem:$0x7ED]  }
0x7c: {  	s23 =	sadd.s32 s1, s22;
	s17 =	sshrl.u32 s9, $0x14;
	s9 =	sld [smem:$0x7F0]  }
0x7d: {  	[tilespmem:s16], [sflag:$0x1] =	stream.linear.gather [hbm4b:s8+s6], $0x80, $0x38;
	[tilespmem:$0x18300] =	vst v63  }
0x7e: {  	s18 =	smul.u32 $0x3000, s17;
	s8 =	sshrl.u32 s10, $0x2;
	s16 =	sand.u32 $0x3F80, s5  }
0x7f: {  	[tilespmem:s0], [sflag:$0x1] =	stream.linear.gather [hbm4b:s4+s6], $0x80, $0x38;
	[tilespmem:$0x18300] =	vst v63  }
0x80: {  	s5 =	smul.u32 $0x14, s17;
	s20 =	sadd.s32 s1, s19;
	s0 =	sadd.s32 s25, s15  }
0x81: {  	[tilespmem:s2], [sflag:$0x1] =	stream.linear.gather [hbm4b:s21+s6], $0x80, $0x38;
	[tilespmem:$0x18300] =	vst v63  }
0x82: {  	s25 =	sadd.s32 $0x300, s26;
	s26 =	sld [smem:$0x7EE];
	s0 =	sadd.s32 $0x300, s0  }
0x83: {  	[tilespmem:s0], [sflag:$0x1] =	stream.linear.gather [hbm4b:s20+s6], $0x80, $0x38;
	[tilespmem:$0x18300] =	vst v63  }
0x84: {  	s10 =	sand.u32 $0x70, s14;
	s24 =	ssub.s32 s24, s5;
	s21 =	sadd.s32 $0x300, s11  }
0x85: {  	[tilespmem:s21], [sflag:$0x1] =	stream.linear.gather [hbm4b:s23+s6], $0x80, $0x38;
	[tilespmem:$0x18300] =	vst v63  }
0x86: {  	s8 =	sadd.s32 s16, s8;
	s3 =	sshll.u32 s24, $0x7;
	s4 =	sadd.s32 s1, s26  }
0x87: {  	[tilespmem:s25], [sflag:$0x1] =	stream.linear.gather [hbm4b:s4+s6], $0x80, $0x38;
	[tilespmem:$0x18300] =	vst v63  }
0x88: {  	s8 =	sadd.s32 $0x300, s8;
	s5 =	sand.u32 $0x3F80, s3;
	s4 =	sshrl.u32 s18, $0x2  }
0x89: {  	s2 =	sadd.s32 s1, s9;
	s11 =	sand.u32 $0x300, s31;
	s0 =	sadd.s32 s5, s4  }
0x8a: {  	[tilespmem:s8], [sflag:$0x1] =	stream.linear.gather [hbm4b:s2+s6], $0x80, $0x38;
	[tilespmem:$0x18300] =	vst v63  }
0x8b: {  	s3 =	sadd.s32 s1, s12;
	s13 =	sor.u32 s10, s11;
	s0 =	sadd.s32 $0x300, s0  }
0x8c: {  	[tilespmem:s0], [sflag:$0x1] =	stream.linear.gather [hbm4b:s3+s6], $0x80, $0x38;
	[tilespmem:$0x18300] =	vst v63  }
0x8d: {  	v0 =	vld [tilespmem:s13+$0x0];
	_ =	sdelay $0x4  }
0x8e: {  	s17 =	sor.u32 $0x8, s14;
	v0 =	vshll.u32 v0, $0x4  }
0x8f: {  	s20 =	sand.u32 $0xFFFF, s17;
	s18 =	sor.u32 $0x4, s14;
	(v2sf) =	vpush v0, $0x7  }
0x90: {  	s4 =	smul.u32 $0xCCCD, s20;
	s5 =	sor.u32 $0x2, s14;
	s24 =	sand.u32 $0xFFFF, s18;
	(v2sf) =	vpush v0, $0x9  }
0x91: {  	s9 =	sand.u32 $0xFFFF, s5;
	s10 =	smul.u32 $0xCCCD, s24;
	(v2sf) =	vpush v0, $0x1  }
0x92: {  	s16 =	sand.u32 $0xFFFF, s14;
	s15 =	sor.u32 $0x9, s14;
	s9 =	smul.u32 $0xCCCD, s9;
	(v2sf) =	vpush v0, $0x8  }
0x93: {  	s19 =	sand.u32 $0xFFFF, s15;
	s0 =	smul.u32 $0xCCCD, s16;
	(v2sf) =	vpush v0, $0xE  }
0x94: {  	s8 =	sor.u32 $0x6, s14;
	s22 =	sshrl.u32 s4, $0x14;
	s3 =	smul.u32 $0xCCCD, s19  }
0x95: {  	s30 =	rddreg [dreg:$0x4];
	s23 =	sand.u32 $0xFFFF, s8;
	s11 =	smul.u32 $0x3000, s22  }
0x96: {  	[dreg:$0x10] =	wrdreg s15;
	s6 =	sor.u32 $0x5, s14;
	s15 =	smul.u32 $0xCCCD, s23  }
0x97: {  	s21 =	sand.u32 $0xFFFF, s6;
	s13 =	sshrl.u32 s3, $0x14;
	s3 =	smul.u32 $0x14, s22  }
0x98: {  	s7 =	sor.u32 $0x7, s14;
	s9 =	sshrl.u32 s9, $0x14;
	s16 =	smul.u32 $0xCCCD, s21  }
0x99: {  	s2 =	sor.u32 $0x1, s14;
	s19 =	sshrl.u32 s0, $0x14;
	s9 =	smul.u32 $0x14, s9  }
0x9a: {  	s12 =	sor.u32 $0x3, s14;
	s0 =	sand.u32 $0xFFFF, s2;
	s25 =	smul.u32 $0x3000, s19;
	(v2sf) =	vpush v0, $0xD  }
0x9b: {  	s26 =	sand.u32 $0xFFFF, s12;
	s10 =	sshrl.u32 s10, $0x14;
	s0 =	smul.u32 $0xCCCD, s0  }
0x9c: {  	s11 =	sshrl.u32 s11, $0x2;
	s19 =	smul.u32 $0x14, s19;
	s1 =	ssub.s32 s17, s3;
	(v2sf) =	vpush v0, $0x3  }
0x9d: {  	s3 =	smul.u32 $0xCCCD, s26;
	s17 =	sshrl.u32 s25, $0x2;
	s0 =	sshrl.u32 s0, $0x14  }
0x9e: {  	s1 =	sshll.u32 s1, $0x7;
	s0 =	smul.u32 $0x14, s0;
	s20 =	spop (v2sf)  }
0x9f: {  	s4 =	sor.u32 $0x300, s17;
	s3 =	sshrl.u32 s3, $0x14;
	s21 =	spop (v2sf)  }
0xa0: {  	s1 =	sand.u32 $0x3F80, s1;
	s0 =	ssub.s32 s2, s0;
	(v2sf) =	vpush v0, $0xB;
	s23 =	spop (v2sf)  }
0xa1: {  	s25 =	smul.u32 $0x14, s3;
	s0 =	sshll.u32 s0, $0x7;
	(v2sf) =	vpush v0, $0x0;
	s24 =	spop (v2sf)  }
0xa2: {  	s1 =	sadd.s32 s1, s11;
	s0 =	sand.u32 $0x3F80, s0;
	s26 =	spop (v2sf);
	(v2sf) =	vpush v0, $0xC  }
0xa3: {  	[smem:$0x7F5] =	sst s1;
	s12 =	ssub.s32 s12, s25;
	s0 =	sadd.s32 s0, s4  }
0xa4: {  	s5 =	ssub.s32 s5, s9;
	s25 =	sshll.u32 s12, $0x7;
	[smem:$0x7F4] =	sst s0  }
0xa5: {  	s0 =	sand.u32 $0x3F80, s25;
	s17 =	sand.u32 $0x1FFFFFF0, s20;
	s20 =	sand.u32 $0x1FFFFFF0, s21  }
0xa6: {  	[dreg:$0x11] =	wrdreg s20;
	s21 =	sand.u32 $0x1FFFFFF0, s23;
	s23 =	smul.u32 $0x14, s10  }
0xa7: {  	s20 =	sadd.s32 s0, s4;
	s22 =	sand.u32 $0x1FFFFFF0, s24;
	[smem:$0x7F3] =	sst s21  }
0xa8: {  	s24 =	smul.u32 $0x3000, s10;
	s10 =	sshrl.u32 s16, $0x14;
	s16 =	ssub.s32 s14, s19  }
0xa9: {  	s19 =	sand.u32 $0xFFFF, s7;
	[dreg:$0x1e] =	wrdreg s22;
	s3 =	spop (v2sf)  }
0xaa: {  	s29 =	sand.u32 $0x1FFFFFF0, s26;
	s21 =	smul.u32 $0x14, s10;
	s26 =	sshrl.u32 s15, $0x14  }
0xab: {  	s18 =	ssub.s32 s18, s23;
	s22 =	spop (v2sf);
	s12 =	smul.u32 $0x14, s26  }
0xac: {  	s18 =	sshll.u32 s18, $0x7;
	s2 =	sshrl.u32 s24, $0x2;
	s23 =	smul.u32 $0x3000, s26  }
0xad: {  	s24 =	sshll.u32 s5, $0x7;
	s26 =	sshll.u32 s16, $0x7;
	s5 =	smul.u32 $0x3000, s13  }
0xae: {  	(v2sf) =	vpush v0, $0x6;
	s1 =	sand.u32 $0x3F80, s24;
	s16 =	sand.u32 $0x3F80, s18;
	s22 =	sand.u32 $0x1FFFFFF0, s22  }
.Ltmp2:
0xaf: {  	(v2sf) =	vpush v0, $0xA;
	s9 =	ssub.s32 s8, s12;
	s25 =	spop (v2sf);
	(pc) =	sbr.rel @p0 .LBB2_2-.Ltmp2, $4  }
0xb0: {  	s12 =	smul.u32 $0xCCCD, s19;
	s8 =	sadd.s32 s16, s2;
	s11 =	spop (v2sf);
	(v2sf) =	vpush v0, $0x2  }
0xb1: {  	s19 =	sand.u32 $0x3F80, s26;
	s26 =	ssub.s32 s6, s21;
	(v2sf) =	vpush v0, $0xF;
	s18 =	spop (v2sf)  }
0xb2: {  	s24 =	sshll.u32 s9, $0x7;
	s28 =	sshrl.u32 s12, $0x14;
	(v2sf) =	vpush v0, $0x4;
	s21 =	sand.u32 $0x1FFFFFF0, s18  }
0xb3: {  	s15 =	sand.u32 $0x1FFFFFF0, s11;
	s11 =	smul.u32 $0x3000, s10;
	(v2sf) =	vpush v0, $0x5;
	[dreg:$0x17] =	wrdreg s21  }
0xb4: {  	s0 =	smul.u32 $0x14, s28;
	s2 =	sadd.s32 s19, s4  }
0xb5: {  	s6 =	sadd.s32 s1, s4;
	s10 =	sand.u32 $0x3F80, s24;
	s12 =	smul.u32 $0x3000, s28  }
0xb6: {  	s9 =	sshll.u32 s26, $0x7;
	s24 =	simm.s32 $0x0;
	s21 =	sld [smem:$0x7F3]  }
0xb7: {  	s4 =	sor.u32 $0xF, s14;
	s13 =	smul.u32 $0x14, s13;
	s5 =	sshrl.u32 s5, $0x2  }
0xb8: {  	s8 =	sadd.s32 $0x300, s8;
	s11 =	sshrl.u32 s11, $0x2;
	s9 =	sand.u32 $0x3F80, s9  }
0xb9: {  	s7 =	ssub.s32 s7, s0;
	s0 =	sand.u32 $0x1FFFFFF0, s3;
	s3 =	sand.u32 $0x1FFFFFF0, s25  }
0xba: {  	s11 =	sadd.s32 s9, s11;
	s25 =	sld [smem:$0x7F4];
	s9 =	sor.u32 $0xB, s14  }
0xbb: {  	s1 =	sshll.u32 s7, $0x7;
	s7 =	sshrl.u32 s12, $0x2;
	s12 =	sshrl.u32 s23, $0x2  }
0xbc: {  	s23 =	rddreg [dreg:$0x3];
	s11 =	sadd.s32 $0x300, s11;
	s1 =	sand.u32 $0x3F80, s1  }
0xbd: {  	s19 =	sadd.s32 s23, s15;
	s10 =	sadd.s32 s10, s12;
	s12 =	sor.u32 $0xC, s14  }
0xbe: {  	[tilespmem:s2], [sflag:$0x1] =	stream.linear.gather [hbm4b:s19+s24], $0x80, $0x38;
	[tilespmem:$0x18300] =	vst v63  }
0xbf: {  	s17 =	sadd.s32 s23, s17;
	s3 =	sadd.s32 s23, s3;
	s2 =	sadd.s32 s23, s21  }
0xc0: {  	[tilespmem:s25], [sflag:$0x1] =	stream.linear.gather [hbm4b:s2+s24], $0x80, $0x38;
	[tilespmem:$0x18300] =	vst v63  }
0xc1: {  	s0 =	sadd.s32 s23, s0;
	s7 =	sadd.s32 s1, s7;
	s16 =	spop (v2sf)  }
0xc2: {  	s7 =	sadd.s32 $0x300, s7;
	s18 =	spop (v2sf);
	s15 =	sand.u32 $0x1FFFFFF0, s16  }
0xc3: {  	s16 =	sor.u32 $0xA, s14;
	s1 =	sand.u32 $0x1FFFFFF0, s18;
	s26 =	spop (v2sf)  }
0xc4: {  	s18 =	sand.u32 $0xFFFF, s9;
	s21 =	sand.u32 $0xFFFF, s16;
	s2 =	sand.u32 $0x1FFFFFF0, s26  }
0xc5: {  	s15 =	sadd.s32 s23, s15;
	s19 =	spop (v2sf);
	s2 =	sadd.s32 s23, s2  }
0xc6: {  	[tilespmem:s6], [sflag:$0x1] =	stream.linear.gather [hbm4b:s2+s24], $0x80, $0x38;
	[tilespmem:$0x18300] =	vst v63  }
0xc7: {  	s1 =	sadd.s32 s23, s1;
	s6 =	sadd.s32 $0x300, s10;
	s10 =	smul.u32 $0xCCCD, s18  }
0xc8: {  	s18 =	sadd.s32 s23, s22;
	s2 =	sand.u32 $0x1FFFFFF0, s19;
	s22 =	rddreg [dreg:$0x10]  }
0xc9: {  	s19 =	smul.u32 $0xCCCD, s21;
	s21 =	rddreg [dreg:$0x1e];
	s13 =	ssub.s32 s22, s13  }
0xca: {  	[tilespmem:s20], [sflag:$0x1] =	stream.linear.gather [hbm4b:s18+s24], $0x80, $0x38;
	[tilespmem:$0x18300] =	vst v63  }
0xcb: {  	s21 =	sadd.s32 s23, s21;
	s20 =	spop (v2sf);
	s26 =	sshrl.u32 s19, $0x14  }
0xcc: {  	s13 =	sshll.u32 s13, $0x7;
	s10 =	sshrl.u32 s10, $0x14;
	s18 =	sand.u32 $0x1FFFFFF0, s20  }
0xcd: {  	s25 =	spop (v2sf);
	s22 =	smul.u32 $0x14, s26;
	s13 =	sand.u32 $0x3F80, s13  }
0xce: {  	s20 =	sand.u32 $0x1FFFFFF0, s25;
	s18 =	sadd.s32 s23, s18;
	s25 =	sand.u32 $0xFFFF, s12  }
0xcf: {  	[tilespmem:s8], [sflag:$0x1] =	stream.linear.gather [hbm4b:s18+s24], $0x80, $0x38;
	[tilespmem:$0x18300] =	vst v63  }
0xd0: {  	s8 =	sor.u32 $0xD, s14;
	s14 =	sor.u32 $0xE, s14;
	s18 =	smul.u32 $0x3000, s26  }
0xd1: {  	s5 =	sadd.s32 s13, s5;
	s13 =	smul.u32 $0xCCCD, s25;
	s26 =	sand.u32 $0xFFFF, s14  }
0xd2: {  	s19 =	sadd.s32 s23, s20;
	s16 =	ssub.s32 s16, s22;
	s20 =	smul.u32 $0xCCCD, s26  }
0xd3: {  	[tilespmem:s11], [sflag:$0x1] =	stream.linear.gather [hbm4b:s19+s24], $0x80, $0x38;
	[tilespmem:$0x18300] =	vst v63  }
0xd4: {  	s25 =	sld [smem:$0x7F5];
	s5 =	sadd.s32 $0x300, s5;
	s19 =	smul.u32 $0x3000, s10  }
0xd5: {  	s16 =	sshll.u32 s16, $0x7;
	s26 =	sand.u32 $0xFFFF, s8;
	s10 =	smul.u32 $0x14, s10  }
0xd6: {  	s18 =	sshrl.u32 s18, $0x2;
	s11 =	sshrl.u32 s13, $0x14;
	s13 =	smul.u32 $0xCCCD, s26  }
0xd7: {  	[tilespmem:s6], [sflag:$0x1] =	stream.linear.gather [hbm4b:s15+s24], $0x80, $0x38;
	[tilespmem:$0x18300] =	vst v63  }
0xd8: {  	s22 =	sadd.s32 $0x300, s25;
	s15 =	sand.u32 $0x3F80, s16;
	s16 =	smul.u32 $0x14, s11  }
0xd9: {  	s26 =	rddreg [dreg:$0x11];
	s25 =	sshrl.u32 s20, $0x14;
	s11 =	smul.u32 $0x3000, s11  }
0xda: {  	s20 =	sadd.s32 s23, s26;
	s13 =	sshrl.u32 s13, $0x14;
	s6 =	sadd.s32 s15, s18  }
0xdb: {  	s9 =	ssub.s32 s9, s10;
	s18 =	smul.u32 $0x14, s13;
	s6 =	sadd.s32 $0x300, s6  }
0xdc: {  	s11 =	sshrl.u32 s11, $0x2;
	s12 =	ssub.s32 s12, s16;
	s13 =	smul.u32 $0x3000, s13  }
0xdd: {  	[tilespmem:s7], [sflag:$0x1] =	stream.linear.gather [hbm4b:s17+s24], $0x80, $0x38;
	[tilespmem:$0x18300] =	vst v63  }
0xde: {  	s17 =	smul.u32 $0x14, s25;
	s15 =	sshll.u32 s12, $0x7;
	s8 =	ssub.s32 s8, s18  }
0xdf: {  	[tilespmem:s22], [sflag:$0x1] =	stream.linear.gather [hbm4b:s21+s24], $0x80, $0x38;
	[tilespmem:$0x18300] =	vst v63  }
0xe0: {  	s7 =	sand.u32 $0x3F80, s15;
	s16 =	sshrl.u32 s13, $0x2;
	s21 =	sshll.u32 s9, $0x7  }
0xe1: {  	s22 =	smul.u32 $0x3000, s25;
	s25 =	sand.u32 $0xFFFF, s4;
	s26 =	ssub.s32 s14, s17  }
0xe2: {  	s14 =	rddreg [dreg:$0x17];
	s8 =	sshll.u32 s8, $0x7;
	s7 =	sadd.s32 s7, s11  }
0xe3: {  	s10 =	smul.u32 $0xCCCD, s25;
	s11 =	sshrl.u32 s19, $0x2;
	s8 =	sand.u32 $0x3F80, s8  }
0xe4: {  	[tilespmem:s5], [sflag:$0x1] =	stream.linear.gather [hbm4b:s20+s24], $0x80, $0x38;
	[tilespmem:$0x18300] =	vst v63  }
0xe5: {  	s5 =	sand.u32 $0x3F80, s21;
	s9 =	sshrl.u32 s22, $0x2;
	s10 =	sshrl.u32 s10, $0x14  }
0xe6: {  	[tilespmem:s6], [sflag:$0x1] =	stream.linear.gather [hbm4b:s1+s24], $0x80, $0x38;
	[tilespmem:$0x18300] =	vst v63  }
0xe7: {  	s13 =	sadd.s32 $0x300, s7;
	s5 =	sadd.s32 s5, s11;
	s12 =	smul.u32 $0x3000, s10  }
0xe8: {  	s8 =	sadd.s32 s8, s16;
	s5 =	sadd.s32 $0x300, s5;
	s10 =	smul.u32 $0x14, s10  }
0xe9: {  	[tilespmem:s5], [sflag:$0x1] =	stream.linear.gather [hbm4b:s3+s24], $0x80, $0x38;
	[tilespmem:$0x18300] =	vst v63  }
0xea: {  	s6 =	sshll.u32 s26, $0x7;
	s15 =	sadd.s32 $0x300, s8;
	s4 =	ssub.s32 s4, s10  }
0xeb: {  	s1 =	sand.u32 $0x3F80, s6;
	s5 =	sadd.s32 s23, s14;
	s4 =	sshll.u32 s4, $0x7  }
0xec: {  	[tilespmem:s13], [sflag:$0x1] =	stream.linear.gather [hbm4b:s5+s24], $0x80, $0x38;
	[tilespmem:$0x18300] =	vst v63  }
0xed: {  	s16 =	sadd.s32 s1, s9;
	s17 =	sshrl.u32 s12, $0x2;
	s18 =	sand.u32 $0x3F80, s4  }
0xee: {  	[tilespmem:s15], [sflag:$0x1] =	stream.linear.gather [hbm4b:s0+s24], $0x80, $0x38;
	[tilespmem:$0x18300] =	vst v63  }
0xef: {  	s19 =	sadd.s32 s23, s29;
	s1 =	sadd.s32 s18, s17;
	s0 =	sadd.s32 $0x300, s16  }
0xf0: {  	[tilespmem:s0], [sflag:$0x1] =	stream.linear.gather [hbm4b:s19+s24], $0x80, $0x38;
	[tilespmem:$0x18300] =	vst v63  }
0xf1: {  	s21 =	sadd.s32 s23, s2;
	s22 =	sld [smem:$0x7F9];
	s20 =	sadd.s32 $0x300, s1  }
0xf2: {  	[tilespmem:s20], [sflag:$0x1] =	stream.linear.gather [hbm4b:s21+s24], $0x80, $0x38;
	[tilespmem:$0x18300] =	vst v63  }
0xf3: {  	s20 =	simm.s32 $0x0;
	s24 =	simm.s32 $0x80  }
0xf4: {  	[tilespmem:s24], [sflag:$0x3] =	stream.linear.gather [hbm4b:s22+s20], $0x80, $0x38;
	[tilespmem:$0x18300] =	vst v63  }
0xf5: {  	s26 =	simm.s32 $0x180;
	s25 =	sadd.s32 $0x80, s22  }
0xf6: {  	[tilespmem:s26], [sflag:$0x3] =	stream.linear.gather [hbm4b:s25+s20], $0x80, $0x38;
	[tilespmem:$0x18300] =	vst v63  }
0xf7: {  	s2 =	sadd.s32 $0x100, s22;
	s3 =	simm.s32 $0x280;
	s4 =	simm.s32 $0x3  }
0xf8: {  	[tilespmem:s3], [sflag:$0x3] =	stream.linear.gather [hbm4b:s2+s20], $0x80, $0x38;
	[tilespmem:$0x18300] =	vst v63  }
0xf9: {  	_ =	swait.ge [sflag:s4], $0x180  }
0xfa: {  	s5 =	sand.u32 $0x70, s20;
	s6 =	sand.u32 $0x300, s20;
	[sflag:s4] =	ssyncset.done $0x0  }
0xfb: {  	s0 =	sor.u32 s5, s6;
	[sflag:s4] =	ssyncadd.s32 $0xFFFFFE80  }
0xfc: {  	v0 =	vld [tilespmem:s0+$0x80];
	_ =	sdelay $0x3  }
0xfd: {  	s7 =	sor.u32 $0x9, s20  }
0xfe: {  	s5 =	sand.u32 $0xFFFF, s7;
	s6 =	sor.u32 $0x1, s20;
	v0 =	vshll.u32 v0, $0x4  }
0xff: {  	s13 =	sor.u32 $0x5, s20;
	s11 =	sand.u32 $0xFFFF, s6;
	s5 =	smul.u32 $0xCCCD, s5;
	(v2sf) =	vpush v0, $0x3  }
0x100: {  	s1 =	sor.u32 $0x3, s20;
	s14 =	smul.u32 $0xCCCD, s11;
	s11 =	sand.u32 $0xFFFF, s13;
	(v2sf) =	vpush v0, $0x6  }
0x101: {  	s8 =	sor.u32 $0xF, s20;
	s9 =	sand.u32 $0xFFFF, s1;
	s11 =	smul.u32 $0xCCCD, s11;
	(v2sf) =	vpush v0, $0x4  }
0x102: {  	s10 =	sand.u32 $0xFFFF, s20;
	s3 =	sand.u32 $0xFFFF, s8;
	s2 =	smul.u32 $0xCCCD, s9;
	(v2sf) =	vpush v0, $0x5  }
0x103: {  	s29 =	sor.u32 $0xC, s20;
	s3 =	smul.u32 $0xCCCD, s3;
	s11 =	sshrl.u32 s11, $0x14;
	(v2sf) =	vpush v0, $0x8  }
0x104: {  	s22 =	sor.u32 $0x7, s20;
	[dreg:$0x7] =	wrdreg s8;
	s18 =	smul.u32 $0x3000, s11  }
0x105: {  	s12 =	sand.u32 $0xFFFF, s22;
	[dreg:$0x14] =	wrdreg s7;
	s11 =	smul.u32 $0x14, s11  }
0x106: {  	s8 =	sor.u32 $0x2, s20;
	[dreg:$0x1a] =	wrdreg s13;
	s4 =	smul.u32 $0xCCCD, s10;
	(v2sf) =	vpush v0, $0x9  }
0x107: {  	s9 =	sshrl.u32 s2, $0x14;
	s2 =	sshrl.u32 s14, $0x14;
	s10 =	smul.u32 $0xCCCD, s12;
	(v2sf) =	vpush v0, $0x1  }
0x108: {  	s7 =	sshrl.u32 s5, $0x14;
	s25 =	sshrl.u32 s3, $0x14;
	s26 =	smul.u32 $0x14, s2;
	(v2sf) =	vpush v0, $0xB  }
0x109: {  	s3 =	sand.u32 $0xFFFF, s8;
	s9 =	smul.u32 $0x14, s9;
	s0 =	sor.u32 $0x4, s20  }
0x10a: {  	[smem:$0x7E7] =	sst s11;
	s3 =	smul.u32 $0xCCCD, s3;
	s4 =	sshrl.u32 s4, $0x14;
	(v2sf) =	vpush v0, $0xE  }
0x10b: {  	s15 =	sand.u32 $0xFFFF, s0;
	s6 =	ssub.s32 s6, s26;
	s5 =	smul.u32 $0x3000, s4  }
0x10c: {  	s1 =	ssub.s32 s1, s9;
	s12 =	smul.u32 $0xCCCD, s15;
	s3 =	sshrl.u32 s3, $0x14  }
0x10d: {  	s4 =	smul.u32 $0x14, s4;
	s6 =	sshll.u32 s6, $0x7;
	s1 =	sshll.u32 s1, $0x7;
	(v2sf) =	vpush v0, $0xC  }
0x10e: {  	s3 =	smul.u32 $0x14, s3;
	s9 =	sand.u32 $0x3F80, s6;
	(v2sf) =	vpush v0, $0xA;
	s16 =	spop (v2sf)  }
0x10f: {  	s1 =	sand.u32 $0x3F80, s1;
	s12 =	sshrl.u32 s12, $0x14;
	s14 =	spop (v2sf)  }
0x110: {  	s4 =	ssub.s32 $0x0, s4;
	s8 =	ssub.s32 s8, s3;
	(v2sf) =	vpush v0, $0xD;
	s17 =	spop (v2sf)  }
0x111: {  	s4 =	sshll.u32 s4, $0x7;
	s15 =	sand.u32 $0x1FFFFFF0, s17;
	s21 =	spop (v2sf)  }
0x112: {  	s13 =	sand.u32 $0x1FFFFFF0, s16;
	s24 =	spop (v2sf);
	s16 =	sadd.s32 s23, s15  }
0x113: {  	(v2sf) =	vpush v0, $0x2;
	s30 =	sand.u32 $0x1FFFFFF0, s14;
	s19 =	sand.u32 $0x1FFFFFF0, s24;
	[smem:$0x7E8] =	sst s16  }
0x114: {  	s6 =	sadd.s32 s23, s13;
	s24 =	sshrl.u32 s18, $0x2;
	[dreg:$0x1c] =	wrdreg s19  }
0x115: {  	s11 =	sand.u32 $0x1FFFFFF0, s21;
	s21 =	spop (v2sf);
	[dreg:$0x1f] =	wrdreg s24  }
0x116: {  	(v2sf) =	vpush v0, $0x0;
	s26 =	spop (v2sf);
	s18 =	sand.u32 $0x1FFFFFF0, s21;
	s19 =	smul.u32 $0x14, s12  }
0x117: {  	s24 =	sshrl.u32 s5, $0x2;
	s3 =	spop (v2sf);
	s21 =	sadd.s32 s23, s18  }
0x118: {  	s26 =	sand.u32 $0x1FFFFFF0, s26;
	s18 =	sand.u32 $0x3F80, s4;
	s14 =	sor.u32 $0x300, s24  }
0x119: {  	[dreg:$0x12] =	wrdreg s21;
	s17 =	ssub.s32 s0, s19;
	s16 =	spop (v2sf)  }
0x11a: {  	s19 =	sadd.s32 s23, s26;
	s24 =	sadd.s32 s9, s14;
	s9 =	sadd.s32 s1, s14  }
0x11b: {  	s18 =	sadd.s32 s18, s14;
	s28 =	sand.u32 $0x1FFFFFF0, s16;
	s16 =	smul.u32 $0x3000, s12  }
0x11c: {  	s2 =	spop (v2sf);
	s1 =	sadd.s32 $0xC000, s18;
	s18 =	smul.u32 $0x3000, s7  }
0x11d: {  	s17 =	sshll.u32 s17, $0x7;
	s12 =	smul.u32 $0x14, s7;
	s21 =	spop (v2sf)  }
0x11e: {  	s4 =	sand.u32 $0x1FFFFFF0, s2;
	s2 =	sshll.u32 s8, $0x7;
	s17 =	sand.u32 $0x3F80, s17  }
0x11f: {  	[dreg:$0x9] =	wrdreg s4;
	s5 =	spop (v2sf);
	s4 =	sadd.s32 s23, s11  }
0x120: {  	[smem:$0x7EA] =	sst s18;
	s18 =	simm.s32 $0x10;
	s13 =	sand.u32 $0x1FFFFFF0, s5  }
0x121: {  	s5 =	sadd.s32 $0xC000, s24;
	s24 =	sor.u32 $0x8, s20;
	[dreg:$0xa] =	wrdreg s13  }
0x122: {  	s13 =	sshrl.u32 s10, $0x14;
	s10 =	simm.s32 $0x0;
	s15 =	spop (v2sf)  }
0x123: {  	s31 =	sand.u32 $0x1FFFFFF0, s15;
	s15 =	sand.u32 $0x1FFFFFF0, s3;
	s3 =	sand.u32 $0x1FFFFFF0, s21  }
0x124: {  	s21 =	smov.u32 s25;
	[smem:$0x7E9] =	sst s15;
	s15 =	sor.u32 $0x6, s20  }
0x125: {  	s26 =	spop (v2sf);
	s7 =	smul.u32 $0x14, s21;
	s23 =	sand.u32 $0xFFFF, s15  }
0x126: {  	s0 =	sand.u32 $0x1FFFFFF0, s26;
	s26 =	sand.u32 $0xFFFF, s24;
	s11 =	smul.u32 $0xCCCD, s23  }
0x127: {  	s25 =	sand.u32 $0x3F80, s2;
	s23 =	smul.u32 $0xCCCD, s26;
	s26 =	simm.s32 $0x20  }
0x128: {  	(v2sf) =	vpush v0, $0xF;
	[dreg:$0x6] =	wrdreg s26;
	s8 =	sshrl.u32 s11, $0x14;
	s11 =	sor.u32 $0xE, s20  }
.LBB2_4:
0x129: {  	_ =	sdelay $0x1  }
0x12a: {  	[smem:$0x7E3] =	sst s11  }
0x12b: {  	[smem:$0x7E4] =	sst s28  }
0x12c: {  	s26 =	sand.u32 $0xFFFF, s11;
	s11 =	rddreg [dreg:$0x3]  }
0x12d: {  	s2 =	smov.u32 s18;
	s20 =	rddreg [dreg:$0x14]  }
0x12e: {  	s14 =	sadd.s32 s25, s14;
	s25 =	smul.u32 $0x14, s13;
	p0 =	sne.s32 s18, $0x130  }
0x12f: {  	s16 =	sshrl.u32 s16, $0x2;
	[smem:$0x7E6] =	sst s2;
	s0 =	sadd.s32 s11, s0  }
0x130: {  	s23 =	sshrl.u32 s23, $0x14;
	s12 =	ssub.s32 s20, s12;
	s2 =	smov.u32 s29  }
0x131: {  	s29 =	smul.u32 $0x14, s8;
	s20 =	sshll.u32 s12, $0x7;
	s12 =	sadd.s32 $0xC000, s14  }
0x132: {  	s14 =	sand.u32 $0x3F80, s20;
	s20 =	smul.u32 $0x3000, s13;
	s13 =	simm.s32 $0x0  }
0x133: {  	[tilespmem:s1], [sflag:$0x2] =	stream.linear.gather [hbm4b:s0+s13], $0x80, $0x38;
	[tilespmem:$0x18300] =	vst v63  }
0x134: {  	s22 =	ssub.s32 s22, s25;
	s16 =	sadd.s32 s17, s16;
	s0 =	smul.u32 $0x3000, s8  }
0x135: {  	[tilespmem:s5], [sflag:$0x2] =	stream.linear.gather [hbm4b:s19+s13], $0x80, $0x38;
	[tilespmem:$0x18300] =	vst v63  }
0x136: {  	s17 =	rddreg [dreg:$0x1a];
	s22 =	sshll.u32 s22, $0x7;
	s28 =	spop (v2sf)  }
0x137: {  	s16 =	sadd.s32 $0xC300, s16;
	s0 =	sshrl.u32 s0, $0x2;
	s25 =	sand.u32 $0x1FFFFFF0, s28  }
0x138: {  	s28 =	sadd.s32 s11, s3;
	s3 =	smul.u32 $0x3000, s21;
	s21 =	ssub.s32 s15, s29  }
0x139: {  	s15 =	sshrl.u32 s20, $0x2;
	s20 =	sadd.s32 $0xC000, s9;
	s9 =	sld [smem:$0x7EA]  }
0x13a: {  	s5 =	smul.u32 $0x14, s23;
	s19 =	sor.u32 $0xB, s10;
	[smem:$0x7E5] =	sst s25  }
0x13b: {  	s29 =	sadd.s32 s11, s31;
	s25 =	rddreg [dreg:$0x7];
	s1 =	sshll.u32 s21, $0x7  }
0x13c: {  	[tilespmem:s12], [sflag:$0x2] =	stream.linear.gather [hbm4b:s29+s13], $0x80, $0x38;
	[tilespmem:$0x18300] =	vst v63  }
0x13d: {  	s21 =	sadd.s32 s11, s30;
	s25 =	ssub.s32 s25, s7;
	s7 =	sand.u32 $0x3F80, s22  }
0x13e: {  	s1 =	sand.u32 $0x3F80, s1;
	s3 =	sshrl.u32 s3, $0x2;
	s22 =	sshrl.u32 s9, $0x2  }
0x13f: {  	s9 =	sadd.s32 s7, s15;
	s7 =	smul.u32 $0x3000, s23;
	s23 =	sld [smem:$0x7E7]  }
0x140: {  	[tilespmem:s20], [sflag:$0x2] =	stream.linear.gather [hbm4b:s6+s13], $0x80, $0x38;
	[tilespmem:$0x18300] =	vst v63  }
0x141: {  	s0 =	sadd.s32 s1, s0;
	s15 =	sor.u32 $0xA, s10;
	s20 =	sld [smem:$0x7E9]  }
0x142: {  	(v2sf) =	vpush v0, $0x7;
	s10 =	sor.u32 $0xD, s10;
	s8 =	sand.u32 $0xFFFF, s15;
	s1 =	sadd.s32 $0xC300, s0  }
0x143: {  	s0 =	ssub.s32 s24, s5;
	s5 =	sand.u32 $0xFFFF, s19;
	s9 =	sadd.s32 $0xC300, s9  }
0x144: {  	s7 =	sshrl.u32 s7, $0x2;
	s0 =	sshll.u32 s0, $0x7;
	s8 =	smul.u32 $0xCCCD, s8  }
0x145: {  	s17 =	ssub.s32 s17, s23;
	s23 =	smul.u32 $0xCCCD, s26;
	s26 =	sadd.s32 $0x10, s18  }
0x146: {  	s5 =	smul.u32 $0xCCCD, s5;
	s0 =	sand.u32 $0x3F80, s0;
	[dreg:$0x18] =	wrdreg s26  }
0x147: {  	s17 =	sshll.u32 s17, $0x7;
	s26 =	sand.u32 $0xFFFF, s2;
	s30 =	sshrl.u32 s8, $0x14  }
0x148: {  	s0 =	sadd.s32 s0, s7;
	s7 =	sadd.s32 s14, s22;
	s14 =	smul.u32 $0x14, s30  }
0x149: {  	s8 =	rddreg [dreg:$0x1c];
	s17 =	sand.u32 $0x3F80, s17;
	s22 =	smul.u32 $0x3000, s30  }
0x14a: {  	s26 =	smul.u32 $0xCCCD, s26;
	s8 =	sadd.s32 s11, s8;
	s14 =	ssub.s32 s15, s14  }
0x14b: {  	s15 =	sshrl.u32 s5, $0x14;
	s6 =	sshrl.u32 s22, $0x2;
	s22 =	sld [smem:$0x7E8]  }
0x14c: {  	s0 =	sadd.s32 $0xC300, s0;
	s12 =	smul.u32 $0x3000, s15;
	s14 =	sshll.u32 s14, $0x7  }
0x14d: {  	s5 =	sadd.s32 s11, s20;
	s15 =	smul.u32 $0x14, s15;
	s14 =	sand.u32 $0x3F80, s14  }
0x14e: {  	[tilespmem:s16], [sflag:$0x2] =	stream.linear.gather [hbm4b:s22+s13], $0x80, $0x38;
	[tilespmem:$0x18300] =	vst v63  }
0x14f: {  	s16 =	sshrl.u32 s26, $0x14;
	s22 =	rddreg [dreg:$0x1f];
	s15 =	ssub.s32 s19, s15  }
0x150: {  	s6 =	sadd.s32 s14, s6;
	s26 =	sand.u32 $0xFFFF, s10;
	s12 =	sshrl.u32 s12, $0x2  }
0x151: {  	s24 =	spop (v2sf);
	s17 =	sadd.s32 s17, s22;
	s19 =	smul.u32 $0x14, s16  }
0x152: {  	s22 =	sshrl.u32 s23, $0x14;
	s15 =	sshll.u32 s15, $0x7;
	s26 =	smul.u32 $0xCCCD, s26  }
0x153: {  	s6 =	sadd.s32 $0xC300, s6;
	s17 =	sadd.s32 $0xC300, s17;
	s23 =	smul.u32 $0x3000, s22  }
0x154: {  	[tilespmem:s17], [sflag:$0x2] =	stream.linear.gather [hbm4b:s4+s13], $0x80, $0x38;
	[tilespmem:$0x18300] =	vst v63  }
0x155: {  	s24 =	sand.u32 $0x1FFFFFF0, s24;
	s22 =	smul.u32 $0x14, s22;
	s14 =	ssub.s32 s2, s19  }
0x156: {  	s2 =	smul.u32 $0x3000, s16;
	s16 =	sshrl.u32 s26, $0x14;
	s26 =	sld [smem:$0x7E3]  }
0x157: {  	s20 =	sadd.s32 s11, s24;
	s24 =	sand.u32 $0x3F80, s15;
	s15 =	sld [smem:$0x7E4]  }
0x158: {  	s4 =	sadd.s32 s24, s12;
	s14 =	sshll.u32 s14, $0x7;
	s17 =	smul.u32 $0x14, s16  }
0x159: {  	s19 =	smul.u32 $0x3000, s16;
	s24 =	sshll.u32 s25, $0x7;
	s25 =	rddreg [dreg:$0x12]  }
0x15a: {  	[tilespmem:s1], [sflag:$0x2] =	stream.linear.gather [hbm4b:s21+s13], $0x80, $0x38;
	[tilespmem:$0x18300] =	vst v63  }
0x15b: {  	s16 =	sld [smem:$0x7E5];
	s12 =	sshrl.u32 s2, $0x2;
	s14 =	sand.u32 $0x3F80, s14  }
0x15c: {  	s4 =	sadd.s32 $0xC300, s4;
	s1 =	sadd.s32 s14, s12;
	s12 =	rddreg [dreg:$0xa]  }
0x15d: {  	s2 =	ssub.s32 s10, s17;
	s21 =	sshrl.u32 s19, $0x2;
	s17 =	sld [smem:$0x7E6]  }
0x15e: {  	[tilespmem:s9], [sflag:$0x2] =	stream.linear.gather [hbm4b:s20+s13], $0x80, $0x38;
	[tilespmem:$0x18300] =	vst v63  }
0x15f: {  	s20 =	sadd.s32 $0xC300, s7;
	s2 =	sshll.u32 s2, $0x7;
	s9 =	sand.u32 $0x3F80, s24  }
0x160: {  	[tilespmem:s0], [sflag:$0x2] =	stream.linear.gather [hbm4b:s8+s13], $0x80, $0x38;
	[tilespmem:$0x18300] =	vst v63  }
0x161: {  	s1 =	sadd.s32 $0xC300, s1;
	s2 =	sand.u32 $0x3F80, s2;
	s0 =	ssub.s32 s26, s22  }
0x162: {  	[tilespmem:s20], [sflag:$0x2] =	stream.linear.gather [hbm4b:s25+s13], $0x80, $0x38;
	[tilespmem:$0x18300] =	vst v63  }
0x163: {  	s8 =	sadd.s32 s9, s3;
	s2 =	sadd.s32 s2, s21;
	s9 =	rddreg [dreg:$0x9]  }
0x164: {  	[tilespmem:s6], [sflag:$0x2] =	stream.linear.gather [hbm4b:s28+s13], $0x80, $0x38;
	[tilespmem:$0x18300] =	vst v63  }
0x165: {  	s0 =	sshll.u32 s0, $0x7;
	s10 =	sadd.s32 $0xC300, s2;
	s2 =	sadd.s32 s11, s12  }
0x166: {  	[tilespmem:s4], [sflag:$0x2] =	stream.linear.gather [hbm4b:s5+s13], $0x80, $0x38;
	[tilespmem:$0x18300] =	vst v63  }
0x167: {  	s0 =	sand.u32 $0x3F80, s0;
	s6 =	sshrl.u32 s23, $0x2;
	s4 =	sadd.s32 s11, s9  }
0x168: {  	[tilespmem:s1], [sflag:$0x2] =	stream.linear.gather [hbm4b:s4+s13], $0x80, $0x38;
	[tilespmem:$0x18300] =	vst v63  }
0x169: {  	s14 =	sadd.s32 $0xC300, s8;
	s28 =	rddreg [dreg:$0x6];
	s0 =	sadd.s32 s0, s6  }
0x16a: {  	[tilespmem:s10], [sflag:$0x2] =	stream.linear.gather [hbm4b:s2+s13], $0x80, $0x38;
	[tilespmem:$0x18300] =	vst v63  }
0x16b: {  	s0 =	sadd.s32 $0xC300, s0;
	s1 =	sadd.s32 s11, s15;
	s10 =	smov.u32 s17  }
0x16c: {  	[tilespmem:s0], [sflag:$0x2] =	stream.linear.gather [hbm4b:s1+s13], $0x80, $0x38;
	[tilespmem:$0x18300] =	vst v63  }
0x16d: {  	s19 =	sand.u32 $0x300, s28;
	s18 =	sand.u32 $0x70, s10;
	s0 =	sadd.s32 s11, s16  }
0x16e: {  	[tilespmem:s14], [sflag:$0x2] =	stream.linear.gather [hbm4b:s0+s13], $0x80, $0x38;
	[tilespmem:$0x18300] =	vst v63  }
0x16f: {  	s0 =	sor.u32 s18, s19  }
0x170: {  	v0 =	vld [tilespmem:s0+$0x80];
	_ =	sdelay $0x1  }
0x171: {  	s3 =	sor.u32 $0x3, s10;
	s23 =	sand.u32 $0xFFFF, s10  }
0x172: {  	s21 =	sor.u32 $0xF, s10;
	s22 =	sand.u32 $0xFFFF, s3;
	s2 =	smul.u32 $0xCCCD, s23  }
0x173: {  	s20 =	sor.u32 $0x9, s10;
	s1 =	sand.u32 $0xFFFF, s21;
	s25 =	smul.u32 $0xCCCD, s22  }
0x174: {  	s12 =	sor.u32 $0x5, s10;
	s5 =	sand.u32 $0xFFFF, s20;
	s1 =	smul.u32 $0xCCCD, s1;
	v0 =	vshll.u32 v0, $0x4  }
0x175: {  	s17 =	sor.u32 $0x2, s10;
	s9 =	sand.u32 $0xFFFF, s12;
	s5 =	smul.u32 $0xCCCD, s5;
	(v2sf) =	vpush v0, $0x3  }
0x176: {  	s6 =	sand.u32 $0xFFFF, s17;
	s22 =	sor.u32 $0x7, s10;
	s16 =	smul.u32 $0xCCCD, s9;
	(v2sf) =	vpush v0, $0x6  }
0x177: {  	s6 =	smul.u32 $0xCCCD, s6;
	s13 =	sand.u32 $0xFFFF, s22;
	(v2sf) =	vpush v0, $0x4  }
0x178: {  	s18 =	smul.u32 $0xCCCD, s13;
	s13 =	sshrl.u32 s2, $0x14;
	(v2sf) =	vpush v0, $0x5  }
0x179: {  	[dreg:$0x1a] =	wrdreg s12;
	s12 =	sshrl.u32 s5, $0x14;
	s5 =	smul.u32 $0x3000, s13;
	(v2sf) =	vpush v0, $0x8  }
0x17a: {  	s28 =	sadd.s32 $0x20, s28;
	s7 =	sshrl.u32 s16, $0x14;
	s15 =	smul.u32 $0x3000, s12  }
0x17b: {  	[dreg:$0x6] =	wrdreg s28;
	s29 =	sor.u32 $0xC, s10;
	s23 =	smul.u32 $0x3000, s7;
	(v2sf) =	vpush v0, $0x9  }
0x17c: {  	s8 =	sor.u32 $0x4, s10;
	s4 =	sshrl.u32 s25, $0x14;
	s7 =	smul.u32 $0x14, s7;
	(v2sf) =	vpush v0, $0x1  }
0x17d: {  	s24 =	sor.u32 $0x8, s10;
	[dreg:$0x7] =	wrdreg s21;
	s4 =	smul.u32 $0x14, s4;
	(v2sf) =	vpush v0, $0xB  }
0x17e: {  	[dreg:$0x14] =	wrdreg s20;
	s0 =	sor.u32 $0x1, s10;
	s13 =	smul.u32 $0x14, s13  }
0x17f: {  	s19 =	sand.u32 $0xFFFF, s8;
	s26 =	sand.u32 $0xFFFF, s0;
	s12 =	smul.u32 $0x14, s12;
	(v2sf) =	vpush v0, $0xE  }
0x180: {  	s14 =	smul.u32 $0xCCCD, s26;
	s26 =	sshrl.u32 s1, $0x14;
	[smem:$0x7EA] =	sst s15;
	(v2sf) =	vpush v0, $0xC  }
0x181: {  	s1 =	smul.u32 $0xCCCD, s19;
	[smem:$0x7E7] =	sst s7;
	s15 =	sshrl.u32 s23, $0x2  }
0x182: {  	s5 =	sshrl.u32 s5, $0x2;
	s3 =	ssub.s32 s3, s4;
	s14 =	sshrl.u32 s14, $0x14  }
0x183: {  	[dreg:$0x1f] =	wrdreg s15;
	s15 =	sor.u32 $0x6, s10;
	s14 =	smul.u32 $0x14, s14;
	(v2sf) =	vpush v0, $0xA  }
0x184: {  	s3 =	sshll.u32 s3, $0x7;
	s23 =	sand.u32 $0xFFFF, s15;
	s20 =	spop (v2sf);
	(v2sf) =	vpush v0, $0xD  }
0x185: {  	s3 =	sand.u32 $0x3F80, s3;
	s0 =	ssub.s32 s0, s14;
	s2 =	spop (v2sf)  }
0x186: {  	s23 =	smul.u32 $0xCCCD, s23;
	s0 =	sshll.u32 s0, $0x7;
	(v2sf) =	vpush v0, $0x2;
	s21 =	spop (v2sf)  }
0x187: {  	s0 =	sand.u32 $0x3F80, s0;
	s9 =	sand.u32 $0x1FFFFFF0, s20;
	s25 =	spop (v2sf)  }
0x188: {  	(v2sf) =	vpush v0, $0x0;
	s30 =	sand.u32 $0x1FFFFFF0, s2;
	s16 =	sand.u32 $0x1FFFFFF0, s21;
	s20 =	spop (v2sf)  }
0x189: {  	s7 =	sand.u32 $0x1FFFFFF0, s25;
	s25 =	sadd.s32 s11, s16;
	s19 =	sand.u32 $0x1FFFFFF0, s20  }
0x18a: {  	s21 =	spop (v2sf);
	[smem:$0x7E8] =	sst s25;
	s25 =	ssub.s32 s10, s13  }
0x18b: {  	[dreg:$0x1c] =	wrdreg s19;
	s20 =	spop (v2sf);
	s2 =	sand.u32 $0x1FFFFFF0, s21  }
0x18c: {  	s4 =	sshll.u32 s25, $0x7;
	s21 =	spop (v2sf);
	s19 =	sadd.s32 s11, s2  }
0x18d: {  	s20 =	sand.u32 $0x1FFFFFF0, s20;
	s25 =	sand.u32 $0x3F80, s4;
	s4 =	sshrl.u32 s6, $0x14  }
0x18e: {  	s6 =	sadd.s32 s11, s9;
	[dreg:$0x12] =	wrdreg s19;
	s16 =	spop (v2sf)  }
0x18f: {  	s19 =	sadd.s32 s11, s20;
	s21 =	sand.u32 $0x1FFFFFF0, s21;
	s2 =	spop (v2sf)  }
0x190: {  	[smem:$0x7E9] =	sst s21;
	s21 =	smov.u32 s26;
	s26 =	smul.u32 $0x14, s4  }
0x191: {  	s4 =	sadd.s32 s11, s7;
	s11 =	sor.u32 $0xE, s10;
	s28 =	sand.u32 $0x1FFFFFF0, s16  }
0x192: {  	s20 =	spop (v2sf);
	s14 =	sand.u32 $0x1FFFFFF0, s2;
	s7 =	smul.u32 $0x14, s21  }
0x193: {  	[dreg:$0x9] =	wrdreg s14;
	s14 =	sor.u32 $0x300, s5;
	s2 =	spop (v2sf)  }
0x194: {  	s17 =	ssub.s32 s17, s26;
	s13 =	sadd.s32 s0, s14;
	s2 =	sand.u32 $0x1FFFFFF0, s2  }
0x195: {  	s25 =	sadd.s32 s25, s14;
	s5 =	spop (v2sf);
	[dreg:$0xa] =	wrdreg s2  }
0x196: {  	s31 =	sand.u32 $0x1FFFFFF0, s5;
	s5 =	sadd.s32 $0xC000, s13;
	s13 =	sshrl.u32 s1, $0x14  }
0x197: {  	s9 =	spop (v2sf);
	s1 =	sadd.s32 $0xC000, s25;
	s2 =	smul.u32 $0x14, s13  }
.Ltmp3:
0x198: {  	s25 =	sshll.u32 s17, $0x7;
	s0 =	sand.u32 $0x1FFFFFF0, s9;
	(pc) =	sbr.rel @p0 .LBB2_4-.Ltmp3, $4  }
0x199: {  	s9 =	sadd.s32 s3, s14;
	s3 =	sand.u32 $0x1FFFFFF0, s20;
	s25 =	sand.u32 $0x3F80, s25  }
0x19a: {  	s16 =	smul.u32 $0x3000, s13;
	s13 =	sshrl.u32 s18, $0x14;
	s26 =	ssub.s32 s8, s2  }
0x19b: {  	s18 =	rddreg [dreg:$0x18];
	s2 =	sand.u32 $0xFFFF, s24;
	s26 =	sshll.u32 s26, $0x7  }
0x19c: {  	(v2sf) =	vpush v0, $0xF;
	s8 =	sshrl.u32 s23, $0x14;
	s23 =	smul.u32 $0xCCCD, s2;
	s17 =	sand.u32 $0x3F80, s26  }
0x19d: {  	s26 =	rddreg [dreg:$0x3]  }
0x19e: {  	s18 =	smov.u32 s11;
	s11 =	simm.s32 $0x0;
	s0 =	sadd.s32 s26, s0  }
0x19f: {  	[tilespmem:s1], [sflag:$0x2] =	stream.linear.gather [hbm4b:s0+s11], $0x80, $0x38;
	[tilespmem:$0x18300] =	vst v63  }
0x1a0: {  	s2 =	sadd.s32 s26, s31;
	s1 =	sadd.s32 s25, s14;
	s14 =	sld [smem:$0x7E8]  }
0x1a1: {  	[tilespmem:s5], [sflag:$0x2] =	stream.linear.gather [hbm4b:s19+s11], $0x80, $0x38;
	[tilespmem:$0x18300] =	vst v63  }
0x1a2: {  	s0 =	sadd.s32 $0xC000, s1;
	s5 =	sadd.s32 $0xC000, s9;
	s9 =	sshrl.u32 s16, $0x2  }
0x1a3: {  	[tilespmem:s0], [sflag:$0x2] =	stream.linear.gather [hbm4b:s2+s11], $0x80, $0x38;
	[tilespmem:$0x18300] =	vst v63  }
0x1a4: {  	s0 =	sadd.s32 s17, s9;
	s17 =	sld [smem:$0x7E7]  }
0x1a5: {  	(v2sf) =	vpush v0, $0x7;
	[tilespmem:s5], [sflag:$0x2] =	stream.linear.gather [hbm4b:s6+s11], $0x80, $0x38;
	[tilespmem:$0x18300] =	vst v63  }
0x1a6: {  	s16 =	rddreg [dreg:$0x1a];
	s0 =	sadd.s32 $0xC300, s0  }
0x1a7: {  	[tilespmem:s0], [sflag:$0x2] =	stream.linear.gather [hbm4b:s14+s11], $0x80, $0x38;
	[tilespmem:$0x18300] =	vst v63  }
0x1a8: {  	s0 =	ssub.s32 s16, s17  }
0x1a9: {  	s0 =	sshll.u32 s0, $0x7  }
0x1aa: {  	s20 =	smul.u32 $0x14, s8;
	s19 =	rddreg [dreg:$0x1f];
	s0 =	sand.u32 $0x3F80, s0  }
0x1ab: {  	s0 =	sadd.s32 s0, s19  }
0x1ac: {  	s31 =	smul.u32 $0x3000, s8;
	s25 =	ssub.s32 s15, s20;
	s0 =	sadd.s32 $0xC300, s0  }
0x1ad: {  	[tilespmem:s0], [sflag:$0x2] =	stream.linear.gather [hbm4b:s4+s11], $0x80, $0x38;
	[tilespmem:$0x18300] =	vst v63  }
0x1ae: {  	s0 =	sshll.u32 s25, $0x7  }
0x1af: {  	s1 =	sshrl.u32 s31, $0x2;
	s2 =	smul.u32 $0x14, s13;
	s0 =	sand.u32 $0x3F80, s0  }
0x1b0: {  	s9 =	sshrl.u32 s23, $0x14;
	s5 =	smul.u32 $0x3000, s13;
	s0 =	sadd.s32 s0, s1  }
0x1b1: {  	s4 =	ssub.s32 s22, s2;
	s2 =	sadd.s32 s26, s30;
	s0 =	sadd.s32 $0xC300, s0  }
0x1b2: {  	[tilespmem:s0], [sflag:$0x2] =	stream.linear.gather [hbm4b:s2+s11], $0x80, $0x38;
	[tilespmem:$0x18300] =	vst v63  }
0x1b3: {  	s14 =	smul.u32 $0x14, s9;
	s6 =	sshll.u32 s4, $0x7;
	s2 =	spop (v2sf)  }
0x1b4: {  	s1 =	sshrl.u32 s5, $0x2;
	s0 =	sand.u32 $0x3F80, s6;
	s8 =	spop (v2sf)  }
0x1b5: {  	s16 =	smul.u32 $0x3000, s9;
	s0 =	sadd.s32 s0, s1;
	s13 =	sand.u32 $0x1FFFFFF0, s8  }
0x1b6: {  	s15 =	ssub.s32 s24, s14;
	s0 =	sadd.s32 $0xC300, s0;
	s1 =	sadd.s32 s26, s13  }
0x1b7: {  	[tilespmem:s0], [sflag:$0x2] =	stream.linear.gather [hbm4b:s1+s11], $0x80, $0x38;
	[tilespmem:$0x18300] =	vst v63  }
0x1b8: {  	s23 =	sld [smem:$0x7EA];
	s0 =	sshll.u32 s15, $0x7  }
0x1b9: {  	s17 =	rddreg [dreg:$0x1c];
	s1 =	sshrl.u32 s16, $0x2;
	s0 =	sand.u32 $0x3F80, s0  }
0x1ba: {  	s20 =	sor.u32 $0xA, s10;
	s19 =	rddreg [dreg:$0x14];
	s0 =	sadd.s32 s0, s1  }
0x1bb: {  	s22 =	sand.u32 $0xFFFF, s20;
	s1 =	sadd.s32 s26, s17;
	s0 =	sadd.s32 $0xC300, s0  }
0x1bc: {  	[tilespmem:s0], [sflag:$0x2] =	stream.linear.gather [hbm4b:s1+s11], $0x80, $0x38;
	[tilespmem:$0x18300] =	vst v63  }
0x1bd: {  	s4 =	smul.u32 $0xCCCD, s22;
	s0 =	ssub.s32 s19, s12  }
0x1be: {  	s30 =	sor.u32 $0xB, s10;
	s0 =	sshll.u32 s0, $0x7  }
0x1bf: {  	s5 =	sshrl.u32 s23, $0x2;
	s4 =	sshrl.u32 s4, $0x14;
	s0 =	sand.u32 $0x3F80, s0  }
0x1c0: {  	s31 =	sand.u32 $0xFFFF, s30;
	s25 =	smul.u32 $0x14, s4;
	s0 =	sadd.s32 s0, s5  }
0x1c1: {  	s24 =	rddreg [dreg:$0x12];
	s1 =	smul.u32 $0xCCCD, s31;
	s0 =	sadd.s32 $0xC300, s0  }
0x1c2: {  	[tilespmem:s0], [sflag:$0x2] =	stream.linear.gather [hbm4b:s24+s11], $0x80, $0x38;
	[tilespmem:$0x18300] =	vst v63  }
0x1c3: {  	s4 =	smul.u32 $0x3000, s4;
	s0 =	ssub.s32 s20, s25  }
0x1c4: {  	s1 =	sshrl.u32 s1, $0x14;
	s0 =	sshll.u32 s0, $0x7  }
0x1c5: {  	s4 =	sshrl.u32 s4, $0x2;
	s6 =	smul.u32 $0x14, s1;
	s0 =	sand.u32 $0x3F80, s0  }
0x1c6: {  	s3 =	sadd.s32 s26, s3;
	s0 =	sadd.s32 s0, s4  }
0x1c7: {  	s1 =	smul.u32 $0x3000, s1;
	s8 =	ssub.s32 s30, s6;
	s0 =	sadd.s32 $0xC300, s0  }
0x1c8: {  	[tilespmem:s0], [sflag:$0x2] =	stream.linear.gather [hbm4b:s3+s11], $0x80, $0x38;
	[tilespmem:$0x18300] =	vst v63  }
0x1c9: {  	s9 =	sand.u32 $0xFFFF, s29;
	s0 =	sshll.u32 s8, $0x7  }
0x1ca: {  	s14 =	sor.u32 $0xD, s10;
	s1 =	sshrl.u32 s1, $0x2;
	s0 =	sand.u32 $0x3F80, s0  }
0x1cb: {  	s12 =	sld [smem:$0x7E9];
	s0 =	sadd.s32 s0, s1;
	s1 =	smul.u32 $0xCCCD, s9  }
0x1cc: {  	s15 =	sand.u32 $0xFFFF, s14  }
0x1cd: {  	s4 =	smul.u32 $0xCCCD, s15;
	s13 =	sshrl.u32 s1, $0x14  }
0x1ce: {  	s3 =	sadd.s32 s26, s12;
	s0 =	sadd.s32 $0xC300, s0;
	s1 =	smul.u32 $0x14, s13  }
0x1cf: {  	[tilespmem:s0], [sflag:$0x2] =	stream.linear.gather [hbm4b:s3+s11], $0x80, $0x38;
	[tilespmem:$0x18300] =	vst v63  }
0x1d0: {  	s17 =	rddreg [dreg:$0x9];
	s0 =	smul.u32 $0x3000, s13;
	s1 =	ssub.s32 s29, s1  }
0x1d1: {  	s5 =	sadd.s32 s26, s17;
	s4 =	sshrl.u32 s4, $0x14;
	s1 =	sshll.u32 s1, $0x7  }
0x1d2: {  	s16 =	smul.u32 $0x14, s4;
	s0 =	sshrl.u32 s0, $0x2;
	s1 =	sand.u32 $0x3F80, s1  }
0x1d3: {  	s20 =	sand.u32 $0xFFFF, s18;
	s22 =	smul.u32 $0x3000, s4;
	s0 =	sadd.s32 s1, s0  }
0x1d4: {  	s19 =	ssub.s32 s14, s16;
	s1 =	smul.u32 $0xCCCD, s20;
	s0 =	sadd.s32 $0xC300, s0  }
0x1d5: {  	[tilespmem:s0], [sflag:$0x2] =	stream.linear.gather [hbm4b:s5+s11], $0x80, $0x38;
	[tilespmem:$0x18300] =	vst v63  }
0x1d6: {  	s24 =	rddreg [dreg:$0xa];
	s0 =	sshll.u32 s19, $0x7;
	s1 =	sshrl.u32 s1, $0x14  }
0x1d7: {  	s3 =	sshrl.u32 s22, $0x2;
	s0 =	sand.u32 $0x3F80, s0;
	s23 =	smul.u32 $0x14, s1  }
0x1d8: {  	s4 =	sadd.s32 s26, s24;
	s0 =	sadd.s32 s0, s3  }
0x1d9: {  	s1 =	smul.u32 $0x3000, s1;
	s0 =	sadd.s32 $0xC300, s0;
	s25 =	ssub.s32 s18, s23  }
0x1da: {  	[tilespmem:s0], [sflag:$0x2] =	stream.linear.gather [hbm4b:s4+s11], $0x80, $0x38;
	[tilespmem:$0x18300] =	vst v63  }
0x1db: {  	s0 =	sshll.u32 s25, $0x7  }
0x1dc: {  	s1 =	sshrl.u32 s1, $0x2;
	s0 =	sand.u32 $0x3F80, s0  }
0x1dd: {  	s0 =	sadd.s32 s0, s1  }
0x1de: {  	s28 =	sadd.s32 s26, s28;
	s29 =	rddreg [dreg:$0x7];
	s0 =	sadd.s32 $0xC300, s0  }
0x1df: {  	[tilespmem:s0], [sflag:$0x2] =	stream.linear.gather [hbm4b:s28+s11], $0x80, $0x38;
	[tilespmem:$0x18300] =	vst v63  }
0x1e0: {  	s30 =	smul.u32 $0x3000, s21;
	s0 =	ssub.s32 s29, s7  }
0x1e1: {  	s0 =	sshll.u32 s0, $0x7  }
0x1e2: {  	s10 =	simm.s32 $0x0;
	s1 =	sshrl.u32 s30, $0x2;
	s0 =	sand.u32 $0x3F80, s0  }
0x1e3: {  	s31 =	sand.u32 $0x1FFFFFF0, s2;
	s20 =	smov.u32 s26;
	s0 =	sadd.s32 s0, s1  }
0x1e4: {  	s4 =	simm.s32 $0x0;
	s1 =	sadd.s32 s26, s31;
	s0 =	sadd.s32 $0xC300, s0  }
0x1e5: {  	[tilespmem:s0], [sflag:$0x2] =	stream.linear.gather [hbm4b:s1+s11], $0x80, $0x38;
	[tilespmem:$0x18300] =	vst v63  }
.LBB2_6:
0x1e6: {  	s0 =	sld [smem:$0x7F8]  }
0x1e7: {  	s1 =	simm.s32 $0x1  }
0x1e8: {  	s6 =	sshll.u32 s4, $0x5;
	_ =	swait.ge [sflag:s1], $0xA000  }
0x1e9: {  	s26 =	sld [smem:$0x7F6];
	s0 =	sadd.s32 s0, s6  }
0x1ea: {  	s0 =	smul.u32 $0x180, s0  }
0x1eb: {  	[sflag:s1] =	ssyncset.done $0x0  }
0x1ec: {  	s28 =	simm.s32 $0x300;
	[sflag:s1] =	ssyncadd.s32 $0xFFFF6000;
	s0 =	sadd.s32 s26, s0  }
0x1ed: {  	[hbm4b:s0+s10] =	stream.linear.scatter [tilespmem:s28], [sflag:$0x3], $0xA00, $0x38;
	[tilespmem:$0x18300] =	vst v63  }
0x1ee: {  	s2 =	simm.s32 $0xF00;
	s29 =	sadd.s32 $0x180, s0  }
0x1ef: {  	[hbm4b:s29+s10] =	stream.linear.scatter [tilespmem:s2], [sflag:$0x3], $0xA00, $0x38;
	[tilespmem:$0x18300] =	vst v63  }
0x1f0: {  	s31 =	simm.s32 $0x1B00;
	s30 =	sadd.s32 $0x300, s0  }
0x1f1: {  	[hbm4b:s30+s10] =	stream.linear.scatter [tilespmem:s31], [sflag:$0x3], $0xA00, $0x38;
	[tilespmem:$0x18300] =	vst v63  }
0x1f2: {  	s3 =	simm.s32 $0x2700;
	s2 =	sadd.s32 $0x480, s0  }
0x1f3: {  	[hbm4b:s2+s10] =	stream.linear.scatter [tilespmem:s3], [sflag:$0x3], $0xA00, $0x38;
	[tilespmem:$0x18300] =	vst v63  }
0x1f4: {  	s7 =	simm.s32 $0x3300;
	s5 =	sadd.s32 $0x600, s0  }
0x1f5: {  	[hbm4b:s5+s10] =	stream.linear.scatter [tilespmem:s7], [sflag:$0x3], $0xA00, $0x38;
	[tilespmem:$0x18300] =	vst v63  }
0x1f6: {  	s9 =	simm.s32 $0x3F00;
	s8 =	sadd.s32 $0x780, s0  }
0x1f7: {  	[hbm4b:s8+s10] =	stream.linear.scatter [tilespmem:s9], [sflag:$0x3], $0xA00, $0x38;
	[tilespmem:$0x18300] =	vst v63  }
0x1f8: {  	s12 =	simm.s32 $0x4B00;
	s11 =	sadd.s32 $0x900, s0  }
0x1f9: {  	[hbm4b:s11+s10] =	stream.linear.scatter [tilespmem:s12], [sflag:$0x3], $0xA00, $0x38;
	[tilespmem:$0x18300] =	vst v63  }
0x1fa: {  	s14 =	simm.s32 $0x5700;
	s13 =	sadd.s32 $0xA80, s0  }
0x1fb: {  	[hbm4b:s13+s10] =	stream.linear.scatter [tilespmem:s14], [sflag:$0x3], $0xA00, $0x38;
	[tilespmem:$0x18300] =	vst v63  }
0x1fc: {  	s16 =	simm.s32 $0x6300;
	s15 =	sadd.s32 $0xC00, s0  }
0x1fd: {  	[hbm4b:s15+s10] =	stream.linear.scatter [tilespmem:s16], [sflag:$0x3], $0xA00, $0x38;
	[tilespmem:$0x18300] =	vst v63  }
0x1fe: {  	s18 =	simm.s32 $0x6F00;
	s17 =	sadd.s32 $0xD80, s0  }
0x1ff: {  	[hbm4b:s17+s10] =	stream.linear.scatter [tilespmem:s18], [sflag:$0x3], $0xA00, $0x38;
	[tilespmem:$0x18300] =	vst v63  }
0x200: {  	s21 =	simm.s32 $0x7B00;
	s19 =	sadd.s32 $0xF00, s0  }
0x201: {  	[hbm4b:s19+s10] =	stream.linear.scatter [tilespmem:s21], [sflag:$0x3], $0xA00, $0x38;
	[tilespmem:$0x18300] =	vst v63  }
0x202: {  	s23 =	simm.s32 $0x8700;
	s22 =	sadd.s32 $0x1080, s0  }
0x203: {  	[hbm4b:s22+s10] =	stream.linear.scatter [tilespmem:s23], [sflag:$0x3], $0xA00, $0x38;
	[tilespmem:$0x18300] =	vst v63  }
0x204: {  	s25 =	simm.s32 $0x9300;
	s24 =	sadd.s32 $0x1200, s0  }
0x205: {  	[hbm4b:s24+s10] =	stream.linear.scatter [tilespmem:s25], [sflag:$0x3], $0xA00, $0x38;
	[tilespmem:$0x18300] =	vst v63  }
0x206: {  	p0 =	seq.s32 s4, $0xF;
	s26 =	sadd.s32 $0x1380, s0;
	s28 =	simm.s32 $0x9F00  }
0x207: {  	[hbm4b:s26+s10] =	stream.linear.scatter [tilespmem:s28], [sflag:$0x3], $0xA00, $0x38;
	[tilespmem:$0x18300] =	vst v63  }
0x208: {  	s29 =	sadd.s32 $0x1500, s0;
	s0 =	sadd.s32 $0x1680, s0;
	s30 =	simm.s32 $0xAB00  }
0x209: {  	[hbm4b:s29+s10] =	stream.linear.scatter [tilespmem:s30], [sflag:$0x3], $0xA00, $0x38;
	[tilespmem:$0x18300] =	vst v63  }
.Ltmp4:
0x20a: {  	s31 =	simm.s32 $0xB700;
	s3 =	simm.s32 $0x3;
	(pc) =	sbr.rel @p0 .LBB2_10-.Ltmp4, $4  }
0x20b: {  	[hbm4b:s0+s10] =	stream.linear.scatter [tilespmem:s31], [sflag:$0x3], $0xA00, $0x38;
	[tilespmem:$0x18300] =	vst v63  }
0x20c: {  	_ =	swait.ge [sflag:s3], $0xA000  }
0x20d: {  	[sflag:s3] =	ssyncset.done $0x0  }
0x20e: {  	s5 =	sshll.u32 s4, $0x1;
	[smem:$0x7E2] =	sst s4;
	[sflag:s3] =	ssyncadd.s32 $0xFFFF6000  }
0x20f: {  	s0 =	sadd.s32 $0x2, s5  }
0x210: {  	s2 =	sld [smem:$0x7F7];
	s1 =	sshrl.u32 s0, $0x3  }
0x211: {  	s1 =	smul.u32 $0xC00, s1  }
0x212: {  	s0 =	sshll.u32 s0, $0x7  }
0x213: {  	s0 =	sand.u32 $0x300, s0;
	s1 =	sadd.s32 s2, s1  }
0x214: {  	[smem:$0x7DC] =	sst s6;
	s0 =	sor.u32 s0, s1  }
0x215: {  	s6 =	rddreg [dreg:$0x1];
	s0 =	sshrl.u32 s0, $0x3  }
0x216: {  	s10 =	simm.s32 $0x0;
	s0 =	sadd.s32 s6, s0  }
0x217: {  	[tilespmem:s10], [sflag:$0x3] =	stream.linear.gather [hbm4b:s0+s10], $0x80, $0x38;
	[tilespmem:$0x18300] =	vst v63  }
0x218: {  	s7 =	simm.s32 $0x100;
	s1 =	sadd.s32 $0x80, s0  }
0x219: {  	[tilespmem:s7], [sflag:$0x3] =	stream.linear.gather [hbm4b:s1+s10], $0x80, $0x38;
	[tilespmem:$0x18300] =	vst v63  }
0x21a: {  	[smem:$0x7DD] =	sst s5;
	s8 =	simm.s32 $0x200;
	s0 =	sadd.s32 $0x100, s0  }
0x21b: {  	[tilespmem:s8], [sflag:$0x3] =	stream.linear.gather [hbm4b:s0+s10], $0x80, $0x38;
	[tilespmem:$0x18300] =	vst v63  }
0x21c: {  	_ =	swait.ge [sflag:s3], $0x180  }
0x21d: {  	s9 =	sand.u32 $0x70, s10;
	s11 =	sand.u32 $0x300, s10;
	[sflag:s3] =	ssyncset.done $0x0  }
0x21e: {  	s0 =	sor.u32 s9, s11;
	[sflag:s3] =	ssyncadd.s32 $0xFFFFFE80  }
0x21f: {  	v0 =	vld [tilespmem:s0+$0x0];
	_ =	sdelay $0x3  }
0x220: {  	s19 =	sor.u32 $0x9, s10  }
0x221: {  	s5 =	sor.u32 $0x6, s10;
	s4 =	sand.u32 $0xFFFF, s19;
	v0 =	vshll.u32 v0, $0x4  }
0x222: {  	s13 =	sor.u32 $0x8, s10;
	s22 =	sand.u32 $0xFFFF, s5;
	s4 =	smul.u32 $0xCCCD, s4;
	(v2sf) =	vpush v0, $0x7  }
0x223: {  	s21 =	sand.u32 $0xFFFF, s13;
	s26 =	smul.u32 $0xCCCD, s22;
	s7 =	sor.u32 $0x4, s10;
	(v2sf) =	vpush v0, $0x9  }
0x224: {  	s2 =	smul.u32 $0xCCCD, s21;
	s6 =	sor.u32 $0x1, s10;
	s18 =	sand.u32 $0xFFFF, s7  }
0x225: {  	s8 =	sand.u32 $0xFFFF, s6;
	s18 =	smul.u32 $0xCCCD, s18;
	(v2sf) =	vpush v0, $0x1  }
0x226: {  	s31 =	smov.u32 s20;
	s12 =	sand.u32 $0xFFFF, s10;
	s8 =	smul.u32 $0xCCCD, s8;
	(v2sf) =	vpush v0, $0x8  }
0x227: {  	s15 =	sor.u32 $0x2, s10;
	s2 =	sshrl.u32 s2, $0x14;
	s0 =	smul.u32 $0xCCCD, s12  }
0x228: {  	s14 =	sand.u32 $0xFFFF, s15;
	s16 =	sshrl.u32 s4, $0x14;
	s12 =	smul.u32 $0x3000, s2  }
0x229: {  	s3 =	sor.u32 $0x5, s10;
	s8 =	sshrl.u32 s8, $0x14;
	s2 =	smul.u32 $0x14, s2  }
0x22a: {  	s9 =	sor.u32 $0x3, s10;
	s11 =	sand.u32 $0xFFFF, s3;
	s8 =	smul.u32 $0x14, s8  }
0x22b: {  	[dreg:$0xd] =	wrdreg s19;
	s23 =	sand.u32 $0xFFFF, s9;
	s11 =	smul.u32 $0xCCCD, s11  }
0x22c: {  	s0 =	sshrl.u32 s0, $0x14;
	s1 =	ssub.s32 s13, s2;
	s2 =	smul.u32 $0xCCCD, s23  }
0x22d: {  	s23 =	sor.u32 $0x7, s10;
	s6 =	ssub.s32 s6, s8;
	s17 =	smul.u32 $0x3000, s0;
	(v2sf) =	vpush v0, $0xE  }
0x22e: {  	s1 =	sshll.u32 s1, $0x7;
	s0 =	smul.u32 $0x14, s0;
	s2 =	sshrl.u32 s2, $0x14;
	(v2sf) =	vpush v0, $0xD  }
0x22f: {  	s11 =	sshrl.u32 s11, $0x14;
	s24 =	sshrl.u32 s17, $0x2;
	s2 =	smul.u32 $0x14, s2  }
0x230: {  	s17 =	smul.u32 $0xCCCD, s14;
	s4 =	sor.u32 $0x300, s24;
	s24 =	sshrl.u32 s18, $0x14;
	(v2sf) =	vpush v0, $0x3  }
0x231: {  	s6 =	sshll.u32 s6, $0x7;
	s19 =	smul.u32 $0x14, s24;
	s25 =	spop (v2sf);
	(v2sf) =	vpush v0, $0xB  }
0x232: {  	s2 =	ssub.s32 s9, s2;
	s9 =	smul.u32 $0x14, s11;
	s21 =	spop (v2sf);
	(v2sf) =	vpush v0, $0x0  }
0x233: {  	s6 =	sand.u32 $0x3F80, s6;
	s17 =	sshrl.u32 s17, $0x14;
	s11 =	smul.u32 $0x3000, s11  }
0x234: {  	s1 =	sand.u32 $0x3F80, s1;
	s17 =	smul.u32 $0x14, s17;
	s22 =	spop (v2sf)  }
0x235: {  	s7 =	ssub.s32 s7, s19;
	s19 =	sshrl.u32 s26, $0x14;
	s13 =	spop (v2sf);
	(v2sf) =	vpush v0, $0xC  }
0x236: {  	s0 =	ssub.s32 $0x0, s0;
	s6 =	sadd.s32 s6, s4;
	s26 =	smul.u32 $0x14, s19  }
0x237: {  	[smem:$0x7E0] =	sst s6;
	s2 =	sshll.u32 s2, $0x7;
	s8 =	sshll.u32 s7, $0x7  }
0x238: {  	s30 =	ssub.s32 s3, s9;
	s8 =	sand.u32 $0x3F80, s8;
	s5 =	ssub.s32 s5, s26  }
0x239: {  	s26 =	smul.u32 $0x3000, s19;
	s19 =	sshll.u32 s0, $0x7;
	s0 =	sshll.u32 s5, $0x7  }
0x23a: {  	s5 =	smul.u32 $0x3000, s16;
	s18 =	sand.u32 $0x1FFFFFF0, s25;
	s14 =	sand.u32 $0x1FFFFFF0, s21  }
0x23b: {  	[dreg:$0x16] =	wrdreg s14;
	s20 =	sand.u32 $0x1FFFFFF0, s22;
	s14 =	sand.u32 $0x3F80, s2  }
0x23c: {  	s13 =	sand.u32 $0x1FFFFFF0, s13;
	s25 =	spop (v2sf);
	[smem:$0x7DF] =	sst s20  }
0x23d: {  	s2 =	sadd.s32 s14, s4;
	[smem:$0x7DE] =	sst s13;
	s21 =	spop (v2sf)  }
0x23e: {  	s22 =	sand.u32 $0x1FFFFFF0, s25;
	s25 =	sshrl.u32 s12, $0x2;
	s13 =	smul.u32 $0x3000, s24  }
0x23f: {  	[smem:$0x7E1] =	sst s2;
	s2 =	simm.s32 $0x10;
	s28 =	spop (v2sf)  }
0x240: {  	[dreg:$0x5] =	wrdreg s22;
	s22 =	ssub.s32 s15, s17;
	s7 =	spop (v2sf);
	(v2sf) =	vpush v0, $0x6  }
0x241: {  	s12 =	sshrl.u32 s13, $0x2;
	s13 =	sand.u32 $0xFFFF, s23;
	s6 =	spop (v2sf);
	(v2sf) =	vpush v0, $0xA  }
0x242: {  	s20 =	sadd.s32 s1, s25;
	s1 =	sshll.u32 s22, $0x7;
	s22 =	smul.u32 $0xCCCD, s13;
	(v2sf) =	vpush v0, $0x2  }
0x243: {  	s28 =	sand.u32 $0x1FFFFFF0, s28;
	s15 =	sadd.s32 s8, s12;
	s29 =	sand.u32 $0x3F80, s1;
	(v2sf) =	vpush v0, $0xF  }
0x244: {  	s8 =	sand.u32 $0x3F80, s19;
	s1 =	sshrl.u32 s22, $0x14;
	s24 =	spop (v2sf);
	(v2sf) =	vpush v0, $0x4  }
0x245: {  	s25 =	sand.u32 $0x1FFFFFF0, s6;
	s13 =	sand.u32 $0x1FFFFFF0, s24;
	s24 =	simm.s32 $0x0;
	(v2sf) =	vpush v0, $0x5  }
.LBB2_8:
0x246: {  	[smem:$0x7D9] =	sst s13  }
0x247: {  	p1 =	sne.s32 s2, $0x130;
	s8 =	sadd.s32 s8, s4;
	s3 =	smov.u32 s2  }
0x248: {  	s9 =	sadd.s32 $0x10, s2;
	s14 =	sand.u32 $0x3F80, s0;
	s12 =	smul.u32 $0x14, s1  }
0x249: {  	s13 =	sand.u32 $0x1FFFFFF0, s21;
	s17 =	sadd.s32 s29, s4;
	s21 =	sand.u32 $0x1FFFFFF0, s7  }
0x24a: {  	s22 =	sshll.u32 s30, $0x7;
	s2 =	smul.u32 $0x3000, s1;
	[smem:$0x7DB] =	sst s3  }
0x24b: {  	s29 =	sor.u32 $0xF, s10;
	s16 =	smul.u32 $0x14, s16;
	[dreg:$0x8] =	wrdreg s9  }
0x24c: {  	s28 =	sadd.s32 s31, s28;
	s15 =	sadd.s32 $0x300, s15;
	[smem:$0x7DA] =	sst s13  }
0x24d: {  	s25 =	sadd.s32 s31, s25;
	[smem:$0x7D6] =	sst s17;
	s19 =	sshrl.u32 s11, $0x2  }
0x24e: {  	[smem:$0x7D8] =	sst s21;
	s7 =	sand.u32 $0x3F80, s22;
	s26 =	sshrl.u32 s26, $0x2  }
0x24f: {  	s21 =	sor.u32 $0xB, s10;
	s3 =	sadd.s32 s31, s18;
	s13 =	sor.u32 $0xD, s10  }
0x250: {  	s0 =	ssub.s32 s23, s12;
	s1 =	sshrl.u32 s2, $0x2;
	s30 =	sadd.s32 s7, s19  }
0x251: {  	s14 =	sadd.s32 s14, s26;
	s19 =	sand.u32 $0xFFFF, s21;
	s0 =	sshll.u32 s0, $0x7  }
0x252: {  	s26 =	sadd.s32 $0x300, s14;
	s14 =	smul.u32 $0xCCCD, s19;
	s0 =	sand.u32 $0x3F80, s0  }
0x253: {  	s30 =	sadd.s32 $0x300, s30;
	s23 =	sadd.s32 s0, s1;
	s4 =	spop (v2sf)  }
0x254: {  	s1 =	sor.u32 $0xC, s10;
	s14 =	sshrl.u32 s14, $0x14;
	s6 =	spop (v2sf)  }
0x255: {  	s11 =	sand.u32 $0x1FFFFFF0, s4;
	s4 =	smov.u32 s24;
	s7 =	sand.u32 $0x1FFFFFF0, s6  }
0x256: {  	s9 =	spop (v2sf);
	s11 =	sadd.s32 s31, s11;
	[smem:$0x7D7] =	sst s7  }
0x257: {  	s7 =	sor.u32 $0xA, s10;
	s12 =	spop (v2sf);
	s17 =	sand.u32 $0x1FFFFFF0, s9  }
0x258: {  	s9 =	rddreg [dreg:$0xd];
	s22 =	spop (v2sf);
	s0 =	sand.u32 $0xFFFF, s7  }
0x259: {  	s19 =	sand.u32 $0x1FFFFFF0, s12;
	s16 =	ssub.s32 s9, s16;
	s12 =	sld [smem:$0x7DF]  }
0x25a: {  	s17 =	sadd.s32 s31, s17;
	s2 =	sand.u32 $0x1FFFFFF0, s22;
	s18 =	smul.u32 $0xCCCD, s0  }
0x25b: {  	s6 =	spop (v2sf);
	s22 =	sshrl.u32 s5, $0x2;
	s5 =	sor.u32 $0xE, s10  }
0x25c: {  	s16 =	sshll.u32 s16, $0x7;
	s9 =	sand.u32 $0x1FFFFFF0, s6;
	s18 =	sshrl.u32 s18, $0x14  }
0x25d: {  	s6 =	sld [smem:$0x7DE];
	s16 =	sand.u32 $0x3F80, s16;
	s0 =	smul.u32 $0x14, s18  }
0x25e: {  	s24 =	sadd.s32 s31, s12;
	s12 =	simm.s32 $0x0;
	s18 =	smul.u32 $0x3000, s18  }
0x25f: {  	[tilespmem:s8], [sflag:$0x1] =	stream.linear.gather [hbm4b:s25+s12], $0x80, $0x38;
	[tilespmem:$0x18300] =	vst v63  }
0x260: {  	s16 =	sadd.s32 s16, s22;
	s22 =	sand.u32 $0xFFFF, s1;
	s8 =	sshrl.u32 s18, $0x2  }
0x261: {  	s18 =	smul.u32 $0xCCCD, s22;
	s22 =	sadd.s32 $0x300, s20;
	s20 =	sld [smem:$0x7E0]  }
0x262: {  	s10 =	sadd.s32 s31, s6;
	s6 =	sadd.s32 s31, s2;
	s2 =	sand.u32 $0xFFFF, s5  }
0x263: {  	s25 =	smul.u32 $0xCCCD, s2;
	s2 =	ssub.s32 s7, s0;
	s7 =	sshrl.u32 s18, $0x14  }
0x264: {  	[tilespmem:s20], [sflag:$0x1] =	stream.linear.gather [hbm4b:s24+s12], $0x80, $0x38;
	[tilespmem:$0x18300] =	vst v63  }
0x265: {  	s18 =	sand.u32 $0xFFFF, s13;
	s24 =	sshll.u32 s2, $0x7;
	s2 =	smul.u32 $0x3000, s14  }
0x266: {  	s18 =	smul.u32 $0xCCCD, s18;
	s20 =	sand.u32 $0x3F80, s24;
	s24 =	sld [smem:$0x7D6]  }
0x267: {  	s9 =	sadd.s32 s31, s9;
	s0 =	sadd.s32 $0x300, s23;
	s23 =	smul.u32 $0x14, s7  }
0x268: {  	s16 =	sadd.s32 $0x300, s16;
	s7 =	smul.u32 $0x3000, s7;
	s8 =	sadd.s32 s20, s8  }
0x269: {  	[tilespmem:s24], [sflag:$0x1] =	stream.linear.gather [hbm4b:s17+s12], $0x80, $0x38;
	[tilespmem:$0x18300] =	vst v63  }
0x26a: {  	s18 =	sshrl.u32 s18, $0x14;
	s7 =	sshrl.u32 s7, $0x2;
	s24 =	sld [smem:$0x7E1]  }
0x26b: {  	s1 =	ssub.s32 s1, s23;
	s2 =	sshrl.u32 s2, $0x2;
	s20 =	smul.u32 $0x14, s18  }
0x26c: {  	s8 =	sadd.s32 $0x300, s8;
	s1 =	sshll.u32 s1, $0x7;
	s23 =	smul.u32 $0x3000, s18  }
0x26d: {  	[tilespmem:s24], [sflag:$0x1] =	stream.linear.gather [hbm4b:s28+s12], $0x80, $0x38;
	[tilespmem:$0x18300] =	vst v63  }
0x26e: {  	s1 =	sand.u32 $0x3F80, s1;
	s24 =	sshrl.u32 s25, $0x14;
	s25 =	rddreg [dreg:$0x16]  }
0x26f: {  	[tilespmem:s15], [sflag:$0x1] =	stream.linear.gather [hbm4b:s6+s12], $0x80, $0x38;
	[tilespmem:$0x18300] =	vst v63  }
0x270: {  	s6 =	sadd.s32 s31, s25;
	s15 =	sld [smem:$0x7D7];
	s25 =	smul.u32 $0x14, s14  }
0x271: {  	s13 =	ssub.s32 s13, s20;
	s1 =	sadd.s32 s1, s7;
	s14 =	smul.u32 $0x14, s24  }
0x272: {  	[tilespmem:s30], [sflag:$0x1] =	stream.linear.gather [hbm4b:s9+s12], $0x80, $0x38;
	[tilespmem:$0x18300] =	vst v63  }
0x273: {  	s20 =	sld [smem:$0x7D8];
	s5 =	ssub.s32 s5, s14;
	s9 =	sadd.s32 s31, s15  }
0x274: {  	s15 =	smul.u32 $0x3000, s24;
	s24 =	sadd.s32 $0x20, s4;
	s5 =	sshll.u32 s5, $0x7  }
0x275: {  	[tilespmem:s26], [sflag:$0x1] =	stream.linear.gather [hbm4b:s11+s12], $0x80, $0x38;
	[tilespmem:$0x18300] =	vst v63  }
0x276: {  	s26 =	sshll.u32 s13, $0x7;
	s13 =	sshrl.u32 s23, $0x2;
	s5 =	sand.u32 $0x3F80, s5  }
0x277: {  	[tilespmem:s0], [sflag:$0x1] =	stream.linear.gather [hbm4b:s3+s12], $0x80, $0x38;
	[tilespmem:$0x18300] =	vst v63  }
0x278: {  	s23 =	sld [smem:$0x7D9];
	s0 =	ssub.s32 s21, s25;
	s3 =	sand.u32 $0x3F80, s26  }
0x279: {  	[tilespmem:s22], [sflag:$0x1] =	stream.linear.gather [hbm4b:s10+s12], $0x80, $0x38;
	[tilespmem:$0x18300] =	vst v63  }
0x27a: {  	s21 =	sadd.s32 s31, s20;
	s0 =	sshll.u32 s0, $0x7;
	s3 =	sadd.s32 s3, s13  }
0x27b: {  	[tilespmem:s16], [sflag:$0x1] =	stream.linear.gather [hbm4b:s6+s12], $0x80, $0x38;
	[tilespmem:$0x18300] =	vst v63  }
0x27c: {  	s0 =	sand.u32 $0x3F80, s0;
	s22 =	sadd.s32 $0x300, s1;
	s16 =	sand.u32 $0xFFFF, s29  }
0x27d: {  	s1 =	sadd.s32 s31, s23;
	s26 =	sadd.s32 $0x300, s3;
	s7 =	smul.u32 $0xCCCD, s16  }
0x27e: {  	[tilespmem:s8], [sflag:$0x1] =	stream.linear.gather [hbm4b:s9+s12], $0x80, $0x38;
	[tilespmem:$0x18300] =	vst v63  }
0x27f: {  	s3 =	sld [smem:$0x7DA];
	s0 =	sadd.s32 s0, s2;
	s7 =	sshrl.u32 s7, $0x14  }
0x280: {  	s6 =	sshrl.u32 s15, $0x2;
	s0 =	sadd.s32 $0x300, s0;
	s18 =	smul.u32 $0x3000, s7  }
0x281: {  	[tilespmem:s0], [sflag:$0x1] =	stream.linear.gather [hbm4b:s21+s12], $0x80, $0x38;
	[tilespmem:$0x18300] =	vst v63  }
0x282: {  	s17 =	sadd.s32 s5, s6;
	s9 =	rddreg [dreg:$0x5];
	s7 =	smul.u32 $0x14, s7  }
0x283: {  	[tilespmem:s22], [sflag:$0x1] =	stream.linear.gather [hbm4b:s1+s12], $0x80, $0x38;
	[tilespmem:$0x18300] =	vst v63  }
0x284: {  	s8 =	sadd.s32 $0x300, s17;
	s25 =	ssub.s32 s29, s7;
	s7 =	sld [smem:$0x7DB]  }
0x285: {  	s2 =	sadd.s32 s31, s9;
	s1 =	sadd.s32 s31, s3;
	s4 =	sshll.u32 s25, $0x7  }
0x286: {  	[tilespmem:s26], [sflag:$0x1] =	stream.linear.gather [hbm4b:s1+s12], $0x80, $0x38;
	[tilespmem:$0x18300] =	vst v63  }
0x287: {  	s5 =	sshrl.u32 s18, $0x2;
	s6 =	sand.u32 $0x3F80, s4;
	s10 =	smov.u32 s7  }
0x288: {  	[tilespmem:s8], [sflag:$0x1] =	stream.linear.gather [hbm4b:s2+s12], $0x80, $0x38;
	[tilespmem:$0x18300] =	vst v63  }
0x289: {  	s13 =	sand.u32 $0x300, s24;
	s0 =	sadd.s32 s6, s5;
	s11 =	sand.u32 $0x70, s10  }
0x28a: {  	s14 =	sadd.s32 s31, s19;
	s0 =	sadd.s32 $0x300, s0;
	s15 =	sor.u32 s11, s13  }
0x28b: {  	[tilespmem:s0], [sflag:$0x1] =	stream.linear.gather [hbm4b:s14+s12], $0x80, $0x38;
	[tilespmem:$0x18300] =	vst v63  }
0x28c: {  	v0 =	vld [tilespmem:s15+$0x0];
	_ =	sdelay $0x2  }
0x28d: {  	s16 =	sor.u32 $0x9, s10;
	s17 =	sand.u32 $0xFFFF, s10  }
0x28e: {  	s18 =	sor.u32 $0x8, s10;
	s20 =	sand.u32 $0xFFFF, s16;
	s0 =	smul.u32 $0xCCCD, s17  }
0x28f: {  	s3 =	sor.u32 $0x5, s10;
	s21 =	sand.u32 $0xFFFF, s18;
	s22 =	smul.u32 $0xCCCD, s20;
	v0 =	vshll.u32 v0, $0x4  }
0x290: {  	s1 =	sor.u32 $0x1, s10;
	s25 =	sand.u32 $0xFFFF, s3;
	s23 =	smul.u32 $0xCCCD, s21;
	(v2sf) =	vpush v0, $0x7  }
0x291: {  	s5 =	sor.u32 $0x2, s10;
	s11 =	sand.u32 $0xFFFF, s1;
	s13 =	smul.u32 $0xCCCD, s25;
	(v2sf) =	vpush v0, $0x9  }
0x292: {  	s6 =	sor.u32 $0x4, s10;
	s9 =	sand.u32 $0xFFFF, s5;
	s11 =	smul.u32 $0xCCCD, s11;
	(v2sf) =	vpush v0, $0x1  }
0x293: {  	s2 =	sor.u32 $0x3, s10;
	s12 =	sand.u32 $0xFFFF, s6;
	s9 =	smul.u32 $0xCCCD, s9;
	(v2sf) =	vpush v0, $0x8  }
0x294: {  	s21 =	sand.u32 $0xFFFF, s2;
	s15 =	smul.u32 $0xCCCD, s12;
	(v2sf) =	vpush v0, $0xE  }
0x295: {  	s25 =	smul.u32 $0xCCCD, s21;
	s7 =	sshrl.u32 s0, $0x14;
	s0 =	sshrl.u32 s23, $0x14  }
0x296: {  	s17 =	smul.u32 $0x3000, s0  }
0x297: {  	s8 =	sor.u32 $0x6, s10;
	s19 =	smul.u32 $0x14, s0  }
0x298: {  	s26 =	sand.u32 $0xFFFF, s8;
	s20 =	smul.u32 $0x3000, s7;
	(v2sf) =	vpush v0, $0xD  }
0x299: {  	s11 =	sshrl.u32 s11, $0x14;
	s0 =	smul.u32 $0xCCCD, s26  }
0x29a: {  	s9 =	sshrl.u32 s9, $0x14;
	s11 =	smul.u32 $0x14, s11  }
0x29b: {  	[dreg:$0xd] =	wrdreg s16;
	s16 =	sshrl.u32 s22, $0x14;
	s9 =	smul.u32 $0x14, s9;
	(v2sf) =	vpush v0, $0x3  }
0x29c: {  	s13 =	sshrl.u32 s13, $0x14;
	s15 =	sshrl.u32 s15, $0x14;
	s7 =	smul.u32 $0x14, s7  }
0x29d: {  	s14 =	ssub.s32 s18, s19;
	s22 =	sshrl.u32 s20, $0x2;
	s20 =	sshrl.u32 s25, $0x14  }
0x29e: {  	s17 =	sshrl.u32 s17, $0x2;
	s1 =	ssub.s32 s1, s11;
	s0 =	sshrl.u32 s0, $0x14  }
0x29f: {  	s5 =	ssub.s32 s5, s9;
	s4 =	sor.u32 $0x300, s22;
	s23 =	spop (v2sf)  }
0x2a0: {  	s20 =	smul.u32 $0x14, s20;
	s1 =	sshll.u32 s1, $0x7;
	(v2sf) =	vpush v0, $0xB;
	s26 =	spop (v2sf)  }
0x2a1: {  	s14 =	sshll.u32 s14, $0x7;
	s1 =	sand.u32 $0x3F80, s1;
	(v2sf) =	vpush v0, $0x0;
	s19 =	spop (v2sf)  }
0x2a2: {  	s2 =	ssub.s32 s2, s20;
	s1 =	sadd.s32 s1, s4;
	s12 =	spop (v2sf)  }
0x2a3: {  	[smem:$0x7E0] =	sst s1;
	s25 =	sand.u32 $0x1FFFFFF0, s26;
	s26 =	spop (v2sf);
	(v2sf) =	vpush v0, $0xC  }
0x2a4: {  	s18 =	sand.u32 $0x1FFFFFF0, s23;
	[dreg:$0x16] =	wrdreg s25;
	s25 =	smul.u32 $0x14, s15  }
0x2a5: {  	s23 =	sor.u32 $0x7, s10;
	s21 =	sand.u32 $0x1FFFFFF0, s19;
	s19 =	smul.u32 $0x14, s13  }
0x2a6: {  	s22 =	sand.u32 $0x1FFFFFF0, s12;
	[smem:$0x7DF] =	sst s21;
	s12 =	smul.u32 $0x3000, s15  }
0x2a7: {  	s15 =	ssub.s32 s10, s7;
	[smem:$0x7DE] =	sst s22;
	s21 =	spop (v2sf)  }
0x2a8: {  	s26 =	sand.u32 $0x1FFFFFF0, s26;
	s6 =	ssub.s32 s6, s25;
	s25 =	sand.u32 $0x3F80, s14  }
0x2a9: {  	s14 =	sand.u32 $0xFFFF, s23;
	s30 =	ssub.s32 s3, s19;
	[dreg:$0x5] =	wrdreg s26  }
0x2aa: {  	s22 =	spop (v2sf);
	s6 =	sshll.u32 s6, $0x7;
	s26 =	sshll.u32 s2, $0x7  }
0x2ab: {  	s2 =	sshrl.u32 s12, $0x2;
	s20 =	sadd.s32 s25, s17;
	s12 =	smul.u32 $0x14, s0  }
0x2ac: {  	s17 =	sshll.u32 s5, $0x7;
	s5 =	sshll.u32 s15, $0x7;
	s14 =	smul.u32 $0xCCCD, s14  }
0x2ad: {  	s1 =	sand.u32 $0x3F80, s26;
	s26 =	smul.u32 $0x3000, s0;
	s29 =	sand.u32 $0x3F80, s17  }
0x2ae: {  	(v2sf) =	vpush v0, $0x6;
	s15 =	sand.u32 $0x3F80, s6;
	s28 =	sand.u32 $0x1FFFFFF0, s22;
	s1 =	sadd.s32 s1, s4  }
.Ltmp5:
0x2af: {  	(v2sf) =	vpush v0, $0xA;
	s12 =	ssub.s32 s8, s12;
	s7 =	spop (v2sf);
	(pc) =	sbr.rel @p1 .LBB2_8-.Ltmp5, $4  }
0x2b0: {  	s15 =	sadd.s32 s15, s2;
	s2 =	rddreg [dreg:$0x8];
	s11 =	spop (v2sf);
	(v2sf) =	vpush v0, $0x2  }
0x2b1: {  	s8 =	sand.u32 $0x3F80, s5;
	s5 =	smul.u32 $0x3000, s16;
	[smem:$0x7E1] =	sst s1;
	(v2sf) =	vpush v0, $0xF  }
0x2b2: {  	s0 =	sshll.u32 s12, $0x7;
	s1 =	sshrl.u32 s14, $0x14;
	(v2sf) =	vpush v0, $0x4;
	s17 =	spop (v2sf)  }
0x2b3: {  	s25 =	sand.u32 $0x1FFFFFF0, s11;
	s11 =	smul.u32 $0x3000, s13;
	(v2sf) =	vpush v0, $0x5;
	s13 =	sand.u32 $0x1FFFFFF0, s17  }
0x2b4: {  	_ =	sdelay $0x1  }
0x2b5: {  	s6 =	sld [smem:$0x7DF]  }
0x2b6: {  	s2 =	sadd.s32 s8, s4;
	s3 =	sadd.s32 s31, s25;
	s12 =	simm.s32 $0x0  }
0x2b7: {  	[tilespmem:s2], [sflag:$0x1] =	stream.linear.gather [hbm4b:s3+s12], $0x80, $0x38;
	[tilespmem:$0x18300] =	vst v63  }
0x2b8: {  	s3 =	sadd.s32 s31, s6;
	s6 =	sld [smem:$0x7E0];
	_ =	sdelay $0x2  }
0x2b9: {  	[tilespmem:s6], [sflag:$0x1] =	stream.linear.gather [hbm4b:s3+s12], $0x80, $0x38;
	[tilespmem:$0x18300] =	vst v63  }
0x2ba: {  	s2 =	spop (v2sf)  }
0x2bb: {  	s6 =	spop (v2sf)  }
0x2bc: {  	s9 =	sadd.s32 s29, s4;
	s14 =	sadd.s32 s31, s28;
	s8 =	spop (v2sf)  }
0x2bd: {  	s17 =	sld [smem:$0x7E1];
	s22 =	sadd.s32 $0x300, s15;
	s3 =	sand.u32 $0x1FFFFFF0, s8  }
0x2be: {  	s24 =	sshll.u32 s30, $0x7;
	s0 =	sand.u32 $0x3F80, s0;
	s3 =	sadd.s32 s31, s3  }
0x2bf: {  	[tilespmem:s9], [sflag:$0x1] =	stream.linear.gather [hbm4b:s3+s12], $0x80, $0x38;
	[tilespmem:$0x18300] =	vst v63  }
0x2c0: {  	s29 =	sshrl.u32 s26, $0x2;
	s30 =	smul.u32 $0x14, s1;
	s3 =	spop (v2sf)  }
0x2c1: {  	s15 =	sld [smem:$0x7DE];
	s25 =	sshrl.u32 s11, $0x2;
	s19 =	spop (v2sf)  }
0x2c2: {  	[tilespmem:s17], [sflag:$0x1] =	stream.linear.gather [hbm4b:s14+s12], $0x80, $0x38;
	[tilespmem:$0x18300] =	vst v63  }
0x2c3: {  	s0 =	sadd.s32 s0, s29;
	s11 =	sadd.s32 s31, s18;
	s4 =	sand.u32 $0x1FFFFFF0, s19  }
0x2c4: {  	s18 =	rddreg [dreg:$0xd];
	s0 =	sadd.s32 $0x300, s0;
	s4 =	sadd.s32 s31, s4  }
0x2c5: {  	[tilespmem:s22], [sflag:$0x1] =	stream.linear.gather [hbm4b:s4+s12], $0x80, $0x38;
	[tilespmem:$0x18300] =	vst v63  }
0x2c6: {  	s2 =	sand.u32 $0x1FFFFFF0, s2;
	s9 =	spop (v2sf);
	s4 =	sand.u32 $0x3F80, s24  }
0x2c7: {  	s2 =	sadd.s32 s31, s2;
	s28 =	sand.u32 $0x1FFFFFF0, s9;
	s4 =	sadd.s32 s4, s25  }
0x2c8: {  	s14 =	smul.u32 $0x14, s16;
	s8 =	sadd.s32 s31, s28;
	s4 =	sadd.s32 $0x300, s4  }
0x2c9: {  	[tilespmem:s4], [sflag:$0x1] =	stream.linear.gather [hbm4b:s8+s12], $0x80, $0x38;
	[tilespmem:$0x18300] =	vst v63  }
0x2ca: {  	s26 =	sand.u32 $0x1FFFFFF0, s6;
	s9 =	smul.u32 $0x3000, s1;
	s8 =	ssub.s32 s23, s30  }
0x2cb: {  	[tilespmem:s0], [sflag:$0x1] =	stream.linear.gather [hbm4b:s2+s12], $0x80, $0x38;
	[tilespmem:$0x18300] =	vst v63  }
0x2cc: {  	s16 =	sadd.s32 $0x300, s20;
	s17 =	sor.u32 $0xA, s10;
	s0 =	sshll.u32 s8, $0x7  }
0x2cd: {  	s20 =	sshrl.u32 s5, $0x2;
	s1 =	sshrl.u32 s9, $0x2;
	s0 =	sand.u32 $0x3F80, s0  }
0x2ce: {  	s19 =	sand.u32 $0xFFFF, s17;
	s22 =	rddreg [dreg:$0x16];
	s0 =	sadd.s32 s0, s1  }
0x2cf: {  	s24 =	sor.u32 $0xB, s10;
	s28 =	sadd.s32 s31, s26;
	s0 =	sadd.s32 $0x300, s0  }
0x2d0: {  	[tilespmem:s0], [sflag:$0x1] =	stream.linear.gather [hbm4b:s11+s12], $0x80, $0x38;
	[tilespmem:$0x18300] =	vst v63  }
0x2d1: {  	s25 =	sand.u32 $0xFFFF, s24;
	s4 =	sadd.s32 s31, s22;
	s0 =	ssub.s32 s18, s14  }
0x2d2: {  	s2 =	smul.u32 $0xCCCD, s19;
	s1 =	sadd.s32 s31, s15;
	s0 =	sshll.u32 s0, $0x7  }
0x2d3: {  	[tilespmem:s16], [sflag:$0x1] =	stream.linear.gather [hbm4b:s1+s12], $0x80, $0x38;
	[tilespmem:$0x18300] =	vst v63  }
0x2d4: {  	s2 =	sshrl.u32 s2, $0x14;
	s0 =	sand.u32 $0x3F80, s0;
	s1 =	smul.u32 $0xCCCD, s25  }
0x2d5: {  	s30 =	sor.u32 $0xC, s10;
	s23 =	smul.u32 $0x14, s2;
	s0 =	sadd.s32 s0, s20  }
0x2d6: {  	s2 =	smul.u32 $0x3000, s2;
	s0 =	sadd.s32 $0x300, s0;
	s1 =	sshrl.u32 s1, $0x14  }
0x2d7: {  	[tilespmem:s0], [sflag:$0x1] =	stream.linear.gather [hbm4b:s4+s12], $0x80, $0x38;
	[tilespmem:$0x18300] =	vst v63  }
0x2d8: {  	s6 =	sand.u32 $0xFFFF, s30;
	s8 =	sand.u32 $0x1FFFFFF0, s7;
	s29 =	smul.u32 $0x14, s1  }
0x2d9: {  	s11 =	sor.u32 $0xD, s10;
	s0 =	ssub.s32 s17, s23;
	s1 =	smul.u32 $0x3000, s1  }
0x2da: {  	s2 =	sshrl.u32 s2, $0x2;
	s4 =	smul.u32 $0xCCCD, s6;
	s0 =	sshll.u32 s0, $0x7  }
0x2db: {  	s0 =	sand.u32 $0x3F80, s0;
	s5 =	ssub.s32 s24, s29;
	s1 =	sshrl.u32 s1, $0x2  }
0x2dc: {  	s4 =	sshrl.u32 s4, $0x14;
	s0 =	sadd.s32 s0, s2;
	s2 =	sshll.u32 s5, $0x7  }
0x2dd: {  	s9 =	smul.u32 $0x14, s4;
	s0 =	sadd.s32 $0x300, s0;
	s2 =	sand.u32 $0x3F80, s2  }
0x2de: {  	[tilespmem:s0], [sflag:$0x1] =	stream.linear.gather [hbm4b:s28+s12], $0x80, $0x38;
	[tilespmem:$0x18300] =	vst v63  }
0x2df: {  	s14 =	sand.u32 $0xFFFF, s11;
	s4 =	smul.u32 $0x3000, s4;
	s1 =	sadd.s32 s2, s1  }
0x2e0: {  	s2 =	sadd.s32 s31, s8;
	s0 =	ssub.s32 s30, s9;
	s1 =	sadd.s32 $0x300, s1  }
0x2e1: {  	[tilespmem:s1], [sflag:$0x1] =	stream.linear.gather [hbm4b:s2+s12], $0x80, $0x38;
	[tilespmem:$0x18300] =	vst v63  }
0x2e2: {  	s0 =	sshll.u32 s0, $0x7;
	s1 =	smul.u32 $0xCCCD, s14  }
0x2e3: {  	s4 =	sshrl.u32 s4, $0x2;
	s0 =	sand.u32 $0x3F80, s0  }
0x2e4: {  	s0 =	sadd.s32 s0, s4;
	s1 =	sshrl.u32 s1, $0x14  }
0x2e5: {  	s16 =	sadd.s32 s31, s13;
	s0 =	sadd.s32 $0x300, s0;
	s15 =	smul.u32 $0x14, s1  }
0x2e6: {  	[tilespmem:s0], [sflag:$0x1] =	stream.linear.gather [hbm4b:s16+s12], $0x80, $0x38;
	[tilespmem:$0x18300] =	vst v63  }
0x2e7: {  	s17 =	smul.u32 $0x3000, s1;
	s18 =	ssub.s32 s11, s15  }
0x2e8: {  	s19 =	sor.u32 $0xE, s10;
	s20 =	sand.u32 $0x1FFFFFF0, s21;
	s1 =	sshll.u32 s18, $0x7  }
0x2e9: {  	s21 =	sand.u32 $0xFFFF, s19;
	s0 =	sshrl.u32 s17, $0x2;
	s1 =	sand.u32 $0x3F80, s1  }
0x2ea: {  	s23 =	sor.u32 $0xF, s10;
	s0 =	sadd.s32 s1, s0;
	s1 =	smul.u32 $0xCCCD, s21  }
0x2eb: {  	s24 =	sand.u32 $0xFFFF, s23  }
0x2ec: {  	s2 =	smul.u32 $0xCCCD, s24;
	s22 =	sshrl.u32 s1, $0x14  }
0x2ed: {  	s4 =	sadd.s32 s31, s20;
	s0 =	sadd.s32 $0x300, s0;
	s1 =	smul.u32 $0x14, s22  }
0x2ee: {  	[tilespmem:s0], [sflag:$0x1] =	stream.linear.gather [hbm4b:s4+s12], $0x80, $0x38;
	[tilespmem:$0x18300] =	vst v63  }
0x2ef: {  	s0 =	smul.u32 $0x3000, s22;
	s1 =	ssub.s32 s19, s1  }
0x2f0: {  	s26 =	rddreg [dreg:$0x5];
	s2 =	sshrl.u32 s2, $0x14;
	s1 =	sshll.u32 s1, $0x7  }
0x2f1: {  	s25 =	smul.u32 $0x14, s2;
	s0 =	sshrl.u32 s0, $0x2;
	s1 =	sand.u32 $0x3F80, s1  }
0x2f2: {  	s5 =	sadd.s32 s31, s26;
	s0 =	sadd.s32 s1, s0  }
0x2f3: {  	s29 =	smul.u32 $0x3000, s2;
	s28 =	ssub.s32 s23, s25;
	s0 =	sadd.s32 $0x300, s0  }
0x2f4: {  	[tilespmem:s0], [sflag:$0x1] =	stream.linear.gather [hbm4b:s5+s12], $0x80, $0x38;
	[tilespmem:$0x18300] =	vst v63  }
0x2f5: {  	s10 =	simm.s32 $0x0;
	s6 =	sld [smem:$0x7DC];
	s0 =	sshll.u32 s28, $0x7  }
0x2f6: {  	s30 =	sand.u32 $0x1FFFFFF0, s3;
	s1 =	sshrl.u32 s29, $0x2;
	s0 =	sand.u32 $0x3F80, s0  }
0x2f7: {  	s3 =	simm.s32 $0x3;
	s20 =	smov.u32 s31;
	s0 =	sadd.s32 s0, s1  }
0x2f8: {  	s5 =	sld [smem:$0x7DD];
	s1 =	sadd.s32 s31, s30;
	s0 =	sadd.s32 $0x300, s0  }
0x2f9: {  	[tilespmem:s0], [sflag:$0x1] =	stream.linear.gather [hbm4b:s1+s12], $0x80, $0x38;
	[tilespmem:$0x18300] =	vst v63  }
.LBB2_10:
0x2fa: {  	s0 =	sld [smem:$0x7F8]  }
0x2fb: {  	s2 =	simm.s32 $0x2  }
0x2fc: {  	_ =	swait.ge [sflag:s2], $0xA000  }
0x2fd: {  	s1 =	sld [smem:$0x7F6];
	s0 =	sadd.s32 s6, s0  }
0x2fe: {  	s0 =	smul.u32 $0x180, s0;
	_ =	sdelay $0x1  }
0x2ff: {  	[sflag:s2] =	ssyncset.done $0x0;
	s0 =	sadd.s32 s1, s0  }
0x300: {  	s26 =	simm.s32 $0xC300;
	[sflag:s2] =	ssyncadd.s32 $0xFFFF6000;
	s1 =	sadd.s32 $0x1800, s0  }
0x301: {  	[hbm4b:s1+s10] =	stream.linear.scatter [tilespmem:s26], [sflag:$0x3], $0xA00, $0x38;
	[tilespmem:$0x18300] =	vst v63  }
0x302: {  	s29 =	simm.s32 $0xCF00;
	s28 =	sadd.s32 $0x1980, s0  }
0x303: {  	[hbm4b:s28+s10] =	stream.linear.scatter [tilespmem:s29], [sflag:$0x3], $0xA00, $0x38;
	[tilespmem:$0x18300] =	vst v63  }
0x304: {  	s31 =	simm.s32 $0xDB00;
	s30 =	sadd.s32 $0x1B00, s0  }
0x305: {  	[hbm4b:s30+s10] =	stream.linear.scatter [tilespmem:s31], [sflag:$0x3], $0xA00, $0x38;
	[tilespmem:$0x18300] =	vst v63  }
0x306: {  	s4 =	simm.s32 $0xE700;
	s2 =	sadd.s32 $0x1C80, s0  }
0x307: {  	[hbm4b:s2+s10] =	stream.linear.scatter [tilespmem:s4], [sflag:$0x3], $0xA00, $0x38;
	[tilespmem:$0x18300] =	vst v63  }
0x308: {  	s7 =	simm.s32 $0xF300;
	s6 =	sadd.s32 $0x1E00, s0  }
0x309: {  	[hbm4b:s6+s10] =	stream.linear.scatter [tilespmem:s7], [sflag:$0x3], $0xA00, $0x38;
	[tilespmem:$0x18300] =	vst v63  }
0x30a: {  	s9 =	simm.s32 $0xFF00;
	s8 =	sadd.s32 $0x1F80, s0  }
0x30b: {  	[hbm4b:s8+s10] =	stream.linear.scatter [tilespmem:s9], [sflag:$0x3], $0xA00, $0x38;
	[tilespmem:$0x18300] =	vst v63  }
0x30c: {  	s12 =	simm.s32 $0x10B00;
	s11 =	sadd.s32 $0x2100, s0  }
0x30d: {  	[hbm4b:s11+s10] =	stream.linear.scatter [tilespmem:s12], [sflag:$0x3], $0xA00, $0x38;
	[tilespmem:$0x18300] =	vst v63  }
0x30e: {  	s14 =	simm.s32 $0x11700;
	s13 =	sadd.s32 $0x2280, s0  }
0x30f: {  	[hbm4b:s13+s10] =	stream.linear.scatter [tilespmem:s14], [sflag:$0x3], $0xA00, $0x38;
	[tilespmem:$0x18300] =	vst v63  }
0x310: {  	s16 =	simm.s32 $0x12300;
	s15 =	sadd.s32 $0x2400, s0  }
0x311: {  	[hbm4b:s15+s10] =	stream.linear.scatter [tilespmem:s16], [sflag:$0x3], $0xA00, $0x38;
	[tilespmem:$0x18300] =	vst v63  }
0x312: {  	s18 =	simm.s32 $0x12F00;
	s17 =	sadd.s32 $0x2580, s0  }
0x313: {  	[hbm4b:s17+s10] =	stream.linear.scatter [tilespmem:s18], [sflag:$0x3], $0xA00, $0x38;
	[tilespmem:$0x18300] =	vst v63  }
0x314: {  	s21 =	simm.s32 $0x13B00;
	s19 =	sadd.s32 $0x2700, s0  }
0x315: {  	[hbm4b:s19+s10] =	stream.linear.scatter [tilespmem:s21], [sflag:$0x3], $0xA00, $0x38;
	[tilespmem:$0x18300] =	vst v63  }
0x316: {  	s23 =	simm.s32 $0x14700;
	s22 =	sadd.s32 $0x2880, s0  }
0x317: {  	[hbm4b:s22+s10] =	stream.linear.scatter [tilespmem:s23], [sflag:$0x3], $0xA00, $0x38;
	[tilespmem:$0x18300] =	vst v63  }
0x318: {  	s25 =	simm.s32 $0x15300;
	s24 =	sadd.s32 $0x2A00, s0  }
0x319: {  	[hbm4b:s24+s10] =	stream.linear.scatter [tilespmem:s25], [sflag:$0x3], $0xA00, $0x38;
	[tilespmem:$0x18300] =	vst v63  }
0x31a: {  	s26 =	sadd.s32 $0x2B80, s0;
	s28 =	simm.s32 $0x15F00  }
0x31b: {  	[hbm4b:s26+s10] =	stream.linear.scatter [tilespmem:s28], [sflag:$0x3], $0xA00, $0x38;
	[tilespmem:$0x18300] =	vst v63  }
0x31c: {  	s29 =	sadd.s32 $0x2D00, s0;
	s30 =	simm.s32 $0x16B00  }
0x31d: {  	[hbm4b:s29+s10] =	stream.linear.scatter [tilespmem:s30], [sflag:$0x3], $0xA00, $0x38;
	[tilespmem:$0x18300] =	vst v63  }
.Ltmp6:
0x31e: {  	s0 =	sadd.s32 $0x2E80, s0;
	s31 =	simm.s32 $0x17700;
	(pc) =	sbr.rel @p0 .LBB2_14-.Ltmp6, $4  }
0x31f: {  	[hbm4b:s0+s10] =	stream.linear.scatter [tilespmem:s31], [sflag:$0x3], $0xA00, $0x38;
	[tilespmem:$0x18300] =	vst v63  }
0x320: {  	_ =	swait.ge [sflag:s3], $0xA000  }
0x321: {  	[sflag:s3] =	ssyncset.done $0x0  }
0x322: {  	[sflag:s3] =	ssyncadd.s32 $0xFFFF6000  }
0x323: {  	s0 =	sadd.s32 $0x3, s5  }
0x324: {  	s2 =	sld [smem:$0x7F7];
	s1 =	sshrl.u32 s0, $0x3  }
0x325: {  	s1 =	smul.u32 $0xC00, s1  }
0x326: {  	s0 =	sshll.u32 s0, $0x7  }
0x327: {  	s0 =	sand.u32 $0x380, s0;
	s1 =	sadd.s32 s2, s1  }
0x328: {  	s0 =	sor.u32 s0, s1  }
0x329: {  	s10 =	rddreg [dreg:$0x1];
	s0 =	sshrl.u32 s0, $0x3  }
0x32a: {  	s11 =	simm.s32 $0x80;
	s1 =	sadd.s32 s10, s0;
	s0 =	simm.s32 $0x0  }
0x32b: {  	[tilespmem:s11], [sflag:$0x3] =	stream.linear.gather [hbm4b:s1+s0], $0x80, $0x38;
	[tilespmem:$0x18300] =	vst v63  }
0x32c: {  	s4 =	simm.s32 $0x180;
	s12 =	sadd.s32 $0x80, s1  }
0x32d: {  	[tilespmem:s4], [sflag:$0x3] =	stream.linear.gather [hbm4b:s12+s0], $0x80, $0x38;
	[tilespmem:$0x18300] =	vst v63  }
0x32e: {  	s13 =	simm.s32 $0x280;
	s1 =	sadd.s32 $0x100, s1  }
0x32f: {  	[tilespmem:s13], [sflag:$0x3] =	stream.linear.gather [hbm4b:s1+s0], $0x80, $0x38;
	[tilespmem:$0x18300] =	vst v63  }
0x330: {  	_ =	swait.ge [sflag:s3], $0x180  }
0x331: {  	s14 =	sand.u32 $0x70, s0;
	s15 =	sand.u32 $0x300, s0;
	[sflag:s3] =	ssyncset.done $0x0  }
0x332: {  	s1 =	sor.u32 s14, s15;
	[sflag:s3] =	ssyncadd.s32 $0xFFFFFE80  }
0x333: {  	v0 =	vld [tilespmem:s1+$0x80];
	_ =	sdelay $0x2  }
0x334: {  	s16 =	sor.u32 $0xF, s0;
	s19 =	sand.u32 $0xFFFF, s0  }
0x335: {  	s22 =	sor.u32 $0x7, s0;
	s18 =	sand.u32 $0xFFFF, s16;
	s7 =	smul.u32 $0xCCCD, s19  }
0x336: {  	s8 =	sor.u32 $0x1, s0;
	s21 =	sand.u32 $0xFFFF, s22;
	s4 =	smul.u32 $0xCCCD, s18;
	v0 =	vshll.u32 v0, $0x4  }
0x337: {  	s9 =	sand.u32 $0xFFFF, s8;
	s5 =	smul.u32 $0xCCCD, s21;
	(v2sf) =	vpush v0, $0x3  }
0x338: {  	s6 =	sor.u32 $0x9, s0;
	s23 =	smul.u32 $0xCCCD, s9;
	s9 =	sor.u32 $0x2, s0;
	(v2sf) =	vpush v0, $0x6  }
0x339: {  	s12 =	sor.u32 $0x5, s0;
	s11 =	sshrl.u32 s7, $0x14;
	s25 =	sand.u32 $0xFFFF, s9;
	(v2sf) =	vpush v0, $0x4  }
0x33a: {  	s13 =	smul.u32 $0x3000, s11;
	[dreg:$0x15] =	wrdreg s6;
	s6 =	sand.u32 $0xFFFF, s6;
	(v2sf) =	vpush v0, $0x5  }
0x33b: {  	[dreg:$0x1b] =	wrdreg s12;
	s12 =	sand.u32 $0xFFFF, s12;
	s6 =	smul.u32 $0xCCCD, s6;
	(v2sf) =	vpush v0, $0x8  }
0x33c: {  	s24 =	smul.u32 $0xCCCD, s12;
	s3 =	sor.u32 $0x4, s0;
	s1 =	sor.u32 $0x3, s0;
	(v2sf) =	vpush v0, $0x9  }
0x33d: {  	s7 =	sshrl.u32 s6, $0x14;
	s19 =	sand.u32 $0xFFFF, s3;
	s6 =	smul.u32 $0xCCCD, s25  }
0x33e: {  	s17 =	sand.u32 $0xFFFF, s1;
	s12 =	smul.u32 $0xCCCD, s19;
	(v2sf) =	vpush v0, $0x1  }
0x33f: {  	s26 =	sshrl.u32 s4, $0x14;
	s4 =	sshrl.u32 s24, $0x14;
	s2 =	smul.u32 $0xCCCD, s17;
	(v2sf) =	vpush v0, $0xB  }
0x340: {  	s17 =	smul.u32 $0x3000, s4  }
0x341: {  	s4 =	smul.u32 $0x14, s4;
	s6 =	sshrl.u32 s6, $0x14;
	(v2sf) =	vpush v0, $0xE  }
0x342: {  	s6 =	smul.u32 $0x14, s6;
	s10 =	sshrl.u32 s2, $0x14;
	s2 =	sshrl.u32 s23, $0x14  }
0x343: {  	s29 =	simm.s32 $0x20;
	[dreg:$0xe] =	wrdreg s16;
	s19 =	smul.u32 $0x14, s2;
	(v2sf) =	vpush v0, $0xC  }
0x344: {  	[smem:$0x7D1] =	sst s4;
	s17 =	sshrl.u32 s17, $0x2;
	s10 =	smul.u32 $0x14, s10  }
0x345: {  	[smem:$0x7D2] =	sst s17;
	s17 =	sshrl.u32 s12, $0x14;
	s2 =	smul.u32 $0x14, s11  }
0x346: {  	s6 =	ssub.s32 s9, s6;
	s12 =	sshrl.u32 s13, $0x2;
	s14 =	spop (v2sf)  }
0x347: {  	s1 =	ssub.s32 s1, s10;
	s10 =	ssub.s32 $0x0, s2;
	s15 =	spop (v2sf)  }
0x348: {  	s8 =	ssub.s32 s8, s19;
	s10 =	sshll.u32 s10, $0x7;
	(v2sf) =	vpush v0, $0xA;
	s16 =	spop (v2sf)  }
0x349: {  	s10 =	sand.u32 $0x3F80, s10;
	(v2sf) =	vpush v0, $0xD;
	s14 =	sand.u32 $0x1FFFFFF0, s14;
	s18 =	spop (v2sf)  }
0x34a: {  	(v2sf) =	vpush v0, $0x2;
	s30 =	sand.u32 $0x1FFFFFF0, s15;
	s21 =	sand.u32 $0x1FFFFFF0, s16;
	s23 =	spop (v2sf)  }
0x34b: {  	(v2sf) =	vpush v0, $0x0;
	s18 =	sand.u32 $0x1FFFFFF0, s18;
	s21 =	sadd.s32 s20, s21;
	s25 =	spop (v2sf)  }
0x34c: {  	s24 =	sand.u32 $0x1FFFFFF0, s23;
	[smem:$0x7D3] =	sst s21;
	s23 =	smul.u32 $0x14, s17  }
0x34d: {  	[dreg:$0x1d] =	wrdreg s24;
	s19 =	spop (v2sf);
	s24 =	sand.u32 $0x1FFFFFF0, s25  }
0x34e: {  	s17 =	smul.u32 $0x3000, s17;
	s9 =	spop (v2sf);
	s25 =	sadd.s32 s20, s24  }
0x34f: {  	s11 =	ssub.s32 s3, s23;
	s24 =	sand.u32 $0x1FFFFFF0, s19;
	s23 =	sshll.u32 s1, $0x7  }
0x350: {  	[dreg:$0x13] =	wrdreg s25;
	s16 =	spop (v2sf);
	s25 =	sshll.u32 s8, $0x7  }
0x351: {  	s31 =	sadd.s32 s20, s24;
	s8 =	sadd.s32 s20, s14;
	s14 =	sor.u32 $0x300, s12  }
0x352: {  	s9 =	sand.u32 $0x1FFFFFF0, s9;
	s11 =	sshll.u32 s11, $0x7;
	s15 =	spop (v2sf)  }
0x353: {  	s25 =	sand.u32 $0x3F80, s25;
	[smem:$0x7D4] =	sst s9;
	s10 =	sadd.s32 s10, s14  }
0x354: {  	s28 =	sand.u32 $0x1FFFFFF0, s16;
	s16 =	sand.u32 $0x3F80, s11;
	s19 =	sand.u32 $0x1FFFFFF0, s15  }
0x355: {  	s12 =	sadd.s32 s25, s14;
	[dreg:$0xb] =	wrdreg s19;
	s19 =	sand.u32 $0x3F80, s23  }
0x356: {  	s9 =	sadd.s32 $0xC000, s12;
	s12 =	sadd.s32 s19, s14;
	s19 =	smul.u32 $0x3000, s7  }
0x357: {  	s11 =	smov.u32 s20;
	s13 =	spop (v2sf);
	s15 =	sor.u32 $0x6, s0  }
0x358: {  	s10 =	sadd.s32 $0xC000, s10;
	[smem:$0x7D5] =	sst s19;
	s21 =	spop (v2sf)  }
0x359: {  	s19 =	simm.s32 $0x10;
	s24 =	spop (v2sf);
	s4 =	sand.u32 $0x1FFFFFF0, s21  }
0x35a: {  	s21 =	sand.u32 $0xFFFF, s15;
	s2 =	spop (v2sf);
	[dreg:$0xc] =	wrdreg s4  }
0x35b: {  	s3 =	sand.u32 $0x1FFFFFF0, s24;
	s4 =	sadd.s32 s20, s18;
	s23 =	smul.u32 $0xCCCD, s21  }
0x35c: {  	s18 =	sand.u32 $0x1FFFFFF0, s13;
	s13 =	sshrl.u32 s5, $0x14;
	s5 =	smul.u32 $0x14, s7  }
0x35d: {  	s24 =	sor.u32 $0x8, s0;
	s21 =	sor.u32 $0xC, s0;
	s7 =	smul.u32 $0x14, s26  }
0x35e: {  	s1 =	sand.u32 $0x1FFFFFF0, s2;
	s25 =	sand.u32 $0xFFFF, s24;
	s2 =	sshll.u32 s6, $0x7  }
0x35f: {  	[dreg:$0xf] =	wrdreg s21;
	s21 =	smov.u32 s26;
	s6 =	sshrl.u32 s23, $0x14  }
0x360: {  	(v2sf) =	vpush v0, $0xF;
	s23 =	smul.u32 $0xCCCD, s25;
	s25 =	sand.u32 $0x3F80, s2;
	s2 =	sor.u32 $0xE, s0  }
.LBB2_12:
0x361: {  	_ =	sdelay $0x3  }
0x362: {  	[smem:$0x7CC] =	sst s4  }
0x363: {  	[smem:$0x7CD] =	sst s2  }
0x364: {  	[smem:$0x7CE] =	sst s28  }
0x365: {  	s26 =	sand.u32 $0xFFFF, s2;
	s2 =	rddreg [dreg:$0xf];
	s20 =	smov.u32 s19  }
0x366: {  	s1 =	sadd.s32 s11, s1;
	s14 =	sadd.s32 s25, s14;
	s25 =	smul.u32 $0x14, s13  }
0x367: {  	s4 =	smov.u32 s29;
	s29 =	smul.u32 $0x14, s6;
	s12 =	sadd.s32 $0xC000, s12  }
0x368: {  	s3 =	sadd.s32 s11, s3;
	s17 =	sshrl.u32 s17, $0x2;
	[smem:$0x7D0] =	sst s20  }
0x369: {  	s23 =	sshrl.u32 s23, $0x14;
	s20 =	rddreg [dreg:$0x15];
	s26 =	smul.u32 $0xCCCD, s26  }
0x36a: {  	s5 =	ssub.s32 s20, s5;
	s22 =	ssub.s32 s22, s25;
	s16 =	sadd.s32 s16, s17  }
0x36b: {  	s17 =	sld [smem:$0x7D1];
	s20 =	sshll.u32 s5, $0x7;
	s5 =	sadd.s32 $0xC000, s14  }
0x36c: {  	s14 =	sand.u32 $0x3F80, s20;
	s20 =	smul.u32 $0x3000, s13;
	s28 =	spop (v2sf)  }
0x36d: {  	s13 =	sshll.u32 s22, $0x7;
	s22 =	sld [smem:$0x7D5];
	s25 =	sand.u32 $0x1FFFFFF0, s28  }
0x36e: {  	s16 =	sadd.s32 $0xC300, s16;
	s28 =	sadd.s32 s11, s18;
	[smem:$0x7CF] =	sst s25  }
0x36f: {  	s18 =	smul.u32 $0x3000, s21;
	s21 =	simm.s32 $0x0;
	s25 =	rddreg [dreg:$0xe]  }
0x370: {  	[tilespmem:s10], [sflag:$0x2] =	stream.linear.gather [hbm4b:s1+s21], $0x80, $0x38;
	[tilespmem:$0x18300] =	vst v63  }
0x371: {  	s1 =	smul.u32 $0x3000, s6;
	s25 =	ssub.s32 s25, s7;
	s7 =	ssub.s32 s15, s29  }
0x372: {  	s15 =	sshrl.u32 s20, $0x2;
	s20 =	sshrl.u32 s22, $0x2;
	s6 =	sshll.u32 s7, $0x7  }
0x373: {  	s7 =	sand.u32 $0x3F80, s13;
	s13 =	sadd.s32 s11, s30;
	s1 =	sshrl.u32 s1, $0x2  }
0x374: {  	[tilespmem:s9], [sflag:$0x2] =	stream.linear.gather [hbm4b:s31+s21], $0x80, $0x38;
	[tilespmem:$0x18300] =	vst v63  }
0x375: {  	s9 =	smul.u32 $0x3000, s23;
	s6 =	sand.u32 $0x3F80, s6;
	s10 =	sadd.s32 s7, s15  }
0x376: {  	s7 =	smul.u32 $0x14, s23;
	s15 =	sor.u32 $0xA, s0;
	s23 =	sor.u32 $0xB, s0  }
0x377: {  	s0 =	sor.u32 $0xD, s0;
	s1 =	sadd.s32 s6, s1;
	s22 =	sand.u32 $0xFFFF, s15  }
0x378: {  	(v2sf) =	vpush v0, $0x7;
	[tilespmem:s5], [sflag:$0x2] =	stream.linear.gather [hbm4b:s3+s21], $0x80, $0x38;
	[tilespmem:$0x18300] =	vst v63  }
0x379: {  	s6 =	rddreg [dreg:$0x1b];
	s9 =	sshrl.u32 s9, $0x2;
	s10 =	sadd.s32 $0xC300, s10  }
0x37a: {  	s17 =	ssub.s32 s6, s17;
	s6 =	sadd.s32 $0xC300, s1;
	s1 =	ssub.s32 s24, s7  }
0x37b: {  	s7 =	sand.u32 $0xFFFF, s23;
	s24 =	sadd.s32 $0x10, s19;
	s22 =	smul.u32 $0xCCCD, s22  }
0x37c: {  	[dreg:$0x19] =	wrdreg s24;
	s17 =	sshll.u32 s17, $0x7;
	s1 =	sshll.u32 s1, $0x7  }
0x37d: {  	[tilespmem:s12], [sflag:$0x2] =	stream.linear.gather [hbm4b:s8+s21], $0x80, $0x38;
	[tilespmem:$0x18300] =	vst v63  }
0x37e: {  	s29 =	smul.u32 $0xCCCD, s7;
	s7 =	sand.u32 $0xFFFF, s2;
	s1 =	sand.u32 $0x3F80, s1  }
0x37f: {  	s17 =	sand.u32 $0x3F80, s17;
	s22 =	sshrl.u32 s22, $0x14;
	s30 =	smul.u32 $0xCCCD, s7  }
0x380: {  	s7 =	sadd.s32 s14, s20;
	s1 =	sadd.s32 s1, s9;
	s20 =	smul.u32 $0x14, s22  }
0x381: {  	s9 =	rddreg [dreg:$0x1d];
	s5 =	smul.u32 $0x3000, s22;
	s22 =	sshrl.u32 s29, $0x14  }
0x382: {  	s29 =	smov.u32 s4;
	s4 =	sld [smem:$0x7D4];
	s9 =	sadd.s32 s11, s9  }
0x383: {  	s12 =	smul.u32 $0x3000, s22;
	s14 =	ssub.s32 s15, s20;
	s15 =	sld [smem:$0x7D3]  }
0x384: {  	s1 =	sadd.s32 $0xC300, s1;
	s20 =	sshrl.u32 s5, $0x2;
	s5 =	sshll.u32 s14, $0x7  }
0x385: {  	s3 =	sadd.s32 s11, s4;
	s14 =	smul.u32 $0x14, s22;
	s5 =	sand.u32 $0x3F80, s5  }
0x386: {  	[tilespmem:s16], [sflag:$0x2] =	stream.linear.gather [hbm4b:s15+s21], $0x80, $0x38;
	[tilespmem:$0x18300] =	vst v63  }
0x387: {  	s24 =	spop (v2sf);
	s15 =	sshrl.u32 s30, $0x14;
	s16 =	sld [smem:$0x7D2]  }
0x388: {  	s14 =	ssub.s32 s23, s14;
	s5 =	sadd.s32 s5, s20;
	s8 =	smul.u32 $0x14, s15  }
0x389: {  	s20 =	sand.u32 $0xFFFF, s0;
	s22 =	sand.u32 $0x1FFFFFF0, s24;
	s24 =	sld [smem:$0x7CC]  }
0x38a: {  	s17 =	sadd.s32 s17, s16;
	s8 =	ssub.s32 s2, s8;
	s2 =	smul.u32 $0xCCCD, s20  }
0x38b: {  	s16 =	sadd.s32 $0xC300, s17;
	s17 =	sadd.s32 s11, s22;
	s22 =	sshrl.u32 s26, $0x14  }
0x38c: {  	s12 =	sshrl.u32 s12, $0x2;
	s14 =	sshll.u32 s14, $0x7;
	s23 =	smul.u32 $0x3000, s22  }
0x38d: {  	[tilespmem:s16], [sflag:$0x2] =	stream.linear.gather [hbm4b:s24+s21], $0x80, $0x38;
	[tilespmem:$0x18300] =	vst v63  }
0x38e: {  	s26 =	sand.u32 $0x3F80, s14;
	s8 =	sshll.u32 s8, $0x7;
	s16 =	smul.u32 $0x3000, s15  }
0x38f: {  	s4 =	sadd.s32 s26, s12;
	s26 =	sshrl.u32 s2, $0x14;
	s15 =	smul.u32 $0x14, s22  }
0x390: {  	s5 =	sadd.s32 $0xC300, s5;
	s24 =	sand.u32 $0x3F80, s8;
	s12 =	smul.u32 $0x14, s26  }
0x391: {  	s22 =	sshrl.u32 s18, $0x2;
	s8 =	smul.u32 $0x3000, s26;
	s4 =	sadd.s32 $0xC300, s4  }
0x392: {  	[tilespmem:s6], [sflag:$0x2] =	stream.linear.gather [hbm4b:s13+s21], $0x80, $0x38;
	[tilespmem:$0x18300] =	vst v63  }
0x393: {  	s20 =	sshrl.u32 s16, $0x2;
	s13 =	sadd.s32 $0xC300, s7;
	s16 =	sshll.u32 s25, $0x7  }
0x394: {  	s23 =	sshrl.u32 s23, $0x2;
	s25 =	rddreg [dreg:$0xc];
	s2 =	sadd.s32 s24, s20  }
0x395: {  	s0 =	ssub.s32 s0, s12;
	s14 =	sshrl.u32 s8, $0x2;
	s20 =	sld [smem:$0x7CD]  }
0x396: {  	[tilespmem:s10], [sflag:$0x2] =	stream.linear.gather [hbm4b:s17+s21], $0x80, $0x38;
	[tilespmem:$0x18300] =	vst v63  }
0x397: {  	s8 =	sand.u32 $0x3F80, s16;
	s24 =	rddreg [dreg:$0xb];
	s0 =	sshll.u32 s0, $0x7  }
0x398: {  	[tilespmem:s1], [sflag:$0x2] =	stream.linear.gather [hbm4b:s9+s21], $0x80, $0x38;
	[tilespmem:$0x18300] =	vst v63  }
0x399: {  	s17 =	rddreg [dreg:$0x13];
	s7 =	sadd.s32 s8, s22;
	s2 =	sadd.s32 $0xC300, s2  }
0x39a: {  	[tilespmem:s13], [sflag:$0x2] =	stream.linear.gather [hbm4b:s17+s21], $0x80, $0x38;
	[tilespmem:$0x18300] =	vst v63  }
0x39b: {  	s0 =	sand.u32 $0x3F80, s0;
	s26 =	sadd.s32 $0xC300, s7;
	s7 =	sld [smem:$0x7D0]  }
0x39c: {  	[tilespmem:s5], [sflag:$0x2] =	stream.linear.gather [hbm4b:s28+s21], $0x80, $0x38;
	[tilespmem:$0x18300] =	vst v63  }
0x39d: {  	s1 =	ssub.s32 s20, s15;
	s0 =	sadd.s32 s0, s14;
	s9 =	sand.u32 $0x300, s29  }
0x39e: {  	[tilespmem:s4], [sflag:$0x2] =	stream.linear.gather [hbm4b:s3+s21], $0x80, $0x38;
	[tilespmem:$0x18300] =	vst v63  }
0x39f: {  	s1 =	sshll.u32 s1, $0x7;
	s0 =	sadd.s32 $0xC300, s0;
	s3 =	sadd.s32 s11, s24  }
0x3a0: {  	[tilespmem:s2], [sflag:$0x2] =	stream.linear.gather [hbm4b:s3+s21], $0x80, $0x38;
	[tilespmem:$0x18300] =	vst v63  }
0x3a1: {  	s1 =	sand.u32 $0x3F80, s1;
	s4 =	sld [smem:$0x7CE];
	s2 =	sadd.s32 s11, s25  }
0x3a2: {  	[tilespmem:s0], [sflag:$0x2] =	stream.linear.gather [hbm4b:s2+s21], $0x80, $0x38;
	[tilespmem:$0x18300] =	vst v63  }
0x3a3: {  	s1 =	sadd.s32 s1, s23;
	s5 =	sld [smem:$0x7CF];
	s0 =	smov.u32 s7  }
0x3a4: {  	s2 =	sadd.s32 $0xC300, s1;
	s1 =	sadd.s32 s11, s4;
	s8 =	sand.u32 $0x70, s0  }
0x3a5: {  	[tilespmem:s2], [sflag:$0x2] =	stream.linear.gather [hbm4b:s1+s21], $0x80, $0x38;
	[tilespmem:$0x18300] =	vst v63  }
0x3a6: {  	s6 =	sadd.s32 s11, s5;
	s1 =	sor.u32 s8, s9  }
0x3a7: {  	[tilespmem:s26], [sflag:$0x2] =	stream.linear.gather [hbm4b:s6+s21], $0x80, $0x38;
	[tilespmem:$0x18300] =	vst v63  }
0x3a8: {  	v0 =	vld [tilespmem:s1+$0x80]  }
0x3a9: {  	p0 =	sne.s32 s19, $0x130  }
0x3aa: {  	s10 =	sor.u32 $0x9, s0;
	s3 =	sor.u32 $0x3, s0;
	s15 =	sand.u32 $0xFFFF, s0  }
0x3ab: {  	s13 =	sor.u32 $0xF, s0;
	s14 =	sand.u32 $0xFFFF, s3;
	s4 =	smul.u32 $0xCCCD, s15  }
0x3ac: {  	s22 =	sor.u32 $0x7, s0;
	s2 =	sand.u32 $0xFFFF, s13;
	s16 =	smul.u32 $0xCCCD, s14  }
0x3ad: {  	s20 =	sor.u32 $0x5, s0;
	s17 =	sand.u32 $0xFFFF, s10;
	s2 =	smul.u32 $0xCCCD, s2;
	v0 =	vshll.u32 v0, $0x4  }
0x3ae: {  	[dreg:$0x15] =	wrdreg s10;
	s10 =	sand.u32 $0xFFFF, s20;
	s8 =	smul.u32 $0xCCCD, s17;
	(v2sf) =	vpush v0, $0x3  }
0x3af: {  	s12 =	sor.u32 $0xC, s0;
	s21 =	sand.u32 $0xFFFF, s22;
	s26 =	smul.u32 $0xCCCD, s10;
	(v2sf) =	vpush v0, $0x6  }
0x3b0: {  	[dreg:$0xf] =	wrdreg s12;
	s12 =	sshrl.u32 s4, $0x14;
	s19 =	smul.u32 $0xCCCD, s21;
	(v2sf) =	vpush v0, $0x4  }
0x3b1: {  	s5 =	sshrl.u32 s8, $0x14;
	s8 =	smul.u32 $0x3000, s12;
	(v2sf) =	vpush v0, $0x5  }
0x3b2: {  	s6 =	sor.u32 $0x4, s0;
	s12 =	smul.u32 $0x14, s12;
	(v2sf) =	vpush v0, $0x8  }
0x3b3: {  	[dreg:$0xe] =	wrdreg s13;
	s13 =	sand.u32 $0xFFFF, s6;
	s25 =	smul.u32 $0x3000, s5  }
0x3b4: {  	s1 =	sor.u32 $0x1, s0;
	s7 =	sshrl.u32 s16, $0x14;
	s4 =	smul.u32 $0xCCCD, s13;
	(v2sf) =	vpush v0, $0x9  }
0x3b5: {  	s18 =	sand.u32 $0xFFFF, s1;
	s7 =	smul.u32 $0x14, s7;
	(v2sf) =	vpush v0, $0x1  }
0x3b6: {  	s23 =	smul.u32 $0xCCCD, s18;
	(v2sf) =	vpush v0, $0xB  }
0x3b7: {  	s28 =	sshrl.u32 s2, $0x14;
	s2 =	sshrl.u32 s26, $0x14;
	s5 =	smul.u32 $0x14, s5;
	(v2sf) =	vpush v0, $0xE  }
0x3b8: {  	s21 =	smul.u32 $0x3000, s2;
	s14 =	sshrl.u32 s23, $0x14  }
0x3b9: {  	s29 =	sadd.s32 $0x20, s29;
	s16 =	sor.u32 $0x2, s0;
	s14 =	smul.u32 $0x14, s14;
	(v2sf) =	vpush v0, $0xC  }
0x3ba: {  	s24 =	sor.u32 $0x8, s0;
	s9 =	sand.u32 $0xFFFF, s16;
	s2 =	smul.u32 $0x14, s2  }
0x3bb: {  	[dreg:$0x1b] =	wrdreg s20;
	s9 =	smul.u32 $0xCCCD, s9;
	s1 =	ssub.s32 s1, s14  }
0x3bc: {  	[smem:$0x7D5] =	sst s25;
	s3 =	ssub.s32 s3, s7;
	s1 =	sshll.u32 s1, $0x7;
	(v2sf) =	vpush v0, $0xA  }
0x3bd: {  	[smem:$0x7D1] =	sst s2;
	s1 =	sand.u32 $0x3F80, s1;
	s15 =	spop (v2sf)  }
0x3be: {  	(v2sf) =	vpush v0, $0xD;
	s17 =	spop (v2sf);
	s13 =	sand.u32 $0x1FFFFFF0, s15;
	s15 =	sshrl.u32 s21, $0x2  }
0x3bf: {  	(v2sf) =	vpush v0, $0x2;
	s18 =	spop (v2sf);
	[smem:$0x7D2] =	sst s15;
	s15 =	sor.u32 $0x6, s0  }
0x3c0: {  	s30 =	sand.u32 $0x1FFFFFF0, s17;
	s20 =	sand.u32 $0x1FFFFFF0, s18;
	s23 =	spop (v2sf)  }
0x3c1: {  	s18 =	sshrl.u32 s8, $0x2;
	s10 =	sand.u32 $0x1FFFFFF0, s23;
	s25 =	spop (v2sf)  }
0x3c2: {  	(v2sf) =	vpush v0, $0x0;
	s23 =	sand.u32 $0xFFFF, s15;
	s21 =	sadd.s32 s11, s20;
	s14 =	sor.u32 $0x300, s18  }
0x3c3: {  	s2 =	sand.u32 $0x1FFFFFF0, s25;
	s26 =	spop (v2sf);
	[smem:$0x7D3] =	sst s21  }
0x3c4: {  	s23 =	smul.u32 $0xCCCD, s23;
	s17 =	spop (v2sf);
	s25 =	sand.u32 $0x1FFFFFF0, s26  }
0x3c5: {  	[dreg:$0x1d] =	wrdreg s2;
	s20 =	spop (v2sf);
	s26 =	sadd.s32 s11, s25  }
0x3c6: {  	s21 =	sand.u32 $0x1FFFFFF0, s17;
	[dreg:$0x13] =	wrdreg s26;
	s25 =	spop (v2sf)  }
0x3c7: {  	s26 =	ssub.s32 s0, s12;
	s31 =	sadd.s32 s11, s21;
	s12 =	sshrl.u32 s9, $0x14  }
0x3c8: {  	s21 =	sshll.u32 s3, $0x7;
	s20 =	sand.u32 $0x1FFFFFF0, s20;
	s2 =	spop (v2sf)  }
0x3c9: {  	s7 =	sshll.u32 s26, $0x7;
	s26 =	sadd.s32 s1, s14;
	[smem:$0x7D4] =	sst s20  }
0x3ca: {  	s21 =	sand.u32 $0x3F80, s21;
	s20 =	sshrl.u32 s4, $0x14;
	s4 =	sadd.s32 s11, s10  }
0x3cb: {  	s17 =	spop (v2sf);
	s7 =	sand.u32 $0x3F80, s7;
	s8 =	sand.u32 $0x1FFFFFF0, s2  }
0x3cc: {  	s2 =	sor.u32 $0xE, s0;
	[dreg:$0xb] =	wrdreg s8;
	s7 =	sadd.s32 s7, s14  }
0x3cd: {  	s8 =	sadd.s32 s11, s13;
	s10 =	sadd.s32 $0xC000, s7;
	s9 =	spop (v2sf)  }
0x3ce: {  	s7 =	smul.u32 $0x14, s28;
	s13 =	spop (v2sf);
	s3 =	sand.u32 $0x1FFFFFF0, s9  }
0x3cf: {  	s9 =	sadd.s32 $0xC000, s26;
	s26 =	smul.u32 $0x14, s12;
	s12 =	sadd.s32 s21, s14  }
0x3d0: {  	s21 =	smov.u32 s28;
	s28 =	sand.u32 $0x1FFFFFF0, s25;
	[dreg:$0xc] =	wrdreg s3  }
0x3d1: {  	s18 =	spop (v2sf);
	s3 =	sand.u32 $0x1FFFFFF0, s13;
	s13 =	smul.u32 $0x14, s20  }
.Ltmp7:
0x3d2: {  	s1 =	sand.u32 $0x1FFFFFF0, s18;
	s18 =	sand.u32 $0x1FFFFFF0, s17;
	(pc) =	sbr.rel @p0 .LBB2_12-.Ltmp7, $4  }
0x3d3: {  	s16 =	ssub.s32 s16, s26;
	s26 =	sand.u32 $0xFFFF, s24;
	s17 =	smul.u32 $0x3000, s20  }
0x3d4: {  	s13 =	ssub.s32 s6, s13;
	s16 =	sshll.u32 s16, $0x7;
	s6 =	sshrl.u32 s23, $0x14  }
0x3d5: {  	s23 =	smul.u32 $0xCCCD, s26;
	s25 =	sand.u32 $0x3F80, s16;
	s13 =	sshll.u32 s13, $0x7  }
0x3d6: {  	(v2sf) =	vpush v0, $0xF;
	s16 =	sand.u32 $0x3F80, s13;
	s13 =	sshrl.u32 s19, $0x14;
	s19 =	rddreg [dreg:$0x19]  }
0x3d7: {  	s1 =	sadd.s32 s11, s1;
	s19 =	simm.s32 $0x0  }
0x3d8: {  	[tilespmem:s10], [sflag:$0x2] =	stream.linear.gather [hbm4b:s1+s19], $0x80, $0x38;
	[tilespmem:$0x18300] =	vst v63  }
0x3d9: {  	_ = 	snop  }
0x3da: {  	[tilespmem:s9], [sflag:$0x2] =	stream.linear.gather [hbm4b:s31+s19], $0x80, $0x38;
	[tilespmem:$0x18300] =	vst v63  }
0x3db: {  	s3 =	sadd.s32 s11, s3;
	s31 =	sadd.s32 s25, s14  }
0x3dc: {  	s10 =	sld [smem:$0x7D3];
	s9 =	sshrl.u32 s17, $0x2;
	s1 =	sadd.s32 $0xC000, s31  }
0x3dd: {  	[tilespmem:s1], [sflag:$0x2] =	stream.linear.gather [hbm4b:s3+s19], $0x80, $0x38;
	[tilespmem:$0x18300] =	vst v63  }
0x3de: {  	(v2sf) =	vpush v0, $0x7;
	s14 =	sld [smem:$0x7D1];
	s3 =	sadd.s32 $0xC000, s12;
	s1 =	sadd.s32 s16, s9  }
0x3df: {  	[tilespmem:s3], [sflag:$0x2] =	stream.linear.gather [hbm4b:s8+s19], $0x80, $0x38;
	[tilespmem:$0x18300] =	vst v63  }
0x3e0: {  	s12 =	rddreg [dreg:$0x1b];
	s1 =	sadd.s32 $0xC300, s1  }
0x3e1: {  	[tilespmem:s1], [sflag:$0x2] =	stream.linear.gather [hbm4b:s10+s19], $0x80, $0x38;
	[tilespmem:$0x18300] =	vst v63  }
0x3e2: {  	s16 =	sld [smem:$0x7D2];
	s1 =	ssub.s32 s12, s14  }
0x3e3: {  	s26 =	smul.u32 $0x14, s13;
	s1 =	sshll.u32 s1, $0x7  }
0x3e4: {  	s17 =	smul.u32 $0x14, s6;
	s1 =	sand.u32 $0x3F80, s1  }
0x3e5: {  	s29 =	smul.u32 $0x3000, s13;
	s1 =	sadd.s32 s1, s16  }
0x3e6: {  	s25 =	smul.u32 $0x3000, s6;
	s20 =	ssub.s32 s15, s17;
	s1 =	sadd.s32 $0xC300, s1  }
0x3e7: {  	[tilespmem:s1], [sflag:$0x2] =	stream.linear.gather [hbm4b:s4+s19], $0x80, $0x38;
	[tilespmem:$0x18300] =	vst v63  }
0x3e8: {  	s31 =	sadd.s32 s11, s30;
	s3 =	sshrl.u32 s25, $0x2;
	s1 =	sshll.u32 s20, $0x7  }
0x3e9: {  	s8 =	smov.u32 s2;
	s10 =	sshrl.u32 s23, $0x14;
	s1 =	sand.u32 $0x3F80, s1  }
0x3ea: {  	s13 =	smul.u32 $0x14, s10;
	s4 =	ssub.s32 s22, s26;
	s1 =	sadd.s32 s1, s3  }
0x3eb: {  	s2 =	spop (v2sf);
	s6 =	sshll.u32 s4, $0x7;
	s1 =	sadd.s32 $0xC300, s1  }
0x3ec: {  	[tilespmem:s1], [sflag:$0x2] =	stream.linear.gather [hbm4b:s31+s19], $0x80, $0x38;
	[tilespmem:$0x18300] =	vst v63  }
0x3ed: {  	s9 =	spop (v2sf);
	s3 =	sshrl.u32 s29, $0x2;
	s1 =	sand.u32 $0x3F80, s6  }
0x3ee: {  	s15 =	smul.u32 $0x3000, s10;
	s12 =	sand.u32 $0x1FFFFFF0, s9;
	s1 =	sadd.s32 s1, s3  }
0x3ef: {  	s14 =	ssub.s32 s24, s13;
	s3 =	sadd.s32 s11, s12;
	s1 =	sadd.s32 $0xC300, s1  }
0x3f0: {  	[tilespmem:s1], [sflag:$0x2] =	stream.linear.gather [hbm4b:s3+s19], $0x80, $0x38;
	[tilespmem:$0x18300] =	vst v63  }
0x3f1: {  	s17 =	rddreg [dreg:$0x15];
	s1 =	sshll.u32 s14, $0x7  }
0x3f2: {  	s23 =	sld [smem:$0x7D5];
	s3 =	sshrl.u32 s15, $0x2;
	s1 =	sand.u32 $0x3F80, s1  }
0x3f3: {  	s16 =	rddreg [dreg:$0x1d];
	s20 =	sor.u32 $0xA, s0;
	s1 =	sadd.s32 s1, s3  }
0x3f4: {  	s22 =	sand.u32 $0xFFFF, s20;
	s3 =	sadd.s32 s11, s16;
	s1 =	sadd.s32 $0xC300, s1  }
0x3f5: {  	[tilespmem:s1], [sflag:$0x2] =	stream.linear.gather [hbm4b:s3+s19], $0x80, $0x38;
	[tilespmem:$0x18300] =	vst v63  }
0x3f6: {  	s4 =	smul.u32 $0xCCCD, s22;
	s1 =	ssub.s32 s17, s5  }
0x3f7: {  	s26 =	sor.u32 $0xB, s0;
	s1 =	sshll.u32 s1, $0x7  }
0x3f8: {  	s4 =	sshrl.u32 s4, $0x14;
	s5 =	sshrl.u32 s23, $0x2;
	s1 =	sand.u32 $0x3F80, s1  }
0x3f9: {  	s29 =	sand.u32 $0xFFFF, s26;
	s25 =	smul.u32 $0x14, s4;
	s1 =	sadd.s32 s1, s5  }
0x3fa: {  	s24 =	rddreg [dreg:$0x13];
	s3 =	smul.u32 $0xCCCD, s29;
	s1 =	sadd.s32 $0xC300, s1  }
0x3fb: {  	[tilespmem:s1], [sflag:$0x2] =	stream.linear.gather [hbm4b:s24+s19], $0x80, $0x38;
	[tilespmem:$0x18300] =	vst v63  }
0x3fc: {  	s4 =	smul.u32 $0x3000, s4;
	s1 =	ssub.s32 s20, s25  }
0x3fd: {  	s3 =	sshrl.u32 s3, $0x14;
	s1 =	sshll.u32 s1, $0x7  }
0x3fe: {  	s4 =	sshrl.u32 s4, $0x2;
	s31 =	smul.u32 $0x14, s3;
	s1 =	sand.u32 $0x3F80, s1  }
0x3ff: {  	s30 =	sadd.s32 s11, s18;
	s1 =	sadd.s32 s1, s4  }
0x400: {  	s3 =	smul.u32 $0x3000, s3;
	s9 =	ssub.s32 s26, s31;
	s1 =	sadd.s32 $0xC300, s1  }
0x401: {  	[tilespmem:s1], [sflag:$0x2] =	stream.linear.gather [hbm4b:s30+s19], $0x80, $0x38;
	[tilespmem:$0x18300] =	vst v63  }
0x402: {  	s13 =	sld [smem:$0x7D4];
	s1 =	sshll.u32 s9, $0x7  }
0x403: {  	s10 =	rddreg [dreg:$0xf];
	s3 =	sshrl.u32 s3, $0x2;
	s1 =	sand.u32 $0x3F80, s1  }
0x404: {  	s12 =	sand.u32 $0xFFFF, s10;
	s1 =	sadd.s32 s1, s3  }
0x405: {  	s4 =	sadd.s32 s11, s13;
	s3 =	smul.u32 $0xCCCD, s12;
	s1 =	sadd.s32 $0xC300, s1  }
0x406: {  	[tilespmem:s1], [sflag:$0x2] =	stream.linear.gather [hbm4b:s4+s19], $0x80, $0x38;
	[tilespmem:$0x18300] =	vst v63  }
0x407: {  	s15 =	sor.u32 $0xD, s0;
	s14 =	sshrl.u32 s3, $0x14  }
0x408: {  	s16 =	sand.u32 $0xFFFF, s15;
	s3 =	smul.u32 $0x14, s14  }
0x409: {  	s4 =	smul.u32 $0xCCCD, s16  }
0x40a: {  	s1 =	smul.u32 $0x3000, s14;
	s3 =	ssub.s32 s10, s3  }
0x40b: {  	s18 =	rddreg [dreg:$0xb];
	s4 =	sshrl.u32 s4, $0x14;
	s3 =	sshll.u32 s3, $0x7  }
0x40c: {  	s1 =	sshrl.u32 s1, $0x2;
	s17 =	smul.u32 $0x14, s4;
	s3 =	sand.u32 $0x3F80, s3  }
0x40d: {  	s5 =	sadd.s32 s11, s18;
	s20 =	sand.u32 $0xFFFF, s8;
	s1 =	sadd.s32 s3, s1  }
0x40e: {  	s22 =	smul.u32 $0x3000, s4;
	s0 =	ssub.s32 s15, s17;
	s1 =	sadd.s32 $0xC300, s1  }
0x40f: {  	[tilespmem:s1], [sflag:$0x2] =	stream.linear.gather [hbm4b:s5+s19], $0x80, $0x38;
	[tilespmem:$0x18300] =	vst v63  }
0x410: {  	s0 =	sshll.u32 s0, $0x7;
	s1 =	smul.u32 $0xCCCD, s20  }
0x411: {  	s3 =	sshrl.u32 s22, $0x2;
	s0 =	sand.u32 $0x3F80, s0  }
0x412: {  	s24 =	rddreg [dreg:$0xc];
	s0 =	sadd.s32 s0, s3;
	s1 =	sshrl.u32 s1, $0x14  }
0x413: {  	s4 =	sadd.s32 s11, s24;
	s0 =	sadd.s32 $0xC300, s0;
	s23 =	smul.u32 $0x14, s1  }
0x414: {  	[tilespmem:s0], [sflag:$0x2] =	stream.linear.gather [hbm4b:s4+s19], $0x80, $0x38;
	[tilespmem:$0x18300] =	vst v63  }
0x415: {  	s1 =	smul.u32 $0x3000, s1;
	s25 =	ssub.s32 s8, s23  }
0x416: {  	s0 =	sshll.u32 s25, $0x7  }
0x417: {  	s1 =	sshrl.u32 s1, $0x2;
	s0 =	sand.u32 $0x3F80, s0  }
0x418: {  	s0 =	sadd.s32 s0, s1  }
0x419: {  	s26 =	sadd.s32 s11, s28;
	s28 =	rddreg [dreg:$0xe];
	s0 =	sadd.s32 $0xC300, s0  }
0x41a: {  	[tilespmem:s0], [sflag:$0x2] =	stream.linear.gather [hbm4b:s26+s19], $0x80, $0x38;
	[tilespmem:$0x18300] =	vst v63  }
0x41b: {  	s29 =	smul.u32 $0x3000, s21;
	s0 =	ssub.s32 s28, s7  }
.Ltmp8:
0x41c: {  	s31 =	sld [smem:$0x7E2];
	s0 =	sshll.u32 s0, $0x7;
	(pc) =	sbr.rel .LBB2_6-.Ltmp8, $4  }
0x41d: {  	s30 =	sand.u32 $0x1FFFFFF0, s2;
	s1 =	sshrl.u32 s29, $0x2;
	s0 =	sand.u32 $0x3F80, s0  }
0x41e: {  	s10 =	simm.s32 $0x0;
	s20 =	smov.u32 s11;
	s0 =	sadd.s32 s0, s1  }
0x41f: {  	s4 =	sadd.s32 $0x1, s31;
	s1 =	sadd.s32 s11, s30;
	s0 =	sadd.s32 $0xC300, s0  }
0x420: {  	[tilespmem:s0], [sflag:$0x2] =	stream.linear.gather [hbm4b:s1+s19], $0x80, $0x38;
	[tilespmem:$0x18300] =	vst v63  }
.LBB2_15:
0x421: {  	_ =	sfence.sel $0x180000  }
0x422: {  	[bflag:$0x0] =	sbarrier.arrive $0xFFFF  }
0x423: {  	_ =	strace $0x90000047  }
0x424: {  	s0 =	stileid.u32;
	[bflag:$0x2] =	sbarrier.arrive $0xFFFF  }
0x425: {  	p0 =	sne.s32 s0, $0x0;
	s0 =	rddreg [dreg:$0x2]  }
0x426: {  	s0 =	sadd.s32 @!p0 $0x100000, s0  }
0x427: {  	[sflag:s0] =	ssyncadd.tile.s32 @!p0 $0x1;
	_ =	shalt  }
.Lfunc_end2:
_tile_overlayer_lowered:
.L_overlay_start_2:
0x428: {  	(tag) =	ssettag $0x2  }
0x429: {  	s0 =	rddreg [dreg:$0x0];
	s2 =	stileid.u32  }
0x42a: {  	s1 =	rddreg [dreg:$0x1];
	p0 =	sne.s32 s2, $0x0  }
0x42b: {  	s3 =	rddreg [dreg:$0x2];
	[bflag:$0x3] =	sbarrier.arrive $0xFFFF;
	s2 =	simm.s32 @!p0 $0x1C03  }
0x42c: {  	[timem:s3], [sflag:s2] =	dma.local @!p0 [hbm:s0], s1  }
0x42d: {  	s0 =	simm.s32 @!p0 $0x3  }
0x42e: {  	_ =	swait.ge @!p0 [sflag:s0], s1  }
0x42f: {  	s1 =	ssub.s32 @!p0 $0x0, s1;
	[sflag:s0] =	ssyncset.done @!p0 $0x0  }
0x430: {  	[sflag:s0] =	ssyncadd.s32 @!p0 s1  }
0x431: {  	[bflag:$0x3] =	sbarrier.arrive $0xFFFF  }
0x432: {  	_ =	shalt  }

</sc_bundles>
